<compile_context>
chip_gen: v7x
topology: tpu7x:2x2x1
jax: 0.10.2.dev20260603
libtpu: 0.0.44.dev20260713+nightly
codegen_flags: <defaults>
</compile_context>

<pallas_src>
import functools

import jax
import jax.numpy as jnp
from jax import lax
from jax.experimental import pallas as pl
from jax.experimental.pallas import tpu as pltpu
from jax.experimental.pallas import tpu_sc as plsc

S, D, E, H = 2048, 768, 8, 1024
EP = 128
TILE = 512
P = 2 * S + E * TILE
NT = P // TILE
NC, NS, L = 2, 16, 16
NW = NC * NS
TPW = S // NW
SB = TPW // 2
NEG = -1e30

_INV_SQRT2 = 0.7071067811865476


def _gelu_exact(x):
    z = x * _INV_SQRT2
    az = jnp.abs(z)
    t = 1.0 / (1.0 + 0.3275911 * az)
    poly = ((((1.061405429 * t - 1.453152027) * t + 1.421413741) * t
             - 0.284496736) * t + 0.254829592) * t
    erf_abs = 1.0 - poly * jnp.exp(-az * az)
    erf = jnp.where(z < 0, -erf_abs, erf_abs)
    return 0.5 * x * (1.0 + erf)


def _route_body(x_ref, wg_ref, pos0_ref, pos1_ref, pr_ref, eot_ref):
    s = jnp.dot(x_ref[...], wg_ref[...], preferred_element_type=jnp.float32)
    lane = lax.broadcasted_iota(jnp.int32, (S, EP), 1)
    s = jnp.where(lane < E, s, NEG)
    m1 = jnp.max(s, axis=1, keepdims=True)
    i1 = jnp.min(jnp.where(s >= m1, lane, EP), axis=1, keepdims=True)
    oh1 = lane == i1
    s2 = jnp.where(oh1, NEG, s)
    m2 = jnp.max(s2, axis=1, keepdims=True)
    i2 = jnp.min(jnp.where(s2 >= m2, lane, EP), axis=1, keepdims=True)
    oh2 = lane == i2
    p1 = 1.0 / (1.0 + jnp.exp(m2 - m1))
    p2 = 1.0 - p1

    cnt = oh1.astype(jnp.float32) + oh2.astype(jnp.float32)
    G = 16
    GS = S // G
    cnt3 = cnt.reshape(G, GS, EP)
    ri = lax.broadcasted_iota(jnp.int32, (GS, GS), 0)
    ci = lax.broadcasted_iota(jnp.int32, (GS, GS), 1)
    l_incl = (ri >= ci).astype(jnp.float32)
    incl = [jnp.dot(l_incl, cnt3[g], preferred_element_type=jnp.float32)
            for g in range(G)]
    tot = jnp.concatenate([incl[g][GS - 1:GS, :] for g in range(G)], axis=0)
    ri2 = lax.broadcasted_iota(jnp.int32, (G, G), 0)
    ci2 = lax.broadcasted_iota(jnp.int32, (G, G), 1)
    m_strict = (ci2 < ri2).astype(jnp.float32)
    go = jnp.dot(m_strict, tot, preferred_element_type=jnp.float32)
    excl = jnp.concatenate(
        [go[g:g + 1, :] + incl[g] - cnt3[g] for g in range(G)], axis=0)

    c = go[G - 1:G, :] + tot[G - 1:G, :]
    pc = jnp.ceil(c * (1.0 / TILE)) * TILE
    ri3 = lax.broadcasted_iota(jnp.int32, (EP, EP), 0)
    ci3 = lax.broadcasted_iota(jnp.int32, (EP, EP), 1)
    m_lt = (ri3 < ci3).astype(jnp.float32)
    po = jnp.dot(pc, m_lt, preferred_element_type=jnp.float32)

    pos0 = jnp.sum(jnp.where(oh1, po + excl, 0.0), axis=1, keepdims=True)
    pos1 = jnp.sum(jnp.where(oh2, po + excl, 0.0), axis=1, keepdims=True)
    pos0_ref[...] = pos0.astype(jnp.int32)
    pos1_ref[...] = pos1.astype(jnp.int32)
    pr_ref[...] = jnp.where(lane < 64, p1, p2)

    jt = (lax.broadcasted_iota(jnp.int32, (EP, EP), 0) * TILE).astype(jnp.float32)
    ind = (po <= jt) & (ci3 < E)
    eot_col = jnp.sum(ind.astype(jnp.float32), axis=1, keepdims=True) - 1.0
    pt = jnp.sum(jnp.where(ci3[0:1] < E, pc, 0.0), axis=1, keepdims=True)
    eot_col = jnp.where(jt[:, 0:1] < pt, eot_col, eot_col + E)
    eot_ref[...] = jnp.broadcast_to(eot_col, (EP, 8)).astype(jnp.int32)


def _route(x2, wg_p):
    return pl.pallas_call(
        _route_body,
        out_shape=(
            jax.ShapeDtypeStruct((S, 1), jnp.int32),
            jax.ShapeDtypeStruct((S, 1), jnp.int32),
            jax.ShapeDtypeStruct((S, EP), jnp.float32),
            jax.ShapeDtypeStruct((EP, 8), jnp.int32),
        ),
    )(x2, wg_p)


@functools.cache
def _sc_mesh():
    return plsc.VectorSubcoreMesh(core_axis_name="c", subcore_axis_name="s")




@functools.cache
def _dispatch_kernel():
    @functools.partial(
        pl.kernel,
        out_type=jax.ShapeDtypeStruct((P, D), jnp.float32),
        mesh=_sc_mesh(),
        scratch_types=[
            pltpu.VMEM((2, SB), jnp.int32),
            pltpu.VMEM((2, SB), jnp.int32),
            pltpu.VMEM((SB, D), jnp.float32),
            pltpu.VMEM((SB, D), jnp.float32),
            pltpu.SemaphoreType.DMA,
            pltpu.SemaphoreType.DMA,
            pltpu.SemaphoreType.DMA,
        ],
    )
    def _dispatch(x_hbm, i0_hbm, i1_hbm, xs_hbm,
                  i0_v, i1_v, ra, rb, semld, sema, semb):
        w = lax.axis_index("s") * NC + lax.axis_index("c")
        base = w * TPW
        la = pltpu.async_copy(x_hbm.at[pl.ds(base, SB)], ra, semld)
        lb = pltpu.async_copy(x_hbm.at[pl.ds(base + SB, SB)], rb, semld)
        pltpu.sync_copy(i0_hbm.at[w], i0_v)
        pltpu.sync_copy(i1_hbm.at[w], i1_v)
        la.wait()
        a0 = pltpu.async_copy(ra, xs_hbm.at[i0_v.at[0]], sema)
        a1 = pltpu.async_copy(ra, xs_hbm.at[i1_v.at[0]], sema)
        lb.wait()
        b0 = pltpu.async_copy(rb, xs_hbm.at[i0_v.at[1]], semb)
        b1 = pltpu.async_copy(rb, xs_hbm.at[i1_v.at[1]], semb)
        a0.wait()
        a1.wait()
        b0.wait()
        b1.wait()

    return _dispatch


def _ffn_body(eot_ref, xs_ref, w1_ref, b1_ref, w2_ref, b2_ref, ys_ref):
    e = eot_ref[pl.program_id(0), 0]

    @pl.when(e < E)
    def _():
        h = jnp.dot(xs_ref[...], w1_ref[0], preferred_element_type=jnp.float32)
        h = _gelu_exact(h + b1_ref[0])
        ys_ref[...] = (
            jnp.dot(h, w2_ref[0], preferred_element_type=jnp.float32)
            + b2_ref[0])


def _safe(e):
    return e % E


def _ffn(eot, xs, W1, b1r, W2, b2r):
    grid_spec = pltpu.PrefetchScalarGridSpec(
        num_scalar_prefetch=1,
        grid=(NT,),
        in_specs=[
            pl.BlockSpec(
                (TILE, D),
                lambda i, eot: (jnp.where(eot[i, 0] < E, i, 0), 0)),
            pl.BlockSpec((1, D, H), lambda i, eot: (_safe(eot[i, 0]), 0, 0)),
            pl.BlockSpec((1, 1, H), lambda i, eot: (_safe(eot[i, 0]), 0, 0)),
            pl.BlockSpec((1, H, D), lambda i, eot: (_safe(eot[i, 0]), 0, 0)),
            pl.BlockSpec((1, 1, D), lambda i, eot: (_safe(eot[i, 0]), 0, 0)),
        ],
        out_specs=pl.BlockSpec((TILE, D), lambda i, eot: (i, 0)),
    )
    return pl.pallas_call(
        _ffn_body,
        grid_spec=grid_spec,
        out_shape=jax.ShapeDtypeStruct((P, D), jnp.float32),
    )(eot, xs, W1, b1r, W2, b2r)


@functools.cache
def _combine_kernel():
    @functools.partial(
        pl.kernel,
        out_type=jax.ShapeDtypeStruct((S, D), jnp.float32),
        mesh=_sc_mesh(),
        scratch_types=[
            pltpu.VMEM((2, SB), jnp.int32),
            pltpu.VMEM((2, SB), jnp.int32),
            pltpu.VMEM((SB, D), jnp.float32),
            pltpu.VMEM((SB, D), jnp.float32),
            pltpu.VMEM((SB, D), jnp.float32),
            pltpu.VMEM((SB, D), jnp.float32),
            pltpu.VMEM((TPW, EP), jnp.float32),
            pltpu.SemaphoreType.DMA,
            pltpu.SemaphoreType.DMA,
            pltpu.SemaphoreType.DMA,
        ],
    )
    def _combine(ys_hbm, i0_hbm, i1_hbm, pr_hbm, o_hbm,
                 i0_v, i1_v, g0a, g1a, g0b, g1b, pr_v, sema, semb, semo):
        w = lax.axis_index("s") * NC + lax.axis_index("c")
        base = w * TPW
        pltpu.sync_copy(i0_hbm.at[w], i0_v)
        pltpu.sync_copy(i1_hbm.at[w], i1_v)
        pltpu.sync_copy(pr_hbm.at[pl.ds(base, TPW)], pr_v)
        ca0 = pltpu.async_copy(ys_hbm.at[i0_v.at[0]], g0a, sema)
        ca1 = pltpu.async_copy(ys_hbm.at[i1_v.at[0]], g1a, sema)
        cb0 = pltpu.async_copy(ys_hbm.at[i0_v.at[1]], g0b, semb)
        cb1 = pltpu.async_copy(ys_hbm.at[i1_v.at[1]], g1b, semb)

        def make_body(g0_v, g1_v, off):
            def body(t, carry):
                vp0 = pr_v[off + t, pl.ds(0, L)]
                vp1 = pr_v[off + t, pl.ds(64, L)]
                for ch in range(D // L):
                    sl = pl.ds(ch * L, L)
                    g0_v[t, sl] = vp0 * g0_v[t, sl] + vp1 * g1_v[t, sl]
                return carry
            return body

        ca0.wait()
        ca1.wait()
        lax.fori_loop(0, SB, make_body(g0a, g1a, 0), 0)
        oa = pltpu.async_copy(g0a, o_hbm.at[pl.ds(base, SB)], semo)
        cb0.wait()
        cb1.wait()
        lax.fori_loop(0, SB, make_body(g0b, g1b, SB), 0)
        ob = pltpu.async_copy(g0b, o_hbm.at[pl.ds(base + SB, SB)], semo)
        oa.wait()
        ob.wait()

    return _combine


def kernel(x, Wg, W1, b1, W2, b2):
    x2 = x.reshape(S, D)
    wg_p = jnp.pad(Wg, ((0, 0), (0, EP - E)))
    p0c, p1c, pr, eotf = _route(x2, wg_p)
    pos0 = p0c.reshape(NW, 2, SB)
    pos1 = p1c.reshape(NW, 2, SB)
    xs = _dispatch_kernel()(x2, pos0, pos1)
    ys = _ffn(eotf, xs, W1, b1.reshape(E, 1, H), W2, b2.reshape(E, 1, D))
    out = _combine_kernel()(ys, pos0, pos1, pr)
    return out.reshape(1, S, D)

# --- scband reference (transcript-rebuilt; emitter-appended) ---
"""Pipeline reference for scband-switch-mo-e-15994458210491 (READ-ONLY COPY).

The authoritative reference and input builder live on the scoring server;
editing this copy changes nothing except your own understanding.
"""

import jax, jax.numpy as jnp
import numpy as np

B, S, D = 1, 2048, 768
E, K, H = 8, 2, 1024  # num_experts, top_k, MLP hidden (ffn_dim=1024 rounded to multiple of 128 -> 1024)


def setup_inputs(seed: int = 0) -> dict:
    key = jax.random.key(seed)
    ks = jax.random.split(key, 6)
    x = jax.random.normal(ks[0], (B, S, D), dtype=jnp.float32)
    # gate: nn.Linear(D, E, bias=False); store as [D, E] so gate_scores = x @ Wg
    Wg = jax.random.normal(ks[1], (D, E), dtype=jnp.float32) * 0.02
    # per-expert MLP params (fc1: D->H, fc2: H->D), stacked over experts
    W1 = jax.random.normal(ks[2], (E, D, H), dtype=jnp.float32) * 0.02
    b1 = jax.random.normal(ks[3], (E, H), dtype=jnp.float32) * 0.02
    W2 = jax.random.normal(ks[4], (E, H, D), dtype=jnp.float32) * 0.02
    b2 = jax.random.normal(ks[5], (E, D), dtype=jnp.float32) * 0.02
    return {"x": x, "Wg": Wg, "W1": W1, "b1": b1, "W2": W2, "b2": b2}


def reference(x, Wg, W1, b1, W2, b2):
    # gate_scores = self.gate(x)
    gate_scores = x @ Wg  # [B, S, E]
    # top-k over experts
    top_k_scores, top_k_idx = jax.lax.top_k(gate_scores, K)  # [B, S, K]
    top_k_probs = jax.nn.softmax(top_k_scores, axis=-1)      # [B, S, K]
    # Dense computation of every expert's MLP on every token (mathematically
    # identical to the per-token expert dispatch loop in the torch code;
    # expert dropout is 0.0 so it is the identity).
    h = jnp.einsum('bsd,edh->bseh', x, W1) + b1[None, None, :, :]  # [B,S,E,H]
    h = jax.nn.gelu(h, approximate=False)  # torch nn.GELU default = exact erf
    out_all = jnp.einsum('bseh,eho->bseo', h, W2) + b2[None, None, :, :]  # [B,S,E,D]
    output = jnp.zeros_like(x)
    for i in range(K):
        sel = top_k_idx[:, :, i]  # [B, S]
        expert_out = jnp.take_along_axis(out_all, sel[:, :, None, None], axis=2)[:, :, 0, :]  # [B,S,D]
        output = output + top_k_probs[:, :, i][..., None] * expert_out
    return output

if __name__ == "__main__":
    import jax
    _d = setup_inputs()
    print(jax.jit(kernel)(*tuple(_d.values())))

</pallas_src>

<mosaic_0001>
#map = affine_map<(d0, d1) -> (0, 0)>
#map1 = affine_map<(d0, d1) -> (0, 0, 0)>
module attributes {stable_mosaic.version = 14 : i64} {
  func.func @_combine(%arg0: i32, %arg1: i32, %arg2: memref<8192x768xf32, #tpu.memory_space<hbm>>, %arg3: memref<32x2x32xi32, #tpu.memory_space<hbm>>, %arg4: memref<32x2x32xi32, #tpu.memory_space<hbm>>, %arg5: memref<2048x128xf32, #tpu.memory_space<hbm>>, %arg6: memref<2048x768xf32, #tpu.memory_space<hbm>>, %arg7: memref<2x32xi32, #tpu.memory_space<vmem>>, %arg8: memref<2x32xi32, #tpu.memory_space<vmem>>, %arg9: memref<32x768xf32, #tpu.memory_space<vmem>>, %arg10: memref<32x768xf32, #tpu.memory_space<vmem>>, %arg11: memref<32x768xf32, #tpu.memory_space<vmem>>, %arg12: memref<32x768xf32, #tpu.memory_space<vmem>>, %arg13: memref<64x128xf32, #tpu.memory_space<vmem>>, %arg14: memref<!tpu.dma_semaphore, #tpu.memory_space<semaphore_mem>>, %arg15: memref<!tpu.dma_semaphore, #tpu.memory_space<semaphore_mem>>, %arg16: memref<!tpu.dma_semaphore, #tpu.memory_space<semaphore_mem>>) attributes {dimension_semantics = [#tpu.dimension_semantics<core_parallel>, #tpu.dimension_semantics<subcore_parallel>], iteration_bounds = array<i64: 2, 16>, scalar_prefetch = 0 : i64, scratch_operands = 10 : i64, tpu.core_type = #tpu.core_type<sc_vector_subcore>, window_params = [{transform_indices = #map}, {transform_indices = #map1}, {transform_indices = #map1}, {transform_indices = #map}, {transform_indices = #map}]} {
    %mul3A = arith.constant 2 : i32
    %mul3A_0 = arith.muli %arg1, %mul3A : i32
    %add3A = arith.addi %mul3A_0, %arg0 : i32
    %mul3A_1 = arith.constant 64 : i32
    %mul3A_2 = arith.muli %add3A, %mul3A_1 : i32
    "tpu.region"() ({
      %run_scoped3A = tpu.sem_alloc : memref<!tpu.dma_semaphore, #tpu.memory_space<semaphore_mem>>
      %dma_start3A_86 = arith.constant 0 : i32
      %dma_start3A_87 = arith.constant 0 : i32
      %dma_start3A_88 = tpu.memref_slice %arg3[%add3A, %dma_start3A_86, %dma_start3A_87] : memref<32x2x32xi32, #tpu.memory_space<hbm>> -> memref<1x2x32xi32, #tpu.memory_space<hbm>>
      %dma_start3A_89 = tpu.memref_squeeze %dma_start3A_88 : memref<1x2x32xi32, #tpu.memory_space<hbm>> -> memref<2x32xi32, #tpu.memory_space<hbm>>
      %dma_start3A_90 = arith.constant 0 : i32
      %dma_start3A_91 = arith.constant 0 : i32
      %dma_start3A_92 = tpu.memref_slice %arg3[%add3A, %dma_start3A_90, %dma_start3A_91] : memref<32x2x32xi32, #tpu.memory_space<hbm>> -> memref<1x2x32xi32, #tpu.memory_space<hbm>>
      %dma_start3A_93 = tpu.memref_squeeze %dma_start3A_92 : memref<1x2x32xi32, #tpu.memory_space<hbm>> -> memref<2x32xi32, #tpu.memory_space<hbm>>
      tpu.enqueue_dma source(%dma_start3A_93 : memref<2x32xi32, #tpu.memory_space<hbm>>) target(%arg7 : memref<2x32xi32, #tpu.memory_space<vmem>>) target_semaphore(%run_scoped3A : memref<!tpu.dma_semaphore, #tpu.memory_space<semaphore_mem>>)
      %dma_wait3A_94 = arith.constant 0 : i32
      %dma_wait3A_95 = arith.constant 0 : i32
      %dma_wait3A_96 = tpu.memref_slice %arg3[%add3A, %dma_wait3A_94, %dma_wait3A_95] : memref<32x2x32xi32, #tpu.memory_space<hbm>> -> memref<1x2x32xi32, #tpu.memory_space<hbm>>
      %dma_wait3A_97 = tpu.memref_squeeze %dma_wait3A_96 : memref<1x2x32xi32, #tpu.memory_space<hbm>> -> memref<2x32xi32, #tpu.memory_space<hbm>>
      %dma_wait3A_98 = arith.constant 0 : i32
      %dma_wait3A_99 = arith.constant 0 : i32
      %dma_wait3A_100 = tpu.memref_slice %arg3[%add3A, %dma_wait3A_98, %dma_wait3A_99] : memref<32x2x32xi32, #tpu.memory_space<hbm>> -> memref<1x2x32xi32, #tpu.memory_space<hbm>>
      %dma_wait3A_101 = tpu.memref_squeeze %dma_wait3A_100 : memref<1x2x32xi32, #tpu.memory_space<hbm>> -> memref<2x32xi32, #tpu.memory_space<hbm>>
      tpu.wait_dma2 semaphore(%run_scoped3A : memref<!tpu.dma_semaphore, #tpu.memory_space<semaphore_mem>>) src(%dma_wait3A_101 : memref<2x32xi32, #tpu.memory_space<hbm>>) dst(%arg7 : memref<2x32xi32, #tpu.memory_space<vmem>>)
      tpu.yield
    }) : () -> ()
    "tpu.region"() ({
      %run_scoped3A = tpu.sem_alloc : memref<!tpu.dma_semaphore, #tpu.memory_space<semaphore_mem>>
      %dma_start3A_86 = arith.constant 0 : i32
      %dma_start3A_87 = arith.constant 0 : i32
      %dma_start3A_88 = tpu.memref_slice %arg4[%add3A, %dma_start3A_86, %dma_start3A_87] : memref<32x2x32xi32, #tpu.memory_space<hbm>> -> memref<1x2x32xi32, #tpu.memory_space<hbm>>
      %dma_start3A_89 = tpu.memref_squeeze %dma_start3A_88 : memref<1x2x32xi32, #tpu.memory_space<hbm>> -> memref<2x32xi32, #tpu.memory_space<hbm>>
      %dma_start3A_90 = arith.constant 0 : i32
      %dma_start3A_91 = arith.constant 0 : i32
      %dma_start3A_92 = tpu.memref_slice %arg4[%add3A, %dma_start3A_90, %dma_start3A_91] : memref<32x2x32xi32, #tpu.memory_space<hbm>> -> memref<1x2x32xi32, #tpu.memory_space<hbm>>
      %dma_start3A_93 = tpu.memref_squeeze %dma_start3A_92 : memref<1x2x32xi32, #tpu.memory_space<hbm>> -> memref<2x32xi32, #tpu.memory_space<hbm>>
      tpu.enqueue_dma source(%dma_start3A_93 : memref<2x32xi32, #tpu.memory_space<hbm>>) target(%arg8 : memref<2x32xi32, #tpu.memory_space<vmem>>) target_semaphore(%run_scoped3A : memref<!tpu.dma_semaphore, #tpu.memory_space<semaphore_mem>>)
      %dma_wait3A_94 = arith.constant 0 : i32
      %dma_wait3A_95 = arith.constant 0 : i32
      %dma_wait3A_96 = tpu.memref_slice %arg4[%add3A, %dma_wait3A_94, %dma_wait3A_95] : memref<32x2x32xi32, #tpu.memory_space<hbm>> -> memref<1x2x32xi32, #tpu.memory_space<hbm>>
      %dma_wait3A_97 = tpu.memref_squeeze %dma_wait3A_96 : memref<1x2x32xi32, #tpu.memory_space<hbm>> -> memref<2x32xi32, #tpu.memory_space<hbm>>
      %dma_wait3A_98 = arith.constant 0 : i32
      %dma_wait3A_99 = arith.constant 0 : i32
      %dma_wait3A_100 = tpu.memref_slice %arg4[%add3A, %dma_wait3A_98, %dma_wait3A_99] : memref<32x2x32xi32, #tpu.memory_space<hbm>> -> memref<1x2x32xi32, #tpu.memory_space<hbm>>
      %dma_wait3A_101 = tpu.memref_squeeze %dma_wait3A_100 : memref<1x2x32xi32, #tpu.memory_space<hbm>> -> memref<2x32xi32, #tpu.memory_space<hbm>>
      tpu.wait_dma2 semaphore(%run_scoped3A : memref<!tpu.dma_semaphore, #tpu.memory_space<semaphore_mem>>) src(%dma_wait3A_101 : memref<2x32xi32, #tpu.memory_space<hbm>>) dst(%arg8 : memref<2x32xi32, #tpu.memory_space<vmem>>)
      tpu.yield
    }) : () -> ()
    "tpu.region"() ({
      %run_scoped3A = tpu.sem_alloc : memref<!tpu.dma_semaphore, #tpu.memory_space<semaphore_mem>>
      %dma_start3A_86 = arith.constant 0 : i32
      %dma_start3A_87 = tpu.memref_slice %arg5[%mul3A_2, %dma_start3A_86] : memref<2048x128xf32, #tpu.memory_space<hbm>> -> memref<64x128xf32, #tpu.memory_space<hbm>>
      %dma_start3A_88 = arith.constant 0 : i32
      %dma_start3A_89 = tpu.memref_slice %arg5[%mul3A_2, %dma_start3A_88] : memref<2048x128xf32, #tpu.memory_space<hbm>> -> memref<64x128xf32, #tpu.memory_space<hbm>>
      tpu.enqueue_dma source(%dma_start3A_89 : memref<64x128xf32, #tpu.memory_space<hbm>>) target(%arg13 : memref<64x128xf32, #tpu.memory_space<vmem>>) target_semaphore(%run_scoped3A : memref<!tpu.dma_semaphore, #tpu.memory_space<semaphore_mem>>)
      %dma_wait3A_90 = arith.constant 0 : i32
      %dma_wait3A_91 = tpu.memref_slice %arg5[%mul3A_2, %dma_wait3A_90] : memref<2048x128xf32, #tpu.memory_space<hbm>> -> memref<64x128xf32, #tpu.memory_space<hbm>>
      %dma_wait3A_92 = arith.constant 0 : i32
      %dma_wait3A_93 = tpu.memref_slice %arg5[%mul3A_2, %dma_wait3A_92] : memref<2048x128xf32, #tpu.memory_space<hbm>> -> memref<64x128xf32, #tpu.memory_space<hbm>>
      tpu.wait_dma2 semaphore(%run_scoped3A : memref<!tpu.dma_semaphore, #tpu.memory_space<semaphore_mem>>) src(%dma_wait3A_93 : memref<64x128xf32, #tpu.memory_space<hbm>>) dst(%arg13 : memref<64x128xf32, #tpu.memory_space<vmem>>)
      tpu.yield
    }) : () -> ()
    %dma_start3A = arith.constant 0 : i32
    %dma_start3A_3 = arith.constant 0 : i32
    %dma_start3A_4 = tpu.memref_slice %arg7[%dma_start3A, %dma_start3A_3] : memref<2x32xi32, #tpu.memory_space<vmem>> -> memref<1x32xi32, #tpu.memory_space<vmem>>
    %dma_start3A_5 = tpu.memref_squeeze %dma_start3A_4 : memref<1x32xi32, #tpu.memory_space<vmem>> -> memref<32xi32, #tpu.memory_space<vmem>>
    %dma_start3A_6 = arith.constant 0 : i32
    %dma_start3A_7 = arith.constant 0 : i32
    %dma_start3A_8 = tpu.memref_slice %arg2[%dma_start3A_6, %dma_start3A_7] : memref<8192x768xf32, #tpu.memory_space<hbm>> -> memref<8192x768xf32, #tpu.memory_space<hbm>>
    tpu.enqueue_indirect_dma source(%dma_start3A_8 : memref<8192x768xf32, #tpu.memory_space<hbm>>) target(%arg9 : memref<32x768xf32, #tpu.memory_space<vmem>>) offsets(%dma_start3A_5 : memref<32xi32, #tpu.memory_space<vmem>>) semaphore(%arg14 : memref<!tpu.dma_semaphore, #tpu.memory_space<semaphore_mem>>)
    %dma_start3A_9 = arith.constant 0 : i32
    %dma_start3A_10 = arith.constant 0 : i32
    %dma_start3A_11 = tpu.memref_slice %arg8[%dma_start3A_9, %dma_start3A_10] : memref<2x32xi32, #tpu.memory_space<vmem>> -> memref<1x32xi32, #tpu.memory_space<vmem>>
    %dma_start3A_12 = tpu.memref_squeeze %dma_start3A_11 : memref<1x32xi32, #tpu.memory_space<vmem>> -> memref<32xi32, #tpu.memory_space<vmem>>
    %dma_start3A_13 = arith.constant 0 : i32
    %dma_start3A_14 = arith.constant 0 : i32
    %dma_start3A_15 = tpu.memref_slice %arg2[%dma_start3A_13, %dma_start3A_14] : memref<8192x768xf32, #tpu.memory_space<hbm>> -> memref<8192x768xf32, #tpu.memory_space<hbm>>
    tpu.enqueue_indirect_dma source(%dma_start3A_15 : memref<8192x768xf32, #tpu.memory_space<hbm>>) target(%arg10 : memref<32x768xf32, #tpu.memory_space<vmem>>) offsets(%dma_start3A_12 : memref<32xi32, #tpu.memory_space<vmem>>) semaphore(%arg14 : memref<!tpu.dma_semaphore, #tpu.memory_space<semaphore_mem>>)
    %dma_start3A_16 = arith.constant 1 : i32
    %dma_start3A_17 = arith.constant 0 : i32
    %dma_start3A_18 = tpu.memref_slice %arg7[%dma_start3A_16, %dma_start3A_17] : memref<2x32xi32, #tpu.memory_space<vmem>> -> memref<1x32xi32, #tpu.memory_space<vmem>>
    %dma_start3A_19 = tpu.memref_squeeze %dma_start3A_18 : memref<1x32xi32, #tpu.memory_space<vmem>> -> memref<32xi32, #tpu.memory_space<vmem>>
    %dma_start3A_20 = arith.constant 0 : i32
    %dma_start3A_21 = arith.constant 0 : i32
    %dma_start3A_22 = tpu.memref_slice %arg2[%dma_start3A_20, %dma_start3A_21] : memref<8192x768xf32, #tpu.memory_space<hbm>> -> memref<8192x768xf32, #tpu.memory_space<hbm>>
    tpu.enqueue_indirect_dma source(%dma_start3A_22 : memref<8192x768xf32, #tpu.memory_space<hbm>>) target(%arg11 : memref<32x768xf32, #tpu.memory_space<vmem>>) offsets(%dma_start3A_19 : memref<32xi32, #tpu.memory_space<vmem>>) semaphore(%arg15 : memref<!tpu.dma_semaphore, #tpu.memory_space<semaphore_mem>>)
    %dma_start3A_23 = arith.constant 1 : i32
    %dma_start3A_24 = arith.constant 0 : i32
    %dma_start3A_25 = tpu.memref_slice %arg8[%dma_start3A_23, %dma_start3A_24] : memref<2x32xi32, #tpu.memory_space<vmem>> -> memref<1x32xi32, #tpu.memory_space<vmem>>
    %dma_start3A_26 = tpu.memref_squeeze %dma_start3A_25 : memref<1x32xi32, #tpu.memory_space<vmem>> -> memref<32xi32, #tpu.memory_space<vmem>>
    %dma_start3A_27 = arith.constant 0 : i32
    %dma_start3A_28 = arith.constant 0 : i32
    %dma_start3A_29 = tpu.memref_slice %arg2[%dma_start3A_27, %dma_start3A_28] : memref<8192x768xf32, #tpu.memory_space<hbm>> -> memref<8192x768xf32, #tpu.memory_space<hbm>>
    tpu.enqueue_indirect_dma source(%dma_start3A_29 : memref<8192x768xf32, #tpu.memory_space<hbm>>) target(%arg12 : memref<32x768xf32, #tpu.memory_space<vmem>>) offsets(%dma_start3A_26 : memref<32xi32, #tpu.memory_space<vmem>>) semaphore(%arg15 : memref<!tpu.dma_semaphore, #tpu.memory_space<semaphore_mem>>)
    %dma_wait3A = arith.constant 0 : i32
    %dma_wait3A_30 = arith.constant 0 : i32
    %dma_wait3A_31 = tpu.memref_slice %arg7[%dma_wait3A, %dma_wait3A_30] : memref<2x32xi32, #tpu.memory_space<vmem>> -> memref<1x32xi32, #tpu.memory_space<vmem>>
    %dma_wait3A_32 = tpu.memref_squeeze %dma_wait3A_31 : memref<1x32xi32, #tpu.memory_space<vmem>> -> memref<32xi32, #tpu.memory_space<vmem>>
    %dma_wait3A_33 = arith.constant 0 : i32
    %dma_wait3A_34 = arith.constant 0 : i32
    %dma_wait3A_35 = tpu.memref_slice %arg2[%dma_wait3A_33, %dma_wait3A_34] : memref<8192x768xf32, #tpu.memory_space<hbm>> -> memref<8192x768xf32, #tpu.memory_space<hbm>>
    tpu.wait_indirect_dma semaphore(%arg14 : memref<!tpu.dma_semaphore, #tpu.memory_space<semaphore_mem>>) src(%dma_wait3A_35 : memref<8192x768xf32, #tpu.memory_space<hbm>>) dst(%arg9 : memref<32x768xf32, #tpu.memory_space<vmem>>)
    %dma_wait3A_36 = arith.constant 0 : i32
    %dma_wait3A_37 = arith.constant 0 : i32
    %dma_wait3A_38 = tpu.memref_slice %arg8[%dma_wait3A_36, %dma_wait3A_37] : memref<2x32xi32, #tpu.memory_space<vmem>> -> memref<1x32xi32, #tpu.memory_space<vmem>>
    %dma_wait3A_39 = tpu.memref_squeeze %dma_wait3A_38 : memref<1x32xi32, #tpu.memory_space<vmem>> -> memref<32xi32, #tpu.memory_space<vmem>>
    %dma_wait3A_40 = arith.constant 0 : i32
    %dma_wait3A_41 = arith.constant 0 : i32
    %dma_wait3A_42 = tpu.memref_slice %arg2[%dma_wait3A_40, %dma_wait3A_41] : memref<8192x768xf32, #tpu.memory_space<hbm>> -> memref<8192x768xf32, #tpu.memory_space<hbm>>
    tpu.wait_indirect_dma semaphore(%arg14 : memref<!tpu.dma_semaphore, #tpu.memory_space<semaphore_mem>>) src(%dma_wait3A_42 : memref<8192x768xf32, #tpu.memory_space<hbm>>) dst(%arg10 : memref<32x768xf32, #tpu.memory_space<vmem>>)
    %scan3A = arith.constant 0 : i32
    %scan3A_43 = arith.constant 0 : i32
    %scan3A_44 = arith.constant 32 : i32
    %scan3A_45 = arith.addi %scan3A_43, %scan3A_44 : i32
    %scan3A_46 = arith.constant 1 : i32
    scf.for %scan3A_86 = %scan3A_43 to %scan3A_45 step %scan3A_46  : i32 {
      %add3A_87 = arith.constant 0 : i32
      %add3A_88 = arith.addi %add3A_87, %scan3A_86 : i32
      %get3A = arith.index_cast %add3A_88 : i32 to index
      %get3A_89 = arith.constant 0 : index
      %get3A_90 = tpu.vector_load %arg13[%get3A, %get3A_89] {strides = array<i32>} : memref<64x128xf32, #tpu.memory_space<vmem>>, vector<1x16xf32>,
      %get3A_91 = vector.shape_cast %get3A_90 : vector<1x16xf32> to vector<16xf32>
      %add3A_92 = arith.constant 0 : i32
      %add3A_93 = arith.addi %add3A_92, %scan3A_86 : i32
      %get3A_94 = arith.index_cast %add3A_93 : i32 to index
      %get3A_95 = arith.constant 64 : index
      %get3A_96 = tpu.vector_load %arg13[%get3A_94, %get3A_95] {strides = array<i32>} : memref<64x128xf32, #tpu.memory_space<vmem>>, vector<1x16xf32>,
      %get3A_97 = vector.shape_cast %get3A_96 : vector<1x16xf32> to vector<16xf32>
      %get3A_98 = arith.index_cast %scan3A_86 : i32 to index
      %get3A_99 = arith.constant 0 : index
      %get3A_100 = tpu.vector_load %arg9[%get3A_98, %get3A_99] {strides = array<i32>} : memref<32x768xf32, #tpu.memory_space<vmem>>, vector<1x16xf32>,
      %get3A_101 = vector.shape_cast %get3A_100 : vector<1x16xf32> to vector<16xf32>
      %mul3A_102 = arith.mulf %get3A_91, %get3A_101 : vector<16xf32>
      %get3A_103 = arith.index_cast %scan3A_86 : i32 to index
      %get3A_104 = arith.constant 0 : index
      %get3A_105 = tpu.vector_load %arg10[%get3A_103, %get3A_104] {strides = array<i32>} : memref<32x768xf32, #tpu.memory_space<vmem>>, vector<1x16xf32>,
      %get3A_106 = vector.shape_cast %get3A_105 : vector<1x16xf32> to vector<16xf32>
      %mul3A_107 = arith.mulf %get3A_97, %get3A_106 : vector<16xf32>
      %add3A_108 = arith.addf %mul3A_102, %mul3A_107 : vector<16xf32>
      %swap3A = arith.index_cast %scan3A_86 : i32 to index
      %swap3A_109 = arith.constant 0 : index
      %swap3A_110 = tpu.vector_load %arg9[%swap3A, %swap3A_109] {strides = array<i32>} : memref<32x768xf32, #tpu.memory_space<vmem>>, vector<1x16xf32>,
      %swap3A_111 = vector.shape_cast %swap3A_110 : vector<1x16xf32> to vector<16xf32>
      %swap3A_112 = vector.shape_cast %add3A_108 : vector<16xf32> to vector<1x16xf32>
      tpu.vector_store %arg9[%swap3A, %swap3A_109], %swap3A_112 {strides = array<i32>} : memref<32x768xf32, #tpu.memory_space<vmem>>, vector<1x16xf32>,
      %get3A_113 = arith.index_cast %scan3A_86 : i32 to index
      %get3A_114 = arith.constant 16 : index
      %get3A_115 = tpu.vector_load %arg9[%get3A_113, %get3A_114] {strides = array<i32>} : memref<32x768xf32, #tpu.memory_space<vmem>>, vector<1x16xf32>,
      %get3A_116 = vector.shape_cast %get3A_115 : vector<1x16xf32> to vector<16xf32>
      %mul3A_117 = arith.mulf %get3A_91, %get3A_116 : vector<16xf32>
      %get3A_118 = arith.index_cast %scan3A_86 : i32 to index
      %get3A_119 = arith.constant 16 : index
      %get3A_120 = tpu.vector_load %arg10[%get3A_118, %get3A_119] {strides = array<i32>} : memref<32x768xf32, #tpu.memory_space<vmem>>, vector<1x16xf32>,
      %get3A_121 = vector.shape_cast %get3A_120 : vector<1x16xf32> to vector<16xf32>
      %mul3A_122 = arith.mulf %get3A_97, %get3A_121 : vector<16xf32>
      %add3A_123 = arith.addf %mul3A_117, %mul3A_122 : vector<16xf32>
      %swap3A_124 = arith.index_cast %scan3A_86 : i32 to index
      %swap3A_125 = arith.constant 16 : index
      %swap3A_126 = tpu.vector_load %arg9[%swap3A_124, %swap3A_125] {strides = array<i32>} : memref<32x768xf32, #tpu.memory_space<vmem>>, vector<1x16xf32>,
      %swap3A_127 = vector.shape_cast %swap3A_126 : vector<1x16xf32> to vector<16xf32>
      %swap3A_128 = vector.shape_cast %add3A_123 : vector<16xf32> to vector<1x16xf32>
      tpu.vector_store %arg9[%swap3A_124, %swap3A_125], %swap3A_128 {strides = array<i32>} : memref<32x768xf32, #tpu.memory_space<vmem>>, vector<1x16xf32>,
      %get3A_129 = arith.index_cast %scan3A_86 : i32 to index
      %get3A_130 = arith.constant 32 : index
      %get3A_131 = tpu.vector_load %arg9[%get3A_129, %get3A_130] {strides = array<i32>} : memref<32x768xf32, #tpu.memory_space<vmem>>, vector<1x16xf32>,
      %get3A_132 = vector.shape_cast %get3A_131 : vector<1x16xf32> to vector<16xf32>
      %mul3A_133 = arith.mulf %get3A_91, %get3A_132 : vector<16xf32>
      %get3A_134 = arith.index_cast %scan3A_86 : i32 to index
      %get3A_135 = arith.constant 32 : index
      %get3A_136 = tpu.vector_load %arg10[%get3A_134, %get3A_135] {strides = array<i32>} : memref<32x768xf32, #tpu.memory_space<vmem>>, vector<1x16xf32>,
      %get3A_137 = vector.shape_cast %get3A_136 : vector<1x16xf32> to vector<16xf32>
      %mul3A_138 = arith.mulf %get3A_97, %get3A_137 : vector<16xf32>
      %add3A_139 = arith.addf %mul3A_133, %mul3A_138 : vector<16xf32>
      %swap3A_140 = arith.index_cast %scan3A_86 : i32 to index
      %swap3A_141 = arith.constant 32 : index
      %swap3A_142 = tpu.vector_load %arg9[%swap3A_140, %swap3A_141] {strides = array<i32>} : memref<32x768xf32, #tpu.memory_space<vmem>>, vector<1x16xf32>,
      %swap3A_143 = vector.shape_cast %swap3A_142 : vector<1x16xf32> to vector<16xf32>
      %swap3A_144 = vector.shape_cast %add3A_139 : vector<16xf32> to vector<1x16xf32>
      tpu.vector_store %arg9[%swap3A_140, %swap3A_141], %swap3A_144 {strides = array<i32>} : memref<32x768xf32, #tpu.memory_space<vmem>>, vector<1x16xf32>,
      %get3A_145 = arith.index_cast %scan3A_86 : i32 to index
      %get3A_146 = arith.constant 48 : index
      %get3A_147 = tpu.vector_load %arg9[%get3A_145, %get3A_146] {strides = array<i32>} : memref<32x768xf32, #tpu.memory_space<vmem>>, vector<1x16xf32>,
      %get3A_148 = vector.shape_cast %get3A_147 : vector<1x16xf32> to vector<16xf32>
      %mul3A_149 = arith.mulf %get3A_91, %get3A_148 : vector<16xf32>
      %get3A_150 = arith.index_cast %scan3A_86 : i32 to index
      %get3A_151 = arith.constant 48 : index
      %get3A_152 = tpu.vector_load %arg10[%get3A_150, %get3A_151] {strides = array<i32>} : memref<32x768xf32, #tpu.memory_space<vmem>>, vector<1x16xf32>,
      %get3A_153 = vector.shape_cast %get3A_152 : vector<1x16xf32> to vector<16xf32>
      %mul3A_154 = arith.mulf %get3A_97, %get3A_153 : vector<16xf32>
      %add3A_155 = arith.addf %mul3A_149, %mul3A_154 : vector<16xf32>
      %swap3A_156 = arith.index_cast %scan3A_86 : i32 to index
      %swap3A_157 = arith.constant 48 : index
      %swap3A_158 = tpu.vector_load %arg9[%swap3A_156, %swap3A_157] {strides = array<i32>} : memref<32x768xf32, #tpu.memory_space<vmem>>, vector<1x16xf32>,
      %swap3A_159 = vector.shape_cast %swap3A_158 : vector<1x16xf32> to vector<16xf32>
      %swap3A_160 = vector.shape_cast %add3A_155 : vector<16xf32> to vector<1x16xf32>
      tpu.vector_store %arg9[%swap3A_156, %swap3A_157], %swap3A_160 {strides = array<i32>} : memref<32x768xf32, #tpu.memory_space<vmem>>, vector<1x16xf32>,
      %get3A_161 = arith.index_cast %scan3A_86 : i32 to index
      %get3A_162 = arith.constant 64 : index
      %get3A_163 = tpu.vector_load %arg9[%get3A_161, %get3A_162] {strides = array<i32>} : memref<32x768xf32, #tpu.memory_space<vmem>>, vector<1x16xf32>,
      %get3A_164 = vector.shape_cast %get3A_163 : vector<1x16xf32> to vector<16xf32>
      %mul3A_165 = arith.mulf %get3A_91, %get3A_164 : vector<16xf32>
      %get3A_166 = arith.index_cast %scan3A_86 : i32 to index
      %get3A_167 = arith.constant 64 : index
      %get3A_168 = tpu.vector_load %arg10[%get3A_166, %get3A_167] {strides = array<i32>} : memref<32x768xf32, #tpu.memory_space<vmem>>, vector<1x16xf32>,
      %get3A_169 = vector.shape_cast %get3A_168 : vector<1x16xf32> to vector<16xf32>
      %mul3A_170 = arith.mulf %get3A_97, %get3A_169 : vector<16xf32>
      %add3A_171 = arith.addf %mul3A_165, %mul3A_170 : vector<16xf32>
      %swap3A_172 = arith.index_cast %scan3A_86 : i32 to index
      %swap3A_173 = arith.constant 64 : index
      %swap3A_174 = tpu.vector_load %arg9[%swap3A_172, %swap3A_173] {strides = array<i32>} : memref<32x768xf32, #tpu.memory_space<vmem>>, vector<1x16xf32>,
      %swap3A_175 = vector.shape_cast %swap3A_174 : vector<1x16xf32> to vector<16xf32>
      %swap3A_176 = vector.shape_cast %add3A_171 : vector<16xf32> to vector<1x16xf32>
      tpu.vector_store %arg9[%swap3A_172, %swap3A_173], %swap3A_176 {strides = array<i32>} : memref<32x768xf32, #tpu.memory_space<vmem>>, vector<1x16xf32>,
      %get3A_177 = arith.index_cast %scan3A_86 : i32 to index
      %get3A_178 = arith.constant 80 : index
      %get3A_179 = tpu.vector_load %arg9[%get3A_177, %get3A_178] {strides = array<i32>} : memref<32x768xf32, #tpu.memory_space<vmem>>, vector<1x16xf32>,
      %get3A_180 = vector.shape_cast %get3A_179 : vector<1x16xf32> to vector<16xf32>
      %mul3A_181 = arith.mulf %get3A_91, %get3A_180 : vector<16xf32>
      %get3A_182 = arith.index_cast %scan3A_86 : i32 to index
      %get3A_183 = arith.constant 80 : index
      %get3A_184 = tpu.vector_load %arg10[%get3A_182, %get3A_183] {strides = array<i32>} : memref<32x768xf32, #tpu.memory_space<vmem>>, vector<1x16xf32>,
      %get3A_185 = vector.shape_cast %get3A_184 : vector<1x16xf32> to vector<16xf32>
      %mul3A_186 = arith.mulf %get3A_97, %get3A_185 : vector<16xf32>
      %add3A_187 = arith.addf %mul3A_181, %mul3A_186 : vector<16xf32>
      %swap3A_188 = arith.index_cast %scan3A_86 : i32 to index
      %swap3A_189 = arith.constant 80 : index
      %swap3A_190 = tpu.vector_load %arg9[%swap3A_188, %swap3A_189] {strides = array<i32>} : memref<32x768xf32, #tpu.memory_space<vmem>>, vector<1x16xf32>,
      %swap3A_191 = vector.shape_cast %swap3A_190 : vector<1x16xf32> to vector<16xf32>
      %swap3A_192 = vector.shape_cast %add3A_187 : vector<16xf32> to vector<1x16xf32>
      tpu.vector_store %arg9[%swap3A_188, %swap3A_189], %swap3A_192 {strides = array<i32>} : memref<32x768xf32, #tpu.memory_space<vmem>>, vector<1x16xf32>,
      %get3A_193 = arith.index_cast %scan3A_86 : i32 to index
      %get3A_194 = arith.constant 96 : index
      %get3A_195 = tpu.vector_load %arg9[%get3A_193, %get3A_194] {strides = array<i32>} : memref<32x768xf32, #tpu.memory_space<vmem>>, vector<1x16xf32>,
      %get3A_196 = vector.shape_cast %get3A_195 : vector<1x16xf32> to vector<16xf32>
      %mul3A_197 = arith.mulf %get3A_91, %get3A_196 : vector<16xf32>
      %get3A_198 = arith.index_cast %scan3A_86 : i32 to index
      %get3A_199 = arith.constant 96 : index
      %get3A_200 = tpu.vector_load %arg10[%get3A_198, %get3A_199] {strides = array<i32>} : memref<32x768xf32, #tpu.memory_space<vmem>>, vector<1x16xf32>,
      %get3A_201 = vector.shape_cast %get3A_200 : vector<1x16xf32> to vector<16xf32>
      %mul3A_202 = arith.mulf %get3A_97, %get3A_201 : vector<16xf32>
      %add3A_203 = arith.addf %mul3A_197, %mul3A_202 : vector<16xf32>
      %swap3A_204 = arith.index_cast %scan3A_86 : i32 to index
      %swap3A_205 = arith.constant 96 : index
      %swap3A_206 = tpu.vector_load %arg9[%swap3A_204, %swap3A_205] {strides = array<i32>} : memref<32x768xf32, #tpu.memory_space<vmem>>, vector<1x16xf32>,
      %swap3A_207 = vector.shape_cast %swap3A_206 : vector<1x16xf32> to vector<16xf32>
      %swap3A_208 = vector.shape_cast %add3A_203 : vector<16xf32> to vector<1x16xf32>
      tpu.vector_store %arg9[%swap3A_204, %swap3A_205], %swap3A_208 {strides = array<i32>} : memref<32x768xf32, #tpu.memory_space<vmem>>, vector<1x16xf32>,
      %get3A_209 = arith.index_cast %scan3A_86 : i32 to index
      %get3A_210 = arith.constant 112 : index
      %get3A_211 = tpu.vector_load %arg9[%get3A_209, %get3A_210] {strides = array<i32>} : memref<32x768xf32, #tpu.memory_space<vmem>>, vector<1x16xf32>,
      %get3A_212 = vector.shape_cast %get3A_211 : vector<1x16xf32> to vector<16xf32>
      %mul3A_213 = arith.mulf %get3A_91, %get3A_212 : vector<16xf32>
      %get3A_214 = arith.index_cast %scan3A_86 : i32 to index
      %get3A_215 = arith.constant 112 : index
      %get3A_216 = tpu.vector_load %arg10[%get3A_214, %get3A_215] {strides = array<i32>} : memref<32x768xf32, #tpu.memory_space<vmem>>, vector<1x16xf32>,
      %get3A_217 = vector.shape_cast %get3A_216 : vector<1x16xf32> to vector<16xf32>
      %mul3A_218 = arith.mulf %get3A_97, %get3A_217 : vector<16xf32>
      %add3A_219 = arith.addf %mul3A_213, %mul3A_218 : vector<16xf32>
      %swap3A_220 = arith.index_cast %scan3A_86 : i32 to index
      %swap3A_221 = arith.constant 112 : index
      %swap3A_222 = tpu.vector_load %arg9[%swap3A_220, %swap3A_221] {strides = array<i32>} : memref<32x768xf32, #tpu.memory_space<vmem>>, vector<1x16xf32>,
      %swap3A_223 = vector.shape_cast %swap3A_222 : vector<1x16xf32> to vector<16xf32>
      %swap3A_224 = vector.shape_cast %add3A_219 : vector<16xf32> to vector<1x16xf32>
      tpu.vector_store %arg9[%swap3A_220, %swap3A_221], %swap3A_224 {strides = array<i32>} : memref<32x768xf32, #tpu.memory_space<vmem>>, vector<1x16xf32>,
      %get3A_225 = arith.index_cast %scan3A_86 : i32 to index
      %get3A_226 = arith.constant 128 : index
      %get3A_227 = tpu.vector_load %arg9[%get3A_225, %get3A_226] {strides = array<i32>} : memref<32x768xf32, #tpu.memory_space<vmem>>, vector<1x16xf32>,
      %get3A_228 = vector.shape_cast %get3A_227 : vector<1x16xf32> to vector<16xf32>
      %mul3A_229 = arith.mulf %get3A_91, %get3A_228 : vector<16xf32>
      %get3A_230 = arith.index_cast %scan3A_86 : i32 to index
      %get3A_231 = arith.constant 128 : index
      %get3A_232 = tpu.vector_load %arg10[%get3A_230, %get3A_231] {strides = array<i32>} : memref<32x768xf32, #tpu.memory_space<vmem>>, vector<1x16xf32>,
      %get3A_233 = vector.shape_cast %get3A_232 : vector<1x16xf32> to vector<16xf32>
      %mul3A_234 = arith.mulf %get3A_97, %get3A_233 : vector<16xf32>
      %add3A_235 = arith.addf %mul3A_229, %mul3A_234 : vector<16xf32>
      %swap3A_236 = arith.index_cast %scan3A_86 : i32 to index
      %swap3A_237 = arith.constant 128 : index
      %swap3A_238 = tpu.vector_load %arg9[%swap3A_236, %swap3A_237] {strides = array<i32>} : memref<32x768xf32, #tpu.memory_space<vmem>>, vector<1x16xf32>,
      %swap3A_239 = vector.shape_cast %swap3A_238 : vector<1x16xf32> to vector<16xf32>
      %swap3A_240 = vector.shape_cast %add3A_235 : vector<16xf32> to vector<1x16xf32>
      tpu.vector_store %arg9[%swap3A_236, %swap3A_237], %swap3A_240 {strides = array<i32>} : memref<32x768xf32, #tpu.memory_space<vmem>>, vector<1x16xf32>,
      %get3A_241 = arith.index_cast %scan3A_86 : i32 to index
      %get3A_242 = arith.constant 144 : index
      %get3A_243 = tpu.vector_load %arg9[%get3A_241, %get3A_242] {strides = array<i32>} : memref<32x768xf32, #tpu.memory_space<vmem>>, vector<1x16xf32>,
      %get3A_244 = vector.shape_cast %get3A_243 : vector<1x16xf32> to vector<16xf32>
      %mul3A_245 = arith.mulf %get3A_91, %get3A_244 : vector<16xf32>
      %get3A_246 = arith.index_cast %scan3A_86 : i32 to index
      %get3A_247 = arith.constant 144 : index
      %get3A_248 = tpu.vector_load %arg10[%get3A_246, %get3A_247] {strides = array<i32>} : memref<32x768xf32, #tpu.memory_space<vmem>>, vector<1x16xf32>,
      %get3A_249 = vector.shape_cast %get3A_248 : vector<1x16xf32> to vector<16xf32>
      %mul3A_250 = arith.mulf %get3A_97, %get3A_249 : vector<16xf32>
      %add3A_251 = arith.addf %mul3A_245, %mul3A_250 : vector<16xf32>
      %swap3A_252 = arith.index_cast %scan3A_86 : i32 to index
      %swap3A_253 = arith.constant 144 : index
      %swap3A_254 = tpu.vector_load %arg9[%swap3A_252, %swap3A_253] {strides = array<i32>} : memref<32x768xf32, #tpu.memory_space<vmem>>, vector<1x16xf32>,
      %swap3A_255 = vector.shape_cast %swap3A_254 : vector<1x16xf32> to vector<16xf32>
      %swap3A_256 = vector.shape_cast %add3A_251 : vector<16xf32> to vector<1x16xf32>
      tpu.vector_store %arg9[%swap3A_252, %swap3A_253], %swap3A_256 {strides = array<i32>} : memref<32x768xf32, #tpu.memory_space<vmem>>, vector<1x16xf32>,
      %get3A_257 = arith.index_cast %scan3A_86 : i32 to index
      %get3A_258 = arith.constant 160 : index
      %get3A_259 = tpu.vector_load %arg9[%get3A_257, %get3A_258] {strides = array<i32>} : memref<32x768xf32, #tpu.memory_space<vmem>>, vector<1x16xf32>,
      %get3A_260 = vector.shape_cast %get3A_259 : vector<1x16xf32> to vector<16xf32>
      %mul3A_261 = arith.mulf %get3A_91, %get3A_260 : vector<16xf32>
      %get3A_262 = arith.index_cast %scan3A_86 : i32 to index
      %get3A_263 = arith.constant 160 : index
      %get3A_264 = tpu.vector_load %arg10[%get3A_262, %get3A_263] {strides = array<i32>} : memref<32x768xf32, #tpu.memory_space<vmem>>, vector<1x16xf32>,
      %get3A_265 = vector.shape_cast %get3A_264 : vector<1x16xf32> to vector<16xf32>
      %mul3A_266 = arith.mulf %get3A_97, %get3A_265 : vector<16xf32>
      %add3A_267 = arith.addf %mul3A_261, %mul3A_266 : vector<16xf32>
      %swap3A_268 = arith.index_cast %scan3A_86 : i32 to index
      %swap3A_269 = arith.constant 160 : index
      %swap3A_270 = tpu.vector_load %arg9[%swap3A_268, %swap3A_269] {strides = array<i32>} : memref<32x768xf32, #tpu.memory_space<vmem>>, vector<1x16xf32>,
      %swap3A_271 = vector.shape_cast %swap3A_270 : vector<1x16xf32> to vector<16xf32>
      %swap3A_272 = vector.shape_cast %add3A_267 : vector<16xf32> to vector<1x16xf32>
      tpu.vector_store %arg9[%swap3A_268, %swap3A_269], %swap3A_272 {strides = array<i32>} : memref<32x768xf32, #tpu.memory_space<vmem>>, vector<1x16xf32>,
      %get3A_273 = arith.index_cast %scan3A_86 : i32 to index
      %get3A_274 = arith.constant 176 : index
      %get3A_275 = tpu.vector_load %arg9[%get3A_273, %get3A_274] {strides = array<i32>} : memref<32x768xf32, #tpu.memory_space<vmem>>, vector<1x16xf32>,
      %get3A_276 = vector.shape_cast %get3A_275 : vector<1x16xf32> to vector<16xf32>
      %mul3A_277 = arith.mulf %get3A_91, %get3A_276 : vector<16xf32>
      %get3A_278 = arith.index_cast %scan3A_86 : i32 to index
      %get3A_279 = arith.constant 176 : index
      %get3A_280 = tpu.vector_load %arg10[%get3A_278, %get3A_279] {strides = array<i32>} : memref<32x768xf32, #tpu.memory_space<vmem>>, vector<1x16xf32>,
      %get3A_281 = vector.shape_cast %get3A_280 : vector<1x16xf32> to vector<16xf32>
      %mul3A_282 = arith.mulf %get3A_97, %get3A_281 : vector<16xf32>
      %add3A_283 = arith.addf %mul3A_277, %mul3A_282 : vector<16xf32>
      %swap3A_284 = arith.index_cast %scan3A_86 : i32 to index
      %swap3A_285 = arith.constant 176 : index
      %swap3A_286 = tpu.vector_load %arg9[%swap3A_284, %swap3A_285] {strides = array<i32>} : memref<32x768xf32, #tpu.memory_space<vmem>>, vector<1x16xf32>,
      %swap3A_287 = vector.shape_cast %swap3A_286 : vector<1x16xf32> to vector<16xf32>
      %swap3A_288 = vector.shape_cast %add3A_283 : vector<16xf32> to vector<1x16xf32>
      tpu.vector_store %arg9[%swap3A_284, %swap3A_285], %swap3A_288 {strides = array<i32>} : memref<32x768xf32, #tpu.memory_space<vmem>>, vector<1x16xf32>,
      %get3A_289 = arith.index_cast %scan3A_86 : i32 to index
      %get3A_290 = arith.constant 192 : index
      %get3A_291 = tpu.vector_load %arg9[%get3A_289, %get3A_290] {strides = array<i32>} : memref<32x768xf32, #tpu.memory_space<vmem>>, vector<1x16xf32>,
      %get3A_292 = vector.shape_cast %get3A_291 : vector<1x16xf32> to vector<16xf32>
      %mul3A_293 = arith.mulf %get3A_91, %get3A_292 : vector<16xf32>
      %get3A_294 = arith.index_cast %scan3A_86 : i32 to index
      %get3A_295 = arith.constant 192 : index
      %get3A_296 = tpu.vector_load %arg10[%get3A_294, %get3A_295] {strides = array<i32>} : memref<32x768xf32, #tpu.memory_space<vmem>>, vector<1x16xf32>,
      %get3A_297 = vector.shape_cast %get3A_296 : vector<1x16xf32> to vector<16xf32>
      %mul3A_298 = arith.mulf %get3A_97, %get3A_297 : vector<16xf32>
      %add3A_299 = arith.addf %mul3A_293, %mul3A_298 : vector<16xf32>
      %swap3A_300 = arith.index_cast %scan3A_86 : i32 to index
      %swap3A_301 = arith.constant 192 : index
      %swap3A_302 = tpu.vector_load %arg9[%swap3A_300, %swap3A_301] {strides = array<i32>} : memref<32x768xf32, #tpu.memory_space<vmem>>, vector<1x16xf32>,
      %swap3A_303 = vector.shape_cast %swap3A_302 : vector<1x16xf32> to vector<16xf32>
      %swap3A_304 = vector.shape_cast %add3A_299 : vector<16xf32> to vector<1x16xf32>
      tpu.vector_store %arg9[%swap3A_300, %swap3A_301], %swap3A_304 {strides = array<i32>} : memref<32x768xf32, #tpu.memory_space<vmem>>, vector<1x16xf32>,
      %get3A_305 = arith.index_cast %scan3A_86 : i32 to index
      %get3A_306 = arith.constant 208 : index
      %get3A_307 = tpu.vector_load %arg9[%get3A_305, %get3A_306] {strides = array<i32>} : memref<32x768xf32, #tpu.memory_space<vmem>>, vector<1x16xf32>,
      %get3A_308 = vector.shape_cast %get3A_307 : vector<1x16xf32> to vector<16xf32>
      %mul3A_309 = arith.mulf %get3A_91, %get3A_308 : vector<16xf32>
      %get3A_310 = arith.index_cast %scan3A_86 : i32 to index
      %get3A_311 = arith.constant 208 : index
      %get3A_312 = tpu.vector_load %arg10[%get3A_310, %get3A_311] {strides = array<i32>} : memref<32x768xf32, #tpu.memory_space<vmem>>, vector<1x16xf32>,
      %get3A_313 = vector.shape_cast %get3A_312 : vector<1x16xf32> to vector<16xf32>
      %mul3A_314 = arith.mulf %get3A_97, %get3A_313 : vector<16xf32>
      %add3A_315 = arith.addf %mul3A_309, %mul3A_314 : vector<16xf32>
      %swap3A_316 = arith.index_cast %scan3A_86 : i32 to index
      %swap3A_317 = arith.constant 208 : index
      %swap3A_318 = tpu.vector_load %arg9[%swap3A_316, %swap3A_317] {strides = array<i32>} : memref<32x768xf32, #tpu.memory_space<vmem>>, vector<1x16xf32>,
      %swap3A_319 = vector.shape_cast %swap3A_318 : vector<1x16xf32> to vector<16xf32>
      %swap3A_320 = vector.shape_cast %add3A_315 : vector<16xf32> to vector<1x16xf32>
      tpu.vector_store %arg9[%swap3A_316, %swap3A_317], %swap3A_320 {strides = array<i32>} : memref<32x768xf32, #tpu.memory_space<vmem>>, vector<1x16xf32>,
      %get3A_321 = arith.index_cast %scan3A_86 : i32 to index
      %get3A_322 = arith.constant 224 : index
      %get3A_323 = tpu.vector_load %arg9[%get3A_321, %get3A_322] {strides = array<i32>} : memref<32x768xf32, #tpu.memory_space<vmem>>, vector<1x16xf32>,
      %get3A_324 = vector.shape_cast %get3A_323 : vector<1x16xf32> to vector<16xf32>
      %mul3A_325 = arith.mulf %get3A_91, %get3A_324 : vector<16xf32>
      %get3A_326 = arith.index_cast %scan3A_86 : i32 to index
      %get3A_327 = arith.constant 224 : index
      %get3A_328 = tpu.vector_load %arg10[%get3A_326, %get3A_327] {strides = array<i32>} : memref<32x768xf32, #tpu.memory_space<vmem>>, vector<1x16xf32>,
      %get3A_329 = vector.shape_cast %get3A_328 : vector<1x16xf32> to vector<16xf32>
      %mul3A_330 = arith.mulf %get3A_97, %get3A_329 : vector<16xf32>
      %add3A_331 = arith.addf %mul3A_325, %mul3A_330 : vector<16xf32>
      %swap3A_332 = arith.index_cast %scan3A_86 : i32 to index
      %swap3A_333 = arith.constant 224 : index
      %swap3A_334 = tpu.vector_load %arg9[%swap3A_332, %swap3A_333] {strides = array<i32>} : memref<32x768xf32, #tpu.memory_space<vmem>>, vector<1x16xf32>,
      %swap3A_335 = vector.shape_cast %swap3A_334 : vector<1x16xf32> to vector<16xf32>
      %swap3A_336 = vector.shape_cast %add3A_331 : vector<16xf32> to vector<1x16xf32>
      tpu.vector_store %arg9[%swap3A_332, %swap3A_333], %swap3A_336 {strides = array<i32>} : memref<32x768xf32, #tpu.memory_space<vmem>>, vector<1x16xf32>,
      %get3A_337 = arith.index_cast %scan3A_86 : i32 to index
      %get3A_338 = arith.constant 240 : index
      %get3A_339 = tpu.vector_load %arg9[%get3A_337, %get3A_338] {strides = array<i32>} : memref<32x768xf32, #tpu.memory_space<vmem>>, vector<1x16xf32>,
      %get3A_340 = vector.shape_cast %get3A_339 : vector<1x16xf32> to vector<16xf32>
      %mul3A_341 = arith.mulf %get3A_91, %get3A_340 : vector<16xf32>
      %get3A_342 = arith.index_cast %scan3A_86 : i32 to index
      %get3A_343 = arith.constant 240 : index
      %get3A_344 = tpu.vector_load %arg10[%get3A_342, %get3A_343] {strides = array<i32>} : memref<32x768xf32, #tpu.memory_space<vmem>>, vector<1x16xf32>,
      %get3A_345 = vector.shape_cast %get3A_344 : vector<1x16xf32> to vector<16xf32>
      %mul3A_346 = arith.mulf %get3A_97, %get3A_345 : vector<16xf32>
      %add3A_347 = arith.addf %mul3A_341, %mul3A_346 : vector<16xf32>
      %swap3A_348 = arith.index_cast %scan3A_86 : i32 to index
      %swap3A_349 = arith.constant 240 : index
      %swap3A_350 = tpu.vector_load %arg9[%swap3A_348, %swap3A_349] {strides = array<i32>} : memref<32x768xf32, #tpu.memory_space<vmem>>, vector<1x16xf32>,
      %swap3A_351 = vector.shape_cast %swap3A_350 : vector<1x16xf32> to vector<16xf32>
      %swap3A_352 = vector.shape_cast %add3A_347 : vector<16xf32> to vector<1x16xf32>
      tpu.vector_store %arg9[%swap3A_348, %swap3A_349], %swap3A_352 {strides = array<i32>} : memref<32x768xf32, #tpu.memory_space<vmem>>, vector<1x16xf32>,
      %get3A_353 = arith.index_cast %scan3A_86 : i32 to index
      %get3A_354 = arith.constant 256 : index
      %get3A_355 = tpu.vector_load %arg9[%get3A_353, %get3A_354] {strides = array<i32>} : memref<32x768xf32, #tpu.memory_space<vmem>>, vector<1x16xf32>,
      %get3A_356 = vector.shape_cast %get3A_355 : vector<1x16xf32> to vector<16xf32>
      %mul3A_357 = arith.mulf %get3A_91, %get3A_356 : vector<16xf32>
      %get3A_358 = arith.index_cast %scan3A_86 : i32 to index
      %get3A_359 = arith.constant 256 : index
      %get3A_360 = tpu.vector_load %arg10[%get3A_358, %get3A_359] {strides = array<i32>} : memref<32x768xf32, #tpu.memory_space<vmem>>, vector<1x16xf32>,
      %get3A_361 = vector.shape_cast %get3A_360 : vector<1x16xf32> to vector<16xf32>
      %mul3A_362 = arith.mulf %get3A_97, %get3A_361 : vector<16xf32>
      %add3A_363 = arith.addf %mul3A_357, %mul3A_362 : vector<16xf32>
      %swap3A_364 = arith.index_cast %scan3A_86 : i32 to index
      %swap3A_365 = arith.constant 256 : index
      %swap3A_366 = tpu.vector_load %arg9[%swap3A_364, %swap3A_365] {strides = array<i32>} : memref<32x768xf32, #tpu.memory_space<vmem>>, vector<1x16xf32>,
      %swap3A_367 = vector.shape_cast %swap3A_366 : vector<1x16xf32> to vector<16xf32>
      %swap3A_368 = vector.shape_cast %add3A_363 : vector<16xf32> to vector<1x16xf32>
      tpu.vector_store %arg9[%swap3A_364, %swap3A_365], %swap3A_368 {strides = array<i32>} : memref<32x768xf32, #tpu.memory_space<vmem>>, vector<1x16xf32>,
      %get3A_369 = arith.index_cast %scan3A_86 : i32 to index
      %get3A_370 = arith.constant 272 : index
      %get3A_371 = tpu.vector_load %arg9[%get3A_369, %get3A_370] {strides = array<i32>} : memref<32x768xf32, #tpu.memory_space<vmem>>, vector<1x16xf32>,
      %get3A_372 = vector.shape_cast %get3A_371 : vector<1x16xf32> to vector<16xf32>
      %mul3A_373 = arith.mulf %get3A_91, %get3A_372 : vector<16xf32>
      %get3A_374 = arith.index_cast %scan3A_86 : i32 to index
      %get3A_375 = arith.constant 272 : index
      %get3A_376 = tpu.vector_load %arg10[%get3A_374, %get3A_375] {strides = array<i32>} : memref<32x768xf32, #tpu.memory_space<vmem>>, vector<1x16xf32>,
      %get3A_377 = vector.shape_cast %get3A_376 : vector<1x16xf32> to vector<16xf32>
      %mul3A_378 = arith.mulf %get3A_97, %get3A_377 : vector<16xf32>
      %add3A_379 = arith.addf %mul3A_373, %mul3A_378 : vector<16xf32>
      %swap3A_380 = arith.index_cast %scan3A_86 : i32 to index
      %swap3A_381 = arith.constant 272 : index
      %swap3A_382 = tpu.vector_load %arg9[%swap3A_380, %swap3A_381] {strides = array<i32>} : memref<32x768xf32, #tpu.memory_space<vmem>>, vector<1x16xf32>,
      %swap3A_383 = vector.shape_cast %swap3A_382 : vector<1x16xf32> to vector<16xf32>
      %swap3A_384 = vector.shape_cast %add3A_379 : vector<16xf32> to vector<1x16xf32>
      tpu.vector_store %arg9[%swap3A_380, %swap3A_381], %swap3A_384 {strides = array<i32>} : memref<32x768xf32, #tpu.memory_space<vmem>>, vector<1x16xf32>,
      %get3A_385 = arith.index_cast %scan3A_86 : i32 to index
      %get3A_386 = arith.constant 288 : index
      %get3A_387 = tpu.vector_load %arg9[%get3A_385, %get3A_386] {strides = array<i32>} : memref<32x768xf32, #tpu.memory_space<vmem>>, vector<1x16xf32>,
      %get3A_388 = vector.shape_cast %get3A_387 : vector<1x16xf32> to vector<16xf32>
      %mul3A_389 = arith.mulf %get3A_91, %get3A_388 : vector<16xf32>
      %get3A_390 = arith.index_cast %scan3A_86 : i32 to index
      %get3A_391 = arith.constant 288 : index
      %get3A_392 = tpu.vector_load %arg10[%get3A_390, %get3A_391] {strides = array<i32>} : memref<32x768xf32, #tpu.memory_space<vmem>>, vector<1x16xf32>,
      %get3A_393 = vector.shape_cast %get3A_392 : vector<1x16xf32> to vector<16xf32>
      %mul3A_394 = arith.mulf %get3A_97, %get3A_393 : vector<16xf32>
      %add3A_395 = arith.addf %mul3A_389, %mul3A_394 : vector<16xf32>
      %swap3A_396 = arith.index_cast %scan3A_86 : i32 to index
      %swap3A_397 = arith.constant 288 : index
      %swap3A_398 = tpu.vector_load %arg9[%swap3A_396, %swap3A_397] {strides = array<i32>} : memref<32x768xf32, #tpu.memory_space<vmem>>, vector<1x16xf32>,
      %swap3A_399 = vector.shape_cast %swap3A_398 : vector<1x16xf32> to vector<16xf32>
      %swap3A_400 = vector.shape_cast %add3A_395 : vector<16xf32> to vector<1x16xf32>
      tpu.vector_store %arg9[%swap3A_396, %swap3A_397], %swap3A_400 {strides = array<i32>} : memref<32x768xf32, #tpu.memory_space<vmem>>, vector<1x16xf32>,
      %get3A_401 = arith.index_cast %scan3A_86 : i32 to index
      %get3A_402 = arith.constant 304 : index
      %get3A_403 = tpu.vector_load %arg9[%get3A_401, %get3A_402] {strides = array<i32>} : memref<32x768xf32, #tpu.memory_space<vmem>>, vector<1x16xf32>,
      %get3A_404 = vector.shape_cast %get3A_403 : vector<1x16xf32> to vector<16xf32>
      %mul3A_405 = arith.mulf %get3A_91, %get3A_404 : vector<16xf32>
      %get3A_406 = arith.index_cast %scan3A_86 : i32 to index
      %get3A_407 = arith.constant 304 : index
      %get3A_408 = tpu.vector_load %arg10[%get3A_406, %get3A_407] {strides = array<i32>} : memref<32x768xf32, #tpu.memory_space<vmem>>, vector<1x16xf32>,
      %get3A_409 = vector.shape_cast %get3A_408 : vector<1x16xf32> to vector<16xf32>
      %mul3A_410 = arith.mulf %get3A_97, %get3A_409 : vector<16xf32>
      %add3A_411 = arith.addf %mul3A_405, %mul3A_410 : vector<16xf32>
      %swap3A_412 = arith.index_cast %scan3A_86 : i32 to index
      %swap3A_413 = arith.constant 304 : index
      %swap3A_414 = tpu.vector_load %arg9[%swap3A_412, %swap3A_413] {strides = array<i32>} : memref<32x768xf32, #tpu.memory_space<vmem>>, vector<1x16xf32>,
      %swap3A_415 = vector.shape_cast %swap3A_414 : vector<1x16xf32> to vector<16xf32>
      %swap3A_416 = vector.shape_cast %add3A_411 : vector<16xf32> to vector<1x16xf32>
      tpu.vector_store %arg9[%swap3A_412, %swap3A_413], %swap3A_416 {strides = array<i32>} : memref<32x768xf32, #tpu.memory_space<vmem>>, vector<1x16xf32>,
      %get3A_417 = arith.index_cast %scan3A_86 : i32 to index
      %get3A_418 = arith.constant 320 : index
      %get3A_419 = tpu.vector_load %arg9[%get3A_417, %get3A_418] {strides = array<i32>} : memref<32x768xf32, #tpu.memory_space<vmem>>, vector<1x16xf32>,
      %get3A_420 = vector.shape_cast %get3A_419 : vector<1x16xf32> to vector<16xf32>
      %mul3A_421 = arith.mulf %get3A_91, %get3A_420 : vector<16xf32>
      %get3A_422 = arith.index_cast %scan3A_86 : i32 to index
      %get3A_423 = arith.constant 320 : index
      %get3A_424 = tpu.vector_load %arg10[%get3A_422, %get3A_423] {strides = array<i32>} : memref<32x768xf32, #tpu.memory_space<vmem>>, vector<1x16xf32>,
      %get3A_425 = vector.shape_cast %get3A_424 : vector<1x16xf32> to vector<16xf32>
      %mul3A_426 = arith.mulf %get3A_97, %get3A_425 : vector<16xf32>
      %add3A_427 = arith.addf %mul3A_421, %mul3A_426 : vector<16xf32>
      %swap3A_428 = arith.index_cast %scan3A_86 : i32 to index
      %swap3A_429 = arith.constant 320 : index
      %swap3A_430 = tpu.vector_load %arg9[%swap3A_428, %swap3A_429] {strides = array<i32>} : memref<32x768xf32, #tpu.memory_space<vmem>>, vector<1x16xf32>,
      %swap3A_431 = vector.shape_cast %swap3A_430 : vector<1x16xf32> to vector<16xf32>
      %swap3A_432 = vector.shape_cast %add3A_427 : vector<16xf32> to vector<1x16xf32>
      tpu.vector_store %arg9[%swap3A_428, %swap3A_429], %swap3A_432 {strides = array<i32>} : memref<32x768xf32, #tpu.memory_space<vmem>>, vector<1x16xf32>,
      %get3A_433 = arith.index_cast %scan3A_86 : i32 to index
      %get3A_434 = arith.constant 336 : index
      %get3A_435 = tpu.vector_load %arg9[%get3A_433, %get3A_434] {strides = array<i32>} : memref<32x768xf32, #tpu.memory_space<vmem>>, vector<1x16xf32>,
      %get3A_436 = vector.shape_cast %get3A_435 : vector<1x16xf32> to vector<16xf32>
      %mul3A_437 = arith.mulf %get3A_91, %get3A_436 : vector<16xf32>
      %get3A_438 = arith.index_cast %scan3A_86 : i32 to index
      %get3A_439 = arith.constant 336 : index
      %get3A_440 = tpu.vector_load %arg10[%get3A_438, %get3A_439] {strides = array<i32>} : memref<32x768xf32, #tpu.memory_space<vmem>>, vector<1x16xf32>,
      %get3A_441 = vector.shape_cast %get3A_440 : vector<1x16xf32> to vector<16xf32>
      %mul3A_442 = arith.mulf %get3A_97, %get3A_441 : vector<16xf32>
      %add3A_443 = arith.addf %mul3A_437, %mul3A_442 : vector<16xf32>
      %swap3A_444 = arith.index_cast %scan3A_86 : i32 to index
      %swap3A_445 = arith.constant 336 : index
      %swap3A_446 = tpu.vector_load %arg9[%swap3A_444, %swap3A_445] {strides = array<i32>} : memref<32x768xf32, #tpu.memory_space<vmem>>, vector<1x16xf32>,
      %swap3A_447 = vector.shape_cast %swap3A_446 : vector<1x16xf32> to vector<16xf32>
      %swap3A_448 = vector.shape_cast %add3A_443 : vector<16xf32> to vector<1x16xf32>
      tpu.vector_store %arg9[%swap3A_444, %swap3A_445], %swap3A_448 {strides = array<i32>} : memref<32x768xf32, #tpu.memory_space<vmem>>, vector<1x16xf32>,
      %get3A_449 = arith.index_cast %scan3A_86 : i32 to index
      %get3A_450 = arith.constant 352 : index
      %get3A_451 = tpu.vector_load %arg9[%get3A_449, %get3A_450] {strides = array<i32>} : memref<32x768xf32, #tpu.memory_space<vmem>>, vector<1x16xf32>,
      %get3A_452 = vector.shape_cast %get3A_451 : vector<1x16xf32> to vector<16xf32>
      %mul3A_453 = arith.mulf %get3A_91, %get3A_452 : vector<16xf32>
      %get3A_454 = arith.index_cast %scan3A_86 : i32 to index
      %get3A_455 = arith.constant 352 : index
      %get3A_456 = tpu.vector_load %arg10[%get3A_454, %get3A_455] {strides = array<i32>} : memref<32x768xf32, #tpu.memory_space<vmem>>, vector<1x16xf32>,
      %get3A_457 = vector.shape_cast %get3A_456 : vector<1x16xf32> to vector<16xf32>
      %mul3A_458 = arith.mulf %get3A_97, %get3A_457 : vector<16xf32>
      %add3A_459 = arith.addf %mul3A_453, %mul3A_458 : vector<16xf32>
      %swap3A_460 = arith.index_cast %scan3A_86 : i32 to index
      %swap3A_461 = arith.constant 352 : index
      %swap3A_462 = tpu.vector_load %arg9[%swap3A_460, %swap3A_461] {strides = array<i32>} : memref<32x768xf32, #tpu.memory_space<vmem>>, vector<1x16xf32>,
      %swap3A_463 = vector.shape_cast %swap3A_462 : vector<1x16xf32> to vector<16xf32>
      %swap3A_464 = vector.shape_cast %add3A_459 : vector<16xf32> to vector<1x16xf32>
      tpu.vector_store %arg9[%swap3A_460, %swap3A_461], %swap3A_464 {strides = array<i32>} : memref<32x768xf32, #tpu.memory_space<vmem>>, vector<1x16xf32>,
      %get3A_465 = arith.index_cast %scan3A_86 : i32 to index
      %get3A_466 = arith.constant 368 : index
      %get3A_467 = tpu.vector_load %arg9[%get3A_465, %get3A_466] {strides = array<i32>} : memref<32x768xf32, #tpu.memory_space<vmem>>, vector<1x16xf32>,
      %get3A_468 = vector.shape_cast %get3A_467 : vector<1x16xf32> to vector<16xf32>
      %mul3A_469 = arith.mulf %get3A_91, %get3A_468 : vector<16xf32>
      %get3A_470 = arith.index_cast %scan3A_86 : i32 to index
      %get3A_471 = arith.constant 368 : index
      %get3A_472 = tpu.vector_load %arg10[%get3A_470, %get3A_471] {strides = array<i32>} : memref<32x768xf32, #tpu.memory_space<vmem>>, vector<1x16xf32>,
      %get3A_473 = vector.shape_cast %get3A_472 : vector<1x16xf32> to vector<16xf32>
      %mul3A_474 = arith.mulf %get3A_97, %get3A_473 : vector<16xf32>
      %add3A_475 = arith.addf %mul3A_469, %mul3A_474 : vector<16xf32>
      %swap3A_476 = arith.index_cast %scan3A_86 : i32 to index
      %swap3A_477 = arith.constant 368 : index
      %swap3A_478 = tpu.vector_load %arg9[%swap3A_476, %swap3A_477] {strides = array<i32>} : memref<32x768xf32, #tpu.memory_space<vmem>>, vector<1x16xf32>,
      %swap3A_479 = vector.shape_cast %swap3A_478 : vector<1x16xf32> to vector<16xf32>
      %swap3A_480 = vector.shape_cast %add3A_475 : vector<16xf32> to vector<1x16xf32>
      tpu.vector_store %arg9[%swap3A_476, %swap3A_477], %swap3A_480 {strides = array<i32>} : memref<32x768xf32, #tpu.memory_space<vmem>>, vector<1x16xf32>,
      %get3A_481 = arith.index_cast %scan3A_86 : i32 to index
      %get3A_482 = arith.constant 384 : index
      %get3A_483 = tpu.vector_load %arg9[%get3A_481, %get3A_482] {strides = array<i32>} : memref<32x768xf32, #tpu.memory_space<vmem>>, vector<1x16xf32>,
      %get3A_484 = vector.shape_cast %get3A_483 : vector<1x16xf32> to vector<16xf32>
      %mul3A_485 = arith.mulf %get3A_91, %get3A_484 : vector<16xf32>
      %get3A_486 = arith.index_cast %scan3A_86 : i32 to index
      %get3A_487 = arith.constant 384 : index
      %get3A_488 = tpu.vector_load %arg10[%get3A_486, %get3A_487] {strides = array<i32>} : memref<32x768xf32, #tpu.memory_space<vmem>>, vector<1x16xf32>,
      %get3A_489 = vector.shape_cast %get3A_488 : vector<1x16xf32> to vector<16xf32>
      %mul3A_490 = arith.mulf %get3A_97, %get3A_489 : vector<16xf32>
      %add3A_491 = arith.addf %mul3A_485, %mul3A_490 : vector<16xf32>
      %swap3A_492 = arith.index_cast %scan3A_86 : i32 to index
      %swap3A_493 = arith.constant 384 : index
      %swap3A_494 = tpu.vector_load %arg9[%swap3A_492, %swap3A_493] {strides = array<i32>} : memref<32x768xf32, #tpu.memory_space<vmem>>, vector<1x16xf32>,
      %swap3A_495 = vector.shape_cast %swap3A_494 : vector<1x16xf32> to vector<16xf32>
      %swap3A_496 = vector.shape_cast %add3A_491 : vector<16xf32> to vector<1x16xf32>
      tpu.vector_store %arg9[%swap3A_492, %swap3A_493], %swap3A_496 {strides = array<i32>} : memref<32x768xf32, #tpu.memory_space<vmem>>, vector<1x16xf32>,
      %get3A_497 = arith.index_cast %scan3A_86 : i32 to index
      %get3A_498 = arith.constant 400 : index
      %get3A_499 = tpu.vector_load %arg9[%get3A_497, %get3A_498] {strides = array<i32>} : memref<32x768xf32, #tpu.memory_space<vmem>>, vector<1x16xf32>,
      %get3A_500 = vector.shape_cast %get3A_499 : vector<1x16xf32> to vector<16xf32>
      %mul3A_501 = arith.mulf %get3A_91, %get3A_500 : vector<16xf32>
      %get3A_502 = arith.index_cast %scan3A_86 : i32 to index
      %get3A_503 = arith.constant 400 : index
      %get3A_504 = tpu.vector_load %arg10[%get3A_502, %get3A_503] {strides = array<i32>} : memref<32x768xf32, #tpu.memory_space<vmem>>, vector<1x16xf32>,
      %get3A_505 = vector.shape_cast %get3A_504 : vector<1x16xf32> to vector<16xf32>
      %mul3A_506 = arith.mulf %get3A_97, %get3A_505 : vector<16xf32>
      %add3A_507 = arith.addf %mul3A_501, %mul3A_506 : vector<16xf32>
      %swap3A_508 = arith.index_cast %scan3A_86 : i32 to index
      %swap3A_509 = arith.constant 400 : index
      %swap3A_510 = tpu.vector_load %arg9[%swap3A_508, %swap3A_509] {strides = array<i32>} : memref<32x768xf32, #tpu.memory_space<vmem>>, vector<1x16xf32>,
      %swap3A_511 = vector.shape_cast %swap3A_510 : vector<1x16xf32> to vector<16xf32>
      %swap3A_512 = vector.shape_cast %add3A_507 : vector<16xf32> to vector<1x16xf32>
      tpu.vector_store %arg9[%swap3A_508, %swap3A_509], %swap3A_512 {strides = array<i32>} : memref<32x768xf32, #tpu.memory_space<vmem>>, vector<1x16xf32>,
      %get3A_513 = arith.index_cast %scan3A_86 : i32 to index
      %get3A_514 = arith.constant 416 : index
      %get3A_515 = tpu.vector_load %arg9[%get3A_513, %get3A_514] {strides = array<i32>} : memref<32x768xf32, #tpu.memory_space<vmem>>, vector<1x16xf32>,
      %get3A_516 = vector.shape_cast %get3A_515 : vector<1x16xf32> to vector<16xf32>
      %mul3A_517 = arith.mulf %get3A_91, %get3A_516 : vector<16xf32>
      %get3A_518 = arith.index_cast %scan3A_86 : i32 to index
      %get3A_519 = arith.constant 416 : index
      %get3A_520 = tpu.vector_load %arg10[%get3A_518, %get3A_519] {strides = array<i32>} : memref<32x768xf32, #tpu.memory_space<vmem>>, vector<1x16xf32>,
      %get3A_521 = vector.shape_cast %get3A_520 : vector<1x16xf32> to vector<16xf32>
      %mul3A_522 = arith.mulf %get3A_97, %get3A_521 : vector<16xf32>
      %add3A_523 = arith.addf %mul3A_517, %mul3A_522 : vector<16xf32>
      %swap3A_524 = arith.index_cast %scan3A_86 : i32 to index
      %swap3A_525 = arith.constant 416 : index
      %swap3A_526 = tpu.vector_load %arg9[%swap3A_524, %swap3A_525] {strides = array<i32>} : memref<32x768xf32, #tpu.memory_space<vmem>>, vector<1x16xf32>,
      %swap3A_527 = vector.shape_cast %swap3A_526 : vector<1x16xf32> to vector<16xf32>
      %swap3A_528 = vector.shape_cast %add3A_523 : vector<16xf32> to vector<1x16xf32>
      tpu.vector_store %arg9[%swap3A_524, %swap3A_525], %swap3A_528 {strides = array<i32>} : memref<32x768xf32, #tpu.memory_space<vmem>>, vector<1x16xf32>,
      %get3A_529 = arith.index_cast %scan3A_86 : i32 to index
      %get3A_530 = arith.constant 432 : index
      %get3A_531 = tpu.vector_load %arg9[%get3A_529, %get3A_530] {strides = array<i32>} : memref<32x768xf32, #tpu.memory_space<vmem>>, vector<1x16xf32>,
      %get3A_532 = vector.shape_cast %get3A_531 : vector<1x16xf32> to vector<16xf32>
      %mul3A_533 = arith.mulf %get3A_91, %get3A_532 : vector<16xf32>
      %get3A_534 = arith.index_cast %scan3A_86 : i32 to index
      %get3A_535 = arith.constant 432 : index
      %get3A_536 = tpu.vector_load %arg10[%get3A_534, %get3A_535] {strides = array<i32>} : memref<32x768xf32, #tpu.memory_space<vmem>>, vector<1x16xf32>,
      %get3A_537 = vector.shape_cast %get3A_536 : vector<1x16xf32> to vector<16xf32>
      %mul3A_538 = arith.mulf %get3A_97, %get3A_537 : vector<16xf32>
      %add3A_539 = arith.addf %mul3A_533, %mul3A_538 : vector<16xf32>
      %swap3A_540 = arith.index_cast %scan3A_86 : i32 to index
      %swap3A_541 = arith.constant 432 : index
      %swap3A_542 = tpu.vector_load %arg9[%swap3A_540, %swap3A_541] {strides = array<i32>} : memref<32x768xf32, #tpu.memory_space<vmem>>, vector<1x16xf32>,
      %swap3A_543 = vector.shape_cast %swap3A_542 : vector<1x16xf32> to vector<16xf32>
      %swap3A_544 = vector.shape_cast %add3A_539 : vector<16xf32> to vector<1x16xf32>
      tpu.vector_store %arg9[%swap3A_540, %swap3A_541], %swap3A_544 {strides = array<i32>} : memref<32x768xf32, #tpu.memory_space<vmem>>, vector<1x16xf32>,
      %get3A_545 = arith.index_cast %scan3A_86 : i32 to index
      %get3A_546 = arith.constant 448 : index
      %get3A_547 = tpu.vector_load %arg9[%get3A_545, %get3A_546] {strides = array<i32>} : memref<32x768xf32, #tpu.memory_space<vmem>>, vector<1x16xf32>,
      %get3A_548 = vector.shape_cast %get3A_547 : vector<1x16xf32> to vector<16xf32>
      %mul3A_549 = arith.mulf %get3A_91, %get3A_548 : vector<16xf32>
      %get3A_550 = arith.index_cast %scan3A_86 : i32 to index
      %get3A_551 = arith.constant 448 : index
      %get3A_552 = tpu.vector_load %arg10[%get3A_550, %get3A_551] {strides = array<i32>} : memref<32x768xf32, #tpu.memory_space<vmem>>, vector<1x16xf32>,
      %get3A_553 = vector.shape_cast %get3A_552 : vector<1x16xf32> to vector<16xf32>
      %mul3A_554 = arith.mulf %get3A_97, %get3A_553 : vector<16xf32>
      %add3A_555 = arith.addf %mul3A_549, %mul3A_554 : vector<16xf32>
      %swap3A_556 = arith.index_cast %scan3A_86 : i32 to index
      %swap3A_557 = arith.constant 448 : index
      %swap3A_558 = tpu.vector_load %arg9[%swap3A_556, %swap3A_557] {strides = array<i32>} : memref<32x768xf32, #tpu.memory_space<vmem>>, vector<1x16xf32>,
      %swap3A_559 = vector.shape_cast %swap3A_558 : vector<1x16xf32> to vector<16xf32>
      %swap3A_560 = vector.shape_cast %add3A_555 : vector<16xf32> to vector<1x16xf32>
      tpu.vector_store %arg9[%swap3A_556, %swap3A_557], %swap3A_560 {strides = array<i32>} : memref<32x768xf32, #tpu.memory_space<vmem>>, vector<1x16xf32>,
      %get3A_561 = arith.index_cast %scan3A_86 : i32 to index
      %get3A_562 = arith.constant 464 : index
      %get3A_563 = tpu.vector_load %arg9[%get3A_561, %get3A_562] {strides = array<i32>} : memref<32x768xf32, #tpu.memory_space<vmem>>, vector<1x16xf32>,
      %get3A_564 = vector.shape_cast %get3A_563 : vector<1x16xf32> to vector<16xf32>
      %mul3A_565 = arith.mulf %get3A_91, %get3A_564 : vector<16xf32>
      %get3A_566 = arith.index_cast %scan3A_86 : i32 to index
      %get3A_567 = arith.constant 464 : index
      %get3A_568 = tpu.vector_load %arg10[%get3A_566, %get3A_567] {strides = array<i32>} : memref<32x768xf32, #tpu.memory_space<vmem>>, vector<1x16xf32>,
      %get3A_569 = vector.shape_cast %get3A_568 : vector<1x16xf32> to vector<16xf32>
      %mul3A_570 = arith.mulf %get3A_97, %get3A_569 : vector<16xf32>
      %add3A_571 = arith.addf %mul3A_565, %mul3A_570 : vector<16xf32>
      %swap3A_572 = arith.index_cast %scan3A_86 : i32 to index
      %swap3A_573 = arith.constant 464 : index
      %swap3A_574 = tpu.vector_load %arg9[%swap3A_572, %swap3A_573] {strides = array<i32>} : memref<32x768xf32, #tpu.memory_space<vmem>>, vector<1x16xf32>,
      %swap3A_575 = vector.shape_cast %swap3A_574 : vector<1x16xf32> to vector<16xf32>
      %swap3A_576 = vector.shape_cast %add3A_571 : vector<16xf32> to vector<1x16xf32>
      tpu.vector_store %arg9[%swap3A_572, %swap3A_573], %swap3A_576 {strides = array<i32>} : memref<32x768xf32, #tpu.memory_space<vmem>>, vector<1x16xf32>,
      %get3A_577 = arith.index_cast %scan3A_86 : i32 to index
      %get3A_578 = arith.constant 480 : index
      %get3A_579 = tpu.vector_load %arg9[%get3A_577, %get3A_578] {strides = array<i32>} : memref<32x768xf32, #tpu.memory_space<vmem>>, vector<1x16xf32>,
      %get3A_580 = vector.shape_cast %get3A_579 : vector<1x16xf32> to vector<16xf32>
      %mul3A_581 = arith.mulf %get3A_91, %get3A_580 : vector<16xf32>
      %get3A_582 = arith.index_cast %scan3A_86 : i32 to index
      %get3A_583 = arith.constant 480 : index
      %get3A_584 = tpu.vector_load %arg10[%get3A_582, %get3A_583] {strides = array<i32>} : memref<32x768xf32, #tpu.memory_space<vmem>>, vector<1x16xf32>,
      %get3A_585 = vector.shape_cast %get3A_584 : vector<1x16xf32> to vector<16xf32>
      %mul3A_586 = arith.mulf %get3A_97, %get3A_585 : vector<16xf32>
      %add3A_587 = arith.addf %mul3A_581, %mul3A_586 : vector<16xf32>
      %swap3A_588 = arith.index_cast %scan3A_86 : i32 to index
      %swap3A_589 = arith.constant 480 : index
      %swap3A_590 = tpu.vector_load %arg9[%swap3A_588, %swap3A_589] {strides = array<i32>} : memref<32x768xf32, #tpu.memory_space<vmem>>, vector<1x16xf32>,
      %swap3A_591 = vector.shape_cast %swap3A_590 : vector<1x16xf32> to vector<16xf32>
      %swap3A_592 = vector.shape_cast %add3A_587 : vector<16xf32> to vector<1x16xf32>
      tpu.vector_store %arg9[%swap3A_588, %swap3A_589], %swap3A_592 {strides = array<i32>} : memref<32x768xf32, #tpu.memory_space<vmem>>, vector<1x16xf32>,
      %get3A_593 = arith.index_cast %scan3A_86 : i32 to index
      %get3A_594 = arith.constant 496 : index
      %get3A_595 = tpu.vector_load %arg9[%get3A_593, %get3A_594] {strides = array<i32>} : memref<32x768xf32, #tpu.memory_space<vmem>>, vector<1x16xf32>,
      %get3A_596 = vector.shape_cast %get3A_595 : vector<1x16xf32> to vector<16xf32>
      %mul3A_597 = arith.mulf %get3A_91, %get3A_596 : vector<16xf32>
      %get3A_598 = arith.index_cast %scan3A_86 : i32 to index
      %get3A_599 = arith.constant 496 : index
      %get3A_600 = tpu.vector_load %arg10[%get3A_598, %get3A_599] {strides = array<i32>} : memref<32x768xf32, #tpu.memory_space<vmem>>, vector<1x16xf32>,
      %get3A_601 = vector.shape_cast %get3A_600 : vector<1x16xf32> to vector<16xf32>
      %mul3A_602 = arith.mulf %get3A_97, %get3A_601 : vector<16xf32>
      %add3A_603 = arith.addf %mul3A_597, %mul3A_602 : vector<16xf32>
      %swap3A_604 = arith.index_cast %scan3A_86 : i32 to index
      %swap3A_605 = arith.constant 496 : index
      %swap3A_606 = tpu.vector_load %arg9[%swap3A_604, %swap3A_605] {strides = array<i32>} : memref<32x768xf32, #tpu.memory_space<vmem>>, vector<1x16xf32>,
      %swap3A_607 = vector.shape_cast %swap3A_606 : vector<1x16xf32> to vector<16xf32>
      %swap3A_608 = vector.shape_cast %add3A_603 : vector<16xf32> to vector<1x16xf32>
      tpu.vector_store %arg9[%swap3A_604, %swap3A_605], %swap3A_608 {strides = array<i32>} : memref<32x768xf32, #tpu.memory_space<vmem>>, vector<1x16xf32>,
      %get3A_609 = arith.index_cast %scan3A_86 : i32 to index
      %get3A_610 = arith.constant 512 : index
      %get3A_611 = tpu.vector_load %arg9[%get3A_609, %get3A_610] {strides = array<i32>} : memref<32x768xf32, #tpu.memory_space<vmem>>, vector<1x16xf32>,
      %get3A_612 = vector.shape_cast %get3A_611 : vector<1x16xf32> to vector<16xf32>
      %mul3A_613 = arith.mulf %get3A_91, %get3A_612 : vector<16xf32>
      %get3A_614 = arith.index_cast %scan3A_86 : i32 to index
      %get3A_615 = arith.constant 512 : index
      %get3A_616 = tpu.vector_load %arg10[%get3A_614, %get3A_615] {strides = array<i32>} : memref<32x768xf32, #tpu.memory_space<vmem>>, vector<1x16xf32>,
      %get3A_617 = vector.shape_cast %get3A_616 : vector<1x16xf32> to vector<16xf32>
      %mul3A_618 = arith.mulf %get3A_97, %get3A_617 : vector<16xf32>
      %add3A_619 = arith.addf %mul3A_613, %mul3A_618 : vector<16xf32>
      %swap3A_620 = arith.index_cast %scan3A_86 : i32 to index
      %swap3A_621 = arith.constant 512 : index
      %swap3A_622 = tpu.vector_load %arg9[%swap3A_620, %swap3A_621] {strides = array<i32>} : memref<32x768xf32, #tpu.memory_space<vmem>>, vector<1x16xf32>,
      %swap3A_623 = vector.shape_cast %swap3A_622 : vector<1x16xf32> to vector<16xf32>
      %swap3A_624 = vector.shape_cast %add3A_619 : vector<16xf32> to vector<1x16xf32>
      tpu.vector_store %arg9[%swap3A_620, %swap3A_621], %swap3A_624 {strides = array<i32>} : memref<32x768xf32, #tpu.memory_space<vmem>>, vector<1x16xf32>,
      %get3A_625 = arith.index_cast %scan3A_86 : i32 to index
      %get3A_626 = arith.constant 528 : index
      %get3A_627 = tpu.vector_load %arg9[%get3A_625, %get3A_626] {strides = array<i32>} : memref<32x768xf32, #tpu.memory_space<vmem>>, vector<1x16xf32>,
      %get3A_628 = vector.shape_cast %get3A_627 : vector<1x16xf32> to vector<16xf32>
      %mul3A_629 = arith.mulf %get3A_91, %get3A_628 : vector<16xf32>
      %get3A_630 = arith.index_cast %scan3A_86 : i32 to index
      %get3A_631 = arith.constant 528 : index
      %get3A_632 = tpu.vector_load %arg10[%get3A_630, %get3A_631] {strides = array<i32>} : memref<32x768xf32, #tpu.memory_space<vmem>>, vector<1x16xf32>,
      %get3A_633 = vector.shape_cast %get3A_632 : vector<1x16xf32> to vector<16xf32>
      %mul3A_634 = arith.mulf %get3A_97, %get3A_633 : vector<16xf32>
      %add3A_635 = arith.addf %mul3A_629, %mul3A_634 : vector<16xf32>
      %swap3A_636 = arith.index_cast %scan3A_86 : i32 to index
      %swap3A_637 = arith.constant 528 : index
      %swap3A_638 = tpu.vector_load %arg9[%swap3A_636, %swap3A_637] {strides = array<i32>} : memref<32x768xf32, #tpu.memory_space<vmem>>, vector<1x16xf32>,
      %swap3A_639 = vector.shape_cast %swap3A_638 : vector<1x16xf32> to vector<16xf32>
      %swap3A_640 = vector.shape_cast %add3A_635 : vector<16xf32> to vector<1x16xf32>
      tpu.vector_store %arg9[%swap3A_636, %swap3A_637], %swap3A_640 {strides = array<i32>} : memref<32x768xf32, #tpu.memory_space<vmem>>, vector<1x16xf32>,
      %get3A_641 = arith.index_cast %scan3A_86 : i32 to index
      %get3A_642 = arith.constant 544 : index
      %get3A_643 = tpu.vector_load %arg9[%get3A_641, %get3A_642] {strides = array<i32>} : memref<32x768xf32, #tpu.memory_space<vmem>>, vector<1x16xf32>,
      %get3A_644 = vector.shape_cast %get3A_643 : vector<1x16xf32> to vector<16xf32>
      %mul3A_645 = arith.mulf %get3A_91, %get3A_644 : vector<16xf32>
      %get3A_646 = arith.index_cast %scan3A_86 : i32 to index
      %get3A_647 = arith.constant 544 : index
      %get3A_648 = tpu.vector_load %arg10[%get3A_646, %get3A_647] {strides = array<i32>} : memref<32x768xf32, #tpu.memory_space<vmem>>, vector<1x16xf32>,
      %get3A_649 = vector.shape_cast %get3A_648 : vector<1x16xf32> to vector<16xf32>
      %mul3A_650 = arith.mulf %get3A_97, %get3A_649 : vector<16xf32>
      %add3A_651 = arith.addf %mul3A_645, %mul3A_650 : vector<16xf32>
      %swap3A_652 = arith.index_cast %scan3A_86 : i32 to index
      %swap3A_653 = arith.constant 544 : index
      %swap3A_654 = tpu.vector_load %arg9[%swap3A_652, %swap3A_653] {strides = array<i32>} : memref<32x768xf32, #tpu.memory_space<vmem>>, vector<1x16xf32>,
      %swap3A_655 = vector.shape_cast %swap3A_654 : vector<1x16xf32> to vector<16xf32>
      %swap3A_656 = vector.shape_cast %add3A_651 : vector<16xf32> to vector<1x16xf32>
      tpu.vector_store %arg9[%swap3A_652, %swap3A_653], %swap3A_656 {strides = array<i32>} : memref<32x768xf32, #tpu.memory_space<vmem>>, vector<1x16xf32>,
      %get3A_657 = arith.index_cast %scan3A_86 : i32 to index
      %get3A_658 = arith.constant 560 : index
      %get3A_659 = tpu.vector_load %arg9[%get3A_657, %get3A_658] {strides = array<i32>} : memref<32x768xf32, #tpu.memory_space<vmem>>, vector<1x16xf32>,
      %get3A_660 = vector.shape_cast %get3A_659 : vector<1x16xf32> to vector<16xf32>
      %mul3A_661 = arith.mulf %get3A_91, %get3A_660 : vector<16xf32>
      %get3A_662 = arith.index_cast %scan3A_86 : i32 to index
      %get3A_663 = arith.constant 560 : index
      %get3A_664 = tpu.vector_load %arg10[%get3A_662, %get3A_663] {strides = array<i32>} : memref<32x768xf32, #tpu.memory_space<vmem>>, vector<1x16xf32>,
      %get3A_665 = vector.shape_cast %get3A_664 : vector<1x16xf32> to vector<16xf32>
      %mul3A_666 = arith.mulf %get3A_97, %get3A_665 : vector<16xf32>
      %add3A_667 = arith.addf %mul3A_661, %mul3A_666 : vector<16xf32>
      %swap3A_668 = arith.index_cast %scan3A_86 : i32 to index
      %swap3A_669 = arith.constant 560 : index
      %swap3A_670 = tpu.vector_load %arg9[%swap3A_668, %swap3A_669] {strides = array<i32>} : memref<32x768xf32, #tpu.memory_space<vmem>>, vector<1x16xf32>,
      %swap3A_671 = vector.shape_cast %swap3A_670 : vector<1x16xf32> to vector<16xf32>
      %swap3A_672 = vector.shape_cast %add3A_667 : vector<16xf32> to vector<1x16xf32>
      tpu.vector_store %arg9[%swap3A_668, %swap3A_669], %swap3A_672 {strides = array<i32>} : memref<32x768xf32, #tpu.memory_space<vmem>>, vector<1x16xf32>,
      %get3A_673 = arith.index_cast %scan3A_86 : i32 to index
      %get3A_674 = arith.constant 576 : index
      %get3A_675 = tpu.vector_load %arg9[%get3A_673, %get3A_674] {strides = array<i32>} : memref<32x768xf32, #tpu.memory_space<vmem>>, vector<1x16xf32>,
      %get3A_676 = vector.shape_cast %get3A_675 : vector<1x16xf32> to vector<16xf32>
      %mul3A_677 = arith.mulf %get3A_91, %get3A_676 : vector<16xf32>
      %get3A_678 = arith.index_cast %scan3A_86 : i32 to index
      %get3A_679 = arith.constant 576 : index
      %get3A_680 = tpu.vector_load %arg10[%get3A_678, %get3A_679] {strides = array<i32>} : memref<32x768xf32, #tpu.memory_space<vmem>>, vector<1x16xf32>,
      %get3A_681 = vector.shape_cast %get3A_680 : vector<1x16xf32> to vector<16xf32>
      %mul3A_682 = arith.mulf %get3A_97, %get3A_681 : vector<16xf32>
      %add3A_683 = arith.addf %mul3A_677, %mul3A_682 : vector<16xf32>
      %swap3A_684 = arith.index_cast %scan3A_86 : i32 to index
      %swap3A_685 = arith.constant 576 : index
      %swap3A_686 = tpu.vector_load %arg9[%swap3A_684, %swap3A_685] {strides = array<i32>} : memref<32x768xf32, #tpu.memory_space<vmem>>, vector<1x16xf32>,
      %swap3A_687 = vector.shape_cast %swap3A_686 : vector<1x16xf32> to vector<16xf32>
      %swap3A_688 = vector.shape_cast %add3A_683 : vector<16xf32> to vector<1x16xf32>
      tpu.vector_store %arg9[%swap3A_684, %swap3A_685], %swap3A_688 {strides = array<i32>} : memref<32x768xf32, #tpu.memory_space<vmem>>, vector<1x16xf32>,
      %get3A_689 = arith.index_cast %scan3A_86 : i32 to index
      %get3A_690 = arith.constant 592 : index
      %get3A_691 = tpu.vector_load %arg9[%get3A_689, %get3A_690] {strides = array<i32>} : memref<32x768xf32, #tpu.memory_space<vmem>>, vector<1x16xf32>,
      %get3A_692 = vector.shape_cast %get3A_691 : vector<1x16xf32> to vector<16xf32>
      %mul3A_693 = arith.mulf %get3A_91, %get3A_692 : vector<16xf32>
      %get3A_694 = arith.index_cast %scan3A_86 : i32 to index
      %get3A_695 = arith.constant 592 : index
      %get3A_696 = tpu.vector_load %arg10[%get3A_694, %get3A_695] {strides = array<i32>} : memref<32x768xf32, #tpu.memory_space<vmem>>, vector<1x16xf32>,
      %get3A_697 = vector.shape_cast %get3A_696 : vector<1x16xf32> to vector<16xf32>
      %mul3A_698 = arith.mulf %get3A_97, %get3A_697 : vector<16xf32>
      %add3A_699 = arith.addf %mul3A_693, %mul3A_698 : vector<16xf32>
      %swap3A_700 = arith.index_cast %scan3A_86 : i32 to index
      %swap3A_701 = arith.constant 592 : index
      %swap3A_702 = tpu.vector_load %arg9[%swap3A_700, %swap3A_701] {strides = array<i32>} : memref<32x768xf32, #tpu.memory_space<vmem>>, vector<1x16xf32>,
      %swap3A_703 = vector.shape_cast %swap3A_702 : vector<1x16xf32> to vector<16xf32>
      %swap3A_704 = vector.shape_cast %add3A_699 : vector<16xf32> to vector<1x16xf32>
      tpu.vector_store %arg9[%swap3A_700, %swap3A_701], %swap3A_704 {strides = array<i32>} : memref<32x768xf32, #tpu.memory_space<vmem>>, vector<1x16xf32>,
      %get3A_705 = arith.index_cast %scan3A_86 : i32 to index
      %get3A_706 = arith.constant 608 : index
      %get3A_707 = tpu.vector_load %arg9[%get3A_705, %get3A_706] {strides = array<i32>} : memref<32x768xf32, #tpu.memory_space<vmem>>, vector<1x16xf32>,
      %get3A_708 = vector.shape_cast %get3A_707 : vector<1x16xf32> to vector<16xf32>
      %mul3A_709 = arith.mulf %get3A_91, %get3A_708 : vector<16xf32>
      %get3A_710 = arith.index_cast %scan3A_86 : i32 to index
      %get3A_711 = arith.constant 608 : index
      %get3A_712 = tpu.vector_load %arg10[%get3A_710, %get3A_711] {strides = array<i32>} : memref<32x768xf32, #tpu.memory_space<vmem>>, vector<1x16xf32>,
      %get3A_713 = vector.shape_cast %get3A_712 : vector<1x16xf32> to vector<16xf32>
      %mul3A_714 = arith.mulf %get3A_97, %get3A_713 : vector<16xf32>
      %add3A_715 = arith.addf %mul3A_709, %mul3A_714 : vector<16xf32>
      %swap3A_716 = arith.index_cast %scan3A_86 : i32 to index
      %swap3A_717 = arith.constant 608 : index
      %swap3A_718 = tpu.vector_load %arg9[%swap3A_716, %swap3A_717] {strides = array<i32>} : memref<32x768xf32, #tpu.memory_space<vmem>>, vector<1x16xf32>,
      %swap3A_719 = vector.shape_cast %swap3A_718 : vector<1x16xf32> to vector<16xf32>
      %swap3A_720 = vector.shape_cast %add3A_715 : vector<16xf32> to vector<1x16xf32>
      tpu.vector_store %arg9[%swap3A_716, %swap3A_717], %swap3A_720 {strides = array<i32>} : memref<32x768xf32, #tpu.memory_space<vmem>>, vector<1x16xf32>,
      %get3A_721 = arith.index_cast %scan3A_86 : i32 to index
      %get3A_722 = arith.constant 624 : index
      %get3A_723 = tpu.vector_load %arg9[%get3A_721, %get3A_722] {strides = array<i32>} : memref<32x768xf32, #tpu.memory_space<vmem>>, vector<1x16xf32>,
      %get3A_724 = vector.shape_cast %get3A_723 : vector<1x16xf32> to vector<16xf32>
      %mul3A_725 = arith.mulf %get3A_91, %get3A_724 : vector<16xf32>
      %get3A_726 = arith.index_cast %scan3A_86 : i32 to index
      %get3A_727 = arith.constant 624 : index
      %get3A_728 = tpu.vector_load %arg10[%get3A_726, %get3A_727] {strides = array<i32>} : memref<32x768xf32, #tpu.memory_space<vmem>>, vector<1x16xf32>,
      %get3A_729 = vector.shape_cast %get3A_728 : vector<1x16xf32> to vector<16xf32>
      %mul3A_730 = arith.mulf %get3A_97, %get3A_729 : vector<16xf32>
      %add3A_731 = arith.addf %mul3A_725, %mul3A_730 : vector<16xf32>
      %swap3A_732 = arith.index_cast %scan3A_86 : i32 to index
      %swap3A_733 = arith.constant 624 : index
      %swap3A_734 = tpu.vector_load %arg9[%swap3A_732, %swap3A_733] {strides = array<i32>} : memref<32x768xf32, #tpu.memory_space<vmem>>, vector<1x16xf32>,
      %swap3A_735 = vector.shape_cast %swap3A_734 : vector<1x16xf32> to vector<16xf32>
      %swap3A_736 = vector.shape_cast %add3A_731 : vector<16xf32> to vector<1x16xf32>
      tpu.vector_store %arg9[%swap3A_732, %swap3A_733], %swap3A_736 {strides = array<i32>} : memref<32x768xf32, #tpu.memory_space<vmem>>, vector<1x16xf32>,
      %get3A_737 = arith.index_cast %scan3A_86 : i32 to index
      %get3A_738 = arith.constant 640 : index
      %get3A_739 = tpu.vector_load %arg9[%get3A_737, %get3A_738] {strides = array<i32>} : memref<32x768xf32, #tpu.memory_space<vmem>>, vector<1x16xf32>,
      %get3A_740 = vector.shape_cast %get3A_739 : vector<1x16xf32> to vector<16xf32>
      %mul3A_741 = arith.mulf %get3A_91, %get3A_740 : vector<16xf32>
      %get3A_742 = arith.index_cast %scan3A_86 : i32 to index
      %get3A_743 = arith.constant 640 : index
      %get3A_744 = tpu.vector_load %arg10[%get3A_742, %get3A_743] {strides = array<i32>} : memref<32x768xf32, #tpu.memory_space<vmem>>, vector<1x16xf32>,
      %get3A_745 = vector.shape_cast %get3A_744 : vector<1x16xf32> to vector<16xf32>
      %mul3A_746 = arith.mulf %get3A_97, %get3A_745 : vector<16xf32>
      %add3A_747 = arith.addf %mul3A_741, %mul3A_746 : vector<16xf32>
      %swap3A_748 = arith.index_cast %scan3A_86 : i32 to index
      %swap3A_749 = arith.constant 640 : index
      %swap3A_750 = tpu.vector_load %arg9[%swap3A_748, %swap3A_749] {strides = array<i32>} : memref<32x768xf32, #tpu.memory_space<vmem>>, vector<1x16xf32>,
      %swap3A_751 = vector.shape_cast %swap3A_750 : vector<1x16xf32> to vector<16xf32>
      %swap3A_752 = vector.shape_cast %add3A_747 : vector<16xf32> to vector<1x16xf32>
      tpu.vector_store %arg9[%swap3A_748, %swap3A_749], %swap3A_752 {strides = array<i32>} : memref<32x768xf32, #tpu.memory_space<vmem>>, vector<1x16xf32>,
      %get3A_753 = arith.index_cast %scan3A_86 : i32 to index
      %get3A_754 = arith.constant 656 : index
      %get3A_755 = tpu.vector_load %arg9[%get3A_753, %get3A_754] {strides = array<i32>} : memref<32x768xf32, #tpu.memory_space<vmem>>, vector<1x16xf32>,
      %get3A_756 = vector.shape_cast %get3A_755 : vector<1x16xf32> to vector<16xf32>
      %mul3A_757 = arith.mulf %get3A_91, %get3A_756 : vector<16xf32>
      %get3A_758 = arith.index_cast %scan3A_86 : i32 to index
      %get3A_759 = arith.constant 656 : index
      %get3A_760 = tpu.vector_load %arg10[%get3A_758, %get3A_759] {strides = array<i32>} : memref<32x768xf32, #tpu.memory_space<vmem>>, vector<1x16xf32>,
      %get3A_761 = vector.shape_cast %get3A_760 : vector<1x16xf32> to vector<16xf32>
      %mul3A_762 = arith.mulf %get3A_97, %get3A_761 : vector<16xf32>
      %add3A_763 = arith.addf %mul3A_757, %mul3A_762 : vector<16xf32>
      %swap3A_764 = arith.index_cast %scan3A_86 : i32 to index
      %swap3A_765 = arith.constant 656 : index
      %swap3A_766 = tpu.vector_load %arg9[%swap3A_764, %swap3A_765] {strides = array<i32>} : memref<32x768xf32, #tpu.memory_space<vmem>>, vector<1x16xf32>,
      %swap3A_767 = vector.shape_cast %swap3A_766 : vector<1x16xf32> to vector<16xf32>
      %swap3A_768 = vector.shape_cast %add3A_763 : vector<16xf32> to vector<1x16xf32>
      tpu.vector_store %arg9[%swap3A_764, %swap3A_765], %swap3A_768 {strides = array<i32>} : memref<32x768xf32, #tpu.memory_space<vmem>>, vector<1x16xf32>,
      %get3A_769 = arith.index_cast %scan3A_86 : i32 to index
      %get3A_770 = arith.constant 672 : index
      %get3A_771 = tpu.vector_load %arg9[%get3A_769, %get3A_770] {strides = array<i32>} : memref<32x768xf32, #tpu.memory_space<vmem>>, vector<1x16xf32>,
      %get3A_772 = vector.shape_cast %get3A_771 : vector<1x16xf32> to vector<16xf32>
      %mul3A_773 = arith.mulf %get3A_91, %get3A_772 : vector<16xf32>
      %get3A_774 = arith.index_cast %scan3A_86 : i32 to index
      %get3A_775 = arith.constant 672 : index
      %get3A_776 = tpu.vector_load %arg10[%get3A_774, %get3A_775] {strides = array<i32>} : memref<32x768xf32, #tpu.memory_space<vmem>>, vector<1x16xf32>,
      %get3A_777 = vector.shape_cast %get3A_776 : vector<1x16xf32> to vector<16xf32>
      %mul3A_778 = arith.mulf %get3A_97, %get3A_777 : vector<16xf32>
      %add3A_779 = arith.addf %mul3A_773, %mul3A_778 : vector<16xf32>
      %swap3A_780 = arith.index_cast %scan3A_86 : i32 to index
      %swap3A_781 = arith.constant 672 : index
      %swap3A_782 = tpu.vector_load %arg9[%swap3A_780, %swap3A_781] {strides = array<i32>} : memref<32x768xf32, #tpu.memory_space<vmem>>, vector<1x16xf32>,
      %swap3A_783 = vector.shape_cast %swap3A_782 : vector<1x16xf32> to vector<16xf32>
      %swap3A_784 = vector.shape_cast %add3A_779 : vector<16xf32> to vector<1x16xf32>
      tpu.vector_store %arg9[%swap3A_780, %swap3A_781], %swap3A_784 {strides = array<i32>} : memref<32x768xf32, #tpu.memory_space<vmem>>, vector<1x16xf32>,
      %get3A_785 = arith.index_cast %scan3A_86 : i32 to index
      %get3A_786 = arith.constant 688 : index
      %get3A_787 = tpu.vector_load %arg9[%get3A_785, %get3A_786] {strides = array<i32>} : memref<32x768xf32, #tpu.memory_space<vmem>>, vector<1x16xf32>,
      %get3A_788 = vector.shape_cast %get3A_787 : vector<1x16xf32> to vector<16xf32>
      %mul3A_789 = arith.mulf %get3A_91, %get3A_788 : vector<16xf32>
      %get3A_790 = arith.index_cast %scan3A_86 : i32 to index
      %get3A_791 = arith.constant 688 : index
      %get3A_792 = tpu.vector_load %arg10[%get3A_790, %get3A_791] {strides = array<i32>} : memref<32x768xf32, #tpu.memory_space<vmem>>, vector<1x16xf32>,
      %get3A_793 = vector.shape_cast %get3A_792 : vector<1x16xf32> to vector<16xf32>
      %mul3A_794 = arith.mulf %get3A_97, %get3A_793 : vector<16xf32>
      %add3A_795 = arith.addf %mul3A_789, %mul3A_794 : vector<16xf32>
      %swap3A_796 = arith.index_cast %scan3A_86 : i32 to index
      %swap3A_797 = arith.constant 688 : index
      %swap3A_798 = tpu.vector_load %arg9[%swap3A_796, %swap3A_797] {strides = array<i32>} : memref<32x768xf32, #tpu.memory_space<vmem>>, vector<1x16xf32>,
      %swap3A_799 = vector.shape_cast %swap3A_798 : vector<1x16xf32> to vector<16xf32>
      %swap3A_800 = vector.shape_cast %add3A_795 : vector<16xf32> to vector<1x16xf32>
      tpu.vector_store %arg9[%swap3A_796, %swap3A_797], %swap3A_800 {strides = array<i32>} : memref<32x768xf32, #tpu.memory_space<vmem>>, vector<1x16xf32>,
      %get3A_801 = arith.index_cast %scan3A_86 : i32 to index
      %get3A_802 = arith.constant 704 : index
      %get3A_803 = tpu.vector_load %arg9[%get3A_801, %get3A_802] {strides = array<i32>} : memref<32x768xf32, #tpu.memory_space<vmem>>, vector<1x16xf32>,
      %get3A_804 = vector.shape_cast %get3A_803 : vector<1x16xf32> to vector<16xf32>
      %mul3A_805 = arith.mulf %get3A_91, %get3A_804 : vector<16xf32>
      %get3A_806 = arith.index_cast %scan3A_86 : i32 to index
      %get3A_807 = arith.constant 704 : index
      %get3A_808 = tpu.vector_load %arg10[%get3A_806, %get3A_807] {strides = array<i32>} : memref<32x768xf32, #tpu.memory_space<vmem>>, vector<1x16xf32>,
      %get3A_809 = vector.shape_cast %get3A_808 : vector<1x16xf32> to vector<16xf32>
      %mul3A_810 = arith.mulf %get3A_97, %get3A_809 : vector<16xf32>
      %add3A_811 = arith.addf %mul3A_805, %mul3A_810 : vector<16xf32>
      %swap3A_812 = arith.index_cast %scan3A_86 : i32 to index
      %swap3A_813 = arith.constant 704 : index
      %swap3A_814 = tpu.vector_load %arg9[%swap3A_812, %swap3A_813] {strides = array<i32>} : memref<32x768xf32, #tpu.memory_space<vmem>>, vector<1x16xf32>,
      %swap3A_815 = vector.shape_cast %swap3A_814 : vector<1x16xf32> to vector<16xf32>
      %swap3A_816 = vector.shape_cast %add3A_811 : vector<16xf32> to vector<1x16xf32>
      tpu.vector_store %arg9[%swap3A_812, %swap3A_813], %swap3A_816 {strides = array<i32>} : memref<32x768xf32, #tpu.memory_space<vmem>>, vector<1x16xf32>,
      %get3A_817 = arith.index_cast %scan3A_86 : i32 to index
      %get3A_818 = arith.constant 720 : index
      %get3A_819 = tpu.vector_load %arg9[%get3A_817, %get3A_818] {strides = array<i32>} : memref<32x768xf32, #tpu.memory_space<vmem>>, vector<1x16xf32>,
      %get3A_820 = vector.shape_cast %get3A_819 : vector<1x16xf32> to vector<16xf32>
      %mul3A_821 = arith.mulf %get3A_91, %get3A_820 : vector<16xf32>
      %get3A_822 = arith.index_cast %scan3A_86 : i32 to index
      %get3A_823 = arith.constant 720 : index
      %get3A_824 = tpu.vector_load %arg10[%get3A_822, %get3A_823] {strides = array<i32>} : memref<32x768xf32, #tpu.memory_space<vmem>>, vector<1x16xf32>,
      %get3A_825 = vector.shape_cast %get3A_824 : vector<1x16xf32> to vector<16xf32>
      %mul3A_826 = arith.mulf %get3A_97, %get3A_825 : vector<16xf32>
      %add3A_827 = arith.addf %mul3A_821, %mul3A_826 : vector<16xf32>
      %swap3A_828 = arith.index_cast %scan3A_86 : i32 to index
      %swap3A_829 = arith.constant 720 : index
      %swap3A_830 = tpu.vector_load %arg9[%swap3A_828, %swap3A_829] {strides = array<i32>} : memref<32x768xf32, #tpu.memory_space<vmem>>, vector<1x16xf32>,
      %swap3A_831 = vector.shape_cast %swap3A_830 : vector<1x16xf32> to vector<16xf32>
      %swap3A_832 = vector.shape_cast %add3A_827 : vector<16xf32> to vector<1x16xf32>
      tpu.vector_store %arg9[%swap3A_828, %swap3A_829], %swap3A_832 {strides = array<i32>} : memref<32x768xf32, #tpu.memory_space<vmem>>, vector<1x16xf32>,
      %get3A_833 = arith.index_cast %scan3A_86 : i32 to index
      %get3A_834 = arith.constant 736 : index
      %get3A_835 = tpu.vector_load %arg9[%get3A_833, %get3A_834] {strides = array<i32>} : memref<32x768xf32, #tpu.memory_space<vmem>>, vector<1x16xf32>,
      %get3A_836 = vector.shape_cast %get3A_835 : vector<1x16xf32> to vector<16xf32>
      %mul3A_837 = arith.mulf %get3A_91, %get3A_836 : vector<16xf32>
      %get3A_838 = arith.index_cast %scan3A_86 : i32 to index
      %get3A_839 = arith.constant 736 : index
      %get3A_840 = tpu.vector_load %arg10[%get3A_838, %get3A_839] {strides = array<i32>} : memref<32x768xf32, #tpu.memory_space<vmem>>, vector<1x16xf32>,
      %get3A_841 = vector.shape_cast %get3A_840 : vector<1x16xf32> to vector<16xf32>
      %mul3A_842 = arith.mulf %get3A_97, %get3A_841 : vector<16xf32>
      %add3A_843 = arith.addf %mul3A_837, %mul3A_842 : vector<16xf32>
      %swap3A_844 = arith.index_cast %scan3A_86 : i32 to index
      %swap3A_845 = arith.constant 736 : index
      %swap3A_846 = tpu.vector_load %arg9[%swap3A_844, %swap3A_845] {strides = array<i32>} : memref<32x768xf32, #tpu.memory_space<vmem>>, vector<1x16xf32>,
      %swap3A_847 = vector.shape_cast %swap3A_846 : vector<1x16xf32> to vector<16xf32>
      %swap3A_848 = vector.shape_cast %add3A_843 : vector<16xf32> to vector<1x16xf32>
      tpu.vector_store %arg9[%swap3A_844, %swap3A_845], %swap3A_848 {strides = array<i32>} : memref<32x768xf32, #tpu.memory_space<vmem>>, vector<1x16xf32>,
      %get3A_849 = arith.index_cast %scan3A_86 : i32 to index
      %get3A_850 = arith.constant 752 : index
      %get3A_851 = tpu.vector_load %arg9[%get3A_849, %get3A_850] {strides = array<i32>} : memref<32x768xf32, #tpu.memory_space<vmem>>, vector<1x16xf32>,
      %get3A_852 = vector.shape_cast %get3A_851 : vector<1x16xf32> to vector<16xf32>
      %mul3A_853 = arith.mulf %get3A_91, %get3A_852 : vector<16xf32>
      %get3A_854 = arith.index_cast %scan3A_86 : i32 to index
      %get3A_855 = arith.constant 752 : index
      %get3A_856 = tpu.vector_load %arg10[%get3A_854, %get3A_855] {strides = array<i32>} : memref<32x768xf32, #tpu.memory_space<vmem>>, vector<1x16xf32>,
      %get3A_857 = vector.shape_cast %get3A_856 : vector<1x16xf32> to vector<16xf32>
      %mul3A_858 = arith.mulf %get3A_97, %get3A_857 : vector<16xf32>
      %add3A_859 = arith.addf %mul3A_853, %mul3A_858 : vector<16xf32>
      %swap3A_860 = arith.index_cast %scan3A_86 : i32 to index
      %swap3A_861 = arith.constant 752 : index
      %swap3A_862 = tpu.vector_load %arg9[%swap3A_860, %swap3A_861] {strides = array<i32>} : memref<32x768xf32, #tpu.memory_space<vmem>>, vector<1x16xf32>,
      %swap3A_863 = vector.shape_cast %swap3A_862 : vector<1x16xf32> to vector<16xf32>
      %swap3A_864 = vector.shape_cast %add3A_859 : vector<16xf32> to vector<1x16xf32>
      tpu.vector_store %arg9[%swap3A_860, %swap3A_861], %swap3A_864 {strides = array<i32>} : memref<32x768xf32, #tpu.memory_space<vmem>>, vector<1x16xf32>,
    }
    %scan3A_47 = arith.constant 32 : i32
    %dma_start3A_48 = arith.constant 0 : i32
    %dma_start3A_49 = tpu.memref_slice %arg6[%mul3A_2, %dma_start3A_48] : memref<2048x768xf32, #tpu.memory_space<hbm>> -> memref<32x768xf32, #tpu.memory_space<hbm>>
    %dma_start3A_50 = arith.constant 0 : i32
    %dma_start3A_51 = tpu.memref_slice %arg6[%mul3A_2, %dma_start3A_50] : memref<2048x768xf32, #tpu.memory_space<hbm>> -> memref<32x768xf32, #tpu.memory_space<hbm>>
    tpu.enqueue_dma source(%arg9 : memref<32x768xf32, #tpu.memory_space<vmem>>) target(%dma_start3A_51 : memref<32x768xf32, #tpu.memory_space<hbm>>) target_semaphore(%arg16 : memref<!tpu.dma_semaphore, #tpu.memory_space<semaphore_mem>>)
    %dma_wait3A_52 = arith.constant 1 : i32
    %dma_wait3A_53 = arith.constant 0 : i32
    %dma_wait3A_54 = tpu.memref_slice %arg7[%dma_wait3A_52, %dma_wait3A_53] : memref<2x32xi32, #tpu.memory_space<vmem>> -> memref<1x32xi32, #tpu.memory_space<vmem>>
    %dma_wait3A_55 = tpu.memref_squeeze %dma_wait3A_54 : memref<1x32xi32, #tpu.memory_space<vmem>> -> memref<32xi32, #tpu.memory_space<vmem>>
    %dma_wait3A_56 = arith.constant 0 : i32
    %dma_wait3A_57 = arith.constant 0 : i32
    %dma_wait3A_58 = tpu.memref_slice %arg2[%dma_wait3A_56, %dma_wait3A_57] : memref<8192x768xf32, #tpu.memory_space<hbm>> -> memref<8192x768xf32, #tpu.memory_space<hbm>>
    tpu.wait_indirect_dma semaphore(%arg15 : memref<!tpu.dma_semaphore, #tpu.memory_space<semaphore_mem>>) src(%dma_wait3A_58 : memref<8192x768xf32, #tpu.memory_space<hbm>>) dst(%arg11 : memref<32x768xf32, #tpu.memory_space<vmem>>)
    %dma_wait3A_59 = arith.constant 1 : i32
    %dma_wait3A_60 = arith.constant 0 : i32
    %dma_wait3A_61 = tpu.memref_slice %arg8[%dma_wait3A_59, %dma_wait3A_60] : memref<2x32xi32, #tpu.memory_space<vmem>> -> memref<1x32xi32, #tpu.memory_space<vmem>>
    %dma_wait3A_62 = tpu.memref_squeeze %dma_wait3A_61 : memref<1x32xi32, #tpu.memory_space<vmem>> -> memref<32xi32, #tpu.memory_space<vmem>>
    %dma_wait3A_63 = arith.constant 0 : i32
    %dma_wait3A_64 = arith.constant 0 : i32
    %dma_wait3A_65 = tpu.memref_slice %arg2[%dma_wait3A_63, %dma_wait3A_64] : memref<8192x768xf32, #tpu.memory_space<hbm>> -> memref<8192x768xf32, #tpu.memory_space<hbm>>
    tpu.wait_indirect_dma semaphore(%arg15 : memref<!tpu.dma_semaphore, #tpu.memory_space<semaphore_mem>>) src(%dma_wait3A_65 : memref<8192x768xf32, #tpu.memory_space<hbm>>) dst(%arg12 : memref<32x768xf32, #tpu.memory_space<vmem>>)
    %scan3A_66 = arith.constant 0 : i32
    %scan3A_67 = arith.constant 0 : i32
    %scan3A_68 = arith.constant 32 : i32
    %scan3A_69 = arith.addi %scan3A_67, %scan3A_68 : i32
    %scan3A_70 = arith.constant 1 : i32
    scf.for %scan3A_86 = %scan3A_67 to %scan3A_69 step %scan3A_70  : i32 {
      %add3A_87 = arith.constant 32 : i32
      %add3A_88 = arith.addi %add3A_87, %scan3A_86 : i32
      %get3A = arith.index_cast %add3A_88 : i32 to index
      %get3A_89 = arith.constant 0 : index
      %get3A_90 = tpu.vector_load %arg13[%get3A, %get3A_89] {strides = array<i32>} : memref<64x128xf32, #tpu.memory_space<vmem>>, vector<1x16xf32>,
      %get3A_91 = vector.shape_cast %get3A_90 : vector<1x16xf32> to vector<16xf32>
      %add3A_92 = arith.constant 32 : i32
      %add3A_93 = arith.addi %add3A_92, %scan3A_86 : i32
      %get3A_94 = arith.index_cast %add3A_93 : i32 to index
      %get3A_95 = arith.constant 64 : index
      %get3A_96 = tpu.vector_load %arg13[%get3A_94, %get3A_95] {strides = array<i32>} : memref<64x128xf32, #tpu.memory_space<vmem>>, vector<1x16xf32>,
      %get3A_97 = vector.shape_cast %get3A_96 : vector<1x16xf32> to vector<16xf32>
      %get3A_98 = arith.index_cast %scan3A_86 : i32 to index
      %get3A_99 = arith.constant 0 : index
      %get3A_100 = tpu.vector_load %arg11[%get3A_98, %get3A_99] {strides = array<i32>} : memref<32x768xf32, #tpu.memory_space<vmem>>, vector<1x16xf32>,
      %get3A_101 = vector.shape_cast %get3A_100 : vector<1x16xf32> to vector<16xf32>
      %mul3A_102 = arith.mulf %get3A_91, %get3A_101 : vector<16xf32>
      %get3A_103 = arith.index_cast %scan3A_86 : i32 to index
      %get3A_104 = arith.constant 0 : index
      %get3A_105 = tpu.vector_load %arg12[%get3A_103, %get3A_104] {strides = array<i32>} : memref<32x768xf32, #tpu.memory_space<vmem>>, vector<1x16xf32>,
      %get3A_106 = vector.shape_cast %get3A_105 : vector<1x16xf32> to vector<16xf32>
      %mul3A_107 = arith.mulf %get3A_97, %get3A_106 : vector<16xf32>
      %add3A_108 = arith.addf %mul3A_102, %mul3A_107 : vector<16xf32>
      %swap3A = arith.index_cast %scan3A_86 : i32 to index
      %swap3A_109 = arith.constant 0 : index
      %swap3A_110 = tpu.vector_load %arg11[%swap3A, %swap3A_109] {strides = array<i32>} : memref<32x768xf32, #tpu.memory_space<vmem>>, vector<1x16xf32>,
      %swap3A_111 = vector.shape_cast %swap3A_110 : vector<1x16xf32> to vector<16xf32>
      %swap3A_112 = vector.shape_cast %add3A_108 : vector<16xf32> to vector<1x16xf32>
      tpu.vector_store %arg11[%swap3A, %swap3A_109], %swap3A_112 {strides = array<i32>} : memref<32x768xf32, #tpu.memory_space<vmem>>, vector<1x16xf32>,
      %get3A_113 = arith.index_cast %scan3A_86 : i32 to index
      %get3A_114 = arith.constant 16 : index
      %get3A_115 = tpu.vector_load %arg11[%get3A_113, %get3A_114] {strides = array<i32>} : memref<32x768xf32, #tpu.memory_space<vmem>>, vector<1x16xf32>,
      %get3A_116 = vector.shape_cast %get3A_115 : vector<1x16xf32> to vector<16xf32>
      %mul3A_117 = arith.mulf %get3A_91, %get3A_116 : vector<16xf32>
      %get3A_118 = arith.index_cast %scan3A_86 : i32 to index
      %get3A_119 = arith.constant 16 : index
      %get3A_120 = tpu.vector_load %arg12[%get3A_118, %get3A_119] {strides = array<i32>} : memref<32x768xf32, #tpu.memory_space<vmem>>, vector<1x16xf32>,
      %get3A_121 = vector.shape_cast %get3A_120 : vector<1x16xf32> to vector<16xf32>
      %mul3A_122 = arith.mulf %get3A_97, %get3A_121 : vector<16xf32>
      %add3A_123 = arith.addf %mul3A_117, %mul3A_122 : vector<16xf32>
      %swap3A_124 = arith.index_cast %scan3A_86 : i32 to index
      %swap3A_125 = arith.constant 16 : index
      %swap3A_126 = tpu.vector_load %arg11[%swap3A_124, %swap3A_125] {strides = array<i32>} : memref<32x768xf32, #tpu.memory_space<vmem>>, vector<1x16xf32>,
      %swap3A_127 = vector.shape_cast %swap3A_126 : vector<1x16xf32> to vector<16xf32>
      %swap3A_128 = vector.shape_cast %add3A_123 : vector<16xf32> to vector<1x16xf32>
      tpu.vector_store %arg11[%swap3A_124, %swap3A_125], %swap3A_128 {strides = array<i32>} : memref<32x768xf32, #tpu.memory_space<vmem>>, vector<1x16xf32>,
      %get3A_129 = arith.index_cast %scan3A_86 : i32 to index
      %get3A_130 = arith.constant 32 : index
      %get3A_131 = tpu.vector_load %arg11[%get3A_129, %get3A_130] {strides = array<i32>} : memref<32x768xf32, #tpu.memory_space<vmem>>, vector<1x16xf32>,
      %get3A_132 = vector.shape_cast %get3A_131 : vector<1x16xf32> to vector<16xf32>
      %mul3A_133 = arith.mulf %get3A_91, %get3A_132 : vector<16xf32>
      %get3A_134 = arith.index_cast %scan3A_86 : i32 to index
      %get3A_135 = arith.constant 32 : index
      %get3A_136 = tpu.vector_load %arg12[%get3A_134, %get3A_135] {strides = array<i32>} : memref<32x768xf32, #tpu.memory_space<vmem>>, vector<1x16xf32>,
      %get3A_137 = vector.shape_cast %get3A_136 : vector<1x16xf32> to vector<16xf32>
      %mul3A_138 = arith.mulf %get3A_97, %get3A_137 : vector<16xf32>
      %add3A_139 = arith.addf %mul3A_133, %mul3A_138 : vector<16xf32>
      %swap3A_140 = arith.index_cast %scan3A_86 : i32 to index
      %swap3A_141 = arith.constant 32 : index
      %swap3A_142 = tpu.vector_load %arg11[%swap3A_140, %swap3A_141] {strides = array<i32>} : memref<32x768xf32, #tpu.memory_space<vmem>>, vector<1x16xf32>,
      %swap3A_143 = vector.shape_cast %swap3A_142 : vector<1x16xf32> to vector<16xf32>
      %swap3A_144 = vector.shape_cast %add3A_139 : vector<16xf32> to vector<1x16xf32>
      tpu.vector_store %arg11[%swap3A_140, %swap3A_141], %swap3A_144 {strides = array<i32>} : memref<32x768xf32, #tpu.memory_space<vmem>>, vector<1x16xf32>,
      %get3A_145 = arith.index_cast %scan3A_86 : i32 to index
      %get3A_146 = arith.constant 48 : index
      %get3A_147 = tpu.vector_load %arg11[%get3A_145, %get3A_146] {strides = array<i32>} : memref<32x768xf32, #tpu.memory_space<vmem>>, vector<1x16xf32>,
      %get3A_148 = vector.shape_cast %get3A_147 : vector<1x16xf32> to vector<16xf32>
      %mul3A_149 = arith.mulf %get3A_91, %get3A_148 : vector<16xf32>
      %get3A_150 = arith.index_cast %scan3A_86 : i32 to index
      %get3A_151 = arith.constant 48 : index
      %get3A_152 = tpu.vector_load %arg12[%get3A_150, %get3A_151] {strides = array<i32>} : memref<32x768xf32, #tpu.memory_space<vmem>>, vector<1x16xf32>,
      %get3A_153 = vector.shape_cast %get3A_152 : vector<1x16xf32> to vector<16xf32>
      %mul3A_154 = arith.mulf %get3A_97, %get3A_153 : vector<16xf32>
      %add3A_155 = arith.addf %mul3A_149, %mul3A_154 : vector<16xf32>
      %swap3A_156 = arith.index_cast %scan3A_86 : i32 to index
      %swap3A_157 = arith.constant 48 : index
      %swap3A_158 = tpu.vector_load %arg11[%swap3A_156, %swap3A_157] {strides = array<i32>} : memref<32x768xf32, #tpu.memory_space<vmem>>, vector<1x16xf32>,
      %swap3A_159 = vector.shape_cast %swap3A_158 : vector<1x16xf32> to vector<16xf32>
      %swap3A_160 = vector.shape_cast %add3A_155 : vector<16xf32> to vector<1x16xf32>
      tpu.vector_store %arg11[%swap3A_156, %swap3A_157], %swap3A_160 {strides = array<i32>} : memref<32x768xf32, #tpu.memory_space<vmem>>, vector<1x16xf32>,
      %get3A_161 = arith.index_cast %scan3A_86 : i32 to index
      %get3A_162 = arith.constant 64 : index
      %get3A_163 = tpu.vector_load %arg11[%get3A_161, %get3A_162] {strides = array<i32>} : memref<32x768xf32, #tpu.memory_space<vmem>>, vector<1x16xf32>,
      %get3A_164 = vector.shape_cast %get3A_163 : vector<1x16xf32> to vector<16xf32>
      %mul3A_165 = arith.mulf %get3A_91, %get3A_164 : vector<16xf32>
      %get3A_166 = arith.index_cast %scan3A_86 : i32 to index
      %get3A_167 = arith.constant 64 : index
      %get3A_168 = tpu.vector_load %arg12[%get3A_166, %get3A_167] {strides = array<i32>} : memref<32x768xf32, #tpu.memory_space<vmem>>, vector<1x16xf32>,
      %get3A_169 = vector.shape_cast %get3A_168 : vector<1x16xf32> to vector<16xf32>
      %mul3A_170 = arith.mulf %get3A_97, %get3A_169 : vector<16xf32>
      %add3A_171 = arith.addf %mul3A_165, %mul3A_170 : vector<16xf32>
      %swap3A_172 = arith.index_cast %scan3A_86 : i32 to index
      %swap3A_173 = arith.constant 64 : index
      %swap3A_174 = tpu.vector_load %arg11[%swap3A_172, %swap3A_173] {strides = array<i32>} : memref<32x768xf32, #tpu.memory_space<vmem>>, vector<1x16xf32>,
      %swap3A_175 = vector.shape_cast %swap3A_174 : vector<1x16xf32> to vector<16xf32>
      %swap3A_176 = vector.shape_cast %add3A_171 : vector<16xf32> to vector<1x16xf32>
      tpu.vector_store %arg11[%swap3A_172, %swap3A_173], %swap3A_176 {strides = array<i32>} : memref<32x768xf32, #tpu.memory_space<vmem>>, vector<1x16xf32>,
      %get3A_177 = arith.index_cast %scan3A_86 : i32 to index
      %get3A_178 = arith.constant 80 : index
      %get3A_179 = tpu.vector_load %arg11[%get3A_177, %get3A_178] {strides = array<i32>} : memref<32x768xf32, #tpu.memory_space<vmem>>, vector<1x16xf32>,
      %get3A_180 = vector.shape_cast %get3A_179 : vector<1x16xf32> to vector<16xf32>
      %mul3A_181 = arith.mulf %get3A_91, %get3A_180 : vector<16xf32>
      %get3A_182 = arith.index_cast %scan3A_86 : i32 to index
      %get3A_183 = arith.constant 80 : index
      %get3A_184 = tpu.vector_load %arg12[%get3A_182, %get3A_183] {strides = array<i32>} : memref<32x768xf32, #tpu.memory_space<vmem>>, vector<1x16xf32>,
      %get3A_185 = vector.shape_cast %get3A_184 : vector<1x16xf32> to vector<16xf32>
      %mul3A_186 = arith.mulf %get3A_97, %get3A_185 : vector<16xf32>
      %add3A_187 = arith.addf %mul3A_181, %mul3A_186 : vector<16xf32>
      %swap3A_188 = arith.index_cast %scan3A_86 : i32 to index
      %swap3A_189 = arith.constant 80 : index
      %swap3A_190 = tpu.vector_load %arg11[%swap3A_188, %swap3A_189] {strides = array<i32>} : memref<32x768xf32, #tpu.memory_space<vmem>>, vector<1x16xf32>,
      %swap3A_191 = vector.shape_cast %swap3A_190 : vector<1x16xf32> to vector<16xf32>
      %swap3A_192 = vector.shape_cast %add3A_187 : vector<16xf32> to vector<1x16xf32>
      tpu.vector_store %arg11[%swap3A_188, %swap3A_189], %swap3A_192 {strides = array<i32>} : memref<32x768xf32, #tpu.memory_space<vmem>>, vector<1x16xf32>,
      %get3A_193 = arith.index_cast %scan3A_86 : i32 to index
      %get3A_194 = arith.constant 96 : index
      %get3A_195 = tpu.vector_load %arg11[%get3A_193, %get3A_194] {strides = array<i32>} : memref<32x768xf32, #tpu.memory_space<vmem>>, vector<1x16xf32>,
      %get3A_196 = vector.shape_cast %get3A_195 : vector<1x16xf32> to vector<16xf32>
      %mul3A_197 = arith.mulf %get3A_91, %get3A_196 : vector<16xf32>
      %get3A_198 = arith.index_cast %scan3A_86 : i32 to index
      %get3A_199 = arith.constant 96 : index
      %get3A_200 = tpu.vector_load %arg12[%get3A_198, %get3A_199] {strides = array<i32>} : memref<32x768xf32, #tpu.memory_space<vmem>>, vector<1x16xf32>,
      %get3A_201 = vector.shape_cast %get3A_200 : vector<1x16xf32> to vector<16xf32>
      %mul3A_202 = arith.mulf %get3A_97, %get3A_201 : vector<16xf32>
      %add3A_203 = arith.addf %mul3A_197, %mul3A_202 : vector<16xf32>
      %swap3A_204 = arith.index_cast %scan3A_86 : i32 to index
      %swap3A_205 = arith.constant 96 : index
      %swap3A_206 = tpu.vector_load %arg11[%swap3A_204, %swap3A_205] {strides = array<i32>} : memref<32x768xf32, #tpu.memory_space<vmem>>, vector<1x16xf32>,
      %swap3A_207 = vector.shape_cast %swap3A_206 : vector<1x16xf32> to vector<16xf32>
      %swap3A_208 = vector.shape_cast %add3A_203 : vector<16xf32> to vector<1x16xf32>
      tpu.vector_store %arg11[%swap3A_204, %swap3A_205], %swap3A_208 {strides = array<i32>} : memref<32x768xf32, #tpu.memory_space<vmem>>, vector<1x16xf32>,
      %get3A_209 = arith.index_cast %scan3A_86 : i32 to index
      %get3A_210 = arith.constant 112 : index
      %get3A_211 = tpu.vector_load %arg11[%get3A_209, %get3A_210] {strides = array<i32>} : memref<32x768xf32, #tpu.memory_space<vmem>>, vector<1x16xf32>,
      %get3A_212 = vector.shape_cast %get3A_211 : vector<1x16xf32> to vector<16xf32>
      %mul3A_213 = arith.mulf %get3A_91, %get3A_212 : vector<16xf32>
      %get3A_214 = arith.index_cast %scan3A_86 : i32 to index
      %get3A_215 = arith.constant 112 : index
      %get3A_216 = tpu.vector_load %arg12[%get3A_214, %get3A_215] {strides = array<i32>} : memref<32x768xf32, #tpu.memory_space<vmem>>, vector<1x16xf32>,
      %get3A_217 = vector.shape_cast %get3A_216 : vector<1x16xf32> to vector<16xf32>
      %mul3A_218 = arith.mulf %get3A_97, %get3A_217 : vector<16xf32>
      %add3A_219 = arith.addf %mul3A_213, %mul3A_218 : vector<16xf32>
      %swap3A_220 = arith.index_cast %scan3A_86 : i32 to index
      %swap3A_221 = arith.constant 112 : index
      %swap3A_222 = tpu.vector_load %arg11[%swap3A_220, %swap3A_221] {strides = array<i32>} : memref<32x768xf32, #tpu.memory_space<vmem>>, vector<1x16xf32>,
      %swap3A_223 = vector.shape_cast %swap3A_222 : vector<1x16xf32> to vector<16xf32>
      %swap3A_224 = vector.shape_cast %add3A_219 : vector<16xf32> to vector<1x16xf32>
      tpu.vector_store %arg11[%swap3A_220, %swap3A_221], %swap3A_224 {strides = array<i32>} : memref<32x768xf32, #tpu.memory_space<vmem>>, vector<1x16xf32>,
      %get3A_225 = arith.index_cast %scan3A_86 : i32 to index
      %get3A_226 = arith.constant 128 : index
      %get3A_227 = tpu.vector_load %arg11[%get3A_225, %get3A_226] {strides = array<i32>} : memref<32x768xf32, #tpu.memory_space<vmem>>, vector<1x16xf32>,
      %get3A_228 = vector.shape_cast %get3A_227 : vector<1x16xf32> to vector<16xf32>
      %mul3A_229 = arith.mulf %get3A_91, %get3A_228 : vector<16xf32>
      %get3A_230 = arith.index_cast %scan3A_86 : i32 to index
      %get3A_231 = arith.constant 128 : index
      %get3A_232 = tpu.vector_load %arg12[%get3A_230, %get3A_231] {strides = array<i32>} : memref<32x768xf32, #tpu.memory_space<vmem>>, vector<1x16xf32>,
      %get3A_233 = vector.shape_cast %get3A_232 : vector<1x16xf32> to vector<16xf32>
      %mul3A_234 = arith.mulf %get3A_97, %get3A_233 : vector<16xf32>
      %add3A_235 = arith.addf %mul3A_229, %mul3A_234 : vector<16xf32>
      %swap3A_236 = arith.index_cast %scan3A_86 : i32 to index
      %swap3A_237 = arith.constant 128 : index
      %swap3A_238 = tpu.vector_load %arg11[%swap3A_236, %swap3A_237] {strides = array<i32>} : memref<32x768xf32, #tpu.memory_space<vmem>>, vector<1x16xf32>,
      %swap3A_239 = vector.shape_cast %swap3A_238 : vector<1x16xf32> to vector<16xf32>
      %swap3A_240 = vector.shape_cast %add3A_235 : vector<16xf32> to vector<1x16xf32>
      tpu.vector_store %arg11[%swap3A_236, %swap3A_237], %swap3A_240 {strides = array<i32>} : memref<32x768xf32, #tpu.memory_space<vmem>>, vector<1x16xf32>,
      %get3A_241 = arith.index_cast %scan3A_86 : i32 to index
      %get3A_242 = arith.constant 144 : index
      %get3A_243 = tpu.vector_load %arg11[%get3A_241, %get3A_242] {strides = array<i32>} : memref<32x768xf32, #tpu.memory_space<vmem>>, vector<1x16xf32>,
      %get3A_244 = vector.shape_cast %get3A_243 : vector<1x16xf32> to vector<16xf32>
      %mul3A_245 = arith.mulf %get3A_91, %get3A_244 : vector<16xf32>
      %get3A_246 = arith.index_cast %scan3A_86 : i32 to index
      %get3A_247 = arith.constant 144 : index
      %get3A_248 = tpu.vector_load %arg12[%get3A_246, %get3A_247] {strides = array<i32>} : memref<32x768xf32, #tpu.memory_space<vmem>>, vector<1x16xf32>,
      %get3A_249 = vector.shape_cast %get3A_248 : vector<1x16xf32> to vector<16xf32>
      %mul3A_250 = arith.mulf %get3A_97, %get3A_249 : vector<16xf32>
      %add3A_251 = arith.addf %mul3A_245, %mul3A_250 : vector<16xf32>
      %swap3A_252 = arith.index_cast %scan3A_86 : i32 to index
      %swap3A_253 = arith.constant 144 : index
      %swap3A_254 = tpu.vector_load %arg11[%swap3A_252, %swap3A_253] {strides = array<i32>} : memref<32x768xf32, #tpu.memory_space<vmem>>, vector<1x16xf32>,
      %swap3A_255 = vector.shape_cast %swap3A_254 : vector<1x16xf32> to vector<16xf32>
      %swap3A_256 = vector.shape_cast %add3A_251 : vector<16xf32> to vector<1x16xf32>
      tpu.vector_store %arg11[%swap3A_252, %swap3A_253], %swap3A_256 {strides = array<i32>} : memref<32x768xf32, #tpu.memory_space<vmem>>, vector<1x16xf32>,
      %get3A_257 = arith.index_cast %scan3A_86 : i32 to index
      %get3A_258 = arith.constant 160 : index
      %get3A_259 = tpu.vector_load %arg11[%get3A_257, %get3A_258] {strides = array<i32>} : memref<32x768xf32, #tpu.memory_space<vmem>>, vector<1x16xf32>,
      %get3A_260 = vector.shape_cast %get3A_259 : vector<1x16xf32> to vector<16xf32>
      %mul3A_261 = arith.mulf %get3A_91, %get3A_260 : vector<16xf32>
      %get3A_262 = arith.index_cast %scan3A_86 : i32 to index
      %get3A_263 = arith.constant 160 : index
      %get3A_264 = tpu.vector_load %arg12[%get3A_262, %get3A_263] {strides = array<i32>} : memref<32x768xf32, #tpu.memory_space<vmem>>, vector<1x16xf32>,
      %get3A_265 = vector.shape_cast %get3A_264 : vector<1x16xf32> to vector<16xf32>
      %mul3A_266 = arith.mulf %get3A_97, %get3A_265 : vector<16xf32>
      %add3A_267 = arith.addf %mul3A_261, %mul3A_266 : vector<16xf32>
      %swap3A_268 = arith.index_cast %scan3A_86 : i32 to index
      %swap3A_269 = arith.constant 160 : index
      %swap3A_270 = tpu.vector_load %arg11[%swap3A_268, %swap3A_269] {strides = array<i32>} : memref<32x768xf32, #tpu.memory_space<vmem>>, vector<1x16xf32>,
      %swap3A_271 = vector.shape_cast %swap3A_270 : vector<1x16xf32> to vector<16xf32>
      %swap3A_272 = vector.shape_cast %add3A_267 : vector<16xf32> to vector<1x16xf32>
      tpu.vector_store %arg11[%swap3A_268, %swap3A_269], %swap3A_272 {strides = array<i32>} : memref<32x768xf32, #tpu.memory_space<vmem>>, vector<1x16xf32>,
      %get3A_273 = arith.index_cast %scan3A_86 : i32 to index
      %get3A_274 = arith.constant 176 : index
      %get3A_275 = tpu.vector_load %arg11[%get3A_273, %get3A_274] {strides = array<i32>} : memref<32x768xf32, #tpu.memory_space<vmem>>, vector<1x16xf32>,
      %get3A_276 = vector.shape_cast %get3A_275 : vector<1x16xf32> to vector<16xf32>
      %mul3A_277 = arith.mulf %get3A_91, %get3A_276 : vector<16xf32>
      %get3A_278 = arith.index_cast %scan3A_86 : i32 to index
      %get3A_279 = arith.constant 176 : index
      %get3A_280 = tpu.vector_load %arg12[%get3A_278, %get3A_279] {strides = array<i32>} : memref<32x768xf32, #tpu.memory_space<vmem>>, vector<1x16xf32>,
      %get3A_281 = vector.shape_cast %get3A_280 : vector<1x16xf32> to vector<16xf32>
      %mul3A_282 = arith.mulf %get3A_97, %get3A_281 : vector<16xf32>
      %add3A_283 = arith.addf %mul3A_277, %mul3A_282 : vector<16xf32>
      %swap3A_284 = arith.index_cast %scan3A_86 : i32 to index
      %swap3A_285 = arith.constant 176 : index
      %swap3A_286 = tpu.vector_load %arg11[%swap3A_284, %swap3A_285] {strides = array<i32>} : memref<32x768xf32, #tpu.memory_space<vmem>>, vector<1x16xf32>,
      %swap3A_287 = vector.shape_cast %swap3A_286 : vector<1x16xf32> to vector<16xf32>
      %swap3A_288 = vector.shape_cast %add3A_283 : vector<16xf32> to vector<1x16xf32>
      tpu.vector_store %arg11[%swap3A_284, %swap3A_285], %swap3A_288 {strides = array<i32>} : memref<32x768xf32, #tpu.memory_space<vmem>>, vector<1x16xf32>,
      %get3A_289 = arith.index_cast %scan3A_86 : i32 to index
      %get3A_290 = arith.constant 192 : index
      %get3A_291 = tpu.vector_load %arg11[%get3A_289, %get3A_290] {strides = array<i32>} : memref<32x768xf32, #tpu.memory_space<vmem>>, vector<1x16xf32>,
      %get3A_292 = vector.shape_cast %get3A_291 : vector<1x16xf32> to vector<16xf32>
      %mul3A_293 = arith.mulf %get3A_91, %get3A_292 : vector<16xf32>
      %get3A_294 = arith.index_cast %scan3A_86 : i32 to index
      %get3A_295 = arith.constant 192 : index
      %get3A_296 = tpu.vector_load %arg12[%get3A_294, %get3A_295] {strides = array<i32>} : memref<32x768xf32, #tpu.memory_space<vmem>>, vector<1x16xf32>,
      %get3A_297 = vector.shape_cast %get3A_296 : vector<1x16xf32> to vector<16xf32>
      %mul3A_298 = arith.mulf %get3A_97, %get3A_297 : vector<16xf32>
      %add3A_299 = arith.addf %mul3A_293, %mul3A_298 : vector<16xf32>
      %swap3A_300 = arith.index_cast %scan3A_86 : i32 to index
      %swap3A_301 = arith.constant 192 : index
      %swap3A_302 = tpu.vector_load %arg11[%swap3A_300, %swap3A_301] {strides = array<i32>} : memref<32x768xf32, #tpu.memory_space<vmem>>, vector<1x16xf32>,
      %swap3A_303 = vector.shape_cast %swap3A_302 : vector<1x16xf32> to vector<16xf32>
      %swap3A_304 = vector.shape_cast %add3A_299 : vector<16xf32> to vector<1x16xf32>
      tpu.vector_store %arg11[%swap3A_300, %swap3A_301], %swap3A_304 {strides = array<i32>} : memref<32x768xf32, #tpu.memory_space<vmem>>, vector<1x16xf32>,
      %get3A_305 = arith.index_cast %scan3A_86 : i32 to index
      %get3A_306 = arith.constant 208 : index
      %get3A_307 = tpu.vector_load %arg11[%get3A_305, %get3A_306] {strides = array<i32>} : memref<32x768xf32, #tpu.memory_space<vmem>>, vector<1x16xf32>,
      %get3A_308 = vector.shape_cast %get3A_307 : vector<1x16xf32> to vector<16xf32>
      %mul3A_309 = arith.mulf %get3A_91, %get3A_308 : vector<16xf32>
      %get3A_310 = arith.index_cast %scan3A_86 : i32 to index
      %get3A_311 = arith.constant 208 : index
      %get3A_312 = tpu.vector_load %arg12[%get3A_310, %get3A_311] {strides = array<i32>} : memref<32x768xf32, #tpu.memory_space<vmem>>, vector<1x16xf32>,
      %get3A_313 = vector.shape_cast %get3A_312 : vector<1x16xf32> to vector<16xf32>
      %mul3A_314 = arith.mulf %get3A_97, %get3A_313 : vector<16xf32>
      %add3A_315 = arith.addf %mul3A_309, %mul3A_314 : vector<16xf32>
      %swap3A_316 = arith.index_cast %scan3A_86 : i32 to index
      %swap3A_317 = arith.constant 208 : index
      %swap3A_318 = tpu.vector_load %arg11[%swap3A_316, %swap3A_317] {strides = array<i32>} : memref<32x768xf32, #tpu.memory_space<vmem>>, vector<1x16xf32>,
      %swap3A_319 = vector.shape_cast %swap3A_318 : vector<1x16xf32> to vector<16xf32>
      %swap3A_320 = vector.shape_cast %add3A_315 : vector<16xf32> to vector<1x16xf32>
      tpu.vector_store %arg11[%swap3A_316, %swap3A_317], %swap3A_320 {strides = array<i32>} : memref<32x768xf32, #tpu.memory_space<vmem>>, vector<1x16xf32>,
      %get3A_321 = arith.index_cast %scan3A_86 : i32 to index
      %get3A_322 = arith.constant 224 : index
      %get3A_323 = tpu.vector_load %arg11[%get3A_321, %get3A_322] {strides = array<i32>} : memref<32x768xf32, #tpu.memory_space<vmem>>, vector<1x16xf32>,
      %get3A_324 = vector.shape_cast %get3A_323 : vector<1x16xf32> to vector<16xf32>
      %mul3A_325 = arith.mulf %get3A_91, %get3A_324 : vector<16xf32>
      %get3A_326 = arith.index_cast %scan3A_86 : i32 to index
      %get3A_327 = arith.constant 224 : index
      %get3A_328 = tpu.vector_load %arg12[%get3A_326, %get3A_327] {strides = array<i32>} : memref<32x768xf32, #tpu.memory_space<vmem>>, vector<1x16xf32>,
      %get3A_329 = vector.shape_cast %get3A_328 : vector<1x16xf32> to vector<16xf32>
      %mul3A_330 = arith.mulf %get3A_97, %get3A_329 : vector<16xf32>
      %add3A_331 = arith.addf %mul3A_325, %mul3A_330 : vector<16xf32>
      %swap3A_332 = arith.index_cast %scan3A_86 : i32 to index
      %swap3A_333 = arith.constant 224 : index
      %swap3A_334 = tpu.vector_load %arg11[%swap3A_332, %swap3A_333] {strides = array<i32>} : memref<32x768xf32, #tpu.memory_space<vmem>>, vector<1x16xf32>,
      %swap3A_335 = vector.shape_cast %swap3A_334 : vector<1x16xf32> to vector<16xf32>
      %swap3A_336 = vector.shape_cast %add3A_331 : vector<16xf32> to vector<1x16xf32>
      tpu.vector_store %arg11[%swap3A_332, %swap3A_333], %swap3A_336 {strides = array<i32>} : memref<32x768xf32, #tpu.memory_space<vmem>>, vector<1x16xf32>,
      %get3A_337 = arith.index_cast %scan3A_86 : i32 to index
      %get3A_338 = arith.constant 240 : index
      %get3A_339 = tpu.vector_load %arg11[%get3A_337, %get3A_338] {strides = array<i32>} : memref<32x768xf32, #tpu.memory_space<vmem>>, vector<1x16xf32>,
      %get3A_340 = vector.shape_cast %get3A_339 : vector<1x16xf32> to vector<16xf32>
      %mul3A_341 = arith.mulf %get3A_91, %get3A_340 : vector<16xf32>
      %get3A_342 = arith.index_cast %scan3A_86 : i32 to index
      %get3A_343 = arith.constant 240 : index
      %get3A_344 = tpu.vector_load %arg12[%get3A_342, %get3A_343] {strides = array<i32>} : memref<32x768xf32, #tpu.memory_space<vmem>>, vector<1x16xf32>,
      %get3A_345 = vector.shape_cast %get3A_344 : vector<1x16xf32> to vector<16xf32>
      %mul3A_346 = arith.mulf %get3A_97, %get3A_345 : vector<16xf32>
      %add3A_347 = arith.addf %mul3A_341, %mul3A_346 : vector<16xf32>
      %swap3A_348 = arith.index_cast %scan3A_86 : i32 to index
      %swap3A_349 = arith.constant 240 : index
      %swap3A_350 = tpu.vector_load %arg11[%swap3A_348, %swap3A_349] {strides = array<i32>} : memref<32x768xf32, #tpu.memory_space<vmem>>, vector<1x16xf32>,
      %swap3A_351 = vector.shape_cast %swap3A_350 : vector<1x16xf32> to vector<16xf32>
      %swap3A_352 = vector.shape_cast %add3A_347 : vector<16xf32> to vector<1x16xf32>
      tpu.vector_store %arg11[%swap3A_348, %swap3A_349], %swap3A_352 {strides = array<i32>} : memref<32x768xf32, #tpu.memory_space<vmem>>, vector<1x16xf32>,
      %get3A_353 = arith.index_cast %scan3A_86 : i32 to index
      %get3A_354 = arith.constant 256 : index
      %get3A_355 = tpu.vector_load %arg11[%get3A_353, %get3A_354] {strides = array<i32>} : memref<32x768xf32, #tpu.memory_space<vmem>>, vector<1x16xf32>,
      %get3A_356 = vector.shape_cast %get3A_355 : vector<1x16xf32> to vector<16xf32>
      %mul3A_357 = arith.mulf %get3A_91, %get3A_356 : vector<16xf32>
      %get3A_358 = arith.index_cast %scan3A_86 : i32 to index
      %get3A_359 = arith.constant 256 : index
      %get3A_360 = tpu.vector_load %arg12[%get3A_358, %get3A_359] {strides = array<i32>} : memref<32x768xf32, #tpu.memory_space<vmem>>, vector<1x16xf32>,
      %get3A_361 = vector.shape_cast %get3A_360 : vector<1x16xf32> to vector<16xf32>
      %mul3A_362 = arith.mulf %get3A_97, %get3A_361 : vector<16xf32>
      %add3A_363 = arith.addf %mul3A_357, %mul3A_362 : vector<16xf32>
      %swap3A_364 = arith.index_cast %scan3A_86 : i32 to index
      %swap3A_365 = arith.constant 256 : index
      %swap3A_366 = tpu.vector_load %arg11[%swap3A_364, %swap3A_365] {strides = array<i32>} : memref<32x768xf32, #tpu.memory_space<vmem>>, vector<1x16xf32>,
      %swap3A_367 = vector.shape_cast %swap3A_366 : vector<1x16xf32> to vector<16xf32>
      %swap3A_368 = vector.shape_cast %add3A_363 : vector<16xf32> to vector<1x16xf32>
      tpu.vector_store %arg11[%swap3A_364, %swap3A_365], %swap3A_368 {strides = array<i32>} : memref<32x768xf32, #tpu.memory_space<vmem>>, vector<1x16xf32>,
      %get3A_369 = arith.index_cast %scan3A_86 : i32 to index
      %get3A_370 = arith.constant 272 : index
      %get3A_371 = tpu.vector_load %arg11[%get3A_369, %get3A_370] {strides = array<i32>} : memref<32x768xf32, #tpu.memory_space<vmem>>, vector<1x16xf32>,
      %get3A_372 = vector.shape_cast %get3A_371 : vector<1x16xf32> to vector<16xf32>
      %mul3A_373 = arith.mulf %get3A_91, %get3A_372 : vector<16xf32>
      %get3A_374 = arith.index_cast %scan3A_86 : i32 to index
      %get3A_375 = arith.constant 272 : index
      %get3A_376 = tpu.vector_load %arg12[%get3A_374, %get3A_375] {strides = array<i32>} : memref<32x768xf32, #tpu.memory_space<vmem>>, vector<1x16xf32>,
      %get3A_377 = vector.shape_cast %get3A_376 : vector<1x16xf32> to vector<16xf32>
      %mul3A_378 = arith.mulf %get3A_97, %get3A_377 : vector<16xf32>
      %add3A_379 = arith.addf %mul3A_373, %mul3A_378 : vector<16xf32>
      %swap3A_380 = arith.index_cast %scan3A_86 : i32 to index
      %swap3A_381 = arith.constant 272 : index
      %swap3A_382 = tpu.vector_load %arg11[%swap3A_380, %swap3A_381] {strides = array<i32>} : memref<32x768xf32, #tpu.memory_space<vmem>>, vector<1x16xf32>,
      %swap3A_383 = vector.shape_cast %swap3A_382 : vector<1x16xf32> to vector<16xf32>
      %swap3A_384 = vector.shape_cast %add3A_379 : vector<16xf32> to vector<1x16xf32>
      tpu.vector_store %arg11[%swap3A_380, %swap3A_381], %swap3A_384 {strides = array<i32>} : memref<32x768xf32, #tpu.memory_space<vmem>>, vector<1x16xf32>,
      %get3A_385 = arith.index_cast %scan3A_86 : i32 to index
      %get3A_386 = arith.constant 288 : index
      %get3A_387 = tpu.vector_load %arg11[%get3A_385, %get3A_386] {strides = array<i32>} : memref<32x768xf32, #tpu.memory_space<vmem>>, vector<1x16xf32>,
      %get3A_388 = vector.shape_cast %get3A_387 : vector<1x16xf32> to vector<16xf32>
      %mul3A_389 = arith.mulf %get3A_91, %get3A_388 : vector<16xf32>
      %get3A_390 = arith.index_cast %scan3A_86 : i32 to index
      %get3A_391 = arith.constant 288 : index
      %get3A_392 = tpu.vector_load %arg12[%get3A_390, %get3A_391] {strides = array<i32>} : memref<32x768xf32, #tpu.memory_space<vmem>>, vector<1x16xf32>,
      %get3A_393 = vector.shape_cast %get3A_392 : vector<1x16xf32> to vector<16xf32>
      %mul3A_394 = arith.mulf %get3A_97, %get3A_393 : vector<16xf32>
      %add3A_395 = arith.addf %mul3A_389, %mul3A_394 : vector<16xf32>
      %swap3A_396 = arith.index_cast %scan3A_86 : i32 to index
      %swap3A_397 = arith.constant 288 : index
      %swap3A_398 = tpu.vector_load %arg11[%swap3A_396, %swap3A_397] {strides = array<i32>} : memref<32x768xf32, #tpu.memory_space<vmem>>, vector<1x16xf32>,
      %swap3A_399 = vector.shape_cast %swap3A_398 : vector<1x16xf32> to vector<16xf32>
      %swap3A_400 = vector.shape_cast %add3A_395 : vector<16xf32> to vector<1x16xf32>
      tpu.vector_store %arg11[%swap3A_396, %swap3A_397], %swap3A_400 {strides = array<i32>} : memref<32x768xf32, #tpu.memory_space<vmem>>, vector<1x16xf32>,
      %get3A_401 = arith.index_cast %scan3A_86 : i32 to index
      %get3A_402 = arith.constant 304 : index
      %get3A_403 = tpu.vector_load %arg11[%get3A_401, %get3A_402] {strides = array<i32>} : memref<32x768xf32, #tpu.memory_space<vmem>>, vector<1x16xf32>,
      %get3A_404 = vector.shape_cast %get3A_403 : vector<1x16xf32> to vector<16xf32>
      %mul3A_405 = arith.mulf %get3A_91, %get3A_404 : vector<16xf32>
      %get3A_406 = arith.index_cast %scan3A_86 : i32 to index
      %get3A_407 = arith.constant 304 : index
      %get3A_408 = tpu.vector_load %arg12[%get3A_406, %get3A_407] {strides = array<i32>} : memref<32x768xf32, #tpu.memory_space<vmem>>, vector<1x16xf32>,
      %get3A_409 = vector.shape_cast %get3A_408 : vector<1x16xf32> to vector<16xf32>
      %mul3A_410 = arith.mulf %get3A_97, %get3A_409 : vector<16xf32>
      %add3A_411 = arith.addf %mul3A_405, %mul3A_410 : vector<16xf32>
      %swap3A_412 = arith.index_cast %scan3A_86 : i32 to index
      %swap3A_413 = arith.constant 304 : index
      %swap3A_414 = tpu.vector_load %arg11[%swap3A_412, %swap3A_413] {strides = array<i32>} : memref<32x768xf32, #tpu.memory_space<vmem>>, vector<1x16xf32>,
      %swap3A_415 = vector.shape_cast %swap3A_414 : vector<1x16xf32> to vector<16xf32>
      %swap3A_416 = vector.shape_cast %add3A_411 : vector<16xf32> to vector<1x16xf32>
      tpu.vector_store %arg11[%swap3A_412, %swap3A_413], %swap3A_416 {strides = array<i32>} : memref<32x768xf32, #tpu.memory_space<vmem>>, vector<1x16xf32>,
      %get3A_417 = arith.index_cast %scan3A_86 : i32 to index
      %get3A_418 = arith.constant 320 : index
      %get3A_419 = tpu.vector_load %arg11[%get3A_417, %get3A_418] {strides = array<i32>} : memref<32x768xf32, #tpu.memory_space<vmem>>, vector<1x16xf32>,
      %get3A_420 = vector.shape_cast %get3A_419 : vector<1x16xf32> to vector<16xf32>
      %mul3A_421 = arith.mulf %get3A_91, %get3A_420 : vector<16xf32>
      %get3A_422 = arith.index_cast %scan3A_86 : i32 to index
      %get3A_423 = arith.constant 320 : index
      %get3A_424 = tpu.vector_load %arg12[%get3A_422, %get3A_423] {strides = array<i32>} : memref<32x768xf32, #tpu.memory_space<vmem>>, vector<1x16xf32>,
      %get3A_425 = vector.shape_cast %get3A_424 : vector<1x16xf32> to vector<16xf32>
      %mul3A_426 = arith.mulf %get3A_97, %get3A_425 : vector<16xf32>
      %add3A_427 = arith.addf %mul3A_421, %mul3A_426 : vector<16xf32>
      %swap3A_428 = arith.index_cast %scan3A_86 : i32 to index
      %swap3A_429 = arith.constant 320 : index
      %swap3A_430 = tpu.vector_load %arg11[%swap3A_428, %swap3A_429] {strides = array<i32>} : memref<32x768xf32, #tpu.memory_space<vmem>>, vector<1x16xf32>,
      %swap3A_431 = vector.shape_cast %swap3A_430 : vector<1x16xf32> to vector<16xf32>
      %swap3A_432 = vector.shape_cast %add3A_427 : vector<16xf32> to vector<1x16xf32>
      tpu.vector_store %arg11[%swap3A_428, %swap3A_429], %swap3A_432 {strides = array<i32>} : memref<32x768xf32, #tpu.memory_space<vmem>>, vector<1x16xf32>,
      %get3A_433 = arith.index_cast %scan3A_86 : i32 to index
      %get3A_434 = arith.constant 336 : index
      %get3A_435 = tpu.vector_load %arg11[%get3A_433, %get3A_434] {strides = array<i32>} : memref<32x768xf32, #tpu.memory_space<vmem>>, vector<1x16xf32>,
      %get3A_436 = vector.shape_cast %get3A_435 : vector<1x16xf32> to vector<16xf32>
      %mul3A_437 = arith.mulf %get3A_91, %get3A_436 : vector<16xf32>
      %get3A_438 = arith.index_cast %scan3A_86 : i32 to index
      %get3A_439 = arith.constant 336 : index
      %get3A_440 = tpu.vector_load %arg12[%get3A_438, %get3A_439] {strides = array<i32>} : memref<32x768xf32, #tpu.memory_space<vmem>>, vector<1x16xf32>,
      %get3A_441 = vector.shape_cast %get3A_440 : vector<1x16xf32> to vector<16xf32>
      %mul3A_442 = arith.mulf %get3A_97, %get3A_441 : vector<16xf32>
      %add3A_443 = arith.addf %mul3A_437, %mul3A_442 : vector<16xf32>
      %swap3A_444 = arith.index_cast %scan3A_86 : i32 to index
      %swap3A_445 = arith.constant 336 : index
      %swap3A_446 = tpu.vector_load %arg11[%swap3A_444, %swap3A_445] {strides = array<i32>} : memref<32x768xf32, #tpu.memory_space<vmem>>, vector<1x16xf32>,
      %swap3A_447 = vector.shape_cast %swap3A_446 : vector<1x16xf32> to vector<16xf32>
      %swap3A_448 = vector.shape_cast %add3A_443 : vector<16xf32> to vector<1x16xf32>
      tpu.vector_store %arg11[%swap3A_444, %swap3A_445], %swap3A_448 {strides = array<i32>} : memref<32x768xf32, #tpu.memory_space<vmem>>, vector<1x16xf32>,
      %get3A_449 = arith.index_cast %scan3A_86 : i32 to index
      %get3A_450 = arith.constant 352 : index
      %get3A_451 = tpu.vector_load %arg11[%get3A_449, %get3A_450] {strides = array<i32>} : memref<32x768xf32, #tpu.memory_space<vmem>>, vector<1x16xf32>,
      %get3A_452 = vector.shape_cast %get3A_451 : vector<1x16xf32> to vector<16xf32>
      %mul3A_453 = arith.mulf %get3A_91, %get3A_452 : vector<16xf32>
      %get3A_454 = arith.index_cast %scan3A_86 : i32 to index
      %get3A_455 = arith.constant 352 : index
      %get3A_456 = tpu.vector_load %arg12[%get3A_454, %get3A_455] {strides = array<i32>} : memref<32x768xf32, #tpu.memory_space<vmem>>, vector<1x16xf32>,
      %get3A_457 = vector.shape_cast %get3A_456 : vector<1x16xf32> to vector<16xf32>
      %mul3A_458 = arith.mulf %get3A_97, %get3A_457 : vector<16xf32>
      %add3A_459 = arith.addf %mul3A_453, %mul3A_458 : vector<16xf32>
      %swap3A_460 = arith.index_cast %scan3A_86 : i32 to index
      %swap3A_461 = arith.constant 352 : index
      %swap3A_462 = tpu.vector_load %arg11[%swap3A_460, %swap3A_461] {strides = array<i32>} : memref<32x768xf32, #tpu.memory_space<vmem>>, vector<1x16xf32>,
      %swap3A_463 = vector.shape_cast %swap3A_462 : vector<1x16xf32> to vector<16xf32>
      %swap3A_464 = vector.shape_cast %add3A_459 : vector<16xf32> to vector<1x16xf32>
      tpu.vector_store %arg11[%swap3A_460, %swap3A_461], %swap3A_464 {strides = array<i32>} : memref<32x768xf32, #tpu.memory_space<vmem>>, vector<1x16xf32>,
      %get3A_465 = arith.index_cast %scan3A_86 : i32 to index
      %get3A_466 = arith.constant 368 : index
      %get3A_467 = tpu.vector_load %arg11[%get3A_465, %get3A_466] {strides = array<i32>} : memref<32x768xf32, #tpu.memory_space<vmem>>, vector<1x16xf32>,
      %get3A_468 = vector.shape_cast %get3A_467 : vector<1x16xf32> to vector<16xf32>
      %mul3A_469 = arith.mulf %get3A_91, %get3A_468 : vector<16xf32>
      %get3A_470 = arith.index_cast %scan3A_86 : i32 to index
      %get3A_471 = arith.constant 368 : index
      %get3A_472 = tpu.vector_load %arg12[%get3A_470, %get3A_471] {strides = array<i32>} : memref<32x768xf32, #tpu.memory_space<vmem>>, vector<1x16xf32>,
      %get3A_473 = vector.shape_cast %get3A_472 : vector<1x16xf32> to vector<16xf32>
      %mul3A_474 = arith.mulf %get3A_97, %get3A_473 : vector<16xf32>
      %add3A_475 = arith.addf %mul3A_469, %mul3A_474 : vector<16xf32>
      %swap3A_476 = arith.index_cast %scan3A_86 : i32 to index
      %swap3A_477 = arith.constant 368 : index
      %swap3A_478 = tpu.vector_load %arg11[%swap3A_476, %swap3A_477] {strides = array<i32>} : memref<32x768xf32, #tpu.memory_space<vmem>>, vector<1x16xf32>,
      %swap3A_479 = vector.shape_cast %swap3A_478 : vector<1x16xf32> to vector<16xf32>
      %swap3A_480 = vector.shape_cast %add3A_475 : vector<16xf32> to vector<1x16xf32>
      tpu.vector_store %arg11[%swap3A_476, %swap3A_477], %swap3A_480 {strides = array<i32>} : memref<32x768xf32, #tpu.memory_space<vmem>>, vector<1x16xf32>,
      %get3A_481 = arith.index_cast %scan3A_86 : i32 to index
      %get3A_482 = arith.constant 384 : index
      %get3A_483 = tpu.vector_load %arg11[%get3A_481, %get3A_482] {strides = array<i32>} : memref<32x768xf32, #tpu.memory_space<vmem>>, vector<1x16xf32>,
      %get3A_484 = vector.shape_cast %get3A_483 : vector<1x16xf32> to vector<16xf32>
      %mul3A_485 = arith.mulf %get3A_91, %get3A_484 : vector<16xf32>
      %get3A_486 = arith.index_cast %scan3A_86 : i32 to index
      %get3A_487 = arith.constant 384 : index
      %get3A_488 = tpu.vector_load %arg12[%get3A_486, %get3A_487] {strides = array<i32>} : memref<32x768xf32, #tpu.memory_space<vmem>>, vector<1x16xf32>,
      %get3A_489 = vector.shape_cast %get3A_488 : vector<1x16xf32> to vector<16xf32>
      %mul3A_490 = arith.mulf %get3A_97, %get3A_489 : vector<16xf32>
      %add3A_491 = arith.addf %mul3A_485, %mul3A_490 : vector<16xf32>
      %swap3A_492 = arith.index_cast %scan3A_86 : i32 to index
      %swap3A_493 = arith.constant 384 : index
      %swap3A_494 = tpu.vector_load %arg11[%swap3A_492, %swap3A_493] {strides = array<i32>} : memref<32x768xf32, #tpu.memory_space<vmem>>, vector<1x16xf32>,
      %swap3A_495 = vector.shape_cast %swap3A_494 : vector<1x16xf32> to vector<16xf32>
      %swap3A_496 = vector.shape_cast %add3A_491 : vector<16xf32> to vector<1x16xf32>
      tpu.vector_store %arg11[%swap3A_492, %swap3A_493], %swap3A_496 {strides = array<i32>} : memref<32x768xf32, #tpu.memory_space<vmem>>, vector<1x16xf32>,
      %get3A_497 = arith.index_cast %scan3A_86 : i32 to index
      %get3A_498 = arith.constant 400 : index
      %get3A_499 = tpu.vector_load %arg11[%get3A_497, %get3A_498] {strides = array<i32>} : memref<32x768xf32, #tpu.memory_space<vmem>>, vector<1x16xf32>,
      %get3A_500 = vector.shape_cast %get3A_499 : vector<1x16xf32> to vector<16xf32>
      %mul3A_501 = arith.mulf %get3A_91, %get3A_500 : vector<16xf32>
      %get3A_502 = arith.index_cast %scan3A_86 : i32 to index
      %get3A_503 = arith.constant 400 : index
      %get3A_504 = tpu.vector_load %arg12[%get3A_502, %get3A_503] {strides = array<i32>} : memref<32x768xf32, #tpu.memory_space<vmem>>, vector<1x16xf32>,
      %get3A_505 = vector.shape_cast %get3A_504 : vector<1x16xf32> to vector<16xf32>
      %mul3A_506 = arith.mulf %get3A_97, %get3A_505 : vector<16xf32>
      %add3A_507 = arith.addf %mul3A_501, %mul3A_506 : vector<16xf32>
      %swap3A_508 = arith.index_cast %scan3A_86 : i32 to index
      %swap3A_509 = arith.constant 400 : index
      %swap3A_510 = tpu.vector_load %arg11[%swap3A_508, %swap3A_509] {strides = array<i32>} : memref<32x768xf32, #tpu.memory_space<vmem>>, vector<1x16xf32>,
      %swap3A_511 = vector.shape_cast %swap3A_510 : vector<1x16xf32> to vector<16xf32>
      %swap3A_512 = vector.shape_cast %add3A_507 : vector<16xf32> to vector<1x16xf32>
      tpu.vector_store %arg11[%swap3A_508, %swap3A_509], %swap3A_512 {strides = array<i32>} : memref<32x768xf32, #tpu.memory_space<vmem>>, vector<1x16xf32>,
      %get3A_513 = arith.index_cast %scan3A_86 : i32 to index
      %get3A_514 = arith.constant 416 : index
      %get3A_515 = tpu.vector_load %arg11[%get3A_513, %get3A_514] {strides = array<i32>} : memref<32x768xf32, #tpu.memory_space<vmem>>, vector<1x16xf32>,
      %get3A_516 = vector.shape_cast %get3A_515 : vector<1x16xf32> to vector<16xf32>
      %mul3A_517 = arith.mulf %get3A_91, %get3A_516 : vector<16xf32>
      %get3A_518 = arith.index_cast %scan3A_86 : i32 to index
      %get3A_519 = arith.constant 416 : index
      %get3A_520 = tpu.vector_load %arg12[%get3A_518, %get3A_519] {strides = array<i32>} : memref<32x768xf32, #tpu.memory_space<vmem>>, vector<1x16xf32>,
      %get3A_521 = vector.shape_cast %get3A_520 : vector<1x16xf32> to vector<16xf32>
      %mul3A_522 = arith.mulf %get3A_97, %get3A_521 : vector<16xf32>
      %add3A_523 = arith.addf %mul3A_517, %mul3A_522 : vector<16xf32>
      %swap3A_524 = arith.index_cast %scan3A_86 : i32 to index
      %swap3A_525 = arith.constant 416 : index
      %swap3A_526 = tpu.vector_load %arg11[%swap3A_524, %swap3A_525] {strides = array<i32>} : memref<32x768xf32, #tpu.memory_space<vmem>>, vector<1x16xf32>,
      %swap3A_527 = vector.shape_cast %swap3A_526 : vector<1x16xf32> to vector<16xf32>
      %swap3A_528 = vector.shape_cast %add3A_523 : vector<16xf32> to vector<1x16xf32>
      tpu.vector_store %arg11[%swap3A_524, %swap3A_525], %swap3A_528 {strides = array<i32>} : memref<32x768xf32, #tpu.memory_space<vmem>>, vector<1x16xf32>,
      %get3A_529 = arith.index_cast %scan3A_86 : i32 to index
      %get3A_530 = arith.constant 432 : index
      %get3A_531 = tpu.vector_load %arg11[%get3A_529, %get3A_530] {strides = array<i32>} : memref<32x768xf32, #tpu.memory_space<vmem>>, vector<1x16xf32>,
      %get3A_532 = vector.shape_cast %get3A_531 : vector<1x16xf32> to vector<16xf32>
      %mul3A_533 = arith.mulf %get3A_91, %get3A_532 : vector<16xf32>
      %get3A_534 = arith.index_cast %scan3A_86 : i32 to index
      %get3A_535 = arith.constant 432 : index
      %get3A_536 = tpu.vector_load %arg12[%get3A_534, %get3A_535] {strides = array<i32>} : memref<32x768xf32, #tpu.memory_space<vmem>>, vector<1x16xf32>,
      %get3A_537 = vector.shape_cast %get3A_536 : vector<1x16xf32> to vector<16xf32>
      %mul3A_538 = arith.mulf %get3A_97, %get3A_537 : vector<16xf32>
      %add3A_539 = arith.addf %mul3A_533, %mul3A_538 : vector<16xf32>
      %swap3A_540 = arith.index_cast %scan3A_86 : i32 to index
      %swap3A_541 = arith.constant 432 : index
      %swap3A_542 = tpu.vector_load %arg11[%swap3A_540, %swap3A_541] {strides = array<i32>} : memref<32x768xf32, #tpu.memory_space<vmem>>, vector<1x16xf32>,
      %swap3A_543 = vector.shape_cast %swap3A_542 : vector<1x16xf32> to vector<16xf32>
      %swap3A_544 = vector.shape_cast %add3A_539 : vector<16xf32> to vector<1x16xf32>
      tpu.vector_store %arg11[%swap3A_540, %swap3A_541], %swap3A_544 {strides = array<i32>} : memref<32x768xf32, #tpu.memory_space<vmem>>, vector<1x16xf32>,
      %get3A_545 = arith.index_cast %scan3A_86 : i32 to index
      %get3A_546 = arith.constant 448 : index
      %get3A_547 = tpu.vector_load %arg11[%get3A_545, %get3A_546] {strides = array<i32>} : memref<32x768xf32, #tpu.memory_space<vmem>>, vector<1x16xf32>,
      %get3A_548 = vector.shape_cast %get3A_547 : vector<1x16xf32> to vector<16xf32>
      %mul3A_549 = arith.mulf %get3A_91, %get3A_548 : vector<16xf32>
      %get3A_550 = arith.index_cast %scan3A_86 : i32 to index
      %get3A_551 = arith.constant 448 : index
      %get3A_552 = tpu.vector_load %arg12[%get3A_550, %get3A_551] {strides = array<i32>} : memref<32x768xf32, #tpu.memory_space<vmem>>, vector<1x16xf32>,
      %get3A_553 = vector.shape_cast %get3A_552 : vector<1x16xf32> to vector<16xf32>
      %mul3A_554 = arith.mulf %get3A_97, %get3A_553 : vector<16xf32>
      %add3A_555 = arith.addf %mul3A_549, %mul3A_554 : vector<16xf32>
      %swap3A_556 = arith.index_cast %scan3A_86 : i32 to index
      %swap3A_557 = arith.constant 448 : index
      %swap3A_558 = tpu.vector_load %arg11[%swap3A_556, %swap3A_557] {strides = array<i32>} : memref<32x768xf32, #tpu.memory_space<vmem>>, vector<1x16xf32>,
      %swap3A_559 = vector.shape_cast %swap3A_558 : vector<1x16xf32> to vector<16xf32>
      %swap3A_560 = vector.shape_cast %add3A_555 : vector<16xf32> to vector<1x16xf32>
      tpu.vector_store %arg11[%swap3A_556, %swap3A_557], %swap3A_560 {strides = array<i32>} : memref<32x768xf32, #tpu.memory_space<vmem>>, vector<1x16xf32>,
      %get3A_561 = arith.index_cast %scan3A_86 : i32 to index
      %get3A_562 = arith.constant 464 : index
      %get3A_563 = tpu.vector_load %arg11[%get3A_561, %get3A_562] {strides = array<i32>} : memref<32x768xf32, #tpu.memory_space<vmem>>, vector<1x16xf32>,
      %get3A_564 = vector.shape_cast %get3A_563 : vector<1x16xf32> to vector<16xf32>
      %mul3A_565 = arith.mulf %get3A_91, %get3A_564 : vector<16xf32>
      %get3A_566 = arith.index_cast %scan3A_86 : i32 to index
      %get3A_567 = arith.constant 464 : index
      %get3A_568 = tpu.vector_load %arg12[%get3A_566, %get3A_567] {strides = array<i32>} : memref<32x768xf32, #tpu.memory_space<vmem>>, vector<1x16xf32>,
      %get3A_569 = vector.shape_cast %get3A_568 : vector<1x16xf32> to vector<16xf32>
      %mul3A_570 = arith.mulf %get3A_97, %get3A_569 : vector<16xf32>
      %add3A_571 = arith.addf %mul3A_565, %mul3A_570 : vector<16xf32>
      %swap3A_572 = arith.index_cast %scan3A_86 : i32 to index
      %swap3A_573 = arith.constant 464 : index
      %swap3A_574 = tpu.vector_load %arg11[%swap3A_572, %swap3A_573] {strides = array<i32>} : memref<32x768xf32, #tpu.memory_space<vmem>>, vector<1x16xf32>,
      %swap3A_575 = vector.shape_cast %swap3A_574 : vector<1x16xf32> to vector<16xf32>
      %swap3A_576 = vector.shape_cast %add3A_571 : vector<16xf32> to vector<1x16xf32>
      tpu.vector_store %arg11[%swap3A_572, %swap3A_573], %swap3A_576 {strides = array<i32>} : memref<32x768xf32, #tpu.memory_space<vmem>>, vector<1x16xf32>,
      %get3A_577 = arith.index_cast %scan3A_86 : i32 to index
      %get3A_578 = arith.constant 480 : index
      %get3A_579 = tpu.vector_load %arg11[%get3A_577, %get3A_578] {strides = array<i32>} : memref<32x768xf32, #tpu.memory_space<vmem>>, vector<1x16xf32>,
      %get3A_580 = vector.shape_cast %get3A_579 : vector<1x16xf32> to vector<16xf32>
      %mul3A_581 = arith.mulf %get3A_91, %get3A_580 : vector<16xf32>
      %get3A_582 = arith.index_cast %scan3A_86 : i32 to index
      %get3A_583 = arith.constant 480 : index
      %get3A_584 = tpu.vector_load %arg12[%get3A_582, %get3A_583] {strides = array<i32>} : memref<32x768xf32, #tpu.memory_space<vmem>>, vector<1x16xf32>,
      %get3A_585 = vector.shape_cast %get3A_584 : vector<1x16xf32> to vector<16xf32>
      %mul3A_586 = arith.mulf %get3A_97, %get3A_585 : vector<16xf32>
      %add3A_587 = arith.addf %mul3A_581, %mul3A_586 : vector<16xf32>
      %swap3A_588 = arith.index_cast %scan3A_86 : i32 to index
      %swap3A_589 = arith.constant 480 : index
      %swap3A_590 = tpu.vector_load %arg11[%swap3A_588, %swap3A_589] {strides = array<i32>} : memref<32x768xf32, #tpu.memory_space<vmem>>, vector<1x16xf32>,
      %swap3A_591 = vector.shape_cast %swap3A_590 : vector<1x16xf32> to vector<16xf32>
      %swap3A_592 = vector.shape_cast %add3A_587 : vector<16xf32> to vector<1x16xf32>
      tpu.vector_store %arg11[%swap3A_588, %swap3A_589], %swap3A_592 {strides = array<i32>} : memref<32x768xf32, #tpu.memory_space<vmem>>, vector<1x16xf32>,
      %get3A_593 = arith.index_cast %scan3A_86 : i32 to index
      %get3A_594 = arith.constant 496 : index
      %get3A_595 = tpu.vector_load %arg11[%get3A_593, %get3A_594] {strides = array<i32>} : memref<32x768xf32, #tpu.memory_space<vmem>>, vector<1x16xf32>,
      %get3A_596 = vector.shape_cast %get3A_595 : vector<1x16xf32> to vector<16xf32>
      %mul3A_597 = arith.mulf %get3A_91, %get3A_596 : vector<16xf32>
      %get3A_598 = arith.index_cast %scan3A_86 : i32 to index
      %get3A_599 = arith.constant 496 : index
      %get3A_600 = tpu.vector_load %arg12[%get3A_598, %get3A_599] {strides = array<i32>} : memref<32x768xf32, #tpu.memory_space<vmem>>, vector<1x16xf32>,
      %get3A_601 = vector.shape_cast %get3A_600 : vector<1x16xf32> to vector<16xf32>
      %mul3A_602 = arith.mulf %get3A_97, %get3A_601 : vector<16xf32>
      %add3A_603 = arith.addf %mul3A_597, %mul3A_602 : vector<16xf32>
      %swap3A_604 = arith.index_cast %scan3A_86 : i32 to index
      %swap3A_605 = arith.constant 496 : index
      %swap3A_606 = tpu.vector_load %arg11[%swap3A_604, %swap3A_605] {strides = array<i32>} : memref<32x768xf32, #tpu.memory_space<vmem>>, vector<1x16xf32>,
      %swap3A_607 = vector.shape_cast %swap3A_606 : vector<1x16xf32> to vector<16xf32>
      %swap3A_608 = vector.shape_cast %add3A_603 : vector<16xf32> to vector<1x16xf32>
      tpu.vector_store %arg11[%swap3A_604, %swap3A_605], %swap3A_608 {strides = array<i32>} : memref<32x768xf32, #tpu.memory_space<vmem>>, vector<1x16xf32>,
      %get3A_609 = arith.index_cast %scan3A_86 : i32 to index
      %get3A_610 = arith.constant 512 : index
      %get3A_611 = tpu.vector_load %arg11[%get3A_609, %get3A_610] {strides = array<i32>} : memref<32x768xf32, #tpu.memory_space<vmem>>, vector<1x16xf32>,
      %get3A_612 = vector.shape_cast %get3A_611 : vector<1x16xf32> to vector<16xf32>
      %mul3A_613 = arith.mulf %get3A_91, %get3A_612 : vector<16xf32>
      %get3A_614 = arith.index_cast %scan3A_86 : i32 to index
      %get3A_615 = arith.constant 512 : index
      %get3A_616 = tpu.vector_load %arg12[%get3A_614, %get3A_615] {strides = array<i32>} : memref<32x768xf32, #tpu.memory_space<vmem>>, vector<1x16xf32>,
      %get3A_617 = vector.shape_cast %get3A_616 : vector<1x16xf32> to vector<16xf32>
      %mul3A_618 = arith.mulf %get3A_97, %get3A_617 : vector<16xf32>
      %add3A_619 = arith.addf %mul3A_613, %mul3A_618 : vector<16xf32>
      %swap3A_620 = arith.index_cast %scan3A_86 : i32 to index
      %swap3A_621 = arith.constant 512 : index
      %swap3A_622 = tpu.vector_load %arg11[%swap3A_620, %swap3A_621] {strides = array<i32>} : memref<32x768xf32, #tpu.memory_space<vmem>>, vector<1x16xf32>,
      %swap3A_623 = vector.shape_cast %swap3A_622 : vector<1x16xf32> to vector<16xf32>
      %swap3A_624 = vector.shape_cast %add3A_619 : vector<16xf32> to vector<1x16xf32>
      tpu.vector_store %arg11[%swap3A_620, %swap3A_621], %swap3A_624 {strides = array<i32>} : memref<32x768xf32, #tpu.memory_space<vmem>>, vector<1x16xf32>,
      %get3A_625 = arith.index_cast %scan3A_86 : i32 to index
      %get3A_626 = arith.constant 528 : index
      %get3A_627 = tpu.vector_load %arg11[%get3A_625, %get3A_626] {strides = array<i32>} : memref<32x768xf32, #tpu.memory_space<vmem>>, vector<1x16xf32>,
      %get3A_628 = vector.shape_cast %get3A_627 : vector<1x16xf32> to vector<16xf32>
      %mul3A_629 = arith.mulf %get3A_91, %get3A_628 : vector<16xf32>
      %get3A_630 = arith.index_cast %scan3A_86 : i32 to index
      %get3A_631 = arith.constant 528 : index
      %get3A_632 = tpu.vector_load %arg12[%get3A_630, %get3A_631] {strides = array<i32>} : memref<32x768xf32, #tpu.memory_space<vmem>>, vector<1x16xf32>,
      %get3A_633 = vector.shape_cast %get3A_632 : vector<1x16xf32> to vector<16xf32>
      %mul3A_634 = arith.mulf %get3A_97, %get3A_633 : vector<16xf32>
      %add3A_635 = arith.addf %mul3A_629, %mul3A_634 : vector<16xf32>
      %swap3A_636 = arith.index_cast %scan3A_86 : i32 to index
      %swap3A_637 = arith.constant 528 : index
      %swap3A_638 = tpu.vector_load %arg11[%swap3A_636, %swap3A_637] {strides = array<i32>} : memref<32x768xf32, #tpu.memory_space<vmem>>, vector<1x16xf32>,
      %swap3A_639 = vector.shape_cast %swap3A_638 : vector<1x16xf32> to vector<16xf32>
      %swap3A_640 = vector.shape_cast %add3A_635 : vector<16xf32> to vector<1x16xf32>
      tpu.vector_store %arg11[%swap3A_636, %swap3A_637], %swap3A_640 {strides = array<i32>} : memref<32x768xf32, #tpu.memory_space<vmem>>, vector<1x16xf32>,
      %get3A_641 = arith.index_cast %scan3A_86 : i32 to index
      %get3A_642 = arith.constant 544 : index
      %get3A_643 = tpu.vector_load %arg11[%get3A_641, %get3A_642] {strides = array<i32>} : memref<32x768xf32, #tpu.memory_space<vmem>>, vector<1x16xf32>,
      %get3A_644 = vector.shape_cast %get3A_643 : vector<1x16xf32> to vector<16xf32>
      %mul3A_645 = arith.mulf %get3A_91, %get3A_644 : vector<16xf32>
      %get3A_646 = arith.index_cast %scan3A_86 : i32 to index
      %get3A_647 = arith.constant 544 : index
      %get3A_648 = tpu.vector_load %arg12[%get3A_646, %get3A_647] {strides = array<i32>} : memref<32x768xf32, #tpu.memory_space<vmem>>, vector<1x16xf32>,
      %get3A_649 = vector.shape_cast %get3A_648 : vector<1x16xf32> to vector<16xf32>
      %mul3A_650 = arith.mulf %get3A_97, %get3A_649 : vector<16xf32>
      %add3A_651 = arith.addf %mul3A_645, %mul3A_650 : vector<16xf32>
      %swap3A_652 = arith.index_cast %scan3A_86 : i32 to index
      %swap3A_653 = arith.constant 544 : index
      %swap3A_654 = tpu.vector_load %arg11[%swap3A_652, %swap3A_653] {strides = array<i32>} : memref<32x768xf32, #tpu.memory_space<vmem>>, vector<1x16xf32>,
      %swap3A_655 = vector.shape_cast %swap3A_654 : vector<1x16xf32> to vector<16xf32>
      %swap3A_656 = vector.shape_cast %add3A_651 : vector<16xf32> to vector<1x16xf32>
      tpu.vector_store %arg11[%swap3A_652, %swap3A_653], %swap3A_656 {strides = array<i32>} : memref<32x768xf32, #tpu.memory_space<vmem>>, vector<1x16xf32>,
      %get3A_657 = arith.index_cast %scan3A_86 : i32 to index
      %get3A_658 = arith.constant 560 : index
      %get3A_659 = tpu.vector_load %arg11[%get3A_657, %get3A_658] {strides = array<i32>} : memref<32x768xf32, #tpu.memory_space<vmem>>, vector<1x16xf32>,
      %get3A_660 = vector.shape_cast %get3A_659 : vector<1x16xf32> to vector<16xf32>
      %mul3A_661 = arith.mulf %get3A_91, %get3A_660 : vector<16xf32>
      %get3A_662 = arith.index_cast %scan3A_86 : i32 to index
      %get3A_663 = arith.constant 560 : index
      %get3A_664 = tpu.vector_load %arg12[%get3A_662, %get3A_663] {strides = array<i32>} : memref<32x768xf32, #tpu.memory_space<vmem>>, vector<1x16xf32>,
      %get3A_665 = vector.shape_cast %get3A_664 : vector<1x16xf32> to vector<16xf32>
      %mul3A_666 = arith.mulf %get3A_97, %get3A_665 : vector<16xf32>
      %add3A_667 = arith.addf %mul3A_661, %mul3A_666 : vector<16xf32>
      %swap3A_668 = arith.index_cast %scan3A_86 : i32 to index
      %swap3A_669 = arith.constant 560 : index
      %swap3A_670 = tpu.vector_load %arg11[%swap3A_668, %swap3A_669] {strides = array<i32>} : memref<32x768xf32, #tpu.memory_space<vmem>>, vector<1x16xf32>,
      %swap3A_671 = vector.shape_cast %swap3A_670 : vector<1x16xf32> to vector<16xf32>
      %swap3A_672 = vector.shape_cast %add3A_667 : vector<16xf32> to vector<1x16xf32>
      tpu.vector_store %arg11[%swap3A_668, %swap3A_669], %swap3A_672 {strides = array<i32>} : memref<32x768xf32, #tpu.memory_space<vmem>>, vector<1x16xf32>,
      %get3A_673 = arith.index_cast %scan3A_86 : i32 to index
      %get3A_674 = arith.constant 576 : index
      %get3A_675 = tpu.vector_load %arg11[%get3A_673, %get3A_674] {strides = array<i32>} : memref<32x768xf32, #tpu.memory_space<vmem>>, vector<1x16xf32>,
      %get3A_676 = vector.shape_cast %get3A_675 : vector<1x16xf32> to vector<16xf32>
      %mul3A_677 = arith.mulf %get3A_91, %get3A_676 : vector<16xf32>
      %get3A_678 = arith.index_cast %scan3A_86 : i32 to index
      %get3A_679 = arith.constant 576 : index
      %get3A_680 = tpu.vector_load %arg12[%get3A_678, %get3A_679] {strides = array<i32>} : memref<32x768xf32, #tpu.memory_space<vmem>>, vector<1x16xf32>,
      %get3A_681 = vector.shape_cast %get3A_680 : vector<1x16xf32> to vector<16xf32>
      %mul3A_682 = arith.mulf %get3A_97, %get3A_681 : vector<16xf32>
      %add3A_683 = arith.addf %mul3A_677, %mul3A_682 : vector<16xf32>
      %swap3A_684 = arith.index_cast %scan3A_86 : i32 to index
      %swap3A_685 = arith.constant 576 : index
      %swap3A_686 = tpu.vector_load %arg11[%swap3A_684, %swap3A_685] {strides = array<i32>} : memref<32x768xf32, #tpu.memory_space<vmem>>, vector<1x16xf32>,
      %swap3A_687 = vector.shape_cast %swap3A_686 : vector<1x16xf32> to vector<16xf32>
      %swap3A_688 = vector.shape_cast %add3A_683 : vector<16xf32> to vector<1x16xf32>
      tpu.vector_store %arg11[%swap3A_684, %swap3A_685], %swap3A_688 {strides = array<i32>} : memref<32x768xf32, #tpu.memory_space<vmem>>, vector<1x16xf32>,
      %get3A_689 = arith.index_cast %scan3A_86 : i32 to index
      %get3A_690 = arith.constant 592 : index
      %get3A_691 = tpu.vector_load %arg11[%get3A_689, %get3A_690] {strides = array<i32>} : memref<32x768xf32, #tpu.memory_space<vmem>>, vector<1x16xf32>,
      %get3A_692 = vector.shape_cast %get3A_691 : vector<1x16xf32> to vector<16xf32>
      %mul3A_693 = arith.mulf %get3A_91, %get3A_692 : vector<16xf32>
      %get3A_694 = arith.index_cast %scan3A_86 : i32 to index
      %get3A_695 = arith.constant 592 : index
      %get3A_696 = tpu.vector_load %arg12[%get3A_694, %get3A_695] {strides = array<i32>} : memref<32x768xf32, #tpu.memory_space<vmem>>, vector<1x16xf32>,
      %get3A_697 = vector.shape_cast %get3A_696 : vector<1x16xf32> to vector<16xf32>
      %mul3A_698 = arith.mulf %get3A_97, %get3A_697 : vector<16xf32>
      %add3A_699 = arith.addf %mul3A_693, %mul3A_698 : vector<16xf32>
      %swap3A_700 = arith.index_cast %scan3A_86 : i32 to index
      %swap3A_701 = arith.constant 592 : index
      %swap3A_702 = tpu.vector_load %arg11[%swap3A_700, %swap3A_701] {strides = array<i32>} : memref<32x768xf32, #tpu.memory_space<vmem>>, vector<1x16xf32>,
      %swap3A_703 = vector.shape_cast %swap3A_702 : vector<1x16xf32> to vector<16xf32>
      %swap3A_704 = vector.shape_cast %add3A_699 : vector<16xf32> to vector<1x16xf32>
      tpu.vector_store %arg11[%swap3A_700, %swap3A_701], %swap3A_704 {strides = array<i32>} : memref<32x768xf32, #tpu.memory_space<vmem>>, vector<1x16xf32>,
      %get3A_705 = arith.index_cast %scan3A_86 : i32 to index
      %get3A_706 = arith.constant 608 : index
      %get3A_707 = tpu.vector_load %arg11[%get3A_705, %get3A_706] {strides = array<i32>} : memref<32x768xf32, #tpu.memory_space<vmem>>, vector<1x16xf32>,
      %get3A_708 = vector.shape_cast %get3A_707 : vector<1x16xf32> to vector<16xf32>
      %mul3A_709 = arith.mulf %get3A_91, %get3A_708 : vector<16xf32>
      %get3A_710 = arith.index_cast %scan3A_86 : i32 to index
      %get3A_711 = arith.constant 608 : index
      %get3A_712 = tpu.vector_load %arg12[%get3A_710, %get3A_711] {strides = array<i32>} : memref<32x768xf32, #tpu.memory_space<vmem>>, vector<1x16xf32>,
      %get3A_713 = vector.shape_cast %get3A_712 : vector<1x16xf32> to vector<16xf32>
      %mul3A_714 = arith.mulf %get3A_97, %get3A_713 : vector<16xf32>
      %add3A_715 = arith.addf %mul3A_709, %mul3A_714 : vector<16xf32>
      %swap3A_716 = arith.index_cast %scan3A_86 : i32 to index
      %swap3A_717 = arith.constant 608 : index
      %swap3A_718 = tpu.vector_load %arg11[%swap3A_716, %swap3A_717] {strides = array<i32>} : memref<32x768xf32, #tpu.memory_space<vmem>>, vector<1x16xf32>,
      %swap3A_719 = vector.shape_cast %swap3A_718 : vector<1x16xf32> to vector<16xf32>
      %swap3A_720 = vector.shape_cast %add3A_715 : vector<16xf32> to vector<1x16xf32>
      tpu.vector_store %arg11[%swap3A_716, %swap3A_717], %swap3A_720 {strides = array<i32>} : memref<32x768xf32, #tpu.memory_space<vmem>>, vector<1x16xf32>,
      %get3A_721 = arith.index_cast %scan3A_86 : i32 to index
      %get3A_722 = arith.constant 624 : index
      %get3A_723 = tpu.vector_load %arg11[%get3A_721, %get3A_722] {strides = array<i32>} : memref<32x768xf32, #tpu.memory_space<vmem>>, vector<1x16xf32>,
      %get3A_724 = vector.shape_cast %get3A_723 : vector<1x16xf32> to vector<16xf32>
      %mul3A_725 = arith.mulf %get3A_91, %get3A_724 : vector<16xf32>
      %get3A_726 = arith.index_cast %scan3A_86 : i32 to index
      %get3A_727 = arith.constant 624 : index
      %get3A_728 = tpu.vector_load %arg12[%get3A_726, %get3A_727] {strides = array<i32>} : memref<32x768xf32, #tpu.memory_space<vmem>>, vector<1x16xf32>,
      %get3A_729 = vector.shape_cast %get3A_728 : vector<1x16xf32> to vector<16xf32>
      %mul3A_730 = arith.mulf %get3A_97, %get3A_729 : vector<16xf32>
      %add3A_731 = arith.addf %mul3A_725, %mul3A_730 : vector<16xf32>
      %swap3A_732 = arith.index_cast %scan3A_86 : i32 to index
      %swap3A_733 = arith.constant 624 : index
      %swap3A_734 = tpu.vector_load %arg11[%swap3A_732, %swap3A_733] {strides = array<i32>} : memref<32x768xf32, #tpu.memory_space<vmem>>, vector<1x16xf32>,
      %swap3A_735 = vector.shape_cast %swap3A_734 : vector<1x16xf32> to vector<16xf32>
      %swap3A_736 = vector.shape_cast %add3A_731 : vector<16xf32> to vector<1x16xf32>
      tpu.vector_store %arg11[%swap3A_732, %swap3A_733], %swap3A_736 {strides = array<i32>} : memref<32x768xf32, #tpu.memory_space<vmem>>, vector<1x16xf32>,
      %get3A_737 = arith.index_cast %scan3A_86 : i32 to index
      %get3A_738 = arith.constant 640 : index
      %get3A_739 = tpu.vector_load %arg11[%get3A_737, %get3A_738] {strides = array<i32>} : memref<32x768xf32, #tpu.memory_space<vmem>>, vector<1x16xf32>,
      %get3A_740 = vector.shape_cast %get3A_739 : vector<1x16xf32> to vector<16xf32>
      %mul3A_741 = arith.mulf %get3A_91, %get3A_740 : vector<16xf32>
      %get3A_742 = arith.index_cast %scan3A_86 : i32 to index
      %get3A_743 = arith.constant 640 : index
      %get3A_744 = tpu.vector_load %arg12[%get3A_742, %get3A_743] {strides = array<i32>} : memref<32x768xf32, #tpu.memory_space<vmem>>, vector<1x16xf32>,
      %get3A_745 = vector.shape_cast %get3A_744 : vector<1x16xf32> to vector<16xf32>
      %mul3A_746 = arith.mulf %get3A_97, %get3A_745 : vector<16xf32>
      %add3A_747 = arith.addf %mul3A_741, %mul3A_746 : vector<16xf32>
      %swap3A_748 = arith.index_cast %scan3A_86 : i32 to index
      %swap3A_749 = arith.constant 640 : index
      %swap3A_750 = tpu.vector_load %arg11[%swap3A_748, %swap3A_749] {strides = array<i32>} : memref<32x768xf32, #tpu.memory_space<vmem>>, vector<1x16xf32>,
      %swap3A_751 = vector.shape_cast %swap3A_750 : vector<1x16xf32> to vector<16xf32>
      %swap3A_752 = vector.shape_cast %add3A_747 : vector<16xf32> to vector<1x16xf32>
      tpu.vector_store %arg11[%swap3A_748, %swap3A_749], %swap3A_752 {strides = array<i32>} : memref<32x768xf32, #tpu.memory_space<vmem>>, vector<1x16xf32>,
      %get3A_753 = arith.index_cast %scan3A_86 : i32 to index
      %get3A_754 = arith.constant 656 : index
      %get3A_755 = tpu.vector_load %arg11[%get3A_753, %get3A_754] {strides = array<i32>} : memref<32x768xf32, #tpu.memory_space<vmem>>, vector<1x16xf32>,
      %get3A_756 = vector.shape_cast %get3A_755 : vector<1x16xf32> to vector<16xf32>
      %mul3A_757 = arith.mulf %get3A_91, %get3A_756 : vector<16xf32>
      %get3A_758 = arith.index_cast %scan3A_86 : i32 to index
      %get3A_759 = arith.constant 656 : index
      %get3A_760 = tpu.vector_load %arg12[%get3A_758, %get3A_759] {strides = array<i32>} : memref<32x768xf32, #tpu.memory_space<vmem>>, vector<1x16xf32>,
      %get3A_761 = vector.shape_cast %get3A_760 : vector<1x16xf32> to vector<16xf32>
      %mul3A_762 = arith.mulf %get3A_97, %get3A_761 : vector<16xf32>
      %add3A_763 = arith.addf %mul3A_757, %mul3A_762 : vector<16xf32>
      %swap3A_764 = arith.index_cast %scan3A_86 : i32 to index
      %swap3A_765 = arith.constant 656 : index
      %swap3A_766 = tpu.vector_load %arg11[%swap3A_764, %swap3A_765] {strides = array<i32>} : memref<32x768xf32, #tpu.memory_space<vmem>>, vector<1x16xf32>,
      %swap3A_767 = vector.shape_cast %swap3A_766 : vector<1x16xf32> to vector<16xf32>
      %swap3A_768 = vector.shape_cast %add3A_763 : vector<16xf32> to vector<1x16xf32>
      tpu.vector_store %arg11[%swap3A_764, %swap3A_765], %swap3A_768 {strides = array<i32>} : memref<32x768xf32, #tpu.memory_space<vmem>>, vector<1x16xf32>,
      %get3A_769 = arith.index_cast %scan3A_86 : i32 to index
      %get3A_770 = arith.constant 672 : index
      %get3A_771 = tpu.vector_load %arg11[%get3A_769, %get3A_770] {strides = array<i32>} : memref<32x768xf32, #tpu.memory_space<vmem>>, vector<1x16xf32>,
      %get3A_772 = vector.shape_cast %get3A_771 : vector<1x16xf32> to vector<16xf32>
      %mul3A_773 = arith.mulf %get3A_91, %get3A_772 : vector<16xf32>
      %get3A_774 = arith.index_cast %scan3A_86 : i32 to index
      %get3A_775 = arith.constant 672 : index
      %get3A_776 = tpu.vector_load %arg12[%get3A_774, %get3A_775] {strides = array<i32>} : memref<32x768xf32, #tpu.memory_space<vmem>>, vector<1x16xf32>,
      %get3A_777 = vector.shape_cast %get3A_776 : vector<1x16xf32> to vector<16xf32>
      %mul3A_778 = arith.mulf %get3A_97, %get3A_777 : vector<16xf32>
      %add3A_779 = arith.addf %mul3A_773, %mul3A_778 : vector<16xf32>
      %swap3A_780 = arith.index_cast %scan3A_86 : i32 to index
      %swap3A_781 = arith.constant 672 : index
      %swap3A_782 = tpu.vector_load %arg11[%swap3A_780, %swap3A_781] {strides = array<i32>} : memref<32x768xf32, #tpu.memory_space<vmem>>, vector<1x16xf32>,
      %swap3A_783 = vector.shape_cast %swap3A_782 : vector<1x16xf32> to vector<16xf32>
      %swap3A_784 = vector.shape_cast %add3A_779 : vector<16xf32> to vector<1x16xf32>
      tpu.vector_store %arg11[%swap3A_780, %swap3A_781], %swap3A_784 {strides = array<i32>} : memref<32x768xf32, #tpu.memory_space<vmem>>, vector<1x16xf32>,
      %get3A_785 = arith.index_cast %scan3A_86 : i32 to index
      %get3A_786 = arith.constant 688 : index
      %get3A_787 = tpu.vector_load %arg11[%get3A_785, %get3A_786] {strides = array<i32>} : memref<32x768xf32, #tpu.memory_space<vmem>>, vector<1x16xf32>,
      %get3A_788 = vector.shape_cast %get3A_787 : vector<1x16xf32> to vector<16xf32>
      %mul3A_789 = arith.mulf %get3A_91, %get3A_788 : vector<16xf32>
      %get3A_790 = arith.index_cast %scan3A_86 : i32 to index
      %get3A_791 = arith.constant 688 : index
      %get3A_792 = tpu.vector_load %arg12[%get3A_790, %get3A_791] {strides = array<i32>} : memref<32x768xf32, #tpu.memory_space<vmem>>, vector<1x16xf32>,
      %get3A_793 = vector.shape_cast %get3A_792 : vector<1x16xf32> to vector<16xf32>
      %mul3A_794 = arith.mulf %get3A_97, %get3A_793 : vector<16xf32>
      %add3A_795 = arith.addf %mul3A_789, %mul3A_794 : vector<16xf32>
      %swap3A_796 = arith.index_cast %scan3A_86 : i32 to index
      %swap3A_797 = arith.constant 688 : index
      %swap3A_798 = tpu.vector_load %arg11[%swap3A_796, %swap3A_797] {strides = array<i32>} : memref<32x768xf32, #tpu.memory_space<vmem>>, vector<1x16xf32>,
      %swap3A_799 = vector.shape_cast %swap3A_798 : vector<1x16xf32> to vector<16xf32>
      %swap3A_800 = vector.shape_cast %add3A_795 : vector<16xf32> to vector<1x16xf32>
      tpu.vector_store %arg11[%swap3A_796, %swap3A_797], %swap3A_800 {strides = array<i32>} : memref<32x768xf32, #tpu.memory_space<vmem>>, vector<1x16xf32>,
      %get3A_801 = arith.index_cast %scan3A_86 : i32 to index
      %get3A_802 = arith.constant 704 : index
      %get3A_803 = tpu.vector_load %arg11[%get3A_801, %get3A_802] {strides = array<i32>} : memref<32x768xf32, #tpu.memory_space<vmem>>, vector<1x16xf32>,
      %get3A_804 = vector.shape_cast %get3A_803 : vector<1x16xf32> to vector<16xf32>
      %mul3A_805 = arith.mulf %get3A_91, %get3A_804 : vector<16xf32>
      %get3A_806 = arith.index_cast %scan3A_86 : i32 to index
      %get3A_807 = arith.constant 704 : index
      %get3A_808 = tpu.vector_load %arg12[%get3A_806, %get3A_807] {strides = array<i32>} : memref<32x768xf32, #tpu.memory_space<vmem>>, vector<1x16xf32>,
      %get3A_809 = vector.shape_cast %get3A_808 : vector<1x16xf32> to vector<16xf32>
      %mul3A_810 = arith.mulf %get3A_97, %get3A_809 : vector<16xf32>
      %add3A_811 = arith.addf %mul3A_805, %mul3A_810 : vector<16xf32>
      %swap3A_812 = arith.index_cast %scan3A_86 : i32 to index
      %swap3A_813 = arith.constant 704 : index
      %swap3A_814 = tpu.vector_load %arg11[%swap3A_812, %swap3A_813] {strides = array<i32>} : memref<32x768xf32, #tpu.memory_space<vmem>>, vector<1x16xf32>,
      %swap3A_815 = vector.shape_cast %swap3A_814 : vector<1x16xf32> to vector<16xf32>
      %swap3A_816 = vector.shape_cast %add3A_811 : vector<16xf32> to vector<1x16xf32>
      tpu.vector_store %arg11[%swap3A_812, %swap3A_813], %swap3A_816 {strides = array<i32>} : memref<32x768xf32, #tpu.memory_space<vmem>>, vector<1x16xf32>,
      %get3A_817 = arith.index_cast %scan3A_86 : i32 to index
      %get3A_818 = arith.constant 720 : index
      %get3A_819 = tpu.vector_load %arg11[%get3A_817, %get3A_818] {strides = array<i32>} : memref<32x768xf32, #tpu.memory_space<vmem>>, vector<1x16xf32>,
      %get3A_820 = vector.shape_cast %get3A_819 : vector<1x16xf32> to vector<16xf32>
      %mul3A_821 = arith.mulf %get3A_91, %get3A_820 : vector<16xf32>
      %get3A_822 = arith.index_cast %scan3A_86 : i32 to index
      %get3A_823 = arith.constant 720 : index
      %get3A_824 = tpu.vector_load %arg12[%get3A_822, %get3A_823] {strides = array<i32>} : memref<32x768xf32, #tpu.memory_space<vmem>>, vector<1x16xf32>,
      %get3A_825 = vector.shape_cast %get3A_824 : vector<1x16xf32> to vector<16xf32>
      %mul3A_826 = arith.mulf %get3A_97, %get3A_825 : vector<16xf32>
      %add3A_827 = arith.addf %mul3A_821, %mul3A_826 : vector<16xf32>
      %swap3A_828 = arith.index_cast %scan3A_86 : i32 to index
      %swap3A_829 = arith.constant 720 : index
      %swap3A_830 = tpu.vector_load %arg11[%swap3A_828, %swap3A_829] {strides = array<i32>} : memref<32x768xf32, #tpu.memory_space<vmem>>, vector<1x16xf32>,
      %swap3A_831 = vector.shape_cast %swap3A_830 : vector<1x16xf32> to vector<16xf32>
      %swap3A_832 = vector.shape_cast %add3A_827 : vector<16xf32> to vector<1x16xf32>
      tpu.vector_store %arg11[%swap3A_828, %swap3A_829], %swap3A_832 {strides = array<i32>} : memref<32x768xf32, #tpu.memory_space<vmem>>, vector<1x16xf32>,
      %get3A_833 = arith.index_cast %scan3A_86 : i32 to index
      %get3A_834 = arith.constant 736 : index
      %get3A_835 = tpu.vector_load %arg11[%get3A_833, %get3A_834] {strides = array<i32>} : memref<32x768xf32, #tpu.memory_space<vmem>>, vector<1x16xf32>,
      %get3A_836 = vector.shape_cast %get3A_835 : vector<1x16xf32> to vector<16xf32>
      %mul3A_837 = arith.mulf %get3A_91, %get3A_836 : vector<16xf32>
      %get3A_838 = arith.index_cast %scan3A_86 : i32 to index
      %get3A_839 = arith.constant 736 : index
      %get3A_840 = tpu.vector_load %arg12[%get3A_838, %get3A_839] {strides = array<i32>} : memref<32x768xf32, #tpu.memory_space<vmem>>, vector<1x16xf32>,
      %get3A_841 = vector.shape_cast %get3A_840 : vector<1x16xf32> to vector<16xf32>
      %mul3A_842 = arith.mulf %get3A_97, %get3A_841 : vector<16xf32>
      %add3A_843 = arith.addf %mul3A_837, %mul3A_842 : vector<16xf32>
      %swap3A_844 = arith.index_cast %scan3A_86 : i32 to index
      %swap3A_845 = arith.constant 736 : index
      %swap3A_846 = tpu.vector_load %arg11[%swap3A_844, %swap3A_845] {strides = array<i32>} : memref<32x768xf32, #tpu.memory_space<vmem>>, vector<1x16xf32>,
      %swap3A_847 = vector.shape_cast %swap3A_846 : vector<1x16xf32> to vector<16xf32>
      %swap3A_848 = vector.shape_cast %add3A_843 : vector<16xf32> to vector<1x16xf32>
      tpu.vector_store %arg11[%swap3A_844, %swap3A_845], %swap3A_848 {strides = array<i32>} : memref<32x768xf32, #tpu.memory_space<vmem>>, vector<1x16xf32>,
      %get3A_849 = arith.index_cast %scan3A_86 : i32 to index
      %get3A_850 = arith.constant 752 : index
      %get3A_851 = tpu.vector_load %arg11[%get3A_849, %get3A_850] {strides = array<i32>} : memref<32x768xf32, #tpu.memory_space<vmem>>, vector<1x16xf32>,
      %get3A_852 = vector.shape_cast %get3A_851 : vector<1x16xf32> to vector<16xf32>
      %mul3A_853 = arith.mulf %get3A_91, %get3A_852 : vector<16xf32>
      %get3A_854 = arith.index_cast %scan3A_86 : i32 to index
      %get3A_855 = arith.constant 752 : index
      %get3A_856 = tpu.vector_load %arg12[%get3A_854, %get3A_855] {strides = array<i32>} : memref<32x768xf32, #tpu.memory_space<vmem>>, vector<1x16xf32>,
      %get3A_857 = vector.shape_cast %get3A_856 : vector<1x16xf32> to vector<16xf32>
      %mul3A_858 = arith.mulf %get3A_97, %get3A_857 : vector<16xf32>
      %add3A_859 = arith.addf %mul3A_853, %mul3A_858 : vector<16xf32>
      %swap3A_860 = arith.index_cast %scan3A_86 : i32 to index
      %swap3A_861 = arith.constant 752 : index
      %swap3A_862 = tpu.vector_load %arg11[%swap3A_860, %swap3A_861] {strides = array<i32>} : memref<32x768xf32, #tpu.memory_space<vmem>>, vector<1x16xf32>,
      %swap3A_863 = vector.shape_cast %swap3A_862 : vector<1x16xf32> to vector<16xf32>
      %swap3A_864 = vector.shape_cast %add3A_859 : vector<16xf32> to vector<1x16xf32>
      tpu.vector_store %arg11[%swap3A_860, %swap3A_861], %swap3A_864 {strides = array<i32>} : memref<32x768xf32, #tpu.memory_space<vmem>>, vector<1x16xf32>,
    }
    %scan3A_71 = arith.constant 32 : i32
    %add3A_72 = arith.constant 32 : i32
    %add3A_73 = arith.addi %mul3A_2, %add3A_72 : i32
    %dma_start3A_74 = arith.constant 0 : i32
    %dma_start3A_75 = tpu.memref_slice %arg6[%add3A_73, %dma_start3A_74] : memref<2048x768xf32, #tpu.memory_space<hbm>> -> memref<32x768xf32, #tpu.memory_space<hbm>>
    %dma_start3A_76 = arith.constant 0 : i32
    %dma_start3A_77 = tpu.memref_slice %arg6[%add3A_73, %dma_start3A_76] : memref<2048x768xf32, #tpu.memory_space<hbm>> -> memref<32x768xf32, #tpu.memory_space<hbm>>
    tpu.enqueue_dma source(%arg11 : memref<32x768xf32, #tpu.memory_space<vmem>>) target(%dma_start3A_77 : memref<32x768xf32, #tpu.memory_space<hbm>>) target_semaphore(%arg16 : memref<!tpu.dma_semaphore, #tpu.memory_space<semaphore_mem>>)
    %dma_wait3A_78 = arith.constant 0 : i32
    %dma_wait3A_79 = tpu.memref_slice %arg6[%mul3A_2, %dma_wait3A_78] : memref<2048x768xf32, #tpu.memory_space<hbm>> -> memref<32x768xf32, #tpu.memory_space<hbm>>
    %dma_wait3A_80 = arith.constant 0 : i32
    %dma_wait3A_81 = tpu.memref_slice %arg6[%mul3A_2, %dma_wait3A_80] : memref<2048x768xf32, #tpu.memory_space<hbm>> -> memref<32x768xf32, #tpu.memory_space<hbm>>
    tpu.wait_dma2 semaphore(%arg16 : memref<!tpu.dma_semaphore, #tpu.memory_space<semaphore_mem>>) src(%arg9 : memref<32x768xf32, #tpu.memory_space<vmem>>) dst(%dma_wait3A_81 : memref<32x768xf32, #tpu.memory_space<hbm>>)
    %dma_wait3A_82 = arith.constant 0 : i32
    %dma_wait3A_83 = tpu.memref_slice %arg6[%add3A_73, %dma_wait3A_82] : memref<2048x768xf32, #tpu.memory_space<hbm>> -> memref<32x768xf32, #tpu.memory_space<hbm>>
    %dma_wait3A_84 = arith.constant 0 : i32
    %dma_wait3A_85 = tpu.memref_slice %arg6[%add3A_73, %dma_wait3A_84] : memref<2048x768xf32, #tpu.memory_space<hbm>> -> memref<32x768xf32, #tpu.memory_space<hbm>>
    tpu.wait_dma2 semaphore(%arg16 : memref<!tpu.dma_semaphore, #tpu.memory_space<semaphore_mem>>) src(%arg11 : memref<32x768xf32, #tpu.memory_space<vmem>>) dst(%dma_wait3A_85 : memref<32x768xf32, #tpu.memory_space<hbm>>)
    return
  }
}

#map = affine_map<(d0, d1) -> (0, 0)>
#map1 = affine_map<(d0, d1) -> (0, 0, 0)>
module attributes {stable_mosaic.version = 14 : i64} {
  func.func @_dispatch(%arg0: i32, %arg1: i32, %arg2: memref<2048x768xf32, #tpu.memory_space<hbm>>, %arg3: memref<32x2x32xi32, #tpu.memory_space<hbm>>, %arg4: memref<32x2x32xi32, #tpu.memory_space<hbm>>, %arg5: memref<8192x768xf32, #tpu.memory_space<hbm>>, %arg6: memref<2x32xi32, #tpu.memory_space<vmem>>, %arg7: memref<2x32xi32, #tpu.memory_space<vmem>>, %arg8: memref<32x768xf32, #tpu.memory_space<vmem>>, %arg9: memref<32x768xf32, #tpu.memory_space<vmem>>, %arg10: memref<!tpu.dma_semaphore, #tpu.memory_space<semaphore_mem>>, %arg11: memref<!tpu.dma_semaphore, #tpu.memory_space<semaphore_mem>>, %arg12: memref<!tpu.dma_semaphore, #tpu.memory_space<semaphore_mem>>) attributes {dimension_semantics = [#tpu.dimension_semantics<core_parallel>, #tpu.dimension_semantics<subcore_parallel>], iteration_bounds = array<i64: 2, 16>, scalar_prefetch = 0 : i64, scratch_operands = 7 : i64, tpu.core_type = #tpu.core_type<sc_vector_subcore>, window_params = [{transform_indices = #map}, {transform_indices = #map1}, {transform_indices = #map1}, {transform_indices = #map}]} {
    %mul3A = arith.constant 2 : i32
    %mul3A_0 = arith.muli %arg1, %mul3A : i32
    %add3A = arith.addi %mul3A_0, %arg0 : i32
    %mul3A_1 = arith.constant 64 : i32
    %mul3A_2 = arith.muli %add3A, %mul3A_1 : i32
    %dma_start3A = arith.constant 0 : i32
    %dma_start3A_3 = tpu.memref_slice %arg2[%mul3A_2, %dma_start3A] : memref<2048x768xf32, #tpu.memory_space<hbm>> -> memref<32x768xf32, #tpu.memory_space<hbm>>
    %dma_start3A_4 = arith.constant 0 : i32
    %dma_start3A_5 = tpu.memref_slice %arg2[%mul3A_2, %dma_start3A_4] : memref<2048x768xf32, #tpu.memory_space<hbm>> -> memref<32x768xf32, #tpu.memory_space<hbm>>
    tpu.enqueue_dma source(%dma_start3A_5 : memref<32x768xf32, #tpu.memory_space<hbm>>) target(%arg8 : memref<32x768xf32, #tpu.memory_space<vmem>>) target_semaphore(%arg10 : memref<!tpu.dma_semaphore, #tpu.memory_space<semaphore_mem>>)
    %add3A_6 = arith.constant 32 : i32
    %add3A_7 = arith.addi %mul3A_2, %add3A_6 : i32
    %dma_start3A_8 = arith.constant 0 : i32
    %dma_start3A_9 = tpu.memref_slice %arg2[%add3A_7, %dma_start3A_8] : memref<2048x768xf32, #tpu.memory_space<hbm>> -> memref<32x768xf32, #tpu.memory_space<hbm>>
    %dma_start3A_10 = arith.constant 0 : i32
    %dma_start3A_11 = tpu.memref_slice %arg2[%add3A_7, %dma_start3A_10] : memref<2048x768xf32, #tpu.memory_space<hbm>> -> memref<32x768xf32, #tpu.memory_space<hbm>>
    tpu.enqueue_dma source(%dma_start3A_11 : memref<32x768xf32, #tpu.memory_space<hbm>>) target(%arg9 : memref<32x768xf32, #tpu.memory_space<vmem>>) target_semaphore(%arg10 : memref<!tpu.dma_semaphore, #tpu.memory_space<semaphore_mem>>)
    "tpu.region"() ({
      %run_scoped3A = tpu.sem_alloc : memref<!tpu.dma_semaphore, #tpu.memory_space<semaphore_mem>>
      %dma_start3A_75 = arith.constant 0 : i32
      %dma_start3A_76 = arith.constant 0 : i32
      %dma_start3A_77 = tpu.memref_slice %arg3[%add3A, %dma_start3A_75, %dma_start3A_76] : memref<32x2x32xi32, #tpu.memory_space<hbm>> -> memref<1x2x32xi32, #tpu.memory_space<hbm>>
      %dma_start3A_78 = tpu.memref_squeeze %dma_start3A_77 : memref<1x2x32xi32, #tpu.memory_space<hbm>> -> memref<2x32xi32, #tpu.memory_space<hbm>>
      %dma_start3A_79 = arith.constant 0 : i32
      %dma_start3A_80 = arith.constant 0 : i32
      %dma_start3A_81 = tpu.memref_slice %arg3[%add3A, %dma_start3A_79, %dma_start3A_80] : memref<32x2x32xi32, #tpu.memory_space<hbm>> -> memref<1x2x32xi32, #tpu.memory_space<hbm>>
      %dma_start3A_82 = tpu.memref_squeeze %dma_start3A_81 : memref<1x2x32xi32, #tpu.memory_space<hbm>> -> memref<2x32xi32, #tpu.memory_space<hbm>>
      tpu.enqueue_dma source(%dma_start3A_82 : memref<2x32xi32, #tpu.memory_space<hbm>>) target(%arg6 : memref<2x32xi32, #tpu.memory_space<vmem>>) target_semaphore(%run_scoped3A : memref<!tpu.dma_semaphore, #tpu.memory_space<semaphore_mem>>)
      %dma_wait3A_83 = arith.constant 0 : i32
      %dma_wait3A_84 = arith.constant 0 : i32
      %dma_wait3A_85 = tpu.memref_slice %arg3[%add3A, %dma_wait3A_83, %dma_wait3A_84] : memref<32x2x32xi32, #tpu.memory_space<hbm>> -> memref<1x2x32xi32, #tpu.memory_space<hbm>>
      %dma_wait3A_86 = tpu.memref_squeeze %dma_wait3A_85 : memref<1x2x32xi32, #tpu.memory_space<hbm>> -> memref<2x32xi32, #tpu.memory_space<hbm>>
      %dma_wait3A_87 = arith.constant 0 : i32
      %dma_wait3A_88 = arith.constant 0 : i32
      %dma_wait3A_89 = tpu.memref_slice %arg3[%add3A, %dma_wait3A_87, %dma_wait3A_88] : memref<32x2x32xi32, #tpu.memory_space<hbm>> -> memref<1x2x32xi32, #tpu.memory_space<hbm>>
      %dma_wait3A_90 = tpu.memref_squeeze %dma_wait3A_89 : memref<1x2x32xi32, #tpu.memory_space<hbm>> -> memref<2x32xi32, #tpu.memory_space<hbm>>
      tpu.wait_dma2 semaphore(%run_scoped3A : memref<!tpu.dma_semaphore, #tpu.memory_space<semaphore_mem>>) src(%dma_wait3A_90 : memref<2x32xi32, #tpu.memory_space<hbm>>) dst(%arg6 : memref<2x32xi32, #tpu.memory_space<vmem>>)
      tpu.yield
    }) : () -> ()
    "tpu.region"() ({
      %run_scoped3A = tpu.sem_alloc : memref<!tpu.dma_semaphore, #tpu.memory_space<semaphore_mem>>
      %dma_start3A_75 = arith.constant 0 : i32
      %dma_start3A_76 = arith.constant 0 : i32
      %dma_start3A_77 = tpu.memref_slice %arg4[%add3A, %dma_start3A_75, %dma_start3A_76] : memref<32x2x32xi32, #tpu.memory_space<hbm>> -> memref<1x2x32xi32, #tpu.memory_space<hbm>>
      %dma_start3A_78 = tpu.memref_squeeze %dma_start3A_77 : memref<1x2x32xi32, #tpu.memory_space<hbm>> -> memref<2x32xi32, #tpu.memory_space<hbm>>
      %dma_start3A_79 = arith.constant 0 : i32
      %dma_start3A_80 = arith.constant 0 : i32
      %dma_start3A_81 = tpu.memref_slice %arg4[%add3A, %dma_start3A_79, %dma_start3A_80] : memref<32x2x32xi32, #tpu.memory_space<hbm>> -> memref<1x2x32xi32, #tpu.memory_space<hbm>>
      %dma_start3A_82 = tpu.memref_squeeze %dma_start3A_81 : memref<1x2x32xi32, #tpu.memory_space<hbm>> -> memref<2x32xi32, #tpu.memory_space<hbm>>
      tpu.enqueue_dma source(%dma_start3A_82 : memref<2x32xi32, #tpu.memory_space<hbm>>) target(%arg7 : memref<2x32xi32, #tpu.memory_space<vmem>>) target_semaphore(%run_scoped3A : memref<!tpu.dma_semaphore, #tpu.memory_space<semaphore_mem>>)
      %dma_wait3A_83 = arith.constant 0 : i32
      %dma_wait3A_84 = arith.constant 0 : i32
      %dma_wait3A_85 = tpu.memref_slice %arg4[%add3A, %dma_wait3A_83, %dma_wait3A_84] : memref<32x2x32xi32, #tpu.memory_space<hbm>> -> memref<1x2x32xi32, #tpu.memory_space<hbm>>
      %dma_wait3A_86 = tpu.memref_squeeze %dma_wait3A_85 : memref<1x2x32xi32, #tpu.memory_space<hbm>> -> memref<2x32xi32, #tpu.memory_space<hbm>>
      %dma_wait3A_87 = arith.constant 0 : i32
      %dma_wait3A_88 = arith.constant 0 : i32
      %dma_wait3A_89 = tpu.memref_slice %arg4[%add3A, %dma_wait3A_87, %dma_wait3A_88] : memref<32x2x32xi32, #tpu.memory_space<hbm>> -> memref<1x2x32xi32, #tpu.memory_space<hbm>>
      %dma_wait3A_90 = tpu.memref_squeeze %dma_wait3A_89 : memref<1x2x32xi32, #tpu.memory_space<hbm>> -> memref<2x32xi32, #tpu.memory_space<hbm>>
      tpu.wait_dma2 semaphore(%run_scoped3A : memref<!tpu.dma_semaphore, #tpu.memory_space<semaphore_mem>>) src(%dma_wait3A_90 : memref<2x32xi32, #tpu.memory_space<hbm>>) dst(%arg7 : memref<2x32xi32, #tpu.memory_space<vmem>>)
      tpu.yield
    }) : () -> ()
    %dma_wait3A = arith.constant 0 : i32
    %dma_wait3A_12 = tpu.memref_slice %arg2[%mul3A_2, %dma_wait3A] : memref<2048x768xf32, #tpu.memory_space<hbm>> -> memref<32x768xf32, #tpu.memory_space<hbm>>
    %dma_wait3A_13 = arith.constant 0 : i32
    %dma_wait3A_14 = tpu.memref_slice %arg2[%mul3A_2, %dma_wait3A_13] : memref<2048x768xf32, #tpu.memory_space<hbm>> -> memref<32x768xf32, #tpu.memory_space<hbm>>
    tpu.wait_dma2 semaphore(%arg10 : memref<!tpu.dma_semaphore, #tpu.memory_space<semaphore_mem>>) src(%dma_wait3A_14 : memref<32x768xf32, #tpu.memory_space<hbm>>) dst(%arg8 : memref<32x768xf32, #tpu.memory_space<vmem>>)
    %dma_start3A_15 = arith.constant 0 : i32
    %dma_start3A_16 = arith.constant 0 : i32
    %dma_start3A_17 = tpu.memref_slice %arg6[%dma_start3A_15, %dma_start3A_16] : memref<2x32xi32, #tpu.memory_space<vmem>> -> memref<1x32xi32, #tpu.memory_space<vmem>>
    %dma_start3A_18 = tpu.memref_squeeze %dma_start3A_17 : memref<1x32xi32, #tpu.memory_space<vmem>> -> memref<32xi32, #tpu.memory_space<vmem>>
    %dma_start3A_19 = arith.constant 0 : i32
    %dma_start3A_20 = arith.constant 0 : i32
    %dma_start3A_21 = tpu.memref_slice %arg5[%dma_start3A_19, %dma_start3A_20] : memref<8192x768xf32, #tpu.memory_space<hbm>> -> memref<8192x768xf32, #tpu.memory_space<hbm>>
    tpu.enqueue_indirect_dma source(%arg8 : memref<32x768xf32, #tpu.memory_space<vmem>>) target(%dma_start3A_21 : memref<8192x768xf32, #tpu.memory_space<hbm>>) offsets(%dma_start3A_18 : memref<32xi32, #tpu.memory_space<vmem>>) semaphore(%arg11 : memref<!tpu.dma_semaphore, #tpu.memory_space<semaphore_mem>>)
    %dma_start3A_22 = arith.constant 0 : i32
    %dma_start3A_23 = arith.constant 0 : i32
    %dma_start3A_24 = tpu.memref_slice %arg7[%dma_start3A_22, %dma_start3A_23] : memref<2x32xi32, #tpu.memory_space<vmem>> -> memref<1x32xi32, #tpu.memory_space<vmem>>
    %dma_start3A_25 = tpu.memref_squeeze %dma_start3A_24 : memref<1x32xi32, #tpu.memory_space<vmem>> -> memref<32xi32, #tpu.memory_space<vmem>>
    %dma_start3A_26 = arith.constant 0 : i32
    %dma_start3A_27 = arith.constant 0 : i32
    %dma_start3A_28 = tpu.memref_slice %arg5[%dma_start3A_26, %dma_start3A_27] : memref<8192x768xf32, #tpu.memory_space<hbm>> -> memref<8192x768xf32, #tpu.memory_space<hbm>>
    tpu.enqueue_indirect_dma source(%arg8 : memref<32x768xf32, #tpu.memory_space<vmem>>) target(%dma_start3A_28 : memref<8192x768xf32, #tpu.memory_space<hbm>>) offsets(%dma_start3A_25 : memref<32xi32, #tpu.memory_space<vmem>>) semaphore(%arg11 : memref<!tpu.dma_semaphore, #tpu.memory_space<semaphore_mem>>)
    %dma_wait3A_29 = arith.constant 0 : i32
    %dma_wait3A_30 = tpu.memref_slice %arg2[%add3A_7, %dma_wait3A_29] : memref<2048x768xf32, #tpu.memory_space<hbm>> -> memref<32x768xf32, #tpu.memory_space<hbm>>
    %dma_wait3A_31 = arith.constant 0 : i32
    %dma_wait3A_32 = tpu.memref_slice %arg2[%add3A_7, %dma_wait3A_31] : memref<2048x768xf32, #tpu.memory_space<hbm>> -> memref<32x768xf32, #tpu.memory_space<hbm>>
    tpu.wait_dma2 semaphore(%arg10 : memref<!tpu.dma_semaphore, #tpu.memory_space<semaphore_mem>>) src(%dma_wait3A_32 : memref<32x768xf32, #tpu.memory_space<hbm>>) dst(%arg9 : memref<32x768xf32, #tpu.memory_space<vmem>>)
    %dma_start3A_33 = arith.constant 1 : i32
    %dma_start3A_34 = arith.constant 0 : i32
    %dma_start3A_35 = tpu.memref_slice %arg6[%dma_start3A_33, %dma_start3A_34] : memref<2x32xi32, #tpu.memory_space<vmem>> -> memref<1x32xi32, #tpu.memory_space<vmem>>
    %dma_start3A_36 = tpu.memref_squeeze %dma_start3A_35 : memref<1x32xi32, #tpu.memory_space<vmem>> -> memref<32xi32, #tpu.memory_space<vmem>>
    %dma_start3A_37 = arith.constant 0 : i32
    %dma_start3A_38 = arith.constant 0 : i32
    %dma_start3A_39 = tpu.memref_slice %arg5[%dma_start3A_37, %dma_start3A_38] : memref<8192x768xf32, #tpu.memory_space<hbm>> -> memref<8192x768xf32, #tpu.memory_space<hbm>>
    tpu.enqueue_indirect_dma source(%arg9 : memref<32x768xf32, #tpu.memory_space<vmem>>) target(%dma_start3A_39 : memref<8192x768xf32, #tpu.memory_space<hbm>>) offsets(%dma_start3A_36 : memref<32xi32, #tpu.memory_space<vmem>>) semaphore(%arg12 : memref<!tpu.dma_semaphore, #tpu.memory_space<semaphore_mem>>)
    %dma_start3A_40 = arith.constant 1 : i32
    %dma_start3A_41 = arith.constant 0 : i32
    %dma_start3A_42 = tpu.memref_slice %arg7[%dma_start3A_40, %dma_start3A_41] : memref<2x32xi32, #tpu.memory_space<vmem>> -> memref<1x32xi32, #tpu.memory_space<vmem>>
    %dma_start3A_43 = tpu.memref_squeeze %dma_start3A_42 : memref<1x32xi32, #tpu.memory_space<vmem>> -> memref<32xi32, #tpu.memory_space<vmem>>
    %dma_start3A_44 = arith.constant 0 : i32
    %dma_start3A_45 = arith.constant 0 : i32
    %dma_start3A_46 = tpu.memref_slice %arg5[%dma_start3A_44, %dma_start3A_45] : memref<8192x768xf32, #tpu.memory_space<hbm>> -> memref<8192x768xf32, #tpu.memory_space<hbm>>
    tpu.enqueue_indirect_dma source(%arg9 : memref<32x768xf32, #tpu.memory_space<vmem>>) target(%dma_start3A_46 : memref<8192x768xf32, #tpu.memory_space<hbm>>) offsets(%dma_start3A_43 : memref<32xi32, #tpu.memory_space<vmem>>) semaphore(%arg12 : memref<!tpu.dma_semaphore, #tpu.memory_space<semaphore_mem>>)
    %dma_wait3A_47 = arith.constant 0 : i32
    %dma_wait3A_48 = arith.constant 0 : i32
    %dma_wait3A_49 = tpu.memref_slice %arg6[%dma_wait3A_47, %dma_wait3A_48] : memref<2x32xi32, #tpu.memory_space<vmem>> -> memref<1x32xi32, #tpu.memory_space<vmem>>
    %dma_wait3A_50 = tpu.memref_squeeze %dma_wait3A_49 : memref<1x32xi32, #tpu.memory_space<vmem>> -> memref<32xi32, #tpu.memory_space<vmem>>
    %dma_wait3A_51 = arith.constant 0 : i32
    %dma_wait3A_52 = arith.constant 0 : i32
    %dma_wait3A_53 = tpu.memref_slice %arg5[%dma_wait3A_51, %dma_wait3A_52] : memref<8192x768xf32, #tpu.memory_space<hbm>> -> memref<8192x768xf32, #tpu.memory_space<hbm>>
    tpu.wait_indirect_dma semaphore(%arg11 : memref<!tpu.dma_semaphore, #tpu.memory_space<semaphore_mem>>) src(%arg8 : memref<32x768xf32, #tpu.memory_space<vmem>>) dst(%dma_wait3A_53 : memref<8192x768xf32, #tpu.memory_space<hbm>>)
    %dma_wait3A_54 = arith.constant 0 : i32
    %dma_wait3A_55 = arith.constant 0 : i32
    %dma_wait3A_56 = tpu.memref_slice %arg7[%dma_wait3A_54, %dma_wait3A_55] : memref<2x32xi32, #tpu.memory_space<vmem>> -> memref<1x32xi32, #tpu.memory_space<vmem>>
    %dma_wait3A_57 = tpu.memref_squeeze %dma_wait3A_56 : memref<1x32xi32, #tpu.memory_space<vmem>> -> memref<32xi32, #tpu.memory_space<vmem>>
    %dma_wait3A_58 = arith.constant 0 : i32
    %dma_wait3A_59 = arith.constant 0 : i32
    %dma_wait3A_60 = tpu.memref_slice %arg5[%dma_wait3A_58, %dma_wait3A_59] : memref<8192x768xf32, #tpu.memory_space<hbm>> -> memref<8192x768xf32, #tpu.memory_space<hbm>>
    tpu.wait_indirect_dma semaphore(%arg11 : memref<!tpu.dma_semaphore, #tpu.memory_space<semaphore_mem>>) src(%arg8 : memref<32x768xf32, #tpu.memory_space<vmem>>) dst(%dma_wait3A_60 : memref<8192x768xf32, #tpu.memory_space<hbm>>)
    %dma_wait3A_61 = arith.constant 1 : i32
    %dma_wait3A_62 = arith.constant 0 : i32
    %dma_wait3A_63 = tpu.memref_slice %arg6[%dma_wait3A_61, %dma_wait3A_62] : memref<2x32xi32, #tpu.memory_space<vmem>> -> memref<1x32xi32, #tpu.memory_space<vmem>>
    %dma_wait3A_64 = tpu.memref_squeeze %dma_wait3A_63 : memref<1x32xi32, #tpu.memory_space<vmem>> -> memref<32xi32, #tpu.memory_space<vmem>>
    %dma_wait3A_65 = arith.constant 0 : i32
    %dma_wait3A_66 = arith.constant 0 : i32
    %dma_wait3A_67 = tpu.memref_slice %arg5[%dma_wait3A_65, %dma_wait3A_66] : memref<8192x768xf32, #tpu.memory_space<hbm>> -> memref<8192x768xf32, #tpu.memory_space<hbm>>
    tpu.wait_indirect_dma semaphore(%arg12 : memref<!tpu.dma_semaphore, #tpu.memory_space<semaphore_mem>>) src(%arg9 : memref<32x768xf32, #tpu.memory_space<vmem>>) dst(%dma_wait3A_67 : memref<8192x768xf32, #tpu.memory_space<hbm>>)
    %dma_wait3A_68 = arith.constant 1 : i32
    %dma_wait3A_69 = arith.constant 0 : i32
    %dma_wait3A_70 = tpu.memref_slice %arg7[%dma_wait3A_68, %dma_wait3A_69] : memref<2x32xi32, #tpu.memory_space<vmem>> -> memref<1x32xi32, #tpu.memory_space<vmem>>
    %dma_wait3A_71 = tpu.memref_squeeze %dma_wait3A_70 : memref<1x32xi32, #tpu.memory_space<vmem>> -> memref<32xi32, #tpu.memory_space<vmem>>
    %dma_wait3A_72 = arith.constant 0 : i32
    %dma_wait3A_73 = arith.constant 0 : i32
    %dma_wait3A_74 = tpu.memref_slice %arg5[%dma_wait3A_72, %dma_wait3A_73] : memref<8192x768xf32, #tpu.memory_space<hbm>> -> memref<8192x768xf32, #tpu.memory_space<hbm>>
    tpu.wait_indirect_dma semaphore(%arg12 : memref<!tpu.dma_semaphore, #tpu.memory_space<semaphore_mem>>) src(%arg9 : memref<32x768xf32, #tpu.memory_space<vmem>>) dst(%dma_wait3A_74 : memref<8192x768xf32, #tpu.memory_space<hbm>>)
    return
  }
}

module attributes {stable_mosaic.version = 14 : i64} {
  func.func @_route_body(%arg0: memref<2048x768xf32, #tpu.memory_space<vmem>>, %arg1: memref<768x128xf32, #tpu.memory_space<vmem>>, %arg2: memref<2048x1xi32, #tpu.memory_space<vmem>>, %arg3: memref<2048x1xi32, #tpu.memory_space<vmem>>, %arg4: memref<2048x128xf32, #tpu.memory_space<vmem>>, %arg5: memref<128x8xi32, #tpu.memory_space<vmem>>) attributes {dimension_semantics = [], scalar_prefetch = 0 : i64, scratch_operands = 0 : i64, tpu.core_type = #tpu.core_type<tc>} {
    %get3A = arith.constant 0 : index
    %get3A_0 = arith.constant 0 : index
    %get3A_1 = vector.load %arg0[%get3A, %get3A_0] : memref<2048x768xf32, #tpu.memory_space<vmem>>, vector<2048x768xf32>
    %get3A_2 = arith.constant 0 : index
    %get3A_3 = arith.constant 0 : index
    %get3A_4 = vector.load %arg1[%get3A_2, %get3A_3] : memref<768x128xf32, #tpu.memory_space<vmem>>, vector<768x128xf32>
    %dot_general3A = arith.constant dense<0.000000e+00> : vector<2048x128xf32>
    %dot_general3A_5 = tpu.matmul %get3A_1, %get3A_4, %dot_general3A {dimension_numbers = #tpu.dot_dimension_numbers<[1], [0], [0], [1], [0, 0, 1, 1], [], []>, transpose_lhs_hint = false} : vector<2048x768xf32>, vector<768x128xf32>, vector<2048x128xf32> -> vector<2048x128xf32>
    %iota3A = tpu.iota {dimensions = array<i32: 1>} : vector<2048x128xi32>
    %lt3A = arith.constant 8 : i32
    %lt3A_6 = vector.broadcast %lt3A : i32 to vector<2048x128xi32>
    %lt3A_7 = arith.cmpi slt, %iota3A, %lt3A_6 : vector<2048x128xi32>
    %jit3A = arith.constant -1.000000e+30 : f32
    %broadcast_in_dim3A = vector.broadcast %jit3A : f32 to vector<2048x128xf32>
    %select_n3A = arith.select %lt3A_7, %dot_general3A_5, %broadcast_in_dim3A : vector<2048x128xi1>, vector<2048x128xf32>
    %reduce_max3A = arith.constant dense<0xFF800000> : vector<2048xf32>
    %reduce_max3A_8 = vector.multi_reduction <maximumf>, %select_n3A, %reduce_max3A [1] : vector<2048x128xf32> to vector<2048xf32>
    %broadcast_in_dim3A_9 = vector.shape_cast %reduce_max3A_8 : vector<2048xf32> to vector<2048x1xf32>
    %ge3A = vector.broadcast %broadcast_in_dim3A_9 : vector<2048x1xf32> to vector<2048x128xf32>
    %ge3A_10 = arith.cmpf oge, %select_n3A, %ge3A : vector<2048x128xf32>
    %jit3A_11 = arith.constant 128 : i32
    %broadcast_in_dim3A_12 = vector.broadcast %jit3A_11 : i32 to vector<2048x128xi32>
    %select_n3A_13 = arith.select %ge3A_10, %iota3A, %broadcast_in_dim3A_12 : vector<2048x128xi1>, vector<2048x128xi32>
    %reduce_min3A = arith.constant dense<2147483647> : vector<2048xi32>
    %reduce_min3A_14 = vector.multi_reduction <minsi>, %select_n3A_13, %reduce_min3A [1] : vector<2048x128xi32> to vector<2048xi32>
    %broadcast_in_dim3A_15 = vector.shape_cast %reduce_min3A_14 : vector<2048xi32> to vector<2048x1xi32>
    %eq3A = vector.broadcast %broadcast_in_dim3A_15 : vector<2048x1xi32> to vector<2048x128xi32>
    %eq3A_16 = arith.cmpi eq, %iota3A, %eq3A : vector<2048x128xi32>
    %jit3A_17 = arith.constant -1.000000e+30 : f32
    %broadcast_in_dim3A_18 = vector.broadcast %jit3A_17 : f32 to vector<2048x128xf32>
    %select_n3A_19 = arith.select %eq3A_16, %broadcast_in_dim3A_18, %select_n3A : vector<2048x128xi1>, vector<2048x128xf32>
    %reduce_max3A_20 = arith.constant dense<0xFF800000> : vector<2048xf32>
    %reduce_max3A_21 = vector.multi_reduction <maximumf>, %select_n3A_19, %reduce_max3A_20 [1] : vector<2048x128xf32> to vector<2048xf32>
    %broadcast_in_dim3A_22 = vector.shape_cast %reduce_max3A_21 : vector<2048xf32> to vector<2048x1xf32>
    %ge3A_23 = vector.broadcast %broadcast_in_dim3A_22 : vector<2048x1xf32> to vector<2048x128xf32>
    %ge3A_24 = arith.cmpf oge, %select_n3A_19, %ge3A_23 : vector<2048x128xf32>
    %jit3A_25 = arith.constant 128 : i32
    %broadcast_in_dim3A_26 = vector.broadcast %jit3A_25 : i32 to vector<2048x128xi32>
    %select_n3A_27 = arith.select %ge3A_24, %iota3A, %broadcast_in_dim3A_26 : vector<2048x128xi1>, vector<2048x128xi32>
    %reduce_min3A_28 = arith.constant dense<2147483647> : vector<2048xi32>
    %reduce_min3A_29 = vector.multi_reduction <minsi>, %select_n3A_27, %reduce_min3A_28 [1] : vector<2048x128xi32> to vector<2048xi32>
    %broadcast_in_dim3A_30 = vector.shape_cast %reduce_min3A_29 : vector<2048xi32> to vector<2048x1xi32>
    %eq3A_31 = vector.broadcast %broadcast_in_dim3A_30 : vector<2048x1xi32> to vector<2048x128xi32>
    %eq3A_32 = arith.cmpi eq, %iota3A, %eq3A_31 : vector<2048x128xi32>
    %sub3A = arith.subf %broadcast_in_dim3A_22, %broadcast_in_dim3A_9 : vector<2048x1xf32>
    %exp3A = math.exp %sub3A : vector<2048x1xf32>
    %add3A = arith.constant 1.000000e+00 : f32
    %add3A_33 = vector.broadcast %add3A : f32 to vector<2048x1xf32>
    %add3A_34 = arith.addf %add3A_33, %exp3A : vector<2048x1xf32>
    %div3A = arith.constant 1.000000e+00 : f32
    %div3A_35 = vector.broadcast %div3A : f32 to vector<2048x1xf32>
    %div3A_36 = arith.divf %div3A_35, %add3A_34 : vector<2048x1xf32>
    %sub3A_37 = arith.constant 1.000000e+00 : f32
    %sub3A_38 = vector.broadcast %sub3A_37 : f32 to vector<2048x1xf32>
    %sub3A_39 = arith.subf %sub3A_38, %div3A_36 : vector<2048x1xf32>
    %convert_element_type3A = arith.extui %eq3A_16 : vector<2048x128xi1> to vector<2048x128xi32>
    %convert_element_type3A_40 = arith.sitofp %convert_element_type3A : vector<2048x128xi32> to vector<2048x128xf32>
    %convert_element_type3A_41 = arith.extui %eq3A_32 : vector<2048x128xi1> to vector<2048x128xi32>
    %convert_element_type3A_42 = arith.sitofp %convert_element_type3A_41 : vector<2048x128xi32> to vector<2048x128xf32>
    %add3A_43 = arith.addf %convert_element_type3A_40, %convert_element_type3A_42 : vector<2048x128xf32>
    %reshape3A = vector.shape_cast %add3A_43 : vector<2048x128xf32> to vector<16x128x128xf32>
    %iota3A_44 = tpu.iota {dimensions = array<i32: 0>} : vector<128x128xi32>
    %iota3A_45 = tpu.iota {dimensions = array<i32: 1>} : vector<128x128xi32>
    %ge3A_46 = arith.cmpi sge, %iota3A_44, %iota3A_45 : vector<128x128xi32>
    %convert_element_type3A_47 = arith.extui %ge3A_46 : vector<128x128xi1> to vector<128x128xi32>
    %convert_element_type3A_48 = arith.sitofp %convert_element_type3A_47 : vector<128x128xi32> to vector<128x128xf32>
    %slice3A = vector.extract_strided_slice %reshape3A {offsets = [0, 0, 0], sizes = [1, 128, 128], strides = [1, 1, 1]} : vector<16x128x128xf32> to vector<1x128x128xf32>
    %squeeze3A = vector.shape_cast %slice3A : vector<1x128x128xf32> to vector<128x128xf32>
    %dot_general3A_49 = arith.constant dense<0.000000e+00> : vector<128x128xf32>
    %dot_general3A_50 = tpu.matmul %convert_element_type3A_48, %squeeze3A, %dot_general3A_49 {dimension_numbers = #tpu.dot_dimension_numbers<[1], [0], [0], [1], [0, 0, 1, 1], [], []>, transpose_lhs_hint = false} : vector<128x128xf32>, vector<128x128xf32>, vector<128x128xf32> -> vector<128x128xf32>
    %slice3A_51 = vector.extract_strided_slice %reshape3A {offsets = [1, 0, 0], sizes = [1, 128, 128], strides = [1, 1, 1]} : vector<16x128x128xf32> to vector<1x128x128xf32>
    %squeeze3A_52 = vector.shape_cast %slice3A_51 : vector<1x128x128xf32> to vector<128x128xf32>
    %dot_general3A_53 = arith.constant dense<0.000000e+00> : vector<128x128xf32>
    %dot_general3A_54 = tpu.matmul %convert_element_type3A_48, %squeeze3A_52, %dot_general3A_53 {dimension_numbers = #tpu.dot_dimension_numbers<[1], [0], [0], [1], [0, 0, 1, 1], [], []>, transpose_lhs_hint = false} : vector<128x128xf32>, vector<128x128xf32>, vector<128x128xf32> -> vector<128x128xf32>
    %slice3A_55 = vector.extract_strided_slice %reshape3A {offsets = [2, 0, 0], sizes = [1, 128, 128], strides = [1, 1, 1]} : vector<16x128x128xf32> to vector<1x128x128xf32>
    %squeeze3A_56 = vector.shape_cast %slice3A_55 : vector<1x128x128xf32> to vector<128x128xf32>
    %dot_general3A_57 = arith.constant dense<0.000000e+00> : vector<128x128xf32>
    %dot_general3A_58 = tpu.matmul %convert_element_type3A_48, %squeeze3A_56, %dot_general3A_57 {dimension_numbers = #tpu.dot_dimension_numbers<[1], [0], [0], [1], [0, 0, 1, 1], [], []>, transpose_lhs_hint = false} : vector<128x128xf32>, vector<128x128xf32>, vector<128x128xf32> -> vector<128x128xf32>
    %slice3A_59 = vector.extract_strided_slice %reshape3A {offsets = [3, 0, 0], sizes = [1, 128, 128], strides = [1, 1, 1]} : vector<16x128x128xf32> to vector<1x128x128xf32>
    %squeeze3A_60 = vector.shape_cast %slice3A_59 : vector<1x128x128xf32> to vector<128x128xf32>
    %dot_general3A_61 = arith.constant dense<0.000000e+00> : vector<128x128xf32>
    %dot_general3A_62 = tpu.matmul %convert_element_type3A_48, %squeeze3A_60, %dot_general3A_61 {dimension_numbers = #tpu.dot_dimension_numbers<[1], [0], [0], [1], [0, 0, 1, 1], [], []>, transpose_lhs_hint = false} : vector<128x128xf32>, vector<128x128xf32>, vector<128x128xf32> -> vector<128x128xf32>
    %slice3A_63 = vector.extract_strided_slice %reshape3A {offsets = [4, 0, 0], sizes = [1, 128, 128], strides = [1, 1, 1]} : vector<16x128x128xf32> to vector<1x128x128xf32>
    %squeeze3A_64 = vector.shape_cast %slice3A_63 : vector<1x128x128xf32> to vector<128x128xf32>
    %dot_general3A_65 = arith.constant dense<0.000000e+00> : vector<128x128xf32>
    %dot_general3A_66 = tpu.matmul %convert_element_type3A_48, %squeeze3A_64, %dot_general3A_65 {dimension_numbers = #tpu.dot_dimension_numbers<[1], [0], [0], [1], [0, 0, 1, 1], [], []>, transpose_lhs_hint = false} : vector<128x128xf32>, vector<128x128xf32>, vector<128x128xf32> -> vector<128x128xf32>
    %slice3A_67 = vector.extract_strided_slice %reshape3A {offsets = [5, 0, 0], sizes = [1, 128, 128], strides = [1, 1, 1]} : vector<16x128x128xf32> to vector<1x128x128xf32>
    %squeeze3A_68 = vector.shape_cast %slice3A_67 : vector<1x128x128xf32> to vector<128x128xf32>
    %dot_general3A_69 = arith.constant dense<0.000000e+00> : vector<128x128xf32>
    %dot_general3A_70 = tpu.matmul %convert_element_type3A_48, %squeeze3A_68, %dot_general3A_69 {dimension_numbers = #tpu.dot_dimension_numbers<[1], [0], [0], [1], [0, 0, 1, 1], [], []>, transpose_lhs_hint = false} : vector<128x128xf32>, vector<128x128xf32>, vector<128x128xf32> -> vector<128x128xf32>
    %slice3A_71 = vector.extract_strided_slice %reshape3A {offsets = [6, 0, 0], sizes = [1, 128, 128], strides = [1, 1, 1]} : vector<16x128x128xf32> to vector<1x128x128xf32>
    %squeeze3A_72 = vector.shape_cast %slice3A_71 : vector<1x128x128xf32> to vector<128x128xf32>
    %dot_general3A_73 = arith.constant dense<0.000000e+00> : vector<128x128xf32>
    %dot_general3A_74 = tpu.matmul %convert_element_type3A_48, %squeeze3A_72, %dot_general3A_73 {dimension_numbers = #tpu.dot_dimension_numbers<[1], [0], [0], [1], [0, 0, 1, 1], [], []>, transpose_lhs_hint = false} : vector<128x128xf32>, vector<128x128xf32>, vector<128x128xf32> -> vector<128x128xf32>
    %slice3A_75 = vector.extract_strided_slice %reshape3A {offsets = [7, 0, 0], sizes = [1, 128, 128], strides = [1, 1, 1]} : vector<16x128x128xf32> to vector<1x128x128xf32>
    %squeeze3A_76 = vector.shape_cast %slice3A_75 : vector<1x128x128xf32> to vector<128x128xf32>
    %dot_general3A_77 = arith.constant dense<0.000000e+00> : vector<128x128xf32>
    %dot_general3A_78 = tpu.matmul %convert_element_type3A_48, %squeeze3A_76, %dot_general3A_77 {dimension_numbers = #tpu.dot_dimension_numbers<[1], [0], [0], [1], [0, 0, 1, 1], [], []>, transpose_lhs_hint = false} : vector<128x128xf32>, vector<128x128xf32>, vector<128x128xf32> -> vector<128x128xf32>
    %slice3A_79 = vector.extract_strided_slice %reshape3A {offsets = [8, 0, 0], sizes = [1, 128, 128], strides = [1, 1, 1]} : vector<16x128x128xf32> to vector<1x128x128xf32>
    %squeeze3A_80 = vector.shape_cast %slice3A_79 : vector<1x128x128xf32> to vector<128x128xf32>
    %dot_general3A_81 = arith.constant dense<0.000000e+00> : vector<128x128xf32>
    %dot_general3A_82 = tpu.matmul %convert_element_type3A_48, %squeeze3A_80, %dot_general3A_81 {dimension_numbers = #tpu.dot_dimension_numbers<[1], [0], [0], [1], [0, 0, 1, 1], [], []>, transpose_lhs_hint = false} : vector<128x128xf32>, vector<128x128xf32>, vector<128x128xf32> -> vector<128x128xf32>
    %slice3A_83 = vector.extract_strided_slice %reshape3A {offsets = [9, 0, 0], sizes = [1, 128, 128], strides = [1, 1, 1]} : vector<16x128x128xf32> to vector<1x128x128xf32>
    %squeeze3A_84 = vector.shape_cast %slice3A_83 : vector<1x128x128xf32> to vector<128x128xf32>
    %dot_general3A_85 = arith.constant dense<0.000000e+00> : vector<128x128xf32>
    %dot_general3A_86 = tpu.matmul %convert_element_type3A_48, %squeeze3A_84, %dot_general3A_85 {dimension_numbers = #tpu.dot_dimension_numbers<[1], [0], [0], [1], [0, 0, 1, 1], [], []>, transpose_lhs_hint = false} : vector<128x128xf32>, vector<128x128xf32>, vector<128x128xf32> -> vector<128x128xf32>
    %slice3A_87 = vector.extract_strided_slice %reshape3A {offsets = [10, 0, 0], sizes = [1, 128, 128], strides = [1, 1, 1]} : vector<16x128x128xf32> to vector<1x128x128xf32>
    %squeeze3A_88 = vector.shape_cast %slice3A_87 : vector<1x128x128xf32> to vector<128x128xf32>
    %dot_general3A_89 = arith.constant dense<0.000000e+00> : vector<128x128xf32>
    %dot_general3A_90 = tpu.matmul %convert_element_type3A_48, %squeeze3A_88, %dot_general3A_89 {dimension_numbers = #tpu.dot_dimension_numbers<[1], [0], [0], [1], [0, 0, 1, 1], [], []>, transpose_lhs_hint = false} : vector<128x128xf32>, vector<128x128xf32>, vector<128x128xf32> -> vector<128x128xf32>
    %slice3A_91 = vector.extract_strided_slice %reshape3A {offsets = [11, 0, 0], sizes = [1, 128, 128], strides = [1, 1, 1]} : vector<16x128x128xf32> to vector<1x128x128xf32>
    %squeeze3A_92 = vector.shape_cast %slice3A_91 : vector<1x128x128xf32> to vector<128x128xf32>
    %dot_general3A_93 = arith.constant dense<0.000000e+00> : vector<128x128xf32>
    %dot_general3A_94 = tpu.matmul %convert_element_type3A_48, %squeeze3A_92, %dot_general3A_93 {dimension_numbers = #tpu.dot_dimension_numbers<[1], [0], [0], [1], [0, 0, 1, 1], [], []>, transpose_lhs_hint = false} : vector<128x128xf32>, vector<128x128xf32>, vector<128x128xf32> -> vector<128x128xf32>
    %slice3A_95 = vector.extract_strided_slice %reshape3A {offsets = [12, 0, 0], sizes = [1, 128, 128], strides = [1, 1, 1]} : vector<16x128x128xf32> to vector<1x128x128xf32>
    %squeeze3A_96 = vector.shape_cast %slice3A_95 : vector<1x128x128xf32> to vector<128x128xf32>
    %dot_general3A_97 = arith.constant dense<0.000000e+00> : vector<128x128xf32>
    %dot_general3A_98 = tpu.matmul %convert_element_type3A_48, %squeeze3A_96, %dot_general3A_97 {dimension_numbers = #tpu.dot_dimension_numbers<[1], [0], [0], [1], [0, 0, 1, 1], [], []>, transpose_lhs_hint = false} : vector<128x128xf32>, vector<128x128xf32>, vector<128x128xf32> -> vector<128x128xf32>
    %slice3A_99 = vector.extract_strided_slice %reshape3A {offsets = [13, 0, 0], sizes = [1, 128, 128], strides = [1, 1, 1]} : vector<16x128x128xf32> to vector<1x128x128xf32>
    %squeeze3A_100 = vector.shape_cast %slice3A_99 : vector<1x128x128xf32> to vector<128x128xf32>
    %dot_general3A_101 = arith.constant dense<0.000000e+00> : vector<128x128xf32>
    %dot_general3A_102 = tpu.matmul %convert_element_type3A_48, %squeeze3A_100, %dot_general3A_101 {dimension_numbers = #tpu.dot_dimension_numbers<[1], [0], [0], [1], [0, 0, 1, 1], [], []>, transpose_lhs_hint = false} : vector<128x128xf32>, vector<128x128xf32>, vector<128x128xf32> -> vector<128x128xf32>
    %slice3A_103 = vector.extract_strided_slice %reshape3A {offsets = [14, 0, 0], sizes = [1, 128, 128], strides = [1, 1, 1]} : vector<16x128x128xf32> to vector<1x128x128xf32>
    %squeeze3A_104 = vector.shape_cast %slice3A_103 : vector<1x128x128xf32> to vector<128x128xf32>
    %dot_general3A_105 = arith.constant dense<0.000000e+00> : vector<128x128xf32>
    %dot_general3A_106 = tpu.matmul %convert_element_type3A_48, %squeeze3A_104, %dot_general3A_105 {dimension_numbers = #tpu.dot_dimension_numbers<[1], [0], [0], [1], [0, 0, 1, 1], [], []>, transpose_lhs_hint = false} : vector<128x128xf32>, vector<128x128xf32>, vector<128x128xf32> -> vector<128x128xf32>
    %slice3A_107 = vector.extract_strided_slice %reshape3A {offsets = [15, 0, 0], sizes = [1, 128, 128], strides = [1, 1, 1]} : vector<16x128x128xf32> to vector<1x128x128xf32>
    %squeeze3A_108 = vector.shape_cast %slice3A_107 : vector<1x128x128xf32> to vector<128x128xf32>
    %dot_general3A_109 = arith.constant dense<0.000000e+00> : vector<128x128xf32>
    %dot_general3A_110 = tpu.matmul %convert_element_type3A_48, %squeeze3A_108, %dot_general3A_109 {dimension_numbers = #tpu.dot_dimension_numbers<[1], [0], [0], [1], [0, 0, 1, 1], [], []>, transpose_lhs_hint = false} : vector<128x128xf32>, vector<128x128xf32>, vector<128x128xf32> -> vector<128x128xf32>
    %slice3A_111 = vector.extract_strided_slice %dot_general3A_50 {offsets = [127, 0], sizes = [1, 128], strides = [1, 1]} : vector<128x128xf32> to vector<1x128xf32>
    %slice3A_112 = vector.extract_strided_slice %dot_general3A_54 {offsets = [127, 0], sizes = [1, 128], strides = [1, 1]} : vector<128x128xf32> to vector<1x128xf32>
    %slice3A_113 = vector.extract_strided_slice %dot_general3A_58 {offsets = [127, 0], sizes = [1, 128], strides = [1, 1]} : vector<128x128xf32> to vector<1x128xf32>
    %slice3A_114 = vector.extract_strided_slice %dot_general3A_62 {offsets = [127, 0], sizes = [1, 128], strides = [1, 1]} : vector<128x128xf32> to vector<1x128xf32>
    %slice3A_115 = vector.extract_strided_slice %dot_general3A_66 {offsets = [127, 0], sizes = [1, 128], strides = [1, 1]} : vector<128x128xf32> to vector<1x128xf32>
    %slice3A_116 = vector.extract_strided_slice %dot_general3A_70 {offsets = [127, 0], sizes = [1, 128], strides = [1, 1]} : vector<128x128xf32> to vector<1x128xf32>
    %slice3A_117 = vector.extract_strided_slice %dot_general3A_74 {offsets = [127, 0], sizes = [1, 128], strides = [1, 1]} : vector<128x128xf32> to vector<1x128xf32>
    %slice3A_118 = vector.extract_strided_slice %dot_general3A_78 {offsets = [127, 0], sizes = [1, 128], strides = [1, 1]} : vector<128x128xf32> to vector<1x128xf32>
    %slice3A_119 = vector.extract_strided_slice %dot_general3A_82 {offsets = [127, 0], sizes = [1, 128], strides = [1, 1]} : vector<128x128xf32> to vector<1x128xf32>
    %slice3A_120 = vector.extract_strided_slice %dot_general3A_86 {offsets = [127, 0], sizes = [1, 128], strides = [1, 1]} : vector<128x128xf32> to vector<1x128xf32>
    %slice3A_121 = vector.extract_strided_slice %dot_general3A_90 {offsets = [127, 0], sizes = [1, 128], strides = [1, 1]} : vector<128x128xf32> to vector<1x128xf32>
    %slice3A_122 = vector.extract_strided_slice %dot_general3A_94 {offsets = [127, 0], sizes = [1, 128], strides = [1, 1]} : vector<128x128xf32> to vector<1x128xf32>
    %slice3A_123 = vector.extract_strided_slice %dot_general3A_98 {offsets = [127, 0], sizes = [1, 128], strides = [1, 1]} : vector<128x128xf32> to vector<1x128xf32>
    %slice3A_124 = vector.extract_strided_slice %dot_general3A_102 {offsets = [127, 0], sizes = [1, 128], strides = [1, 1]} : vector<128x128xf32> to vector<1x128xf32>
    %slice3A_125 = vector.extract_strided_slice %dot_general3A_106 {offsets = [127, 0], sizes = [1, 128], strides = [1, 1]} : vector<128x128xf32> to vector<1x128xf32>
    %slice3A_126 = vector.extract_strided_slice %dot_general3A_110 {offsets = [127, 0], sizes = [1, 128], strides = [1, 1]} : vector<128x128xf32> to vector<1x128xf32>
    %concatenate3A = tpu.concatenate %slice3A_111, %slice3A_112, %slice3A_113, %slice3A_114, %slice3A_115, %slice3A_116, %slice3A_117, %slice3A_118, %slice3A_119, %slice3A_120, %slice3A_121, %slice3A_122, %slice3A_123, %slice3A_124, %slice3A_125, %slice3A_126 in 0 : vector<1x128xf32>, vector<1x128xf32>, vector<1x128xf32>, vector<1x128xf32>, vector<1x128xf32>, vector<1x128xf32>, vector<1x128xf32>, vector<1x128xf32>, vector<1x128xf32>, vector<1x128xf32>, vector<1x128xf32>, vector<1x128xf32>, vector<1x128xf32>, vector<1x128xf32>, vector<1x128xf32>, vector<1x128xf32> -> vector<16x128xf32>
    %iota3A_127 = tpu.iota {dimensions = array<i32: 0>} : vector<16x16xi32>
    %iota3A_128 = tpu.iota {dimensions = array<i32: 1>} : vector<16x16xi32>
    %lt3A_129 = arith.cmpi slt, %iota3A_128, %iota3A_127 : vector<16x16xi32>
    %convert_element_type3A_130 = arith.extui %lt3A_129 : vector<16x16xi1> to vector<16x16xi32>
    %convert_element_type3A_131 = arith.sitofp %convert_element_type3A_130 : vector<16x16xi32> to vector<16x16xf32>
    %dot_general3A_132 = arith.constant dense<0.000000e+00> : vector<16x128xf32>
    %dot_general3A_133 = tpu.matmul %convert_element_type3A_131, %concatenate3A, %dot_general3A_132 {dimension_numbers = #tpu.dot_dimension_numbers<[1], [0], [0], [1], [0, 0, 1, 1], [], []>, transpose_lhs_hint = false} : vector<16x16xf32>, vector<16x128xf32>, vector<16x128xf32> -> vector<16x128xf32>
    %slice3A_134 = vector.extract_strided_slice %dot_general3A_133 {offsets = [0, 0], sizes = [1, 128], strides = [1, 1]} : vector<16x128xf32> to vector<1x128xf32>
    %add3A_135 = vector.broadcast %slice3A_134 : vector<1x128xf32> to vector<128x128xf32>
    %add3A_136 = arith.addf %add3A_135, %dot_general3A_50 : vector<128x128xf32>
    %slice3A_137 = vector.extract_strided_slice %reshape3A {offsets = [0, 0, 0], sizes = [1, 128, 128], strides = [1, 1, 1]} : vector<16x128x128xf32> to vector<1x128x128xf32>
    %squeeze3A_138 = vector.shape_cast %slice3A_137 : vector<1x128x128xf32> to vector<128x128xf32>
    %sub3A_139 = arith.subf %add3A_136, %squeeze3A_138 : vector<128x128xf32>
    %slice3A_140 = vector.extract_strided_slice %dot_general3A_133 {offsets = [1, 0], sizes = [1, 128], strides = [1, 1]} : vector<16x128xf32> to vector<1x128xf32>
    %add3A_141 = vector.broadcast %slice3A_140 : vector<1x128xf32> to vector<128x128xf32>
    %add3A_142 = arith.addf %add3A_141, %dot_general3A_54 : vector<128x128xf32>
    %slice3A_143 = vector.extract_strided_slice %reshape3A {offsets = [1, 0, 0], sizes = [1, 128, 128], strides = [1, 1, 1]} : vector<16x128x128xf32> to vector<1x128x128xf32>
    %squeeze3A_144 = vector.shape_cast %slice3A_143 : vector<1x128x128xf32> to vector<128x128xf32>
    %sub3A_145 = arith.subf %add3A_142, %squeeze3A_144 : vector<128x128xf32>
    %slice3A_146 = vector.extract_strided_slice %dot_general3A_133 {offsets = [2, 0], sizes = [1, 128], strides = [1, 1]} : vector<16x128xf32> to vector<1x128xf32>
    %add3A_147 = vector.broadcast %slice3A_146 : vector<1x128xf32> to vector<128x128xf32>
    %add3A_148 = arith.addf %add3A_147, %dot_general3A_58 : vector<128x128xf32>
    %slice3A_149 = vector.extract_strided_slice %reshape3A {offsets = [2, 0, 0], sizes = [1, 128, 128], strides = [1, 1, 1]} : vector<16x128x128xf32> to vector<1x128x128xf32>
    %squeeze3A_150 = vector.shape_cast %slice3A_149 : vector<1x128x128xf32> to vector<128x128xf32>
    %sub3A_151 = arith.subf %add3A_148, %squeeze3A_150 : vector<128x128xf32>
    %slice3A_152 = vector.extract_strided_slice %dot_general3A_133 {offsets = [3, 0], sizes = [1, 128], strides = [1, 1]} : vector<16x128xf32> to vector<1x128xf32>
    %add3A_153 = vector.broadcast %slice3A_152 : vector<1x128xf32> to vector<128x128xf32>
    %add3A_154 = arith.addf %add3A_153, %dot_general3A_62 : vector<128x128xf32>
    %slice3A_155 = vector.extract_strided_slice %reshape3A {offsets = [3, 0, 0], sizes = [1, 128, 128], strides = [1, 1, 1]} : vector<16x128x128xf32> to vector<1x128x128xf32>
    %squeeze3A_156 = vector.shape_cast %slice3A_155 : vector<1x128x128xf32> to vector<128x128xf32>
    %sub3A_157 = arith.subf %add3A_154, %squeeze3A_156 : vector<128x128xf32>
    %slice3A_158 = vector.extract_strided_slice %dot_general3A_133 {offsets = [4, 0], sizes = [1, 128], strides = [1, 1]} : vector<16x128xf32> to vector<1x128xf32>
    %add3A_159 = vector.broadcast %slice3A_158 : vector<1x128xf32> to vector<128x128xf32>
    %add3A_160 = arith.addf %add3A_159, %dot_general3A_66 : vector<128x128xf32>
    %slice3A_161 = vector.extract_strided_slice %reshape3A {offsets = [4, 0, 0], sizes = [1, 128, 128], strides = [1, 1, 1]} : vector<16x128x128xf32> to vector<1x128x128xf32>
    %squeeze3A_162 = vector.shape_cast %slice3A_161 : vector<1x128x128xf32> to vector<128x128xf32>
    %sub3A_163 = arith.subf %add3A_160, %squeeze3A_162 : vector<128x128xf32>
    %slice3A_164 = vector.extract_strided_slice %dot_general3A_133 {offsets = [5, 0], sizes = [1, 128], strides = [1, 1]} : vector<16x128xf32> to vector<1x128xf32>
    %add3A_165 = vector.broadcast %slice3A_164 : vector<1x128xf32> to vector<128x128xf32>
    %add3A_166 = arith.addf %add3A_165, %dot_general3A_70 : vector<128x128xf32>
    %slice3A_167 = vector.extract_strided_slice %reshape3A {offsets = [5, 0, 0], sizes = [1, 128, 128], strides = [1, 1, 1]} : vector<16x128x128xf32> to vector<1x128x128xf32>
    %squeeze3A_168 = vector.shape_cast %slice3A_167 : vector<1x128x128xf32> to vector<128x128xf32>
    %sub3A_169 = arith.subf %add3A_166, %squeeze3A_168 : vector<128x128xf32>
    %slice3A_170 = vector.extract_strided_slice %dot_general3A_133 {offsets = [6, 0], sizes = [1, 128], strides = [1, 1]} : vector<16x128xf32> to vector<1x128xf32>
    %add3A_171 = vector.broadcast %slice3A_170 : vector<1x128xf32> to vector<128x128xf32>
    %add3A_172 = arith.addf %add3A_171, %dot_general3A_74 : vector<128x128xf32>
    %slice3A_173 = vector.extract_strided_slice %reshape3A {offsets = [6, 0, 0], sizes = [1, 128, 128], strides = [1, 1, 1]} : vector<16x128x128xf32> to vector<1x128x128xf32>
    %squeeze3A_174 = vector.shape_cast %slice3A_173 : vector<1x128x128xf32> to vector<128x128xf32>
    %sub3A_175 = arith.subf %add3A_172, %squeeze3A_174 : vector<128x128xf32>
    %slice3A_176 = vector.extract_strided_slice %dot_general3A_133 {offsets = [7, 0], sizes = [1, 128], strides = [1, 1]} : vector<16x128xf32> to vector<1x128xf32>
    %add3A_177 = vector.broadcast %slice3A_176 : vector<1x128xf32> to vector<128x128xf32>
    %add3A_178 = arith.addf %add3A_177, %dot_general3A_78 : vector<128x128xf32>
    %slice3A_179 = vector.extract_strided_slice %reshape3A {offsets = [7, 0, 0], sizes = [1, 128, 128], strides = [1, 1, 1]} : vector<16x128x128xf32> to vector<1x128x128xf32>
    %squeeze3A_180 = vector.shape_cast %slice3A_179 : vector<1x128x128xf32> to vector<128x128xf32>
    %sub3A_181 = arith.subf %add3A_178, %squeeze3A_180 : vector<128x128xf32>
    %slice3A_182 = vector.extract_strided_slice %dot_general3A_133 {offsets = [8, 0], sizes = [1, 128], strides = [1, 1]} : vector<16x128xf32> to vector<1x128xf32>
    %add3A_183 = vector.broadcast %slice3A_182 : vector<1x128xf32> to vector<128x128xf32>
    %add3A_184 = arith.addf %add3A_183, %dot_general3A_82 : vector<128x128xf32>
    %slice3A_185 = vector.extract_strided_slice %reshape3A {offsets = [8, 0, 0], sizes = [1, 128, 128], strides = [1, 1, 1]} : vector<16x128x128xf32> to vector<1x128x128xf32>
    %squeeze3A_186 = vector.shape_cast %slice3A_185 : vector<1x128x128xf32> to vector<128x128xf32>
    %sub3A_187 = arith.subf %add3A_184, %squeeze3A_186 : vector<128x128xf32>
    %slice3A_188 = vector.extract_strided_slice %dot_general3A_133 {offsets = [9, 0], sizes = [1, 128], strides = [1, 1]} : vector<16x128xf32> to vector<1x128xf32>
    %add3A_189 = vector.broadcast %slice3A_188 : vector<1x128xf32> to vector<128x128xf32>
    %add3A_190 = arith.addf %add3A_189, %dot_general3A_86 : vector<128x128xf32>
    %slice3A_191 = vector.extract_strided_slice %reshape3A {offsets = [9, 0, 0], sizes = [1, 128, 128], strides = [1, 1, 1]} : vector<16x128x128xf32> to vector<1x128x128xf32>
    %squeeze3A_192 = vector.shape_cast %slice3A_191 : vector<1x128x128xf32> to vector<128x128xf32>
    %sub3A_193 = arith.subf %add3A_190, %squeeze3A_192 : vector<128x128xf32>
    %slice3A_194 = vector.extract_strided_slice %dot_general3A_133 {offsets = [10, 0], sizes = [1, 128], strides = [1, 1]} : vector<16x128xf32> to vector<1x128xf32>
    %add3A_195 = vector.broadcast %slice3A_194 : vector<1x128xf32> to vector<128x128xf32>
    %add3A_196 = arith.addf %add3A_195, %dot_general3A_90 : vector<128x128xf32>
    %slice3A_197 = vector.extract_strided_slice %reshape3A {offsets = [10, 0, 0], sizes = [1, 128, 128], strides = [1, 1, 1]} : vector<16x128x128xf32> to vector<1x128x128xf32>
    %squeeze3A_198 = vector.shape_cast %slice3A_197 : vector<1x128x128xf32> to vector<128x128xf32>
    %sub3A_199 = arith.subf %add3A_196, %squeeze3A_198 : vector<128x128xf32>
    %slice3A_200 = vector.extract_strided_slice %dot_general3A_133 {offsets = [11, 0], sizes = [1, 128], strides = [1, 1]} : vector<16x128xf32> to vector<1x128xf32>
    %add3A_201 = vector.broadcast %slice3A_200 : vector<1x128xf32> to vector<128x128xf32>
    %add3A_202 = arith.addf %add3A_201, %dot_general3A_94 : vector<128x128xf32>
    %slice3A_203 = vector.extract_strided_slice %reshape3A {offsets = [11, 0, 0], sizes = [1, 128, 128], strides = [1, 1, 1]} : vector<16x128x128xf32> to vector<1x128x128xf32>
    %squeeze3A_204 = vector.shape_cast %slice3A_203 : vector<1x128x128xf32> to vector<128x128xf32>
    %sub3A_205 = arith.subf %add3A_202, %squeeze3A_204 : vector<128x128xf32>
    %slice3A_206 = vector.extract_strided_slice %dot_general3A_133 {offsets = [12, 0], sizes = [1, 128], strides = [1, 1]} : vector<16x128xf32> to vector<1x128xf32>
    %add3A_207 = vector.broadcast %slice3A_206 : vector<1x128xf32> to vector<128x128xf32>
    %add3A_208 = arith.addf %add3A_207, %dot_general3A_98 : vector<128x128xf32>
    %slice3A_209 = vector.extract_strided_slice %reshape3A {offsets = [12, 0, 0], sizes = [1, 128, 128], strides = [1, 1, 1]} : vector<16x128x128xf32> to vector<1x128x128xf32>
    %squeeze3A_210 = vector.shape_cast %slice3A_209 : vector<1x128x128xf32> to vector<128x128xf32>
    %sub3A_211 = arith.subf %add3A_208, %squeeze3A_210 : vector<128x128xf32>
    %slice3A_212 = vector.extract_strided_slice %dot_general3A_133 {offsets = [13, 0], sizes = [1, 128], strides = [1, 1]} : vector<16x128xf32> to vector<1x128xf32>
    %add3A_213 = vector.broadcast %slice3A_212 : vector<1x128xf32> to vector<128x128xf32>
    %add3A_214 = arith.addf %add3A_213, %dot_general3A_102 : vector<128x128xf32>
    %slice3A_215 = vector.extract_strided_slice %reshape3A {offsets = [13, 0, 0], sizes = [1, 128, 128], strides = [1, 1, 1]} : vector<16x128x128xf32> to vector<1x128x128xf32>
    %squeeze3A_216 = vector.shape_cast %slice3A_215 : vector<1x128x128xf32> to vector<128x128xf32>
    %sub3A_217 = arith.subf %add3A_214, %squeeze3A_216 : vector<128x128xf32>
    %slice3A_218 = vector.extract_strided_slice %dot_general3A_133 {offsets = [14, 0], sizes = [1, 128], strides = [1, 1]} : vector<16x128xf32> to vector<1x128xf32>
    %add3A_219 = vector.broadcast %slice3A_218 : vector<1x128xf32> to vector<128x128xf32>
    %add3A_220 = arith.addf %add3A_219, %dot_general3A_106 : vector<128x128xf32>
    %slice3A_221 = vector.extract_strided_slice %reshape3A {offsets = [14, 0, 0], sizes = [1, 128, 128], strides = [1, 1, 1]} : vector<16x128x128xf32> to vector<1x128x128xf32>
    %squeeze3A_222 = vector.shape_cast %slice3A_221 : vector<1x128x128xf32> to vector<128x128xf32>
    %sub3A_223 = arith.subf %add3A_220, %squeeze3A_222 : vector<128x128xf32>
    %slice3A_224 = vector.extract_strided_slice %dot_general3A_133 {offsets = [15, 0], sizes = [1, 128], strides = [1, 1]} : vector<16x128xf32> to vector<1x128xf32>
    %add3A_225 = vector.broadcast %slice3A_224 : vector<1x128xf32> to vector<128x128xf32>
    %add3A_226 = arith.addf %add3A_225, %dot_general3A_110 : vector<128x128xf32>
    %slice3A_227 = vector.extract_strided_slice %reshape3A {offsets = [15, 0, 0], sizes = [1, 128, 128], strides = [1, 1, 1]} : vector<16x128x128xf32> to vector<1x128x128xf32>
    %squeeze3A_228 = vector.shape_cast %slice3A_227 : vector<1x128x128xf32> to vector<128x128xf32>
    %sub3A_229 = arith.subf %add3A_226, %squeeze3A_228 : vector<128x128xf32>
    %concatenate3A_230 = tpu.concatenate %sub3A_139, %sub3A_145, %sub3A_151, %sub3A_157, %sub3A_163, %sub3A_169, %sub3A_175, %sub3A_181, %sub3A_187, %sub3A_193, %sub3A_199, %sub3A_205, %sub3A_211, %sub3A_217, %sub3A_223, %sub3A_229 in 0 : vector<128x128xf32>, vector<128x128xf32>, vector<128x128xf32>, vector<128x128xf32>, vector<128x128xf32>, vector<128x128xf32>, vector<128x128xf32>, vector<128x128xf32>, vector<128x128xf32>, vector<128x128xf32>, vector<128x128xf32>, vector<128x128xf32>, vector<128x128xf32>, vector<128x128xf32>, vector<128x128xf32>, vector<128x128xf32> -> vector<2048x128xf32>
    %slice3A_231 = vector.extract_strided_slice %dot_general3A_133 {offsets = [15, 0], sizes = [1, 128], strides = [1, 1]} : vector<16x128xf32> to vector<1x128xf32>
    %slice3A_232 = vector.extract_strided_slice %concatenate3A {offsets = [15, 0], sizes = [1, 128], strides = [1, 1]} : vector<16x128xf32> to vector<1x128xf32>
    %add3A_233 = arith.addf %slice3A_231, %slice3A_232 : vector<1x128xf32>
    %mul3A = arith.constant 0.001953125 : f32
    %mul3A_234 = vector.broadcast %mul3A : f32 to vector<1x128xf32>
    %mul3A_235 = arith.mulf %add3A_233, %mul3A_234 : vector<1x128xf32>
    %ceil3A = math.ceil %mul3A_235 : vector<1x128xf32>
    %mul3A_236 = arith.constant 5.120000e+02 : f32
    %mul3A_237 = vector.broadcast %mul3A_236 : f32 to vector<1x128xf32>
    %mul3A_238 = arith.mulf %ceil3A, %mul3A_237 : vector<1x128xf32>
    %iota3A_239 = tpu.iota {dimensions = array<i32: 0>} : vector<128x128xi32>
    %iota3A_240 = tpu.iota {dimensions = array<i32: 1>} : vector<128x128xi32>
    %lt3A_241 = arith.cmpi slt, %iota3A_239, %iota3A_240 : vector<128x128xi32>
    %convert_element_type3A_242 = arith.extui %lt3A_241 : vector<128x128xi1> to vector<128x128xi32>
    %convert_element_type3A_243 = arith.sitofp %convert_element_type3A_242 : vector<128x128xi32> to vector<128x128xf32>
    %dot_general3A_244 = arith.constant dense<0.000000e+00> : vector<1x128xf32>
    %dot_general3A_245 = tpu.matmul %mul3A_238, %convert_element_type3A_243, %dot_general3A_244 {dimension_numbers = #tpu.dot_dimension_numbers<[1], [0], [0], [1], [0, 0, 1, 1], [], []>, transpose_lhs_hint = false} : vector<1x128xf32>, vector<128x128xf32>, vector<1x128xf32> -> vector<1x128xf32>
    %add3A_246 = vector.broadcast %dot_general3A_245 : vector<1x128xf32> to vector<2048x128xf32>
    %add3A_247 = arith.addf %add3A_246, %concatenate3A_230 : vector<2048x128xf32>
    %jit3A_248 = arith.constant 0.000000e+00 : f32
    %broadcast_in_dim3A_249 = vector.broadcast %jit3A_248 : f32 to vector<2048x128xf32>
    %select_n3A_250 = arith.select %eq3A_16, %add3A_247, %broadcast_in_dim3A_249 : vector<2048x128xi1>, vector<2048x128xf32>
    %reduce_sum3A = arith.constant dense<0.000000e+00> : vector<2048xf32>
    %reduce_sum3A_251 = vector.multi_reduction <add>, %select_n3A_250, %reduce_sum3A [1] : vector<2048x128xf32> to vector<2048xf32>
    %broadcast_in_dim3A_252 = vector.shape_cast %reduce_sum3A_251 : vector<2048xf32> to vector<2048x1xf32>
    %add3A_253 = vector.broadcast %dot_general3A_245 : vector<1x128xf32> to vector<2048x128xf32>
    %add3A_254 = arith.addf %add3A_253, %concatenate3A_230 : vector<2048x128xf32>
    %jit3A_255 = arith.constant 0.000000e+00 : f32
    %broadcast_in_dim3A_256 = vector.broadcast %jit3A_255 : f32 to vector<2048x128xf32>
    %select_n3A_257 = arith.select %eq3A_32, %add3A_254, %broadcast_in_dim3A_256 : vector<2048x128xi1>, vector<2048x128xf32>
    %reduce_sum3A_258 = arith.constant dense<0.000000e+00> : vector<2048xf32>
    %reduce_sum3A_259 = vector.multi_reduction <add>, %select_n3A_257, %reduce_sum3A_258 [1] : vector<2048x128xf32> to vector<2048xf32>
    %broadcast_in_dim3A_260 = vector.shape_cast %reduce_sum3A_259 : vector<2048xf32> to vector<2048x1xf32>
    %convert_element_type3A_261 = arith.fptosi %broadcast_in_dim3A_252 : vector<2048x1xf32> to vector<2048x1xi32>
    %swap3A = arith.constant 0 : index
    %swap3A_262 = arith.constant 0 : index
    %swap3A_263 = vector.load %arg2[%swap3A, %swap3A_262] : memref<2048x1xi32, #tpu.memory_space<vmem>>, vector<2048x1xi32>
    tpu.vector_store %arg2[%swap3A, %swap3A_262], %convert_element_type3A_261 {strides = array<i32>} : memref<2048x1xi32, #tpu.memory_space<vmem>>, vector<2048x1xi32>,
    %convert_element_type3A_264 = arith.fptosi %broadcast_in_dim3A_260 : vector<2048x1xf32> to vector<2048x1xi32>
    %swap3A_265 = arith.constant 0 : index
    %swap3A_266 = arith.constant 0 : index
    %swap3A_267 = vector.load %arg3[%swap3A_265, %swap3A_266] : memref<2048x1xi32, #tpu.memory_space<vmem>>, vector<2048x1xi32>
    tpu.vector_store %arg3[%swap3A_265, %swap3A_266], %convert_element_type3A_264 {strides = array<i32>} : memref<2048x1xi32, #tpu.memory_space<vmem>>, vector<2048x1xi32>,
    %lt3A_268 = arith.constant 64 : i32
    %lt3A_269 = vector.broadcast %lt3A_268 : i32 to vector<2048x128xi32>
    %lt3A_270 = arith.cmpi slt, %iota3A, %lt3A_269 : vector<2048x128xi32>
    %broadcast_in_dim3A_271 = vector.shape_cast %div3A_36 : vector<2048x1xf32> to vector<2048x1xf32>
    %broadcast_in_dim3A_272 = vector.broadcast %broadcast_in_dim3A_271 : vector<2048x1xf32> to vector<2048x128xf32>
    %broadcast_in_dim3A_273 = vector.shape_cast %sub3A_39 : vector<2048x1xf32> to vector<2048x1xf32>
    %broadcast_in_dim3A_274 = vector.broadcast %broadcast_in_dim3A_273 : vector<2048x1xf32> to vector<2048x128xf32>
    %select_n3A_275 = arith.select %lt3A_270, %broadcast_in_dim3A_272, %broadcast_in_dim3A_274 : vector<2048x128xi1>, vector<2048x128xf32>
    %swap3A_276 = arith.constant 0 : index
    %swap3A_277 = arith.constant 0 : index
    %swap3A_278 = vector.load %arg4[%swap3A_276, %swap3A_277] : memref<2048x128xf32, #tpu.memory_space<vmem>>, vector<2048x128xf32>
    tpu.vector_store %arg4[%swap3A_276, %swap3A_277], %select_n3A_275 {strides = array<i32>} : memref<2048x128xf32, #tpu.memory_space<vmem>>, vector<2048x128xf32>,
    %iota3A_279 = tpu.iota {dimensions = array<i32: 0>} : vector<128x128xi32>
    %mul3A_280 = arith.constant 512 : i32
    %mul3A_281 = vector.broadcast %mul3A_280 : i32 to vector<128x128xi32>
    %mul3A_282 = arith.muli %iota3A_279, %mul3A_281 : vector<128x128xi32>
    %convert_element_type3A_283 = arith.sitofp %mul3A_282 : vector<128x128xi32> to vector<128x128xf32>
    %le3A = vector.broadcast %dot_general3A_245 : vector<1x128xf32> to vector<128x128xf32>
    %le3A_284 = arith.cmpf ole, %le3A, %convert_element_type3A_283 : vector<128x128xf32>
    %lt3A_285 = arith.constant 8 : i32
    %lt3A_286 = vector.broadcast %lt3A_285 : i32 to vector<128x128xi32>
    %lt3A_287 = arith.cmpi slt, %iota3A_240, %lt3A_286 : vector<128x128xi32>
    %and3A = arith.andi %le3A_284, %lt3A_287 : vector<128x128xi1>
    %convert_element_type3A_288 = arith.extui %and3A : vector<128x128xi1> to vector<128x128xi32>
    %convert_element_type3A_289 = arith.sitofp %convert_element_type3A_288 : vector<128x128xi32> to vector<128x128xf32>
    %reduce_sum3A_290 = arith.constant dense<0.000000e+00> : vector<128xf32>
    %reduce_sum3A_291 = vector.multi_reduction <add>, %convert_element_type3A_289, %reduce_sum3A_290 [1] : vector<128x128xf32> to vector<128xf32>
    %broadcast_in_dim3A_292 = vector.shape_cast %reduce_sum3A_291 : vector<128xf32> to vector<128x1xf32>
    %sub3A_293 = arith.constant 1.000000e+00 : f32
    %sub3A_294 = vector.broadcast %sub3A_293 : f32 to vector<128x1xf32>
    %sub3A_295 = arith.subf %broadcast_in_dim3A_292, %sub3A_294 : vector<128x1xf32>
    %slice3A_296 = vector.extract_strided_slice %iota3A_240 {offsets = [0, 0], sizes = [1, 128], strides = [1, 1]} : vector<128x128xi32> to vector<1x128xi32>
    %lt3A_297 = arith.constant 8 : i32
    %lt3A_298 = vector.broadcast %lt3A_297 : i32 to vector<1x128xi32>
    %lt3A_299 = arith.cmpi slt, %slice3A_296, %lt3A_298 : vector<1x128xi32>
    %jit3A_300 = arith.constant 0.000000e+00 : f32
    %broadcast_in_dim3A_301 = vector.broadcast %jit3A_300 : f32 to vector<1x128xf32>
    %select_n3A_302 = arith.select %lt3A_299, %mul3A_238, %broadcast_in_dim3A_301 : vector<1x128xi1>, vector<1x128xf32>
    %reduce_sum3A_303 = arith.constant dense<0.000000e+00> : vector<1xf32>
    %reduce_sum3A_304 = vector.multi_reduction <add>, %select_n3A_302, %reduce_sum3A_303 [1] : vector<1x128xf32> to vector<1xf32>
    %broadcast_in_dim3A_305 = vector.shape_cast %reduce_sum3A_304 : vector<1xf32> to vector<1x1xf32>
    %slice3A_306 = vector.extract_strided_slice %convert_element_type3A_283 {offsets = [0, 0], sizes = [128, 1], strides = [1, 1]} : vector<128x128xf32> to vector<128x1xf32>
    %lt3A_307 = vector.broadcast %broadcast_in_dim3A_305 : vector<1x1xf32> to vector<128x1xf32>
    %lt3A_308 = arith.cmpf olt, %slice3A_306, %lt3A_307 : vector<128x1xf32>
    %add3A_309 = arith.constant 8.000000e+00 : f32
    %add3A_310 = vector.broadcast %add3A_309 : f32 to vector<128x1xf32>
    %add3A_311 = arith.addf %sub3A_295, %add3A_310 : vector<128x1xf32>
    %select_n3A_312 = arith.select %lt3A_308, %sub3A_295, %add3A_311 : vector<128x1xi1>, vector<128x1xf32>
    %broadcast_in_dim3A_313 = vector.shape_cast %select_n3A_312 : vector<128x1xf32> to vector<128x1xf32>
    %broadcast_in_dim3A_314 = vector.broadcast %broadcast_in_dim3A_313 : vector<128x1xf32> to vector<128x8xf32>
    %convert_element_type3A_315 = arith.fptosi %broadcast_in_dim3A_314 : vector<128x8xf32> to vector<128x8xi32>
    %swap3A_316 = arith.constant 0 : index
    %swap3A_317 = arith.constant 0 : index
    %swap3A_318 = vector.load %arg5[%swap3A_316, %swap3A_317] : memref<128x8xi32, #tpu.memory_space<vmem>>, vector<128x8xi32>
    tpu.vector_store %arg5[%swap3A_316, %swap3A_317], %convert_element_type3A_315 {strides = array<i32>} : memref<128x8xi32, #tpu.memory_space<vmem>>, vector<128x8xi32>,
    return
  }
}

module attributes {stable_mosaic.version = 14 : i64} {
  func.func @_ffn_body(%arg0: i32, %arg1: memref<128x8xi32, #tpu.memory_space<smem>>, %arg2: memref<512x768xf32, #tpu.memory_space<vmem>>, %arg3: memref<1x768x1024xf32, #tpu.memory_space<vmem>>, %arg4: memref<1x1x1024xf32, #tpu.memory_space<vmem>>, %arg5: memref<1x1024x768xf32, #tpu.memory_space<vmem>>, %arg6: memref<1x1x768xf32, #tpu.memory_space<vmem>>, %arg7: memref<512x768xf32, #tpu.memory_space<vmem>>) attributes {dimension_semantics = [#tpu.dimension_semantics<arbitrary>], iteration_bounds = array<i64: 16>, scalar_prefetch = 1 : i64, scratch_operands = 0 : i64, tpu.core_type = #tpu.core_type<tc>, window_params = [{transform_indices = @transform_0, window_bounds = array<i64: 512, 768>}, {transform_indices = @transform_1, window_bounds = array<i64: 1, 768, 1024>}, {transform_indices = @transform_2, window_bounds = array<i64: 1, 1, 1024>}, {transform_indices = @transform_3, window_bounds = array<i64: 1, 1024, 768>}, {transform_indices = @transform_4, window_bounds = array<i64: 1, 1, 768>}, {transform_indices = @transform_5, window_bounds = array<i64: 512, 768>}]} {
    %get3A = arith.index_cast %arg0 : i32 to index
    %get3A_0 = arith.constant 0 : index
    %get3A_1 = memref.load %arg1[%get3A, %get3A_0] : memref<128x8xi32, #tpu.memory_space<smem>>
    %lt3A = arith.constant 8 : i32
    %lt3A_2 = arith.cmpi slt, %get3A_1, %lt3A : i32
    %convert_element_type3A = arith.extui %lt3A_2 : i1 to i32
    %cond3A = arith.constant 0 : i32
    %cond3A_3 = arith.cmpi ne, %convert_element_type3A, %cond3A : i32
    scf.if %cond3A_3 {
      %get3A_4 = arith.constant 0 : index
      %get3A_5 = arith.constant 0 : index
      %get3A_6 = vector.load %arg2[%get3A_4, %get3A_5] : memref<512x768xf32, #tpu.memory_space<vmem>>, vector<512x768xf32>
      %get3A_7 = arith.constant 0 : index
      %get3A_8 = arith.constant 0 : index
      %get3A_9 = arith.constant 0 : index
      %get3A_10 = vector.load %arg3[%get3A_7, %get3A_8, %get3A_9] : memref<1x768x1024xf32, #tpu.memory_space<vmem>>, vector<1x768x1024xf32>
      %get3A_11 = vector.shape_cast %get3A_10 : vector<1x768x1024xf32> to vector<768x1024xf32>
      %dot_general3A = arith.constant dense<0.000000e+00> : vector<512x1024xf32>
      %dot_general3A_12 = tpu.matmul %get3A_6, %get3A_11, %dot_general3A {dimension_numbers = #tpu.dot_dimension_numbers<[1], [0], [0], [1], [0, 0, 1, 1], [], []>, transpose_lhs_hint = false} : vector<512x768xf32>, vector<768x1024xf32>, vector<512x1024xf32> -> vector<512x1024xf32>
      %get3A_13 = arith.constant 0 : index
      %get3A_14 = arith.constant 0 : index
      %get3A_15 = arith.constant 0 : index
      %get3A_16 = vector.load %arg4[%get3A_13, %get3A_14, %get3A_15] : memref<1x1x1024xf32, #tpu.memory_space<vmem>>, vector<1x1x1024xf32>
      %get3A_17 = vector.shape_cast %get3A_16 : vector<1x1x1024xf32> to vector<1x1024xf32>
      %add3A = vector.broadcast %get3A_17 : vector<1x1024xf32> to vector<512x1024xf32>
      %add3A_18 = arith.addf %dot_general3A_12, %add3A : vector<512x1024xf32>
      %mul3A = arith.constant 0.707106769 : f32
      %mul3A_19 = vector.broadcast %mul3A : f32 to vector<512x1024xf32>
      %mul3A_20 = arith.mulf %add3A_18, %mul3A_19 : vector<512x1024xf32>
      %abs3A = math.absf %mul3A_20 : vector<512x1024xf32>
      %mul3A_21 = arith.constant 0.327591091 : f32
      %mul3A_22 = vector.broadcast %mul3A_21 : f32 to vector<512x1024xf32>
      %mul3A_23 = arith.mulf %mul3A_22, %abs3A : vector<512x1024xf32>
      %add3A_24 = arith.constant 1.000000e+00 : f32
      %add3A_25 = vector.broadcast %add3A_24 : f32 to vector<512x1024xf32>
      %add3A_26 = arith.addf %add3A_25, %mul3A_23 : vector<512x1024xf32>
      %div3A = arith.constant 1.000000e+00 : f32
      %div3A_27 = vector.broadcast %div3A : f32 to vector<512x1024xf32>
      %div3A_28 = arith.divf %div3A_27, %add3A_26 : vector<512x1024xf32>
      %mul3A_29 = arith.constant 1.06140542 : f32
      %mul3A_30 = vector.broadcast %mul3A_29 : f32 to vector<512x1024xf32>
      %mul3A_31 = arith.mulf %mul3A_30, %div3A_28 : vector<512x1024xf32>
      %sub3A = arith.constant 1.45315206 : f32
      %sub3A_32 = vector.broadcast %sub3A : f32 to vector<512x1024xf32>
      %sub3A_33 = arith.subf %mul3A_31, %sub3A_32 : vector<512x1024xf32>
      %mul3A_34 = arith.mulf %sub3A_33, %div3A_28 : vector<512x1024xf32>
      %add3A_35 = arith.constant 1.42141378 : f32
      %add3A_36 = vector.broadcast %add3A_35 : f32 to vector<512x1024xf32>
      %add3A_37 = arith.addf %mul3A_34, %add3A_36 : vector<512x1024xf32>
      %mul3A_38 = arith.mulf %add3A_37, %div3A_28 : vector<512x1024xf32>
      %sub3A_39 = arith.constant 0.284496725 : f32
      %sub3A_40 = vector.broadcast %sub3A_39 : f32 to vector<512x1024xf32>
      %sub3A_41 = arith.subf %mul3A_38, %sub3A_40 : vector<512x1024xf32>
      %mul3A_42 = arith.mulf %sub3A_41, %div3A_28 : vector<512x1024xf32>
      %add3A_43 = arith.constant 0.254829586 : f32
      %add3A_44 = vector.broadcast %add3A_43 : f32 to vector<512x1024xf32>
      %add3A_45 = arith.addf %mul3A_42, %add3A_44 : vector<512x1024xf32>
      %mul3A_46 = arith.mulf %add3A_45, %div3A_28 : vector<512x1024xf32>
      %neg3A = arith.constant 0.000000e+00 : f32
      %neg3A_47 = vector.broadcast %neg3A : f32 to vector<512x1024xf32>
      %neg3A_48 = arith.subf %neg3A_47, %abs3A : vector<512x1024xf32>
      %mul3A_49 = arith.mulf %neg3A_48, %abs3A : vector<512x1024xf32>
      %exp3A = math.exp %mul3A_49 : vector<512x1024xf32>
      %mul3A_50 = arith.mulf %mul3A_46, %exp3A : vector<512x1024xf32>
      %sub3A_51 = arith.constant 1.000000e+00 : f32
      %sub3A_52 = vector.broadcast %sub3A_51 : f32 to vector<512x1024xf32>
      %sub3A_53 = arith.subf %sub3A_52, %mul3A_50 : vector<512x1024xf32>
      %lt3A_54 = arith.constant 0.000000e+00 : f32
      %lt3A_55 = vector.broadcast %lt3A_54 : f32 to vector<512x1024xf32>
      %lt3A_56 = arith.cmpf olt, %mul3A_20, %lt3A_55 : vector<512x1024xf32>
      %neg3A_57 = arith.constant 0.000000e+00 : f32
      %neg3A_58 = vector.broadcast %neg3A_57 : f32 to vector<512x1024xf32>
      %neg3A_59 = arith.subf %neg3A_58, %sub3A_53 : vector<512x1024xf32>
      %select_n3A = arith.select %lt3A_56, %neg3A_59, %sub3A_53 : vector<512x1024xi1>, vector<512x1024xf32>
      %mul3A_60 = arith.constant 5.000000e-01 : f32
      %mul3A_61 = vector.broadcast %mul3A_60 : f32 to vector<512x1024xf32>
      %mul3A_62 = arith.mulf %mul3A_61, %add3A_18 : vector<512x1024xf32>
      %add3A_63 = arith.constant 1.000000e+00 : f32
      %add3A_64 = vector.broadcast %add3A_63 : f32 to vector<512x1024xf32>
      %add3A_65 = arith.addf %add3A_64, %select_n3A : vector<512x1024xf32>
      %mul3A_66 = arith.mulf %mul3A_62, %add3A_65 : vector<512x1024xf32>
      %get3A_67 = arith.constant 0 : index
      %get3A_68 = arith.constant 0 : index
      %get3A_69 = arith.constant 0 : index
      %get3A_70 = vector.load %arg5[%get3A_67, %get3A_68, %get3A_69] : memref<1x1024x768xf32, #tpu.memory_space<vmem>>, vector<1x1024x768xf32>
      %get3A_71 = vector.shape_cast %get3A_70 : vector<1x1024x768xf32> to vector<1024x768xf32>
      %dot_general3A_72 = arith.constant dense<0.000000e+00> : vector<512x768xf32>
      %dot_general3A_73 = tpu.matmul %mul3A_66, %get3A_71, %dot_general3A_72 {dimension_numbers = #tpu.dot_dimension_numbers<[1], [0], [0], [1], [0, 0, 1, 1], [], []>, transpose_lhs_hint = false} : vector<512x1024xf32>, vector<1024x768xf32>, vector<512x768xf32> -> vector<512x768xf32>
      %get3A_74 = arith.constant 0 : index
      %get3A_75 = arith.constant 0 : index
      %get3A_76 = arith.constant 0 : index
      %get3A_77 = vector.load %arg6[%get3A_74, %get3A_75, %get3A_76] : memref<1x1x768xf32, #tpu.memory_space<vmem>>, vector<1x1x768xf32>
      %get3A_78 = vector.shape_cast %get3A_77 : vector<1x1x768xf32> to vector<1x768xf32>
      %add3A_79 = vector.broadcast %get3A_78 : vector<1x768xf32> to vector<512x768xf32>
      %add3A_80 = arith.addf %dot_general3A_73, %add3A_79 : vector<512x768xf32>
      %swap3A = arith.constant 0 : index
      %swap3A_81 = arith.constant 0 : index
      %swap3A_82 = vector.load %arg7[%swap3A, %swap3A_81] : memref<512x768xf32, #tpu.memory_space<vmem>>, vector<512x768xf32>
      tpu.vector_store %arg7[%swap3A, %swap3A_81], %add3A_80 {strides = array<i32>} : memref<512x768xf32, #tpu.memory_space<vmem>>, vector<512x768xf32>,
    } else {
    }
    return
  }
  func.func @transform_0(%arg0: i32, %arg1: memref<128x8xi32, #tpu.memory_space<smem>>) -> (i32, i32) {
    %get3A = arith.index_cast %arg0 : i32 to index
    %get3A_0 = arith.constant 0 : index
    %get3A_1 = memref.load %arg1[%get3A, %get3A_0] : memref<128x8xi32, #tpu.memory_space<smem>>
    %lt3A = arith.constant 8 : i32
    %lt3A_2 = arith.cmpi slt, %get3A_1, %lt3A : i32
    %jit3A = arith.constant 0 : i32
    %select_n3A = arith.select %lt3A_2, %arg0, %jit3A : i32
    %c0_i32 = arith.constant 0 : i32
    %c0_i32_3 = arith.constant 0 : i32
    return %select_n3A, %c0_i32 : i32, i32
  }
  func.func @transform_1(%arg0: i32, %arg1: memref<128x8xi32, #tpu.memory_space<smem>>) -> (i32, i32, i32) {
    %get3A = arith.index_cast %arg0 : i32 to index
    %get3A_0 = arith.constant 0 : index
    %get3A_1 = memref.load %arg1[%get3A, %get3A_0] : memref<128x8xi32, #tpu.memory_space<smem>>
    %jit3A = arith.constant 8 : i32
    %eq3A = arith.constant 0 : i32
    %eq3A_2 = arith.cmpi eq, %jit3A, %eq3A : i32
    %jit3A_3 = arith.constant 1 : i32
    %select_n3A = arith.select %eq3A_2, %jit3A_3, %jit3A : i32
    %rem3A = arith.remsi %get3A_1, %select_n3A : i32
    %ne3A = arith.constant 0 : i32
    %ne3A_4 = arith.cmpi ne, %rem3A, %ne3A : i32
    %lt3A = arith.constant 0 : i32
    %lt3A_5 = arith.cmpi slt, %rem3A, %lt3A : i32
    %lt3A_6 = arith.constant 0 : i32
    %lt3A_7 = arith.cmpi slt, %select_n3A, %lt3A_6 : i32
    %ne3A_8 = arith.xori %lt3A_5, %lt3A_7 : i1
    %and3A = arith.andi %ne3A_8, %ne3A_4 : i1
    %add3A = arith.addi %rem3A, %select_n3A : i32
    %select_n3A_9 = arith.select %and3A, %add3A, %rem3A : i32
    %c0_i32 = arith.constant 0 : i32
    %c0_i32_10 = arith.constant 0 : i32
    %c0_i32_11 = arith.constant 0 : i32
    return %select_n3A_9, %c0_i32, %c0_i32_10 : i32, i32, i32
  }
  func.func @transform_2(%arg0: i32, %arg1: memref<128x8xi32, #tpu.memory_space<smem>>) -> (i32, i32, i32) {
    %get3A = arith.index_cast %arg0 : i32 to index
    %get3A_0 = arith.constant 0 : index
    %get3A_1 = memref.load %arg1[%get3A, %get3A_0] : memref<128x8xi32, #tpu.memory_space<smem>>
    %jit3A = arith.constant 8 : i32
    %eq3A = arith.constant 0 : i32
    %eq3A_2 = arith.cmpi eq, %jit3A, %eq3A : i32
    %jit3A_3 = arith.constant 1 : i32
    %select_n3A = arith.select %eq3A_2, %jit3A_3, %jit3A : i32
    %rem3A = arith.remsi %get3A_1, %select_n3A : i32
    %ne3A = arith.constant 0 : i32
    %ne3A_4 = arith.cmpi ne, %rem3A, %ne3A : i32
    %lt3A = arith.constant 0 : i32
    %lt3A_5 = arith.cmpi slt, %rem3A, %lt3A : i32
    %lt3A_6 = arith.constant 0 : i32
    %lt3A_7 = arith.cmpi slt, %select_n3A, %lt3A_6 : i32
    %ne3A_8 = arith.xori %lt3A_5, %lt3A_7 : i1
    %and3A = arith.andi %ne3A_8, %ne3A_4 : i1
    %add3A = arith.addi %rem3A, %select_n3A : i32
    %select_n3A_9 = arith.select %and3A, %add3A, %rem3A : i32
    %c0_i32 = arith.constant 0 : i32
    %c0_i32_10 = arith.constant 0 : i32
    %c0_i32_11 = arith.constant 0 : i32
    return %select_n3A_9, %c0_i32, %c0_i32_10 : i32, i32, i32
  }
  func.func @transform_3(%arg0: i32, %arg1: memref<128x8xi32, #tpu.memory_space<smem>>) -> (i32, i32, i32) {
    %get3A = arith.index_cast %arg0 : i32 to index
    %get3A_0 = arith.constant 0 : index
    %get3A_1 = memref.load %arg1[%get3A, %get3A_0] : memref<128x8xi32, #tpu.memory_space<smem>>
    %jit3A = arith.constant 8 : i32
    %eq3A = arith.constant 0 : i32
    %eq3A_2 = arith.cmpi eq, %jit3A, %eq3A : i32
    %jit3A_3 = arith.constant 1 : i32
    %select_n3A = arith.select %eq3A_2, %jit3A_3, %jit3A : i32
    %rem3A = arith.remsi %get3A_1, %select_n3A : i32
    %ne3A = arith.constant 0 : i32
    %ne3A_4 = arith.cmpi ne, %rem3A, %ne3A : i32
    %lt3A = arith.constant 0 : i32
    %lt3A_5 = arith.cmpi slt, %rem3A, %lt3A : i32
    %lt3A_6 = arith.constant 0 : i32
    %lt3A_7 = arith.cmpi slt, %select_n3A, %lt3A_6 : i32
    %ne3A_8 = arith.xori %lt3A_5, %lt3A_7 : i1
    %and3A = arith.andi %ne3A_8, %ne3A_4 : i1
    %add3A = arith.addi %rem3A, %select_n3A : i32
    %select_n3A_9 = arith.select %and3A, %add3A, %rem3A : i32
    %c0_i32 = arith.constant 0 : i32
    %c0_i32_10 = arith.constant 0 : i32
    %c0_i32_11 = arith.constant 0 : i32
    return %select_n3A_9, %c0_i32, %c0_i32_10 : i32, i32, i32
  }
  func.func @transform_4(%arg0: i32, %arg1: memref<128x8xi32, #tpu.memory_space<smem>>) -> (i32, i32, i32) {
    %get3A = arith.index_cast %arg0 : i32 to index
    %get3A_0 = arith.constant 0 : index
    %get3A_1 = memref.load %arg1[%get3A, %get3A_0] : memref<128x8xi32, #tpu.memory_space<smem>>
    %jit3A = arith.constant 8 : i32
    %eq3A = arith.constant 0 : i32
    %eq3A_2 = arith.cmpi eq, %jit3A, %eq3A : i32
    %jit3A_3 = arith.constant 1 : i32
    %select_n3A = arith.select %eq3A_2, %jit3A_3, %jit3A : i32
    %rem3A = arith.remsi %get3A_1, %select_n3A : i32
    %ne3A = arith.constant 0 : i32
    %ne3A_4 = arith.cmpi ne, %rem3A, %ne3A : i32
    %lt3A = arith.constant 0 : i32
    %lt3A_5 = arith.cmpi slt, %rem3A, %lt3A : i32
    %lt3A_6 = arith.constant 0 : i32
    %lt3A_7 = arith.cmpi slt, %select_n3A, %lt3A_6 : i32
    %ne3A_8 = arith.xori %lt3A_5, %lt3A_7 : i1
    %and3A = arith.andi %ne3A_8, %ne3A_4 : i1
    %add3A = arith.addi %rem3A, %select_n3A : i32
    %select_n3A_9 = arith.select %and3A, %add3A, %rem3A : i32
    %c0_i32 = arith.constant 0 : i32
    %c0_i32_10 = arith.constant 0 : i32
    %c0_i32_11 = arith.constant 0 : i32
    return %select_n3A_9, %c0_i32, %c0_i32_10 : i32, i32, i32
  }
  func.func @transform_5(%arg0: i32, %arg1: memref<128x8xi32, #tpu.memory_space<smem>>) -> (i32, i32) {
    %c0_i32 = arith.constant 0 : i32
    %c0_i32_0 = arith.constant 0 : i32
    return %arg0, %c0_i32 : i32, i32
  }
}

</mosaic_0001>

<sc_bundles>
// kernel: kernel.6.cloned.1.call-start
scs
__scs_entry_jumppad:
0x0: {  	(pc) =	sbr.rel $0x88, $3  }
0x1: {  	(tag) =	ssettag $0x0;
	lr =	simm.s32 $0x1  }
0x2: {  	[smem:$0x3F9B] =	sst lr;
	_ =	strace $0xD0000000  }
0x3: {  	_ = 	snop  }
0x4: {  	_ = 	snop  }
0x5: {  	_ = 	snop  }
0x6: {  	_ = 	snop  }
0x7: {  	_ = 	snop  }
__scs_overlays_trampoline_lowered:
0x8: {  	[smem:$0x3FAA] =	sst s0  }
0x9: {  	[smem:$0x3FAB] =	sst s1  }
0xa: {  	[smem:$0x3FAC] =	sst s2  }
0xb: {  	[smem:$0x3FAD] =	sst s3  }
0xc: {  	[smem:$0x3FAE] =	sst s4  }
0xd: {  	[smem:$0x3FAF] =	sst s5  }
0xe: {  	[smem:$0x3FB0] =	sst s6  }
0xf: {  	[smem:$0x3FB1] =	sst s7  }
0x10: {  	[smem:$0x3FB2] =	sst s8  }
0x11: {  	[smem:$0x3FB3] =	sst s9;
	s0 =	simm.s32 @!p0 $0x0  }
0x12: {  	s1 =	sld [smem:$0x3F99];
	s0 =	simm.s32 @p0 $0x1  }
0x13: {  	[smem:$0x3FB4] =	sst s0;
	s0 =	simm.s32 @!p1 $0x0  }
0x14: {  	s2 =	sld [smem:$0x3F98];
	s0 =	simm.s32 @p1 $0x1  }
0x15: {  	[smem:$0x3FB5] =	sst s0;
	s0 =	simm.s32 @!p2 $0x0  }
0x16: {  	s3 =	sld [smem:$0x3FDB];
	s0 =	simm.s32 @p2 $0x1  }
0x17: {  	s4 =	simm.s32 $0x1BF5;
	[smem:$0x3FB7] =	sst s0  }
0x18: {  	s0 =	sld [smem:$0x3F9A];
	_ =	swait.ge [sflag:s4], $0x0  }
0x19: {  	s7 =	sld [smem:$0x3F9B]  }
0x1a: {  	s8 =	sadd.s32 $0xFFFFE003, lr  }
0x1b: {  	s9 =	sadd.s32 $0xFFFFFEF7, lr;
	s5 =	simm.s32 $0xFFFFFFFF;
	p2 =	slt.u32 s8, $0xFFFFF086  }
0x1c: {  	p1 =	slt.u32 s9, $0xF7A;
	s5 =	simm.s32 @!p2 $0x0  }
0x1d: {  	s5 =	simm.s32 @p1 $0x1;
	p0 =	seq.s32 s7, s2  }
0x1e: {  	s7 =	smul.u32 @!p0 $0xF7A, s2;
	p2 =	seq.s32 @!p0 s5, $0x0  }
0x1f: {  	s9 =	smul.u32 $0xF7A, s1;
	s8 =	simm.s32 @!p0 $0x1BF5;
	p2 =	por !p2, p0  }
0x20: {  	[sflag:s8] =	ssyncset.s32 @!p0 $0xFFFFF086;
	s6 =	sadd.s32 @!p0 s3, s7;
	s7 =	simm.s32 @!p0 $0x108  }
0x21: {  	s3 =	sadd.s32 s3, s9;
	s6 =	sadd.s32 @!p0 $0x88, s6;
	s7 =	simm.s32 @p2 $0x1082  }
0x22: {  	[simem:s7], [sflag:s8] =	dma.local @!p0 [hbm:s6], $0xF7A  }
0x23: {  	s9 =	sor.u32 $0xD0000000, s2;
	s6 =	simm.s32 $0x108;
	_ =	swait.ge @!p0 [sflag:s8], $0x0  }
0x24: {  	s3 =	sadd.s32 $0x88, s3;
	s6 =	simm.s32 @!p1 $0x1082;
	[sflag:s4] =	ssyncset.s32 $0xFFFFF086  }
0x25: {  	[simem:s6], [sflag:s4] =	dma.local [hbm:s3], $0xF7A  }
0x26: {  	[smem:$0x3F9B] =	sst s1;
	(tag) =	ssettag s2;
	_ =	strace s9  }
0x27: {  	s1 =	sld [smem:$0x3FAB]  }
0x28: {  	s2 =	sld [smem:$0x3FAC]  }
0x29: {  	s4 =	sld [smem:$0x3FAE]  }
0x2a: {  	p0 =	seq.s32 s5, $0x0;
	s5 =	sld [smem:$0x3FAF]  }
0x2b: {  	s6 =	sld [smem:$0x3FB0]  }
0x2c: {  	s7 =	sld [smem:$0x3FB1]  }
0x2d: {  	s3 =	simm.s32 $0x108;
	s8 =	sld [smem:$0x3FB2]  }
0x2e: {  	s3 =	simm.s32 @!p0 $0x1082;
	s9 =	sld [smem:$0x3FB3]  }
0x2f: {  	lr =	sadd.s32 s0, s3;
	s0 =	sld [smem:$0x3FAA]  }
0x30: {  	s3 =	sld [smem:$0x3FAD]  }
0x31: {  	[smem:$0x3FB6] =	sst s10  }
0x32: {  	s10 =	sld [smem:$0x3FB4];
	_ =	sdelay $0x3  }
0x33: {  	p0 =	seq.s32 s10, $0x1;
	s10 =	sld [smem:$0x3FB6];
	_ =	sdelay $0x3  }
0x34: {  	[smem:$0x3FB6] =	sst s10  }
0x35: {  	s10 =	sld [smem:$0x3FB5];
	_ =	sdelay $0x3  }
0x36: {  	p1 =	seq.s32 s10, $0x1;
	s10 =	sld [smem:$0x3FB6];
	_ =	sdelay $0x3  }
0x37: {  	[smem:$0x3FB6] =	sst s10  }
0x38: {  	s10 =	sld [smem:$0x3FB7]  }
0x39: {  	_ = 	snop;
	(pc) =	sbr.ind lr, $3  }
0x3a: {  	_ = 	snop  }
0x3b: {  	_ = 	snop  }
0x3c: {  	p2 =	seq.s32 s10, $0x1;
	s10 =	sld [smem:$0x3FB6]  }
0x3d: {  	_ =	shalt  }
0x3e: {  	_ =	shalt  }
0x3f: {  	_ =	shalt  }
0x40: {  	_ =	shalt  }
0x41: {  	_ =	shalt  }
0x42: {  	_ =	shalt  }
0x43: {  	_ =	shalt  }
0x44: {  	_ =	shalt  }
0x45: {  	_ =	shalt  }
0x46: {  	_ =	shalt  }
0x47: {  	_ =	shalt  }
0x48: {  	_ =	shalt  }
0x49: {  	_ =	shalt  }
0x4a: {  	_ =	shalt  }
0x4b: {  	_ =	shalt  }
0x4c: {  	_ =	shalt  }
0x4d: {  	_ =	shalt  }
0x4e: {  	_ =	shalt  }
0x4f: {  	_ =	shalt  }
0x50: {  	_ =	shalt  }
0x51: {  	_ =	shalt  }
0x52: {  	_ =	shalt  }
0x53: {  	_ =	shalt  }
0x54: {  	_ =	shalt  }
0x55: {  	_ =	shalt  }
0x56: {  	_ =	shalt  }
0x57: {  	_ =	shalt  }
0x58: {  	_ =	shalt  }
0x59: {  	_ =	shalt  }
0x5a: {  	_ =	shalt  }
0x5b: {  	_ =	shalt  }
0x5c: {  	_ =	shalt  }
0x5d: {  	_ =	shalt  }
0x5e: {  	_ =	shalt  }
0x5f: {  	_ =	shalt  }
0x60: {  	_ =	shalt  }
0x61: {  	_ =	shalt  }
0x62: {  	_ =	shalt  }
0x63: {  	_ =	shalt  }
0x64: {  	_ =	shalt  }
0x65: {  	_ =	shalt  }
0x66: {  	_ =	shalt  }
0x67: {  	_ =	shalt  }
0x68: {  	_ =	shalt  }
0x69: {  	_ =	shalt  }
0x6a: {  	_ =	shalt  }
0x6b: {  	_ =	shalt  }
0x6c: {  	_ =	shalt  }
0x6d: {  	_ =	shalt  }
0x6e: {  	_ =	shalt  }
0x6f: {  	_ =	shalt  }
0x70: {  	_ =	shalt  }
0x71: {  	_ =	shalt  }
0x72: {  	_ =	shalt  }
0x73: {  	_ =	shalt  }
0x74: {  	_ =	shalt  }
0x75: {  	_ =	shalt  }
0x76: {  	_ =	shalt  }
0x77: {  	_ =	shalt  }
0x78: {  	_ =	shalt  }
0x79: {  	_ =	shalt  }
0x7a: {  	_ =	shalt  }
0x7b: {  	_ =	shalt  }
0x7c: {  	_ =	shalt  }
0x7d: {  	_ =	shalt  }
0x7e: {  	_ =	shalt  }
0x7f: {  	_ =	shalt  }
0x80: {  	_ =	shalt  }
0x81: {  	_ =	shalt  }
0x82: {  	_ =	shalt  }
0x83: {  	_ =	shalt  }
0x84: {  	_ =	shalt  }
0x85: {  	_ =	shalt  }
0x86: {  	_ =	shalt  }
0x87: {  	_ =	shalt  }
.Lfunc_end0:
.L_simem_size_0:
called_computation_lowered:
.L_overlay_start_0:
0x88: {  	s2 =	sld [smem:$0x3FD9]  }
0x89: {  	s3 =	sld [smem:$0x3FFE];
	_ =	sdelay $0x1  }
0x8a: {  	s1 =	srdreg.scid  }
0x8b: {  	s0 =	sand.u32 $0x1, s1  }
0x8c: {  	s17 =	sshll.u32 s0, $0xA;
	s2 =	sadd.s32 s3, s2  }
0x8d: {  	s2 =	sadd.s32 s2, s17  }
0x8e: {  	[smem:$0x3FC2] =	sst s2  }
0x8f: {  	_ = 	snop  }
0x90: {  	s2 =	sld [smem:$0x3FC9];
	(tm) =	ssettm $0x1  }
0x91: {  	s18 =	sld [smem:$0x3FFB];
	_ =	sdelay $0x3  }
0x92: {  	_ =	strace s18  }
0x93: {  	s3 =	sld [smem:$0x3FFC];
	_ =	sdelay $0x3  }
0x94: {  	_ =	strace s3  }
0x95: {  	s3 =	sld [smem:$0x3FFD];
	_ =	sdelay $0x3  }
0x96: {  	_ =	strace s3  }
0x97: {  	_ =	strace $0x8FFFFFFF  }
0x98: {  	s19 =	sld [smem:$0x3FDB];
	_ =	sdelay $0x1  }
0x99: {  	s4 =	simm.s32 $_scs_section_size  }
0x9a: {  	s5 =	simm.s32 $_size__tile_overlayer_lowered;
	s6 =	simm.s32 $_tile_overlayer_lowered  }
0x9b: {  	s22 =	simm.s32 $0x1BFF;
	s21 =	sshll.u32 s6, $0x1;
	s3 =	sadd.s32 s4, s19  }
0x9c: {  	s7 =	simm.s32 $0x0;
	s20 =	sshll.u32 s5, $0x1;
	s5 =	sadd.s32 s21, s3  }
0x9d: {  	[timem:s7], [sflag:s22] =	dma.local [hbm:s5], s20  }
0x9e: {  	_ =	swait.ge [sflag:s22], s20  }
0x9f: {  	s4 =	ssub.s32 $0x0, s20;
	[sflag:s22] =	ssyncset.done $0x0  }
0xa0: {  	[sflag:s22] =	ssyncadd.s32 s4;
	_ =	sdelay $0x1  }
0xa1: {  	s23 =	simm.s32 $0x1B8B  }
0xa2: {  	_ =	swait.ge [sflag:s23], $0x1  }
0xa3: {  	[sflag:s23] =	ssyncset.done $0x0  }
0xa4: {  	s25 =	simm.s32 $0x1B8E;
	s24 =	sld [smem:$0x3FFE];
	[sflag:s23] =	ssyncadd.s32 $0xFFFFFFFF  }
0xa5: {  	s26 =	simm.s32 $execute0_lowered;
	[smem:$0x3FD2] =	sst s25  }
0xa6: {  	s5 =	sshll.u32 s26, $0x1;
	_ =	strace $0x80000046;
	[dreg:$0x1] =	wrdreg $0xFFFFFFFF  }
0xa7: {  	s28 =	simm.s32 $_size_execute0_lowered;
	s3 =	sadd.s32 s3, s5;
	[dreg:$0x0] =	wrdreg $0x0  }
0xa8: {  	s5 =	sshll.u32 s28, $0x1;
	[dreg:$0x2] =	wrdreg s3  }
0xa9: {  	[dreg:$0x3] =	wrdreg s5  }
0xaa: {  	[dreg:$0x4] =	wrdreg $0xC0  }
0xab: {  	_ =	task [dreg:s7], $0x5FFFF  }
0xac: {  	[dreg:$0x1] =	wrdreg $0xFFFFFFFF  }
0xad: {  	[dreg:$0x0] =	wrdreg $0x60  }
0xae: {  	[dreg:$0x2] =	wrdreg s2  }
0xaf: {  	[dreg:$0x3] =	wrdreg s24  }
0xb0: {  	[dreg:$0x4] =	wrdreg $0x9  }
0xb1: {  	_ =	task.clear_ibuf [dreg:s7], $0x5FFFF;
	_ =	strace $0x90000046  }
0xb2: {  	s29 =	simm.s32 $0x9;
	_ =	strace $0x80000048  }
0xb3: {  	_ =	swait.ge [sflag:s29], $0x1  }
0xb4: {  	[sflag:s29] =	ssyncadd.s32 $0xFFFFFFFF  }
0xb5: {  	_ =	strace $0x90000048  }
0xb6: {  	_ =	sfence  }
0xb7: {  	s30 =	sld [smem:$0x0];
	_ =	sdelay $0x2  }
0xb8: {  	s31 =	sshll.u32 s1, $0xD;
	s1 =	sshrl.u32 s1, $0x2  }
0xb9: {  	s3 =	sand.u32 $0x4000, s31;
	s1 =	sadd.s32 s1, s30  }
0xba: {  	s0 =	sor.u32 s3, s0;
	s1 =	sshll.u32 s1, $0x11  }
0xbb: {  	s0 =	sor.u32 s1, s0  }
0xbc: {  	s0 =	sadd.s32 $0x8F2B, s0  }
0xbd: {  	[sflag:s0] =	ssyncadd.remote.s32 $0x1  }
0xbe: {  	_ =	sfence.sel $0xFFFF  }
0xbf: {  	[dreg:$0x0] =	wrdreg $0xFFFFFFFF;
	(pc) =	sbr.abs _section_cstart, $3  }
0xc0: {  	[dreg:$0x1] =	wrdreg $0xFFFFFFFF  }
0xc1: {  	_ =	task.clear_ibuf [dreg:s7], $0x2FFFF;
	_ =	strace $0x9FFFFFFF  }
0xc2: {  	(tm) =	ssettm $0x7FFFFFFF  }
0xc3: {  	_ =	shalt  }
tec
execute0_lowered:
.L_overlay_start_1:
0x0: {  	(tag) =	ssettag $0x1  }
0x1: {  	s0 =	srdreg.scid  }
0x2: {  	s2 =	stileid.u32;
	s1 =	rddreg [dreg:$0x0]  }
0x3: {  	s5 =	rddreg [dreg:$0x1];
	s7 =	simm.s32 $0x200;
	s8 =	simm.s32 $0x6200  }
0x4: {  	s26 =	simm.s32 $0x100;
	s9 =	simm.s32 $0x4;
	s10 =	simm.s32 $0x1  }
0x5: {  	s28 =	simm.s32 $0x9200;
	s29 =	simm.s32 $0x9A00;
	s30 =	simm.s32 $0xA200  }
0x6: {  	s31 =	simm.s32 $0xAA00;
	s11 =	simm.s32 $0x2;
	s12 =	simm.s32 $0x3  }
0x7: {  	s15 =	simm.s32 $0x1A00;
	s16 =	simm.s32 $0x2200;
	s17 =	simm.s32 $0x2A00  }
0x8: {  	s18 =	simm.s32 $0x3200;
	s19 =	simm.s32 $0x3A00;
	s20 =	simm.s32 $0x4200  }
0x9: {  	s21 =	simm.s32 $0x4A00;
	s0 =	sand.u32 $0x1, s0;
	s2 =	sshll.u32 s2, $0x1  }
0xa: {  	s22 =	simm.s32 $0x5200;
	s3 =	sor.u32 s0, s2;
	s2 =	simm.s32 $0x0  }
0xb: {  	s0 =	ssub.s32 $0x2, s0;
	s4 =	smul.u32 $0xC000, s3;
	[smem:$0x7FF] =	sst s2  }
0xc: {  	s6 =	smul.u32 $0x1800, s3;
	s3 =	sshll.u32 s3, $0x5;
	s24 =	sshrl.u32 s0, $0x1  }
0xd: {  	_ =	strace $0x80000047;
	s3 =	sadd.s32 s3, s5;
	s0 =	ssub.s32 s0, s24  }
0xe: {  	[dreg:$0x7] =	wrdreg s26;
	s24 =	simm.s32 $0x7A00;
	s6 =	sadd.s32 s1, s6  }
0xf: {  	s26 =	simm.s32 $0x8A00;
	s23 =	sadd.s32 $0x8C00, s3;
	[dreg:$0x3] =	wrdreg s6  }
0x10: {  	s4 =	sshrl.u32 s4, $0x3;
	s25 =	sadd.s32 $0x8800, s3;
	[dreg:$0x5] =	wrdreg s23  }
0x11: {  	s3 =	sadd.s32 $0x9000, s5;
	s1 =	sadd.s32 s1, s4;
	[dreg:$0x6] =	wrdreg s25  }
0x12: {  	v2 =	vlaneseq.u32;
	s4 =	sadd.s32 $0x9100, s5;
	s5 =	sadd.s32 $0x9200, s5;
	s6 =	smax.u32 s0, $0x1  }
0x13: {  	vm0 =	vmmov $0xffff;
	v1 =	vshrl.u32 v2, $0x3;
	s25 =	simm.s32 $0x8200;
	s0 =	simm.s32 $0xBA00;
	s1 =	sadd.s32 $0xC00, s1  }
0x14: {  	v0 =	vand.u32 $0x7, v2;
	v2 =	vor.u32 $0x8, v2;
	v1 =	vmul.u32 $0x8, v1;
	s23 =	simm.s32 $0x5A00;
	[dreg:$0x4] =	wrdreg s1;
	s1 =	simm.s32 $0xB200  }
.LBB2_1:
0x15: {  	s13 =	rddreg [dreg:$0x3]  }
0x16: {  	[tilespmem:s7], [sflag:$0x1] =	stream.linear.gather [hbm4b:s13+s2], $0x6000, $0x38;
	[tilespmem:$0xC200] =	vst v63  }
0x17: {  	s14 =	rddreg [dreg:$0x4]  }
0x18: {  	[tilespmem:s8], [sflag:$0x1] =	stream.linear.gather [hbm4b:s14+s2], $0x6000, $0x38;
	[tilespmem:$0xC200] =	vst v63  }
0x19: {  	s13 =	rddreg [dreg:$0x5]  }
0x1a: {  	[tilespmem:s2], [sflag:$0x4] =	stream.linear.gather [hbm4b:s13+s2], $0x100, $0x38;
	[tilespmem:$0xC200] =	vst v63  }
0x1b: {  	_ =	swait.ge [sflag:s9], $0x100  }
0x1c: {  	s13 =	rddreg [dreg:$0x6];
	[sflag:s9] =	ssyncset.done $0x0  }
0x1d: {  	s14 =	rddreg [dreg:$0x7];
	[sflag:s9] =	ssyncadd.s32 $0xFFFFFF00  }
0x1e: {  	[tilespmem:s14], [sflag:$0x4] =	stream.linear.gather [hbm4b:s13+s2], $0x100, $0x38;
	[tilespmem:$0xC200] =	vst v63  }
0x1f: {  	_ =	swait.ge [sflag:s9], $0x100  }
0x20: {  	[sflag:s9] =	ssyncset.done $0x0  }
0x21: {  	[sflag:s9] =	ssyncadd.s32 $0xFFFFFF00  }
0x22: {  	_ =	swait.ge [sflag:s10], $0x6000  }
0x23: {  	[sflag:s10] =	ssyncset.done $0x0  }
0x24: {  	[sflag:s10] =	ssyncadd.s32 $0xFFFFA000  }
0x25: {  	v3 =	vld [tilespmem:$0x0];
	_ =	sdelay $0x4  }
0x26: {  	v4 =	vshrl.u32 v3, $0x3  }
0x27: {  	v4 =	vmul.u32 $0x30, v4  }
0x28: {  	v3 =	vand.u32 $0x7, v3  }
0x29: {  	v3 =	vor.u32 v3, v4  }
0x2a: {  	v4 =	vperm.xlane v3, v0;
	_ =	sdelay $0x1  }
0x2b: {  	v4 =	vadd.s32 v1, v4;
	_ =	sdelay $0x3  }
0x2c: {  	v3 =	vperm.xlane v3, v2  }
0x2d: {  	[hbm4b:s3+s2] =	stream.indirect_vreg.scatter [tilespmem:s7], [sflag:$0x2], $0x80, v4, vm0, $0xb8;
	[tilespmem:$0xC200] =	vst v63  }
0x2e: {  	s13 =	simm.s32 $0xA00;
	v3 =	vadd.s32 v1, v3  }
0x2f: {  	[hbm4b:s4+s2] =	stream.indirect_vreg.scatter [tilespmem:s13], [sflag:$0x2], $0x80, v4, vm0, $0xb8;
	[tilespmem:$0xC200] =	vst v63  }
0x30: {  	s14 =	simm.s32 $0x1200  }
0x31: {  	[hbm4b:s5+s2] =	stream.indirect_vreg.scatter [tilespmem:s14], [sflag:$0x2], $0x80, v4, vm0, $0xb8;
	[tilespmem:$0xC200] =	vst v63  }
0x32: {  	_ = 	snop  }
0x33: {  	[hbm4b:s3+s2] =	stream.indirect_vreg.scatter [tilespmem:s15], [sflag:$0x2], $0x80, v3, vm0, $0xb8;
	[tilespmem:$0xC200] =	vst v63  }
0x34: {  	_ = 	snop  }
0x35: {  	[hbm4b:s4+s2] =	stream.indirect_vreg.scatter [tilespmem:s16], [sflag:$0x2], $0x80, v3, vm0, $0xb8;
	[tilespmem:$0xC200] =	vst v63  }
0x36: {  	_ = 	snop  }
0x37: {  	[hbm4b:s5+s2] =	stream.indirect_vreg.scatter [tilespmem:s17], [sflag:$0x2], $0x80, v3, vm0, $0xb8;
	[tilespmem:$0xC200] =	vst v63  }
0x38: {  	v3 =	vld [tilespmem:$0x10];
	_ =	sdelay $0x4  }
0x39: {  	v57 =	vshrl.u32 v3, $0x3  }
0x3a: {  	v4 =	vmul.u32 $0x30, v57  }
0x3b: {  	v3 =	vand.u32 $0x7, v3  }
0x3c: {  	v3 =	vor.u32 v3, v4  }
0x3d: {  	v4 =	vperm.xlane v3, v0;
	_ =	sdelay $0x1  }
0x3e: {  	v4 =	vadd.s32 v1, v4;
	_ =	sdelay $0x3  }
0x3f: {  	v3 =	vperm.xlane v3, v2  }
0x40: {  	[hbm4b:s3+s2] =	stream.indirect_vreg.scatter [tilespmem:s18], [sflag:$0x2], $0x80, v4, vm0, $0xb8;
	[tilespmem:$0xC200] =	vst v63  }
0x41: {  	v3 =	vadd.s32 v1, v3  }
0x42: {  	[hbm4b:s4+s2] =	stream.indirect_vreg.scatter [tilespmem:s19], [sflag:$0x2], $0x80, v4, vm0, $0xb8;
	[tilespmem:$0xC200] =	vst v63  }
0x43: {  	_ = 	snop  }
0x44: {  	[hbm4b:s5+s2] =	stream.indirect_vreg.scatter [tilespmem:s20], [sflag:$0x2], $0x80, v4, vm0, $0xb8;
	[tilespmem:$0xC200] =	vst v63  }
0x45: {  	_ = 	snop  }
0x46: {  	[hbm4b:s3+s2] =	stream.indirect_vreg.scatter [tilespmem:s21], [sflag:$0x2], $0x80, v3, vm0, $0xb8;
	[tilespmem:$0xC200] =	vst v63  }
0x47: {  	_ = 	snop  }
0x48: {  	[hbm4b:s4+s2] =	stream.indirect_vreg.scatter [tilespmem:s22], [sflag:$0x2], $0x80, v3, vm0, $0xb8;
	[tilespmem:$0xC200] =	vst v63  }
0x49: {  	_ = 	snop  }
0x4a: {  	[hbm4b:s5+s2] =	stream.indirect_vreg.scatter [tilespmem:s23], [sflag:$0x2], $0x80, v3, vm0, $0xb8;
	[tilespmem:$0xC200] =	vst v63  }
0x4b: {  	v3 =	vld [tilespmem:$0x100];
	_ =	sdelay $0x4  }
0x4c: {  	v58 =	vshrl.u32 v3, $0x3  }
0x4d: {  	v4 =	vmul.u32 $0x30, v58  }
0x4e: {  	v3 =	vand.u32 $0x7, v3  }
0x4f: {  	v3 =	vor.u32 v3, v4  }
0x50: {  	v4 =	vperm.xlane v3, v0;
	_ =	sdelay $0x1  }
0x51: {  	v4 =	vadd.s32 v1, v4;
	_ =	sdelay $0x3  }
0x52: {  	v3 =	vperm.xlane v3, v2  }
0x53: {  	[hbm4b:s3+s2] =	stream.indirect_vreg.scatter [tilespmem:s7], [sflag:$0x2], $0x80, v4, vm0, $0xb8;
	[tilespmem:$0xC200] =	vst v63  }
0x54: {  	v3 =	vadd.s32 v1, v3  }
0x55: {  	[hbm4b:s4+s2] =	stream.indirect_vreg.scatter [tilespmem:s13], [sflag:$0x2], $0x80, v4, vm0, $0xb8;
	[tilespmem:$0xC200] =	vst v63  }
0x56: {  	_ = 	snop  }
0x57: {  	[hbm4b:s5+s2] =	stream.indirect_vreg.scatter [tilespmem:s14], [sflag:$0x2], $0x80, v4, vm0, $0xb8;
	[tilespmem:$0xC200] =	vst v63  }
0x58: {  	_ = 	snop  }
0x59: {  	[hbm4b:s3+s2] =	stream.indirect_vreg.scatter [tilespmem:s15], [sflag:$0x2], $0x80, v3, vm0, $0xb8;
	[tilespmem:$0xC200] =	vst v63  }
0x5a: {  	_ = 	snop  }
0x5b: {  	[hbm4b:s4+s2] =	stream.indirect_vreg.scatter [tilespmem:s16], [sflag:$0x2], $0x80, v3, vm0, $0xb8;
	[tilespmem:$0xC200] =	vst v63  }
0x5c: {  	_ = 	snop  }
0x5d: {  	[hbm4b:s5+s2] =	stream.indirect_vreg.scatter [tilespmem:s17], [sflag:$0x2], $0x80, v3, vm0, $0xb8;
	[tilespmem:$0xC200] =	vst v63  }
0x5e: {  	v3 =	vld [tilespmem:$0x110];
	_ =	sdelay $0x4  }
0x5f: {  	v59 =	vshrl.u32 v3, $0x3  }
0x60: {  	v4 =	vmul.u32 $0x30, v59  }
0x61: {  	v3 =	vand.u32 $0x7, v3  }
0x62: {  	v3 =	vor.u32 v3, v4  }
0x63: {  	v4 =	vperm.xlane v3, v0;
	_ =	sdelay $0x1  }
0x64: {  	v4 =	vadd.s32 v1, v4;
	_ =	sdelay $0x3  }
0x65: {  	v3 =	vperm.xlane v3, v2  }
0x66: {  	[hbm4b:s3+s2] =	stream.indirect_vreg.scatter [tilespmem:s18], [sflag:$0x2], $0x80, v4, vm0, $0xb8;
	[tilespmem:$0xC200] =	vst v63  }
0x67: {  	v3 =	vadd.s32 v1, v3  }
0x68: {  	[hbm4b:s4+s2] =	stream.indirect_vreg.scatter [tilespmem:s19], [sflag:$0x2], $0x80, v4, vm0, $0xb8;
	[tilespmem:$0xC200] =	vst v63  }
0x69: {  	_ = 	snop  }
0x6a: {  	[hbm4b:s5+s2] =	stream.indirect_vreg.scatter [tilespmem:s20], [sflag:$0x2], $0x80, v4, vm0, $0xb8;
	[tilespmem:$0xC200] =	vst v63  }
0x6b: {  	_ = 	snop  }
0x6c: {  	[hbm4b:s3+s2] =	stream.indirect_vreg.scatter [tilespmem:s21], [sflag:$0x2], $0x80, v3, vm0, $0xb8;
	[tilespmem:$0xC200] =	vst v63  }
0x6d: {  	_ = 	snop  }
0x6e: {  	[hbm4b:s4+s2] =	stream.indirect_vreg.scatter [tilespmem:s22], [sflag:$0x2], $0x80, v3, vm0, $0xb8;
	[tilespmem:$0xC200] =	vst v63  }
0x6f: {  	_ = 	snop  }
0x70: {  	[hbm4b:s5+s2] =	stream.indirect_vreg.scatter [tilespmem:s23], [sflag:$0x2], $0x80, v3, vm0, $0xb8;
	[tilespmem:$0xC200] =	vst v63  }
0x71: {  	_ =	swait.ge [sflag:s10], $0x6000  }
0x72: {  	[sflag:s10] =	ssyncset.done $0x0  }
0x73: {  	[sflag:s10] =	ssyncadd.s32 $0xFFFFA000  }
0x74: {  	v3 =	vld [tilespmem:$0x80];
	_ =	sdelay $0x4  }
0x75: {  	v60 =	vshrl.u32 v3, $0x3  }
0x76: {  	v4 =	vmul.u32 $0x30, v60  }
0x77: {  	v3 =	vand.u32 $0x7, v3  }
0x78: {  	v3 =	vor.u32 v3, v4  }
0x79: {  	v4 =	vperm.xlane v3, v0;
	_ =	sdelay $0x1  }
0x7a: {  	v4 =	vadd.s32 v1, v4;
	_ =	sdelay $0x3  }
0x7b: {  	v3 =	vperm.xlane v3, v2  }
0x7c: {  	[hbm4b:s3+s2] =	stream.indirect_vreg.scatter [tilespmem:s8], [sflag:$0x3], $0x80, v4, vm0, $0xb8;
	[tilespmem:$0xC200] =	vst v63  }
0x7d: {  	s13 =	simm.s32 $0x6A00;
	v3 =	vadd.s32 v1, v3  }
0x7e: {  	[hbm4b:s4+s2] =	stream.indirect_vreg.scatter [tilespmem:s13], [sflag:$0x3], $0x80, v4, vm0, $0xb8;
	[tilespmem:$0xC200] =	vst v63  }
0x7f: {  	s14 =	simm.s32 $0x7200  }
0x80: {  	[hbm4b:s5+s2] =	stream.indirect_vreg.scatter [tilespmem:s14], [sflag:$0x3], $0x80, v4, vm0, $0xb8;
	[tilespmem:$0xC200] =	vst v63  }
0x81: {  	_ = 	snop  }
0x82: {  	[hbm4b:s3+s2] =	stream.indirect_vreg.scatter [tilespmem:s24], [sflag:$0x3], $0x80, v3, vm0, $0xb8;
	[tilespmem:$0xC200] =	vst v63  }
0x83: {  	_ = 	snop  }
0x84: {  	[hbm4b:s4+s2] =	stream.indirect_vreg.scatter [tilespmem:s25], [sflag:$0x3], $0x80, v3, vm0, $0xb8;
	[tilespmem:$0xC200] =	vst v63  }
0x85: {  	_ = 	snop  }
0x86: {  	[hbm4b:s5+s2] =	stream.indirect_vreg.scatter [tilespmem:s26], [sflag:$0x3], $0x80, v3, vm0, $0xb8;
	[tilespmem:$0xC200] =	vst v63  }
0x87: {  	v3 =	vld [tilespmem:$0x90];
	_ =	sdelay $0x4  }
0x88: {  	v61 =	vshrl.u32 v3, $0x3  }
0x89: {  	v4 =	vmul.u32 $0x30, v61  }
0x8a: {  	v3 =	vand.u32 $0x7, v3  }
0x8b: {  	v3 =	vor.u32 v3, v4  }
0x8c: {  	v4 =	vperm.xlane v3, v0;
	_ =	sdelay $0x1  }
0x8d: {  	v4 =	vadd.s32 v1, v4;
	_ =	sdelay $0x3  }
0x8e: {  	v3 =	vperm.xlane v3, v2  }
0x8f: {  	[hbm4b:s3+s2] =	stream.indirect_vreg.scatter [tilespmem:s28], [sflag:$0x3], $0x80, v4, vm0, $0xb8;
	[tilespmem:$0xC200] =	vst v63  }
0x90: {  	v3 =	vadd.s32 v1, v3  }
0x91: {  	[hbm4b:s4+s2] =	stream.indirect_vreg.scatter [tilespmem:s29], [sflag:$0x3], $0x80, v4, vm0, $0xb8;
	[tilespmem:$0xC200] =	vst v63  }
0x92: {  	_ = 	snop  }
0x93: {  	[hbm4b:s5+s2] =	stream.indirect_vreg.scatter [tilespmem:s30], [sflag:$0x3], $0x80, v4, vm0, $0xb8;
	[tilespmem:$0xC200] =	vst v63  }
0x94: {  	_ = 	snop  }
0x95: {  	[hbm4b:s3+s2] =	stream.indirect_vreg.scatter [tilespmem:s31], [sflag:$0x3], $0x80, v3, vm0, $0xb8;
	[tilespmem:$0xC200] =	vst v63  }
0x96: {  	_ = 	snop  }
0x97: {  	[hbm4b:s4+s2] =	stream.indirect_vreg.scatter [tilespmem:s1], [sflag:$0x3], $0x80, v3, vm0, $0xb8;
	[tilespmem:$0xC200] =	vst v63  }
0x98: {  	_ = 	snop  }
0x99: {  	[hbm4b:s5+s2] =	stream.indirect_vreg.scatter [tilespmem:s0], [sflag:$0x3], $0x80, v3, vm0, $0xb8;
	[tilespmem:$0xC200] =	vst v63  }
0x9a: {  	v3 =	vld [tilespmem:$0x180];
	_ =	sdelay $0x4  }
0x9b: {  	v62 =	vshrl.u32 v3, $0x3  }
0x9c: {  	v4 =	vmul.u32 $0x30, v62  }
0x9d: {  	v3 =	vand.u32 $0x7, v3  }
0x9e: {  	v3 =	vor.u32 v3, v4  }
0x9f: {  	v4 =	vperm.xlane v3, v0;
	_ =	sdelay $0x1  }
0xa0: {  	v4 =	vadd.s32 v1, v4;
	_ =	sdelay $0x3  }
0xa1: {  	v3 =	vperm.xlane v3, v2  }
0xa2: {  	[hbm4b:s3+s2] =	stream.indirect_vreg.scatter [tilespmem:s8], [sflag:$0x3], $0x80, v4, vm0, $0xb8;
	[tilespmem:$0xC200] =	vst v63  }
0xa3: {  	v3 =	vadd.s32 v1, v3  }
0xa4: {  	[hbm4b:s4+s2] =	stream.indirect_vreg.scatter [tilespmem:s13], [sflag:$0x3], $0x80, v4, vm0, $0xb8;
	[tilespmem:$0xC200] =	vst v63  }
0xa5: {  	_ = 	snop  }
0xa6: {  	[hbm4b:s5+s2] =	stream.indirect_vreg.scatter [tilespmem:s14], [sflag:$0x3], $0x80, v4, vm0, $0xb8;
	[tilespmem:$0xC200] =	vst v63  }
0xa7: {  	_ = 	snop  }
0xa8: {  	[hbm4b:s3+s2] =	stream.indirect_vreg.scatter [tilespmem:s24], [sflag:$0x3], $0x80, v3, vm0, $0xb8;
	[tilespmem:$0xC200] =	vst v63  }
0xa9: {  	_ = 	snop  }
0xaa: {  	[hbm4b:s4+s2] =	stream.indirect_vreg.scatter [tilespmem:s25], [sflag:$0x3], $0x80, v3, vm0, $0xb8;
	[tilespmem:$0xC200] =	vst v63  }
0xab: {  	_ = 	snop  }
0xac: {  	[hbm4b:s5+s2] =	stream.indirect_vreg.scatter [tilespmem:s26], [sflag:$0x3], $0x80, v3, vm0, $0xb8;
	[tilespmem:$0xC200] =	vst v63  }
0xad: {  	v3 =	vld [tilespmem:$0x190];
	_ =	sdelay $0x4  }
0xae: {  	v63 =	vshrl.u32 v3, $0x3  }
0xaf: {  	v4 =	vmul.u32 $0x30, v63  }
0xb0: {  	v3 =	vand.u32 $0x7, v3  }
0xb1: {  	v3 =	vor.u32 v3, v4  }
0xb2: {  	v4 =	vperm.xlane v3, v0;
	_ =	sdelay $0x1  }
0xb3: {  	v4 =	vadd.s32 v1, v4;
	_ =	sdelay $0x3  }
0xb4: {  	v3 =	vperm.xlane v3, v2  }
0xb5: {  	[hbm4b:s3+s2] =	stream.indirect_vreg.scatter [tilespmem:s28], [sflag:$0x3], $0x80, v4, vm0, $0xb8;
	[tilespmem:$0xC200] =	vst v63  }
0xb6: {  	v3 =	vadd.s32 v1, v3  }
0xb7: {  	[hbm4b:s4+s2] =	stream.indirect_vreg.scatter [tilespmem:s29], [sflag:$0x3], $0x80, v4, vm0, $0xb8;
	[tilespmem:$0xC200] =	vst v63  }
0xb8: {  	_ = 	snop  }
0xb9: {  	[hbm4b:s5+s2] =	stream.indirect_vreg.scatter [tilespmem:s30], [sflag:$0x3], $0x80, v4, vm0, $0xb8;
	[tilespmem:$0xC200] =	vst v63  }
0xba: {  	_ = 	snop  }
0xbb: {  	[hbm4b:s3+s2] =	stream.indirect_vreg.scatter [tilespmem:s31], [sflag:$0x3], $0x80, v3, vm0, $0xb8;
	[tilespmem:$0xC200] =	vst v63  }
0xbc: {  	_ = 	snop  }
0xbd: {  	[hbm4b:s4+s2] =	stream.indirect_vreg.scatter [tilespmem:s1], [sflag:$0x3], $0x80, v3, vm0, $0xb8;
	[tilespmem:$0xC200] =	vst v63  }
0xbe: {  	_ = 	snop  }
0xbf: {  	[hbm4b:s5+s2] =	stream.indirect_vreg.scatter [tilespmem:s0], [sflag:$0x3], $0x80, v3, vm0, $0xb8;
	[tilespmem:$0xC200] =	vst v63  }
0xc0: {  	_ =	swait.ge [sflag:s11], $0x6000  }
0xc1: {  	[sflag:s11] =	ssyncset.done $0x0  }
0xc2: {  	[sflag:s11] =	ssyncadd.s32 $0xFFFFA000  }
0xc3: {  	_ =	swait.ge [sflag:s11], $0x6000  }
0xc4: {  	[sflag:s11] =	ssyncset.done $0x0  }
0xc5: {  	[sflag:s11] =	ssyncadd.s32 $0xFFFFA000  }
0xc6: {  	p0 =	sne.s32 s6, $0x1;
	_ =	swait.ge [sflag:s12], $0x6000  }
.Ltmp0:
0xc7: {  	[sflag:s12] =	ssyncset.done $0x0;
	(pc) =	sbr.rel @p0 .LBB2_1-.Ltmp0, $4  }
0xc8: {  	[sflag:s12] =	ssyncadd.s32 $0xFFFFA000  }
0xc9: {  	_ =	swait.ge [sflag:s12], $0x6000  }
0xca: {  	[sflag:s12] =	ssyncset.done $0x0  }
0xcb: {  	s6 =	sadd.s32 $0xFFFFFFFF, s6;
	[sflag:s12] =	ssyncadd.s32 $0xFFFFA000  }
0xcc: {  	_ =	sfence.sel $0x180000  }
0xcd: {  	[bflag:$0x0] =	sbarrier.arrive $0xFFFF  }
0xce: {  	_ =	strace $0x90000047  }
0xcf: {  	s0 =	stileid.u32;
	[bflag:$0x2] =	sbarrier.arrive $0xFFFF  }
0xd0: {  	p0 =	sne.s32 s0, $0x0;
	s0 =	rddreg [dreg:$0x2]  }
0xd1: {  	s0 =	sadd.s32 @!p0 $0x100000, s0  }
0xd2: {  	[sflag:s0] =	ssyncadd.tile.s32 @!p0 $0x1;
	_ =	shalt  }
.Lfunc_end2:
_tile_overlayer_lowered:
.L_overlay_start_2:
0xd3: {  	(tag) =	ssettag $0x2  }
0xd4: {  	s0 =	rddreg [dreg:$0x0];
	s2 =	stileid.u32  }
0xd5: {  	s1 =	rddreg [dreg:$0x1];
	p0 =	sne.s32 s2, $0x0  }
0xd6: {  	s3 =	rddreg [dreg:$0x2];
	[bflag:$0x3] =	sbarrier.arrive $0xFFFF;
	s2 =	simm.s32 @!p0 $0x1C04  }
0xd7: {  	[timem:s3], [sflag:s2] =	dma.local @!p0 [hbm:s0], s1  }
0xd8: {  	s0 =	simm.s32 @!p0 $0x4  }
0xd9: {  	_ =	swait.ge @!p0 [sflag:s0], s1  }
0xda: {  	s1 =	ssub.s32 @!p0 $0x0, s1;
	[sflag:s0] =	ssyncset.done @!p0 $0x0  }
0xdb: {  	[sflag:s0] =	ssyncadd.s32 @!p0 s1  }
0xdc: {  	[bflag:$0x3] =	sbarrier.arrive $0xFFFF  }
0xdd: {  	_ =	shalt  }

// kernel: kernel.9.cloned.1.call-start
scs
__scs_entry_jumppad:
0x0: {  	(pc) =	sbr.rel $0x88, $3  }
0x1: {  	(tag) =	ssettag $0x0;
	lr =	simm.s32 $0x1  }
0x2: {  	[smem:$0x3F9B] =	sst lr;
	_ =	strace $0xD0000000  }
0x3: {  	_ = 	snop  }
0x4: {  	_ = 	snop  }
0x5: {  	_ = 	snop  }
0x6: {  	_ = 	snop  }
0x7: {  	_ = 	snop  }
__scs_overlays_trampoline_lowered:
0x8: {  	[smem:$0x3FAA] =	sst s0  }
0x9: {  	[smem:$0x3FAB] =	sst s1  }
0xa: {  	[smem:$0x3FAC] =	sst s2  }
0xb: {  	[smem:$0x3FAD] =	sst s3  }
0xc: {  	[smem:$0x3FAE] =	sst s4  }
0xd: {  	[smem:$0x3FAF] =	sst s5  }
0xe: {  	[smem:$0x3FB0] =	sst s6  }
0xf: {  	[smem:$0x3FB1] =	sst s7  }
0x10: {  	[smem:$0x3FB2] =	sst s8  }
0x11: {  	[smem:$0x3FB3] =	sst s9;
	s0 =	simm.s32 @!p0 $0x0  }
0x12: {  	s1 =	sld [smem:$0x3F99];
	s0 =	simm.s32 @p0 $0x1  }
0x13: {  	[smem:$0x3FB4] =	sst s0;
	s0 =	simm.s32 @!p1 $0x0  }
0x14: {  	s2 =	sld [smem:$0x3F98];
	s0 =	simm.s32 @p1 $0x1  }
0x15: {  	[smem:$0x3FB5] =	sst s0;
	s0 =	simm.s32 @!p2 $0x0  }
0x16: {  	s3 =	sld [smem:$0x3FDB];
	s0 =	simm.s32 @p2 $0x1  }
0x17: {  	s4 =	simm.s32 $0x1BF5;
	[smem:$0x3FB7] =	sst s0  }
0x18: {  	s0 =	sld [smem:$0x3F9A];
	_ =	swait.ge [sflag:s4], $0x0  }
0x19: {  	s7 =	sld [smem:$0x3F9B]  }
0x1a: {  	s8 =	sadd.s32 $0xFFFFE003, lr  }
0x1b: {  	s9 =	sadd.s32 $0xFFFFFEF7, lr;
	s5 =	simm.s32 $0xFFFFFFFF;
	p2 =	slt.u32 s8, $0xFFFFF086  }
0x1c: {  	p1 =	slt.u32 s9, $0xF7A;
	s5 =	simm.s32 @!p2 $0x0  }
0x1d: {  	s5 =	simm.s32 @p1 $0x1;
	p0 =	seq.s32 s7, s2  }
0x1e: {  	s7 =	smul.u32 @!p0 $0xF7A, s2;
	p2 =	seq.s32 @!p0 s5, $0x0  }
0x1f: {  	s9 =	smul.u32 $0xF7A, s1;
	s8 =	simm.s32 @!p0 $0x1BF5;
	p2 =	por !p2, p0  }
0x20: {  	[sflag:s8] =	ssyncset.s32 @!p0 $0xFFFFF086;
	s6 =	sadd.s32 @!p0 s3, s7;
	s7 =	simm.s32 @!p0 $0x108  }
0x21: {  	s3 =	sadd.s32 s3, s9;
	s6 =	sadd.s32 @!p0 $0x88, s6;
	s7 =	simm.s32 @p2 $0x1082  }
0x22: {  	[simem:s7], [sflag:s8] =	dma.local @!p0 [hbm:s6], $0xF7A  }
0x23: {  	s9 =	sor.u32 $0xD0000000, s2;
	s6 =	simm.s32 $0x108;
	_ =	swait.ge @!p0 [sflag:s8], $0x0  }
0x24: {  	s3 =	sadd.s32 $0x88, s3;
	s6 =	simm.s32 @!p1 $0x1082;
	[sflag:s4] =	ssyncset.s32 $0xFFFFF086  }
0x25: {  	[simem:s6], [sflag:s4] =	dma.local [hbm:s3], $0xF7A  }
0x26: {  	[smem:$0x3F9B] =	sst s1;
	(tag) =	ssettag s2;
	_ =	strace s9  }
0x27: {  	s1 =	sld [smem:$0x3FAB]  }
0x28: {  	s2 =	sld [smem:$0x3FAC]  }
0x29: {  	s4 =	sld [smem:$0x3FAE]  }
0x2a: {  	p0 =	seq.s32 s5, $0x0;
	s5 =	sld [smem:$0x3FAF]  }
0x2b: {  	s6 =	sld [smem:$0x3FB0]  }
0x2c: {  	s7 =	sld [smem:$0x3FB1]  }
0x2d: {  	s3 =	simm.s32 $0x108;
	s8 =	sld [smem:$0x3FB2]  }
0x2e: {  	s3 =	simm.s32 @!p0 $0x1082;
	s9 =	sld [smem:$0x3FB3]  }
0x2f: {  	lr =	sadd.s32 s0, s3;
	s0 =	sld [smem:$0x3FAA]  }
0x30: {  	s3 =	sld [smem:$0x3FAD]  }
0x31: {  	[smem:$0x3FB6] =	sst s10  }
0x32: {  	s10 =	sld [smem:$0x3FB4];
	_ =	sdelay $0x3  }
0x33: {  	p0 =	seq.s32 s10, $0x1;
	s10 =	sld [smem:$0x3FB6];
	_ =	sdelay $0x3  }
0x34: {  	[smem:$0x3FB6] =	sst s10  }
0x35: {  	s10 =	sld [smem:$0x3FB5];
	_ =	sdelay $0x3  }
0x36: {  	p1 =	seq.s32 s10, $0x1;
	s10 =	sld [smem:$0x3FB6];
	_ =	sdelay $0x3  }
0x37: {  	[smem:$0x3FB6] =	sst s10  }
0x38: {  	s10 =	sld [smem:$0x3FB7]  }
0x39: {  	_ = 	snop;
	(pc) =	sbr.ind lr, $3  }
0x3a: {  	_ = 	snop  }
0x3b: {  	_ = 	snop  }
0x3c: {  	p2 =	seq.s32 s10, $0x1;
	s10 =	sld [smem:$0x3FB6]  }
0x3d: {  	_ =	shalt  }
0x3e: {  	_ =	shalt  }
0x3f: {  	_ =	shalt  }
0x40: {  	_ =	shalt  }
0x41: {  	_ =	shalt  }
0x42: {  	_ =	shalt  }
0x43: {  	_ =	shalt  }
0x44: {  	_ =	shalt  }
0x45: {  	_ =	shalt  }
0x46: {  	_ =	shalt  }
0x47: {  	_ =	shalt  }
0x48: {  	_ =	shalt  }
0x49: {  	_ =	shalt  }
0x4a: {  	_ =	shalt  }
0x4b: {  	_ =	shalt  }
0x4c: {  	_ =	shalt  }
0x4d: {  	_ =	shalt  }
0x4e: {  	_ =	shalt  }
0x4f: {  	_ =	shalt  }
0x50: {  	_ =	shalt  }
0x51: {  	_ =	shalt  }
0x52: {  	_ =	shalt  }
0x53: {  	_ =	shalt  }
0x54: {  	_ =	shalt  }
0x55: {  	_ =	shalt  }
0x56: {  	_ =	shalt  }
0x57: {  	_ =	shalt  }
0x58: {  	_ =	shalt  }
0x59: {  	_ =	shalt  }
0x5a: {  	_ =	shalt  }
0x5b: {  	_ =	shalt  }
0x5c: {  	_ =	shalt  }
0x5d: {  	_ =	shalt  }
0x5e: {  	_ =	shalt  }
0x5f: {  	_ =	shalt  }
0x60: {  	_ =	shalt  }
0x61: {  	_ =	shalt  }
0x62: {  	_ =	shalt  }
0x63: {  	_ =	shalt  }
0x64: {  	_ =	shalt  }
0x65: {  	_ =	shalt  }
0x66: {  	_ =	shalt  }
0x67: {  	_ =	shalt  }
0x68: {  	_ =	shalt  }
0x69: {  	_ =	shalt  }
0x6a: {  	_ =	shalt  }
0x6b: {  	_ =	shalt  }
0x6c: {  	_ =	shalt  }
0x6d: {  	_ =	shalt  }
0x6e: {  	_ =	shalt  }
0x6f: {  	_ =	shalt  }
0x70: {  	_ =	shalt  }
0x71: {  	_ =	shalt  }
0x72: {  	_ =	shalt  }
0x73: {  	_ =	shalt  }
0x74: {  	_ =	shalt  }
0x75: {  	_ =	shalt  }
0x76: {  	_ =	shalt  }
0x77: {  	_ =	shalt  }
0x78: {  	_ =	shalt  }
0x79: {  	_ =	shalt  }
0x7a: {  	_ =	shalt  }
0x7b: {  	_ =	shalt  }
0x7c: {  	_ =	shalt  }
0x7d: {  	_ =	shalt  }
0x7e: {  	_ =	shalt  }
0x7f: {  	_ =	shalt  }
0x80: {  	_ =	shalt  }
0x81: {  	_ =	shalt  }
0x82: {  	_ =	shalt  }
0x83: {  	_ =	shalt  }
0x84: {  	_ =	shalt  }
0x85: {  	_ =	shalt  }
0x86: {  	_ =	shalt  }
0x87: {  	_ =	shalt  }
.Lfunc_end0:
.L_simem_size_0:
called_computation.1_lowered:
.L_overlay_start_0:
0x88: {  	s2 =	sld [smem:$0x3FD9]  }
0x89: {  	s3 =	sld [smem:$0x3FFE];
	_ =	sdelay $0x1  }
0x8a: {  	s1 =	srdreg.scid  }
0x8b: {  	s0 =	sand.u32 $0x1, s1  }
0x8c: {  	s17 =	sshll.u32 s0, $0xA;
	s2 =	sadd.s32 s3, s2  }
0x8d: {  	s2 =	sadd.s32 s2, s17  }
0x8e: {  	[smem:$0x3FC2] =	sst s2  }
0x8f: {  	_ = 	snop  }
0x90: {  	s2 =	sld [smem:$0x3FD0];
	(tm) =	ssettm $0x1  }
0x91: {  	s18 =	sld [smem:$0x3FFB];
	_ =	sdelay $0x3  }
0x92: {  	_ =	strace s18  }
0x93: {  	s3 =	sld [smem:$0x3FFC];
	_ =	sdelay $0x3  }
0x94: {  	_ =	strace s3  }
0x95: {  	s3 =	sld [smem:$0x3FFD];
	_ =	sdelay $0x3  }
0x96: {  	_ =	strace s3  }
0x97: {  	_ =	strace $0x8FFFFFFF  }
0x98: {  	s19 =	sld [smem:$0x3FDB];
	_ =	sdelay $0x1  }
0x99: {  	s4 =	simm.s32 $_scs_section_size  }
0x9a: {  	s5 =	simm.s32 $_size__tile_overlayer_lowered;
	s6 =	simm.s32 $_tile_overlayer_lowered  }
0x9b: {  	s22 =	simm.s32 $0x1BFF;
	s21 =	sshll.u32 s6, $0x1;
	s3 =	sadd.s32 s4, s19  }
0x9c: {  	s7 =	simm.s32 $0x0;
	s20 =	sshll.u32 s5, $0x1;
	s5 =	sadd.s32 s21, s3  }
0x9d: {  	[timem:s7], [sflag:s22] =	dma.local [hbm:s5], s20  }
0x9e: {  	_ =	swait.ge [sflag:s22], s20  }
0x9f: {  	s4 =	ssub.s32 $0x0, s20;
	[sflag:s22] =	ssyncset.done $0x0  }
0xa0: {  	[sflag:s22] =	ssyncadd.s32 s4;
	_ =	sdelay $0x1  }
0xa1: {  	s23 =	simm.s32 $0x1B8B  }
0xa2: {  	_ =	swait.ge [sflag:s23], $0x1  }
0xa3: {  	[sflag:s23] =	ssyncset.done $0x0  }
0xa4: {  	s25 =	simm.s32 $0x1B8E;
	s24 =	sld [smem:$0x3FFE];
	[sflag:s23] =	ssyncadd.s32 $0xFFFFFFFF  }
0xa5: {  	s26 =	simm.s32 $execute0_lowered;
	[smem:$0x3FD2] =	sst s25  }
0xa6: {  	s5 =	sshll.u32 s26, $0x1;
	_ =	strace $0x80000049;
	[dreg:$0x1] =	wrdreg $0xFFFFFFFF  }
0xa7: {  	s28 =	simm.s32 $_size_execute0_lowered;
	s3 =	sadd.s32 s3, s5;
	[dreg:$0x0] =	wrdreg $0x0  }
0xa8: {  	s5 =	sshll.u32 s28, $0x1;
	[dreg:$0x2] =	wrdreg s3  }
0xa9: {  	[dreg:$0x3] =	wrdreg s5  }
0xaa: {  	[dreg:$0x4] =	wrdreg $0xC0  }
0xab: {  	_ =	task [dreg:s7], $0x5FFFF  }
0xac: {  	[dreg:$0x1] =	wrdreg $0xFFFFFFFF  }
0xad: {  	[dreg:$0x0] =	wrdreg $0x60  }
0xae: {  	[dreg:$0x2] =	wrdreg s24  }
0xaf: {  	[dreg:$0x3] =	wrdreg s2  }
0xb0: {  	[dreg:$0x4] =	wrdreg $0x9  }
0xb1: {  	_ =	task.clear_ibuf [dreg:s7], $0x5FFFF;
	_ =	strace $0x90000049  }
0xb2: {  	s29 =	simm.s32 $0x9;
	_ =	strace $0x8000004B  }
0xb3: {  	_ =	swait.ge [sflag:s29], $0x1  }
0xb4: {  	[sflag:s29] =	ssyncadd.s32 $0xFFFFFFFF  }
0xb5: {  	_ =	strace $0x9000004B  }
0xb6: {  	_ =	sfence  }
0xb7: {  	s30 =	sld [smem:$0x0];
	_ =	sdelay $0x2  }
0xb8: {  	s31 =	sshll.u32 s1, $0xD;
	s1 =	sshrl.u32 s1, $0x2  }
0xb9: {  	s3 =	sand.u32 $0x4000, s31;
	s1 =	sadd.s32 s1, s30  }
0xba: {  	s0 =	sor.u32 s3, s0;
	s1 =	sshll.u32 s1, $0x11  }
0xbb: {  	s0 =	sor.u32 s1, s0  }
0xbc: {  	s0 =	sadd.s32 $0x8F2B, s0  }
0xbd: {  	[sflag:s0] =	ssyncadd.remote.s32 $0x1  }
0xbe: {  	_ =	sfence.sel $0xFFFF  }
0xbf: {  	[dreg:$0x0] =	wrdreg $0xFFFFFFFF;
	(pc) =	sbr.abs _section_cstart, $3  }
0xc0: {  	[dreg:$0x1] =	wrdreg $0xFFFFFFFF  }
0xc1: {  	_ =	task.clear_ibuf [dreg:s7], $0x2FFFF;
	_ =	strace $0x9FFFFFFF  }
0xc2: {  	(tm) =	ssettm $0x7FFFFFFF  }
0xc3: {  	_ =	shalt  }
tec
execute0_lowered:
.L_overlay_start_1:
0x0: {  	(tag) =	ssettag $0x1  }
0x1: {  	s0 =	rddreg [dreg:$0x0]  }
0x2: {  	s1 =	rddreg [dreg:$0x1];
	s2 =	simm.s32 $0x0  }
0x3: {  	s3 =	srdreg.scid;
	s5 =	stileid.u32;
	s12 =	simm.s32 $0x4  }
0x4: {  	s15 =	simm.s32 $0x200;
	s20 =	simm.s32 $0xC200;
	s17 =	simm.s32 $0x14200  }
0x5: {  	s18 =	simm.s32 $0x14A00;
	s19 =	simm.s32 $0x15200;
	s21 =	simm.s32 $0x15A00  }
0x6: {  	s22 =	simm.s32 $0x16200;
	s23 =	simm.s32 $0x16A00;
	s28 =	simm.s32 $0x2  }
0x7: {  	s29 =	simm.s32 $0x3;
	s30 =	simm.s32 $0x0;
	[smem:$0x7FF] =	sst s2  }
0x8: {  	s4 =	sand.u32 $0x1, s3;
	s24 =	sshll.u32 s5, $0x1;
	s3 =	sadd.s32 $0xC9000, s0  }
0x9: {  	_ =	strace $0x8000004A;
	s6 =	sor.u32 s4, s24;
	s4 =	ssub.s32 $0x2, s4  }
0xa: {  	s24 =	simm.s32 $0x17200;
	s25 =	sshll.u32 s6, $0x5;
	s26 =	smul.u32 $0xC000, s6  }
0xb: {  	s7 =	sshll.u32 s6, $0xA;
	s8 =	sshrl.u32 s4, $0x1;
	s9 =	smul.u32 $0x1800, s6  }
0xc: {  	s5 =	sadd.s32 s25, s0;
	s7 =	sadd.s32 s7, s0;
	s11 =	ssub.s32 s4, s8  }
0xd: {  	s8 =	sadd.s32 $0xC9200, s0;
	s25 =	simm.s32 $0x17A00;
	s4 =	sadd.s32 $0x8C00, s5  }
0xe: {  	v2 =	vlaneseq.u32;
	s5 =	sadd.s32 $0x8800, s5;
	s6 =	sadd.s32 $0x800, s7;
	s10 =	sshrl.u32 s26, $0x3  }
0xf: {  	vm0 =	vmmov $0xffff;
	v1 =	vshrl.u32 v2, $0x3;
	s7 =	sadd.s32 $0xC9100, s0;
	s9 =	sadd.s32 s1, s9;
	s31 =	sadd.s32 s1, s10  }
0x10: {  	v0 =	vand.u32 $0x7, v2;
	v2 =	vor.u32 $0x8, v2;
	v1 =	vmul.u32 $0x8, v1;
	s11 =	smax.u32 s11, $0x1;
	s26 =	simm.s32 $0x1;
	s10 =	sadd.s32 $0xC00, s31  }
.LBB2_1:
0x11: {  	[tilespmem:s2], [sflag:$0x4] =	stream.linear.gather [hbm4b:s4+s2], $0x100, $0x38;
	[tilespmem:$0x1A200] =	vst v63  }
0x12: {  	_ =	swait.ge [sflag:s12], $0x100  }
0x13: {  	[sflag:s12] =	ssyncset.done $0x0  }
0x14: {  	s0 =	simm.s32 $0x100;
	[sflag:s12] =	ssyncadd.s32 $0xFFFFFF00  }
0x15: {  	[tilespmem:s0], [sflag:$0x4] =	stream.linear.gather [hbm4b:s5+s2], $0x100, $0x38;
	[tilespmem:$0x1A200] =	vst v63  }
0x16: {  	_ =	swait.ge [sflag:s12], $0x100  }
0x17: {  	[sflag:s12] =	ssyncset.done $0x0  }
0x18: {  	s16 =	simm.s32 $0x18200;
	[sflag:s12] =	ssyncadd.s32 $0xFFFFFF00  }
0x19: {  	[tilespmem:s16], [sflag:$0x4] =	stream.linear.gather [hbm4b:s6+s2], $0x2000, $0x38;
	[tilespmem:$0x1A200] =	vst v63  }
0x1a: {  	_ =	swait.ge [sflag:s12], $0x2000  }
0x1b: {  	[sflag:s12] =	ssyncset.done $0x0  }
0x1c: {  	[sflag:s12] =	ssyncadd.s32 $0xFFFFE000  }
0x1d: {  	v3 =	vld [tilespmem:$0x0];
	_ =	sdelay $0x4  }
0x1e: {  	v4 =	vshrl.u32 v3, $0x3  }
0x1f: {  	v4 =	vmul.u32 $0x30, v4  }
0x20: {  	v3 =	vand.u32 $0x7, v3  }
0x21: {  	v3 =	vor.u32 v3, v4  }
0x22: {  	v4 =	vperm.xlane v3, v0;
	_ =	sdelay $0x1  }
0x23: {  	v4 =	vadd.s32 v1, v4;
	_ =	sdelay $0x3  }
0x24: {  	v3 =	vperm.xlane v3, v2  }
0x25: {  	[tilespmem:s15], [sflag:$0x1] =	stream.indirect_vreg.gather [hbm4b:s3+s2], $0x80, v4, vm0, $0xb8;
	[tilespmem:$0x1A200] =	vst v63  }
0x26: {  	s1 =	simm.s32 $0xA00;
	v3 =	vadd.s32 v1, v3  }
0x27: {  	[tilespmem:s1], [sflag:$0x1] =	stream.indirect_vreg.gather [hbm4b:s7+s2], $0x80, v4, vm0, $0xb8;
	[tilespmem:$0x1A200] =	vst v63  }
0x28: {  	s13 =	simm.s32 $0x1200  }
0x29: {  	[tilespmem:s13], [sflag:$0x1] =	stream.indirect_vreg.gather [hbm4b:s8+s2], $0x80, v4, vm0, $0xb8;
	[tilespmem:$0x1A200] =	vst v63  }
0x2a: {  	s14 =	simm.s32 $0x1A00  }
0x2b: {  	[tilespmem:s14], [sflag:$0x1] =	stream.indirect_vreg.gather [hbm4b:s3+s2], $0x80, v3, vm0, $0xb8;
	[tilespmem:$0x1A200] =	vst v63  }
0x2c: {  	s16 =	simm.s32 $0x2200  }
0x2d: {  	[tilespmem:s16], [sflag:$0x1] =	stream.indirect_vreg.gather [hbm4b:s7+s2], $0x80, v3, vm0, $0xb8;
	[tilespmem:$0x1A200] =	vst v63  }
0x2e: {  	s1 =	simm.s32 $0x2A00  }
0x2f: {  	[tilespmem:s1], [sflag:$0x1] =	stream.indirect_vreg.gather [hbm4b:s8+s2], $0x80, v3, vm0, $0xb8;
	[tilespmem:$0x1A200] =	vst v63  }
0x30: {  	v3 =	vld [tilespmem:$0x10];
	_ =	sdelay $0x4  }
0x31: {  	v4 =	vshrl.u32 v3, $0x3  }
0x32: {  	v4 =	vmul.u32 $0x30, v4  }
0x33: {  	v3 =	vand.u32 $0x7, v3  }
0x34: {  	v3 =	vor.u32 v3, v4  }
0x35: {  	v4 =	vperm.xlane v3, v0;
	_ =	sdelay $0x1  }
0x36: {  	v4 =	vadd.s32 v1, v4;
	_ =	sdelay $0x3  }
0x37: {  	s13 =	simm.s32 $0x3200;
	v3 =	vperm.xlane v3, v2  }
0x38: {  	[tilespmem:s13], [sflag:$0x1] =	stream.indirect_vreg.gather [hbm4b:s3+s2], $0x80, v4, vm0, $0xb8;
	[tilespmem:$0x1A200] =	vst v63  }
0x39: {  	s14 =	simm.s32 $0x3A00;
	v3 =	vadd.s32 v1, v3  }
0x3a: {  	[tilespmem:s14], [sflag:$0x1] =	stream.indirect_vreg.gather [hbm4b:s7+s2], $0x80, v4, vm0, $0xb8;
	[tilespmem:$0x1A200] =	vst v63  }
0x3b: {  	s16 =	simm.s32 $0x4200  }
0x3c: {  	[tilespmem:s16], [sflag:$0x1] =	stream.indirect_vreg.gather [hbm4b:s8+s2], $0x80, v4, vm0, $0xb8;
	[tilespmem:$0x1A200] =	vst v63  }
0x3d: {  	s1 =	simm.s32 $0x4A00  }
0x3e: {  	[tilespmem:s1], [sflag:$0x1] =	stream.indirect_vreg.gather [hbm4b:s3+s2], $0x80, v3, vm0, $0xb8;
	[tilespmem:$0x1A200] =	vst v63  }
0x3f: {  	s13 =	simm.s32 $0x5200  }
0x40: {  	[tilespmem:s13], [sflag:$0x1] =	stream.indirect_vreg.gather [hbm4b:s7+s2], $0x80, v3, vm0, $0xb8;
	[tilespmem:$0x1A200] =	vst v63  }
0x41: {  	s14 =	simm.s32 $0x5A00  }
0x42: {  	[tilespmem:s14], [sflag:$0x1] =	stream.indirect_vreg.gather [hbm4b:s8+s2], $0x80, v3, vm0, $0xb8;
	[tilespmem:$0x1A200] =	vst v63  }
0x43: {  	v3 =	vld [tilespmem:$0x100];
	_ =	sdelay $0x4  }
0x44: {  	v4 =	vshrl.u32 v3, $0x3  }
0x45: {  	v4 =	vmul.u32 $0x30, v4  }
0x46: {  	v3 =	vand.u32 $0x7, v3  }
0x47: {  	v3 =	vor.u32 v3, v4  }
0x48: {  	v4 =	vperm.xlane v3, v0;
	_ =	sdelay $0x1  }
0x49: {  	v4 =	vadd.s32 v1, v4;
	_ =	sdelay $0x3  }
0x4a: {  	s16 =	simm.s32 $0x6200;
	v3 =	vperm.xlane v3, v2  }
0x4b: {  	[tilespmem:s16], [sflag:$0x1] =	stream.indirect_vreg.gather [hbm4b:s3+s2], $0x80, v4, vm0, $0xb8;
	[tilespmem:$0x1A200] =	vst v63  }
0x4c: {  	s1 =	simm.s32 $0x6A00;
	v3 =	vadd.s32 v1, v3  }
0x4d: {  	[tilespmem:s1], [sflag:$0x1] =	stream.indirect_vreg.gather [hbm4b:s7+s2], $0x80, v4, vm0, $0xb8;
	[tilespmem:$0x1A200] =	vst v63  }
0x4e: {  	s13 =	simm.s32 $0x7200  }
0x4f: {  	[tilespmem:s13], [sflag:$0x1] =	stream.indirect_vreg.gather [hbm4b:s8+s2], $0x80, v4, vm0, $0xb8;
	[tilespmem:$0x1A200] =	vst v63  }
0x50: {  	s14 =	simm.s32 $0x7A00  }
0x51: {  	[tilespmem:s14], [sflag:$0x1] =	stream.indirect_vreg.gather [hbm4b:s3+s2], $0x80, v3, vm0, $0xb8;
	[tilespmem:$0x1A200] =	vst v63  }
0x52: {  	s16 =	simm.s32 $0x8200  }
0x53: {  	[tilespmem:s16], [sflag:$0x1] =	stream.indirect_vreg.gather [hbm4b:s7+s2], $0x80, v3, vm0, $0xb8;
	[tilespmem:$0x1A200] =	vst v63  }
0x54: {  	s1 =	simm.s32 $0x8A00  }
0x55: {  	[tilespmem:s1], [sflag:$0x1] =	stream.indirect_vreg.gather [hbm4b:s8+s2], $0x80, v3, vm0, $0xb8;
	[tilespmem:$0x1A200] =	vst v63  }
0x56: {  	v3 =	vld [tilespmem:$0x110];
	_ =	sdelay $0x4  }
0x57: {  	v4 =	vshrl.u32 v3, $0x3  }
0x58: {  	v4 =	vmul.u32 $0x30, v4  }
0x59: {  	v3 =	vand.u32 $0x7, v3  }
0x5a: {  	v3 =	vor.u32 v3, v4  }
0x5b: {  	v4 =	vperm.xlane v3, v0;
	_ =	sdelay $0x1  }
0x5c: {  	v4 =	vadd.s32 v1, v4;
	_ =	sdelay $0x3  }
0x5d: {  	s13 =	simm.s32 $0x9200;
	v3 =	vperm.xlane v3, v2  }
0x5e: {  	[tilespmem:s13], [sflag:$0x1] =	stream.indirect_vreg.gather [hbm4b:s3+s2], $0x80, v4, vm0, $0xb8;
	[tilespmem:$0x1A200] =	vst v63  }
0x5f: {  	s14 =	simm.s32 $0x9A00;
	v3 =	vadd.s32 v1, v3  }
0x60: {  	[tilespmem:s14], [sflag:$0x1] =	stream.indirect_vreg.gather [hbm4b:s7+s2], $0x80, v4, vm0, $0xb8;
	[tilespmem:$0x1A200] =	vst v63  }
0x61: {  	s16 =	simm.s32 $0xA200  }
0x62: {  	[tilespmem:s16], [sflag:$0x1] =	stream.indirect_vreg.gather [hbm4b:s8+s2], $0x80, v4, vm0, $0xb8;
	[tilespmem:$0x1A200] =	vst v63  }
0x63: {  	s1 =	simm.s32 $0xAA00  }
0x64: {  	[tilespmem:s1], [sflag:$0x1] =	stream.indirect_vreg.gather [hbm4b:s3+s2], $0x80, v3, vm0, $0xb8;
	[tilespmem:$0x1A200] =	vst v63  }
0x65: {  	s13 =	simm.s32 $0xB200  }
0x66: {  	[tilespmem:s13], [sflag:$0x1] =	stream.indirect_vreg.gather [hbm4b:s7+s2], $0x80, v3, vm0, $0xb8;
	[tilespmem:$0x1A200] =	vst v63  }
0x67: {  	s14 =	simm.s32 $0xBA00  }
0x68: {  	[tilespmem:s14], [sflag:$0x1] =	stream.indirect_vreg.gather [hbm4b:s8+s2], $0x80, v3, vm0, $0xb8;
	[tilespmem:$0x1A200] =	vst v63  }
0x69: {  	v3 =	vld [tilespmem:$0x80];
	_ =	sdelay $0x4  }
0x6a: {  	v4 =	vshrl.u32 v3, $0x3  }
0x6b: {  	v4 =	vmul.u32 $0x30, v4  }
0x6c: {  	v3 =	vand.u32 $0x7, v3  }
0x6d: {  	v3 =	vor.u32 v3, v4  }
0x6e: {  	v4 =	vperm.xlane v3, v0;
	_ =	sdelay $0x1  }
0x6f: {  	v4 =	vadd.s32 v1, v4;
	_ =	sdelay $0x3  }
0x70: {  	v3 =	vperm.xlane v3, v2  }
0x71: {  	[tilespmem:s20], [sflag:$0x2] =	stream.indirect_vreg.gather [hbm4b:s3+s2], $0x80, v4, vm0, $0xb8;
	[tilespmem:$0x1A200] =	vst v63  }
0x72: {  	s16 =	simm.s32 $0xCA00;
	v3 =	vadd.s32 v1, v3  }
0x73: {  	[tilespmem:s16], [sflag:$0x2] =	stream.indirect_vreg.gather [hbm4b:s7+s2], $0x80, v4, vm0, $0xb8;
	[tilespmem:$0x1A200] =	vst v63  }
0x74: {  	s1 =	simm.s32 $0xD200  }
0x75: {  	[tilespmem:s1], [sflag:$0x2] =	stream.indirect_vreg.gather [hbm4b:s8+s2], $0x80, v4, vm0, $0xb8;
	[tilespmem:$0x1A200] =	vst v63  }
0x76: {  	s13 =	simm.s32 $0xDA00  }
0x77: {  	[tilespmem:s13], [sflag:$0x2] =	stream.indirect_vreg.gather [hbm4b:s3+s2], $0x80, v3, vm0, $0xb8;
	[tilespmem:$0x1A200] =	vst v63  }
0x78: {  	s14 =	simm.s32 $0xE200  }
0x79: {  	[tilespmem:s14], [sflag:$0x2] =	stream.indirect_vreg.gather [hbm4b:s7+s2], $0x80, v3, vm0, $0xb8;
	[tilespmem:$0x1A200] =	vst v63  }
0x7a: {  	s16 =	simm.s32 $0xEA00  }
0x7b: {  	[tilespmem:s16], [sflag:$0x2] =	stream.indirect_vreg.gather [hbm4b:s8+s2], $0x80, v3, vm0, $0xb8;
	[tilespmem:$0x1A200] =	vst v63  }
0x7c: {  	v3 =	vld [tilespmem:$0x90];
	_ =	sdelay $0x4  }
0x7d: {  	v4 =	vshrl.u32 v3, $0x3  }
0x7e: {  	v4 =	vmul.u32 $0x30, v4  }
0x7f: {  	v3 =	vand.u32 $0x7, v3  }
0x80: {  	v3 =	vor.u32 v3, v4  }
0x81: {  	v4 =	vperm.xlane v3, v0;
	_ =	sdelay $0x1  }
0x82: {  	v4 =	vadd.s32 v1, v4;
	_ =	sdelay $0x3  }
0x83: {  	s1 =	simm.s32 $0xF200;
	v3 =	vperm.xlane v3, v2  }
0x84: {  	[tilespmem:s1], [sflag:$0x2] =	stream.indirect_vreg.gather [hbm4b:s3+s2], $0x80, v4, vm0, $0xb8;
	[tilespmem:$0x1A200] =	vst v63  }
0x85: {  	s13 =	simm.s32 $0xFA00;
	v3 =	vadd.s32 v1, v3  }
0x86: {  	[tilespmem:s13], [sflag:$0x2] =	stream.indirect_vreg.gather [hbm4b:s7+s2], $0x80, v4, vm0, $0xb8;
	[tilespmem:$0x1A200] =	vst v63  }
0x87: {  	s14 =	simm.s32 $0x10200  }
0x88: {  	[tilespmem:s14], [sflag:$0x2] =	stream.indirect_vreg.gather [hbm4b:s8+s2], $0x80, v4, vm0, $0xb8;
	[tilespmem:$0x1A200] =	vst v63  }
0x89: {  	s16 =	simm.s32 $0x10A00  }
0x8a: {  	[tilespmem:s16], [sflag:$0x2] =	stream.indirect_vreg.gather [hbm4b:s3+s2], $0x80, v3, vm0, $0xb8;
	[tilespmem:$0x1A200] =	vst v63  }
0x8b: {  	s1 =	simm.s32 $0x11200  }
0x8c: {  	[tilespmem:s1], [sflag:$0x2] =	stream.indirect_vreg.gather [hbm4b:s7+s2], $0x80, v3, vm0, $0xb8;
	[tilespmem:$0x1A200] =	vst v63  }
0x8d: {  	s13 =	simm.s32 $0x11A00  }
0x8e: {  	[tilespmem:s13], [sflag:$0x2] =	stream.indirect_vreg.gather [hbm4b:s8+s2], $0x80, v3, vm0, $0xb8;
	[tilespmem:$0x1A200] =	vst v63  }
0x8f: {  	v3 =	vld [tilespmem:$0x180];
	_ =	sdelay $0x4  }
0x90: {  	v4 =	vshrl.u32 v3, $0x3  }
0x91: {  	v4 =	vmul.u32 $0x30, v4  }
0x92: {  	v3 =	vand.u32 $0x7, v3  }
0x93: {  	v3 =	vor.u32 v3, v4  }
0x94: {  	v4 =	vperm.xlane v3, v0;
	_ =	sdelay $0x1  }
0x95: {  	v4 =	vadd.s32 v1, v4;
	_ =	sdelay $0x3  }
0x96: {  	s14 =	simm.s32 $0x12200;
	v3 =	vperm.xlane v3, v2  }
0x97: {  	[tilespmem:s14], [sflag:$0x2] =	stream.indirect_vreg.gather [hbm4b:s3+s2], $0x80, v4, vm0, $0xb8;
	[tilespmem:$0x1A200] =	vst v63  }
0x98: {  	s16 =	simm.s32 $0x12A00;
	v3 =	vadd.s32 v1, v3  }
0x99: {  	[tilespmem:s16], [sflag:$0x2] =	stream.indirect_vreg.gather [hbm4b:s7+s2], $0x80, v4, vm0, $0xb8;
	[tilespmem:$0x1A200] =	vst v63  }
0x9a: {  	s1 =	simm.s32 $0x13200  }
0x9b: {  	[tilespmem:s1], [sflag:$0x2] =	stream.indirect_vreg.gather [hbm4b:s8+s2], $0x80, v4, vm0, $0xb8;
	[tilespmem:$0x1A200] =	vst v63  }
0x9c: {  	s13 =	simm.s32 $0x13A00  }
0x9d: {  	[tilespmem:s13], [sflag:$0x2] =	stream.indirect_vreg.gather [hbm4b:s3+s2], $0x80, v3, vm0, $0xb8;
	[tilespmem:$0x1A200] =	vst v63  }
0x9e: {  	_ = 	snop  }
0x9f: {  	[tilespmem:s17], [sflag:$0x2] =	stream.indirect_vreg.gather [hbm4b:s7+s2], $0x80, v3, vm0, $0xb8;
	[tilespmem:$0x1A200] =	vst v63  }
0xa0: {  	_ = 	snop  }
0xa1: {  	[tilespmem:s18], [sflag:$0x2] =	stream.indirect_vreg.gather [hbm4b:s8+s2], $0x80, v3, vm0, $0xb8;
	[tilespmem:$0x1A200] =	vst v63  }
0xa2: {  	v3 =	vld [tilespmem:$0x190];
	_ =	sdelay $0x4  }
0xa3: {  	v4 =	vshrl.u32 v3, $0x3  }
0xa4: {  	v4 =	vmul.u32 $0x30, v4  }
0xa5: {  	v3 =	vand.u32 $0x7, v3  }
0xa6: {  	v3 =	vor.u32 v3, v4  }
0xa7: {  	v4 =	vperm.xlane v3, v0;
	_ =	sdelay $0x1  }
0xa8: {  	v4 =	vadd.s32 v1, v4;
	_ =	sdelay $0x3  }
0xa9: {  	v3 =	vperm.xlane v3, v2  }
0xaa: {  	[tilespmem:s19], [sflag:$0x2] =	stream.indirect_vreg.gather [hbm4b:s3+s2], $0x80, v4, vm0, $0xb8;
	[tilespmem:$0x1A200] =	vst v63  }
0xab: {  	v3 =	vadd.s32 v1, v3  }
0xac: {  	[tilespmem:s21], [sflag:$0x2] =	stream.indirect_vreg.gather [hbm4b:s7+s2], $0x80, v4, vm0, $0xb8;
	[tilespmem:$0x1A200] =	vst v63  }
0xad: {  	_ = 	snop  }
0xae: {  	[tilespmem:s22], [sflag:$0x2] =	stream.indirect_vreg.gather [hbm4b:s8+s2], $0x80, v4, vm0, $0xb8;
	[tilespmem:$0x1A200] =	vst v63  }
0xaf: {  	_ = 	snop  }
0xb0: {  	[tilespmem:s23], [sflag:$0x2] =	stream.indirect_vreg.gather [hbm4b:s3+s2], $0x80, v3, vm0, $0xb8;
	[tilespmem:$0x1A200] =	vst v63  }
0xb1: {  	_ = 	snop  }
0xb2: {  	[tilespmem:s24], [sflag:$0x2] =	stream.indirect_vreg.gather [hbm4b:s7+s2], $0x80, v3, vm0, $0xb8;
	[tilespmem:$0x1A200] =	vst v63  }
0xb3: {  	_ = 	snop  }
0xb4: {  	[tilespmem:s25], [sflag:$0x2] =	stream.indirect_vreg.gather [hbm4b:s8+s2], $0x80, v3, vm0, $0xb8;
	[tilespmem:$0x1A200] =	vst v63  }
0xb5: {  	_ =	swait.ge [sflag:s26], $0x6000  }
0xb6: {  	[sflag:s26] =	ssyncset.done $0x0  }
0xb7: {  	s14 =	simm.s32 $0x0;
	[sflag:s26] =	ssyncadd.s32 $0xFFFFA000  }
0xb8: {  	s0 =	smul.u32 $0x1800, s14;
	_ =	swait.ge [sflag:s26], $0x6000  }
0xb9: {  	s1 =	sand.u32 $0x380, s2;
	[sflag:s26] =	ssyncset.done $0x0  }
0xba: {  	s13 =	sor.u32 s1, s0;
	[sflag:s26] =	ssyncadd.s32 $0xFFFFA000  }
0xbb: {  	v4 =	vld [tilespmem:s13+$0x210]  }
0xbc: {  	v3 =	vld [tilespmem:s13+$0x6210]  }
0xbd: {  	v6 =	vld [tilespmem:s13+$0x220]  }
0xbe: {  	v5 =	vld [tilespmem:s13+$0x6220]  }
0xbf: {  	v10 =	vld [tilespmem:s13+$0x230]  }
0xc0: {  	v7 =	vld [tilespmem:s13+$0x6230]  }
0xc1: {  	v12 =	vld [tilespmem:s13+$0x240]  }
0xc2: {  	v11 =	vld [tilespmem:s13+$0x6240]  }
0xc3: {  	v13 =	vld [tilespmem:s13+$0x260]  }
0xc4: {  	v14 =	vld [tilespmem:s13+$0x270]  }
0xc5: {  	v15 =	vld [tilespmem:s13+$0x600]  }
0xc6: {  	v16 =	vld [tilespmem:s13+$0x610]  }
0xc7: {  	v17 =	vld [tilespmem:s13+$0x620]  }
0xc8: {  	v18 =	vld [tilespmem:s13+$0x630]  }
0xc9: {  	v19 =	vld [tilespmem:s13+$0x640]  }
0xca: {  	v20 =	vld [tilespmem:s13+$0x650]  }
0xcb: {  	v21 =	vld [tilespmem:s13+$0x660]  }
0xcc: {  	v22 =	vld [tilespmem:s13+$0x670]  }
0xcd: {  	v23 =	vld [tilespmem:s13+$0xA00]  }
0xce: {  	v24 =	vld [tilespmem:s13+$0xA10]  }
0xcf: {  	v25 =	vld [tilespmem:s13+$0xA20]  }
0xd0: {  	v26 =	vld [tilespmem:s13+$0xA30]  }
0xd1: {  	v27 =	vld [tilespmem:s13+$0xA40]  }
0xd2: {  	v28 =	vld [tilespmem:s13+$0xA50]  }
0xd3: {  	v29 =	vld [tilespmem:s13+$0xA60]  }
0xd4: {  	v30 =	vld [tilespmem:s13+$0xA70]  }
0xd5: {  	v31 =	vld [tilespmem:s13+$0xE00]  }
0xd6: {  	v32 =	vld [tilespmem:s13+$0xE10]  }
0xd7: {  	v33 =	vld [tilespmem:s13+$0xE20]  }
0xd8: {  	v34 =	vld [tilespmem:s13+$0xE30]  }
0xd9: {  	v35 =	vld [tilespmem:s13+$0xE40]  }
0xda: {  	v36 =	vld [tilespmem:s13+$0xE50]  }
0xdb: {  	v37 =	vld [tilespmem:s13+$0xE60]  }
0xdc: {  	v38 =	vld [tilespmem:s13+$0xE70]  }
0xdd: {  	v39 =	vld [tilespmem:s13+$0x1200]  }
0xde: {  	v40 =	vld [tilespmem:s13+$0x1210]  }
0xdf: {  	v41 =	vld [tilespmem:s13+$0x1220]  }
0xe0: {  	v42 =	vld [tilespmem:s13+$0x1230]  }
0xe1: {  	v43 =	vld [tilespmem:s13+$0x1240]  }
0xe2: {  	v44 =	vld [tilespmem:s13+$0x1250]  }
0xe3: {  	v45 =	vld [tilespmem:s13+$0x1260]  }
0xe4: {  	v46 =	vld [tilespmem:s13+$0x1600]  }
0xe5: {  	v47 =	vld [tilespmem:s13+$0x1610]  }
0xe6: {  	v48 =	vld [tilespmem:s13+$0x7610]  }
0xe7: {  	v49 =	vld [tilespmem:s13+$0x7630]  }
0xe8: {  	v50 =	vld [tilespmem:s13+$0x1630]  }
0xe9: {  	s0 =	simm.s32 $0x18240;
	v51 =	vld [tilespmem:s13+$0x1620]  }
0xea: {  	v8 =	vld [tilespmem:s0+$0xFFFFFFC0]  }
0xeb: {  	v9 =	vld [tilespmem:s0+$0x0]  }
0xec: {  	v52 =	vld [tilespmem:s13+$0x7620]  }
0xed: {  	v53 =	vld [tilespmem:s13+$0x7600]  }
0xee: {  	v54 =	vld [tilespmem:s13+$0x1270]  }
0xef: {  	v55 =	vld [tilespmem:s13+$0x7270];
	v50 =	vmul.f32 v50, v8  }
0xf0: {  	v56 =	vld [tilespmem:s13+$0x7260];
	v49 =	vmul.f32 v49, v9;
	v51 =	vmul.f32 v51, v8  }
0xf1: {  	v61 =	vld [tilespmem:s13+$0x7200];
	v52 =	vmul.f32 v52, v9;
	v47 =	vmul.f32 v47, v8  }
0xf2: {  	v57 =	vld [tilespmem:s13+$0x7250];
	v48 =	vmul.f32 v48, v9;
	v46 =	vmul.f32 v46, v8;
	v49 =	vadd.f32 v49, v50  }
0xf3: {  	v58 =	vld [tilespmem:s13+$0x7240];
	v62 =	vmul.f32 v53, v9;
	v63 =	vmul.f32 v54, v8;
	v51 =	vadd.f32 v52, v51  }
0xf4: {  	v53 =	vld [tilespmem:s13+$0x7230];
	v59 =	vmul.f32 v55, v9;
	v45 =	vmul.f32 v45, v8;
	v47 =	vadd.f32 v48, v47;
	[tilespmem:s13+$0x1630] =	vst v49  }
0xf5: {  	v60 =	vmul.f32 v56, v9;
	v56 =	vld [tilespmem:s13+$0x6E60];
	v39 =	vmul.f32 v39, v8;
	v46 =	vadd.f32 v62, v46;
	[tilespmem:s13+$0x1620] =	vst v51  }
0xf6: {  	v61 =	vmul.f32 v61, v9;
	v55 =	vld [tilespmem:s13+$0x6A70];
	v12 =	vmul.f32 v12, v8;
	v52 =	vadd.f32 v59, v63;
	[tilespmem:s13+$0x1610] =	vst v47  }
0xf7: {  	v11 =	vmul.f32 v11, v9;
	v10 =	vmul.f32 v10, v8;
	v48 =	vld [tilespmem:s13+$0x7220];
	v45 =	vadd.f32 v60, v45;
	[tilespmem:s13+$0x1600] =	vst v46  }
0xf8: {  	v7 =	vmul.f32 v7, v9;
	v63 =	vmul.f32 v58, v9;
	v58 =	vld [tilespmem:s13+$0x6E50];
	v39 =	vadd.f32 v61, v39;
	[tilespmem:s13+$0x1270] =	vst v52  }
0xf9: {  	v44 =	vmul.f32 v44, v8;
	v62 =	vmul.f32 v57, v9;
	v59 =	vld [tilespmem:s13+$0x6E40];
	v11 =	vadd.f32 v11, v12;
	[tilespmem:s13+$0x1260] =	vst v45  }
0xfa: {  	v43 =	vmul.f32 v43, v8;
	v60 =	vld [tilespmem:s13+$0x6E30];
	v7 =	vadd.f32 v7, v10;
	[tilespmem:s13+$0x1200] =	vst v39  }
0xfb: {  	v42 =	vmul.f32 v42, v8;
	v61 =	vld [tilespmem:s13+$0x6A10];
	v44 =	vadd.f32 v62, v44;
	[tilespmem:s13+$0x240] =	vst v11;
	v57 =	vmul.f32 v53, v9  }
0xfc: {  	v37 =	vmul.f32 v37, v8;
	v49 =	vld [tilespmem:s13+$0x7210];
	v43 =	vadd.f32 v63, v43;
	[tilespmem:s13+$0x230] =	vst v7;
	v46 =	vmul.f32 v56, v9  }
0xfd: {  	v41 =	vmul.f32 v41, v8;
	v47 =	vld [tilespmem:s13+$0x6E70];
	[tilespmem:s13+$0x1250] =	vst v44;
	v48 =	vmul.f32 v48, v9;
	v42 =	vadd.f32 v57, v42  }
0xfe: {  	v36 =	vmul.f32 v36, v8;
	v62 =	vld [tilespmem:s13+$0x6E20];
	[tilespmem:s13+$0x1240] =	vst v43;
	v54 =	vmul.f32 v58, v9;
	v37 =	vadd.f32 v46, v37  }
0xff: {  	v35 =	vmul.f32 v35, v8;
	v63 =	vld [tilespmem:s13+$0x6E10];
	v45 =	vmul.f32 v59, v9;
	v41 =	vadd.f32 v48, v41;
	[tilespmem:s13+$0x1230] =	vst v42  }
0x100: {  	v34 =	vmul.f32 v34, v8;
	v56 =	vld [tilespmem:s13+$0x6A60];
	v44 =	vmul.f32 v60, v9;
	v36 =	vadd.f32 v54, v36;
	[tilespmem:s13+$0xE60] =	vst v37  }
0x101: {  	v40 =	vmul.f32 v40, v8;
	v53 =	vld [tilespmem:s13+$0x6E00];
	v49 =	vmul.f32 v49, v9;
	v35 =	vadd.f32 v45, v35;
	[tilespmem:s13+$0x1220] =	vst v41  }
0x102: {  	v38 =	vmul.f32 v38, v8;
	v12 =	vld [tilespmem:s13+$0x1660];
	v47 =	vmul.f32 v47, v9;
	v34 =	vadd.f32 v44, v34;
	[tilespmem:s13+$0xE50] =	vst v36  }
0x103: {  	v33 =	vmul.f32 v33, v8;
	v58 =	vld [tilespmem:s13+$0x6A40];
	v43 =	vmul.f32 v62, v9;
	v40 =	vadd.f32 v49, v40;
	[tilespmem:s13+$0xE40] =	vst v35  }
0x104: {  	v32 =	vmul.f32 v32, v8;
	v57 =	vld [tilespmem:s13+$0x6A50];
	v42 =	vmul.f32 v63, v9;
	v38 =	vadd.f32 v47, v38;
	[tilespmem:s13+$0xE30] =	vst v34  }
0x105: {  	v29 =	vmul.f32 v29, v8;
	v60 =	vld [tilespmem:s13+$0x6A20];
	v39 =	vmul.f32 v56, v9;
	v33 =	vadd.f32 v43, v33;
	[tilespmem:s13+$0x1210] =	vst v40  }
0x106: {  	v31 =	vmul.f32 v31, v8;
	v59 =	vld [tilespmem:s13+$0x6A30];
	v41 =	vmul.f32 v53, v9;
	v32 =	vadd.f32 v42, v32;
	[tilespmem:s13+$0xE70] =	vst v38  }
0x107: {  	v24 =	vmul.f32 v24, v8;
	v62 =	vld [tilespmem:s13+$0x6A00];
	v34 =	vmul.f32 v61, v9;
	v29 =	vadd.f32 v39, v29;
	[tilespmem:s13+$0xE20] =	vst v33  }
0x108: {  	v27 =	vmul.f32 v27, v8;
	v63 =	vld [tilespmem:s13+$0x6670];
	v37 =	vmul.f32 v58, v9;
	v31 =	vadd.f32 v41, v31;
	[tilespmem:s13+$0xE10] =	vst v32  }
0x109: {  	v30 =	vmul.f32 v30, v8;
	v40 =	vmul.f32 v55, v9;
	v24 =	vadd.f32 v34, v24;
	[tilespmem:s13+$0xA60] =	vst v29;
	v29 =	vld [tilespmem:s13+$0x6640]  }
0x10a: {  	v25 =	vmul.f32 v25, v8;
	v35 =	vmul.f32 v60, v9;
	v27 =	vadd.f32 v37, v27;
	[tilespmem:s13+$0xE00] =	vst v31;
	v31 =	vld [tilespmem:s13+$0x6660]  }
0x10b: {  	v28 =	vmul.f32 v28, v8;
	v38 =	vmul.f32 v57, v9;
	v30 =	vadd.f32 v40, v30;
	[tilespmem:s13+$0xA10] =	vst v24;
	v24 =	vld [tilespmem:s13+$0x6270]  }
0x10c: {  	v23 =	vmul.f32 v23, v8;
	v33 =	vmul.f32 v62, v9;
	v25 =	vadd.f32 v35, v25;
	[tilespmem:s13+$0xA40] =	vst v27;
	v27 =	vld [tilespmem:s13+$0x6620]  }
0x10d: {  	v26 =	vmul.f32 v26, v8;
	v36 =	vmul.f32 v59, v9;
	v28 =	vadd.f32 v38, v28;
	[tilespmem:s13+$0xA70] =	vst v30;
	v30 =	vld [tilespmem:s13+$0x6650]  }
0x10e: {  	v22 =	vmul.f32 v22, v8;
	v32 =	vmul.f32 v63, v9;
	v23 =	vadd.f32 v33, v23;
	[tilespmem:s13+$0xA20] =	vst v25;
	v25 =	vld [tilespmem:s13+$0x6600]  }
0x10f: {  	v19 =	vmul.f32 v19, v8;
	v26 =	vadd.f32 v36, v26;
	[tilespmem:s13+$0xA50] =	vst v28;
	v28 =	vld [tilespmem:s13+$0x6630];
	v29 =	vmul.f32 v29, v9  }
0x110: {  	v21 =	vmul.f32 v21, v8;
	v22 =	vadd.f32 v32, v22;
	[tilespmem:s13+$0xA00] =	vst v23;
	v23 =	vld [tilespmem:s13+$0x6260];
	v31 =	vmul.f32 v31, v9  }
0x111: {  	v17 =	vmul.f32 v17, v8;
	[tilespmem:s13+$0xA30] =	vst v26;
	v26 =	vld [tilespmem:s13+$0x6610];
	v27 =	vmul.f32 v27, v9;
	v19 =	vadd.f32 v29, v19  }
0x112: {  	v20 =	vmul.f32 v20, v8;
	[tilespmem:s13+$0x670] =	vst v22;
	v22 =	vld [tilespmem:s13+$0x250];
	v30 =	vmul.f32 v30, v9;
	v21 =	vadd.f32 v31, v21  }
0x113: {  	v15 =	vmul.f32 v15, v8;
	v25 =	vmul.f32 v25, v9;
	v17 =	vadd.f32 v27, v17;
	[tilespmem:s13+$0x640] =	vst v19;
	v19 =	vld [tilespmem:s13+$0x7650]  }
0x114: {  	v18 =	vmul.f32 v18, v8;
	v28 =	vmul.f32 v28, v9;
	v20 =	vadd.f32 v30, v20;
	[tilespmem:s13+$0x660] =	vst v21;
	v21 =	vld [tilespmem:s13+$0x6250]  }
0x115: {  	v13 =	vmul.f32 v13, v8;
	v23 =	vmul.f32 v23, v9;
	v15 =	vadd.f32 v25, v15;
	[tilespmem:s13+$0x620] =	vst v17;
	v17 =	vld [tilespmem:s13+$0x1640]  }
0x116: {  	v6 =	vmul.f32 v6, v8;
	v5 =	vmul.f32 v5, v9;
	v18 =	vadd.f32 v28, v18;
	[tilespmem:s13+$0x650] =	vst v20;
	v20 =	vld [tilespmem:s13+$0x7640]  }
0x117: {  	v14 =	vmul.f32 v14, v8;
	v24 =	vmul.f32 v24, v9;
	v13 =	vadd.f32 v23, v13;
	[tilespmem:s13+$0x600] =	vst v15;
	v15 =	vld [tilespmem:s13+$0x1650]  }
0x118: {  	v4 =	vmul.f32 v4, v8;
	v3 =	vmul.f32 v3, v9;
	v5 =	vadd.f32 v5, v6;
	[tilespmem:s13+$0x630] =	vst v18;
	v18 =	vld [tilespmem:s13+$0x7660]  }
0x119: {  	v6 =	vld [tilespmem:s13+$0x200];
	v14 =	vadd.f32 v24, v14;
	v10 =	vmul.f32 v22, v8;
	[tilespmem:s13+$0x260] =	vst v13;
	v13 =	vmul.f32 v21, v9  }
0x11a: {  	s16 =	simm.s32 $0x0;
	v16 =	vmul.f32 v16, v8;
	v3 =	vadd.f32 v3, v4;
	v7 =	vld [tilespmem:s13+$0x6200];
	[tilespmem:s13+$0x220] =	vst v5;
	v26 =	vmul.f32 v26, v9  }
0x11b: {  	s31 =	smul.u32 $0x1800, s16;
	s1 =	simm.s32 $0x80;
	[tilespmem:s13+$0x270] =	vst v14;
	v14 =	vld [tilespmem:s13+$0x1670];
	v11 =	vmul.f32 v17, v8;
	v17 =	vmul.f32 v20, v9;
	v4 =	vadd.f32 v13, v10  }
0x11c: {  	s14 =	sand.u32 $0x380, s1;
	[tilespmem:s13+$0x210] =	vst v3;
	v16 =	vadd.f32 v26, v16;
	v5 =	vmul.f32 v15, v8;
	v10 =	vmul.f32 v19, v9  }
0x11d: {  	s31 =	sor.u32 s14, s31;
	v11 =	vadd.f32 v17, v11;
	[tilespmem:s13+$0x250] =	vst v4;
	v4 =	vmul.f32 v12, v8;
	v12 =	vmul.f32 v18, v9  }
0x11e: {  	v3 =	vld [tilespmem:s31+$0x210];
	[tilespmem:s13+$0x610] =	vst v16;
	v5 =	vadd.f32 v10, v5  }
0x11f: {  	v7 =	vmul.f32 v7, v9;
	v16 =	vld [tilespmem:s13+$0x7670];
	[tilespmem:s13+$0x1640] =	vst v11;
	v12 =	vadd.f32 v12, v4  }
0x120: {  	v10 =	vmul.f32 v14, v8;
	v8 =	vmul.f32 v6, v8;
	v4 =	vld [tilespmem:s31+$0x6210];
	[tilespmem:s13+$0x1650] =	vst v5  }
0x121: {  	v6 =	vld [tilespmem:s31+$0x220];
	[tilespmem:s13+$0x1660] =	vst v12  }
0x122: {  	v7 =	vadd.f32 v7, v8;
	v5 =	vld [tilespmem:s31+$0x6220]  }
0x123: {  	v8 =	vld [tilespmem:s31+$0x230]  }
0x124: {  	[tilespmem:s13+$0x200] =	vst v7;
	v18 =	vld [tilespmem:s31+$0x630]  }
0x125: {  	v11 =	vmul.f32 v16, v9;
	v26 =	vld [tilespmem:s31+$0xA30]  }
0x126: {  	v36 =	vld [tilespmem:s31+$0xE30]  }
0x127: {  	v9 =	vadd.f32 v11, v10;
	v44 =	vld [tilespmem:s31+$0x1230]  }
0x128: {  	v48 =	vld [tilespmem:s31+$0x1600]  }
0x129: {  	[tilespmem:s13+$0x1670] =	vst v9;
	v50 =	vld [tilespmem:s31+$0x1610]  }
0x12a: {  	v7 =	vld [tilespmem:s31+$0x6230]  }
0x12b: {  	v10 =	vld [tilespmem:s31+$0x240]  }
0x12c: {  	v9 =	vld [tilespmem:s31+$0x6240]  }
0x12d: {  	v12 =	vld [tilespmem:s31+$0x250]  }
0x12e: {  	v11 =	vld [tilespmem:s31+$0x6250]  }
0x12f: {  	v13 =	vld [tilespmem:s31+$0x260]  }
0x130: {  	v14 =	vld [tilespmem:s31+$0x270]  }
0x131: {  	v15 =	vld [tilespmem:s31+$0x600]  }
0x132: {  	v16 =	vld [tilespmem:s31+$0x610]  }
0x133: {  	v17 =	vld [tilespmem:s31+$0x620]  }
0x134: {  	v19 =	vld [tilespmem:s31+$0x640]  }
0x135: {  	v20 =	vld [tilespmem:s31+$0x650]  }
0x136: {  	v21 =	vld [tilespmem:s31+$0x660]  }
0x137: {  	v22 =	vld [tilespmem:s31+$0x670]  }
0x138: {  	v23 =	vld [tilespmem:s31+$0xA00]  }
0x139: {  	v24 =	vld [tilespmem:s31+$0xA10]  }
0x13a: {  	v25 =	vld [tilespmem:s31+$0xA20]  }
0x13b: {  	v27 =	vld [tilespmem:s31+$0xA40]  }
0x13c: {  	v28 =	vld [tilespmem:s31+$0xA50]  }
0x13d: {  	v29 =	vld [tilespmem:s31+$0xA60]  }
0x13e: {  	v30 =	vld [tilespmem:s31+$0xA70]  }
0x13f: {  	v32 =	vld [tilespmem:s31+$0xE00]  }
0x140: {  	v34 =	vld [tilespmem:s31+$0xE10]  }
0x141: {  	v35 =	vld [tilespmem:s31+$0xE20]  }
0x142: {  	v37 =	vld [tilespmem:s31+$0xE40]  }
0x143: {  	v38 =	vld [tilespmem:s31+$0xE50]  }
0x144: {  	v39 =	vld [tilespmem:s31+$0xE60]  }
0x145: {  	v40 =	vld [tilespmem:s31+$0xE70]  }
0x146: {  	v41 =	vld [tilespmem:s31+$0x1200]  }
0x147: {  	v42 =	vld [tilespmem:s31+$0x1210]  }
0x148: {  	v43 =	vld [tilespmem:s31+$0x1220]  }
0x149: {  	v45 =	vld [tilespmem:s31+$0x1240]  }
0x14a: {  	v46 =	vld [tilespmem:s31+$0x1250]  }
0x14b: {  	v47 =	vld [tilespmem:s31+$0x1260]  }
0x14c: {  	v49 =	vld [tilespmem:s31+$0x7610]  }
0x14d: {  	s13 =	simm.s32 $0x2;
	v51 =	vld [tilespmem:s31+$0x7630]  }
.LBB2_2:
0x14e: {  	p0 =	sne.s32 s13, $0x1F;
	v52 =	vld [tilespmem:s31+$0x1630]  }
0x14f: {  	s0 =	sadd.s32 $0x80, s0;
	v53 =	vld [tilespmem:s31+$0x1620]  }
0x150: {  	v33 =	vld [tilespmem:s0+$0xFFFFFFC0]  }
0x151: {  	v31 =	vld [tilespmem:s0+$0x0]  }
0x152: {  	v54 =	vld [tilespmem:s31+$0x7620]  }
0x153: {  	v55 =	vld [tilespmem:s31+$0x7600]  }
0x154: {  	v56 =	vld [tilespmem:s31+$0x1270]  }
0x155: {  	v57 =	vld [tilespmem:s31+$0x7270];
	v50 =	vmul.f32 v50, v33;
	v53 =	vmul.f32 v53, v33  }
0x156: {  	v52 =	vmul.f32 v52, v33;
	v58 =	vld [tilespmem:s31+$0x7260];
	v51 =	vmul.f32 v51, v31  }
0x157: {  	v49 =	vmul.f32 v49, v31;
	v59 =	vld [tilespmem:s31+$0x7250];
	v54 =	vmul.f32 v54, v31  }
0x158: {  	v48 =	vmul.f32 v48, v33;
	v60 =	vld [tilespmem:s31+$0x7240];
	v55 =	vmul.f32 v55, v31;
	v51 =	vadd.f32 v51, v52  }
0x159: {  	v49 =	vadd.f32 v49, v50;
	v52 =	vld [tilespmem:s31+$0x7230];
	v56 =	vmul.f32 v56, v33;
	v50 =	vadd.f32 v54, v53  }
0x15a: {  	v47 =	vmul.f32 v47, v33;
	v53 =	vld [tilespmem:s31+$0x7220];
	v54 =	vmul.f32 v57, v31;
	v48 =	vadd.f32 v55, v48;
	[tilespmem:s31+$0x1630] =	vst v51  }
0x15b: {  	v46 =	vmul.f32 v46, v33;
	v51 =	vld [tilespmem:s31+$0x7210];
	v55 =	vmul.f32 v58, v31;
	[tilespmem:s31+$0x1620] =	vst v50  }
0x15c: {  	v45 =	vmul.f32 v45, v33;
	v50 =	vld [tilespmem:s31+$0x7200];
	v57 =	vmul.f32 v59, v31;
	v54 =	vadd.f32 v54, v56;
	[tilespmem:s31+$0x1610] =	vst v49  }
0x15d: {  	v44 =	vmul.f32 v44, v33;
	v49 =	vld [tilespmem:s31+$0x6E70];
	v56 =	vmul.f32 v60, v31;
	v47 =	vadd.f32 v55, v47;
	[tilespmem:s31+$0x1600] =	vst v48  }
0x15e: {  	v43 =	vmul.f32 v43, v33;
	v48 =	vld [tilespmem:s31+$0x6E60];
	v52 =	vmul.f32 v52, v31;
	v46 =	vadd.f32 v57, v46;
	[tilespmem:s31+$0x1270] =	vst v54  }
0x15f: {  	v42 =	vmul.f32 v42, v33;
	v54 =	vld [tilespmem:s31+$0x6E50];
	v53 =	vmul.f32 v53, v31;
	v45 =	vadd.f32 v56, v45;
	[tilespmem:s31+$0x1260] =	vst v47  }
0x160: {  	v41 =	vmul.f32 v41, v33;
	v47 =	vld [tilespmem:s31+$0x6E40];
	v51 =	vmul.f32 v51, v31;
	v44 =	vadd.f32 v52, v44;
	[tilespmem:s31+$0x1250] =	vst v46  }
0x161: {  	v40 =	vmul.f32 v40, v33;
	v46 =	vld [tilespmem:s31+$0x6E30];
	v50 =	vmul.f32 v50, v31;
	v43 =	vadd.f32 v53, v43;
	[tilespmem:s31+$0x1240] =	vst v45  }
0x162: {  	v39 =	vmul.f32 v39, v33;
	v45 =	vld [tilespmem:s31+$0x6E20];
	v49 =	vmul.f32 v49, v31;
	v42 =	vadd.f32 v51, v42;
	[tilespmem:s31+$0x1230] =	vst v44  }
0x163: {  	v38 =	vmul.f32 v38, v33;
	v44 =	vld [tilespmem:s31+$0x6E10];
	v48 =	vmul.f32 v48, v31;
	v41 =	vadd.f32 v50, v41;
	[tilespmem:s31+$0x1220] =	vst v43  }
0x164: {  	v37 =	vmul.f32 v37, v33;
	v43 =	vld [tilespmem:s31+$0x6E00];
	v50 =	vmul.f32 v54, v31;
	v40 =	vadd.f32 v49, v40;
	[tilespmem:s31+$0x1210] =	vst v42  }
0x165: {  	v36 =	vmul.f32 v36, v33;
	v42 =	vld [tilespmem:s31+$0x6A70];
	v47 =	vmul.f32 v47, v31;
	v39 =	vadd.f32 v48, v39;
	[tilespmem:s31+$0x1200] =	vst v41  }
0x166: {  	v35 =	vmul.f32 v35, v33;
	v41 =	vld [tilespmem:s31+$0x6A60];
	v46 =	vmul.f32 v46, v31;
	v38 =	vadd.f32 v50, v38;
	[tilespmem:s31+$0xE70] =	vst v40  }
0x167: {  	v34 =	vmul.f32 v34, v33;
	v40 =	vld [tilespmem:s31+$0x6A50];
	v45 =	vmul.f32 v45, v31;
	v37 =	vadd.f32 v47, v37;
	[tilespmem:s31+$0xE60] =	vst v39  }
0x168: {  	v32 =	vmul.f32 v32, v33;
	v39 =	vld [tilespmem:s31+$0x6A40];
	v44 =	vmul.f32 v44, v31;
	v36 =	vadd.f32 v46, v36;
	[tilespmem:s31+$0xE50] =	vst v38  }
0x169: {  	v30 =	vmul.f32 v30, v33;
	v38 =	vld [tilespmem:s31+$0x6A30];
	v43 =	vmul.f32 v43, v31;
	v35 =	vadd.f32 v45, v35;
	[tilespmem:s31+$0xE40] =	vst v37  }
0x16a: {  	v29 =	vmul.f32 v29, v33;
	v37 =	vld [tilespmem:s31+$0x6A20];
	v42 =	vmul.f32 v42, v31;
	v34 =	vadd.f32 v44, v34;
	[tilespmem:s31+$0xE30] =	vst v36  }
0x16b: {  	v28 =	vmul.f32 v28, v33;
	v36 =	vld [tilespmem:s31+$0x6A10];
	v41 =	vmul.f32 v41, v31;
	v32 =	vadd.f32 v43, v32;
	[tilespmem:s31+$0xE20] =	vst v35  }
0x16c: {  	v27 =	vmul.f32 v27, v33;
	v35 =	vld [tilespmem:s31+$0x6A00];
	v40 =	vmul.f32 v40, v31;
	v30 =	vadd.f32 v42, v30;
	[tilespmem:s31+$0xE10] =	vst v34  }
0x16d: {  	v26 =	vmul.f32 v26, v33;
	v34 =	vld [tilespmem:s31+$0x6670];
	v39 =	vmul.f32 v39, v31;
	v29 =	vadd.f32 v41, v29;
	[tilespmem:s31+$0xE00] =	vst v32  }
0x16e: {  	v25 =	vmul.f32 v25, v33;
	v32 =	vld [tilespmem:s31+$0x6660];
	v38 =	vmul.f32 v38, v31;
	v28 =	vadd.f32 v40, v28;
	[tilespmem:s31+$0xA70] =	vst v30  }
0x16f: {  	v24 =	vmul.f32 v24, v33;
	v30 =	vld [tilespmem:s31+$0x6650];
	v37 =	vmul.f32 v37, v31;
	v27 =	vadd.f32 v39, v27;
	[tilespmem:s31+$0xA60] =	vst v29  }
0x170: {  	v23 =	vmul.f32 v23, v33;
	v29 =	vld [tilespmem:s31+$0x6640];
	v36 =	vmul.f32 v36, v31;
	v26 =	vadd.f32 v38, v26;
	[tilespmem:s31+$0xA50] =	vst v28  }
0x171: {  	v22 =	vmul.f32 v22, v33;
	v28 =	vld [tilespmem:s31+$0x6630];
	v35 =	vmul.f32 v35, v31;
	v25 =	vadd.f32 v37, v25;
	[tilespmem:s31+$0xA40] =	vst v27  }
0x172: {  	v21 =	vmul.f32 v21, v33;
	v27 =	vld [tilespmem:s31+$0x6620];
	v34 =	vmul.f32 v34, v31;
	v24 =	vadd.f32 v36, v24;
	[tilespmem:s31+$0xA30] =	vst v26  }
0x173: {  	v20 =	vmul.f32 v20, v33;
	v26 =	vld [tilespmem:s31+$0x6610];
	v32 =	vmul.f32 v32, v31;
	v23 =	vadd.f32 v35, v23;
	[tilespmem:s31+$0xA20] =	vst v25  }
0x174: {  	v19 =	vmul.f32 v19, v33;
	v25 =	vld [tilespmem:s31+$0x6600];
	v30 =	vmul.f32 v30, v31;
	v22 =	vadd.f32 v34, v22;
	[tilespmem:s31+$0xA10] =	vst v24  }
0x175: {  	v18 =	vmul.f32 v18, v33;
	v24 =	vld [tilespmem:s31+$0x6270];
	v29 =	vmul.f32 v29, v31;
	v21 =	vadd.f32 v32, v21;
	[tilespmem:s31+$0xA00] =	vst v23  }
0x176: {  	v17 =	vmul.f32 v17, v33;
	v23 =	vld [tilespmem:s31+$0x6260];
	v28 =	vmul.f32 v28, v31;
	v20 =	vadd.f32 v30, v20;
	[tilespmem:s31+$0x670] =	vst v22  }
0x177: {  	v16 =	vmul.f32 v16, v33;
	v22 =	vmul.f32 v27, v31;
	v19 =	vadd.f32 v29, v19;
	[tilespmem:s31+$0x660] =	vst v21;
	v21 =	vld [tilespmem:s31+$0x7640]  }
0x178: {  	v15 =	vmul.f32 v15, v33;
	v26 =	vmul.f32 v26, v31;
	v18 =	vadd.f32 v28, v18;
	[tilespmem:s31+$0x650] =	vst v20;
	v20 =	vld [tilespmem:s31+$0x7650]  }
0x179: {  	v14 =	vmul.f32 v14, v33;
	v25 =	vmul.f32 v25, v31;
	v17 =	vadd.f32 v22, v17;
	[tilespmem:s31+$0x640] =	vst v19;
	v19 =	vld [tilespmem:s31+$0x7660]  }
0x17a: {  	v13 =	vmul.f32 v13, v33;
	v22 =	vmul.f32 v24, v31;
	v16 =	vadd.f32 v26, v16;
	[tilespmem:s31+$0x630] =	vst v18;
	v18 =	vld [tilespmem:s31+$0x7670]  }
0x17b: {  	v12 =	vmul.f32 v12, v33;
	v23 =	vmul.f32 v23, v31;
	v15 =	vadd.f32 v25, v15;
	[tilespmem:s31+$0x620] =	vst v17;
	v17 =	vld [tilespmem:s31+$0x1640]  }
0x17c: {  	v10 =	vmul.f32 v10, v33;
	v11 =	vmul.f32 v11, v31;
	v14 =	vadd.f32 v22, v14;
	[tilespmem:s31+$0x610] =	vst v16;
	v16 =	vld [tilespmem:s31+$0x1650]  }
0x17d: {  	v8 =	vmul.f32 v8, v33;
	v9 =	vmul.f32 v9, v31;
	v13 =	vadd.f32 v23, v13;
	[tilespmem:s31+$0x600] =	vst v15;
	v15 =	vld [tilespmem:s31+$0x1660]  }
0x17e: {  	v6 =	vmul.f32 v6, v33;
	v7 =	vmul.f32 v7, v31;
	v11 =	vadd.f32 v11, v12;
	[tilespmem:s31+$0x270] =	vst v14;
	v12 =	vld [tilespmem:s31+$0x1670]  }
0x17f: {  	v3 =	vmul.f32 v3, v33;
	v5 =	vmul.f32 v5, v31;
	v9 =	vadd.f32 v9, v10;
	v14 =	vld [tilespmem:s31+$0x200];
	[tilespmem:s31+$0x260] =	vst v13  }
0x180: {  	v4 =	vmul.f32 v4, v31;
	v7 =	vadd.f32 v7, v8;
	v10 =	vld [tilespmem:s31+$0x6200];
	[tilespmem:s31+$0x250] =	vst v11;
	v8 =	vmul.f32 v17, v33  }
0x181: {  	s14 =	sshrl.u32 s13, $0x3;
	v5 =	vadd.f32 v5, v6;
	v6 =	vmul.f32 v21, v31;
	[tilespmem:s31+$0x240] =	vst v9;
	v9 =	vmul.f32 v16, v33  }
0x182: {  	s1 =	sadd.s32 $0x80, s1;
	s14 =	smul.u32 $0x1800, s14;
	v3 =	vadd.f32 v4, v3;
	v4 =	vmul.f32 v20, v31;
	[tilespmem:s31+$0x230] =	vst v7;
	v7 =	vmul.f32 v15, v33  }
0x183: {  	s16 =	sand.u32 $0x380, s1;
	[tilespmem:s31+$0x220] =	vst v5;
	v5 =	vadd.f32 v6, v8;
	v6 =	vmul.f32 v19, v31;
	v8 =	vmul.f32 v12, v33  }
0x184: {  	s14 =	sor.u32 s16, s14;
	v9 =	vadd.f32 v4, v9;
	v12 =	vmul.f32 v18, v31;
	v11 =	vmul.f32 v14, v33;
	[tilespmem:s31+$0x210] =	vst v3  }
0x185: {  	v3 =	vld [tilespmem:s14+$0x210];
	v10 =	vmul.f32 v10, v31;
	[tilespmem:s31+$0x1640] =	vst v5;
	v5 =	vadd.f32 v6, v7  }
0x186: {  	v7 =	vadd.f32 v12, v8;
	v4 =	vld [tilespmem:s14+$0x6210];
	[tilespmem:s31+$0x1650] =	vst v9  }
0x187: {  	v6 =	vld [tilespmem:s14+$0x220];
	v9 =	vadd.f32 v10, v11;
	[tilespmem:s31+$0x1660] =	vst v5  }
0x188: {  	v5 =	vld [tilespmem:s14+$0x6220];
	[tilespmem:s31+$0x1670] =	vst v7  }
0x189: {  	v8 =	vld [tilespmem:s14+$0x230];
	[tilespmem:s31+$0x200] =	vst v9;
	s31 =	smov.u32 s14  }
0x18a: {  	v7 =	vld [tilespmem:s31+$0x6230]  }
0x18b: {  	v10 =	vld [tilespmem:s31+$0x240]  }
0x18c: {  	v9 =	vld [tilespmem:s31+$0x6240]  }
0x18d: {  	v12 =	vld [tilespmem:s31+$0x250]  }
0x18e: {  	v11 =	vld [tilespmem:s31+$0x6250]  }
0x18f: {  	v13 =	vld [tilespmem:s31+$0x260]  }
0x190: {  	v14 =	vld [tilespmem:s31+$0x270]  }
0x191: {  	v15 =	vld [tilespmem:s31+$0x600]  }
0x192: {  	v16 =	vld [tilespmem:s31+$0x610]  }
0x193: {  	v17 =	vld [tilespmem:s31+$0x620]  }
0x194: {  	v18 =	vld [tilespmem:s31+$0x630]  }
0x195: {  	v19 =	vld [tilespmem:s31+$0x640]  }
0x196: {  	v20 =	vld [tilespmem:s31+$0x650]  }
0x197: {  	v21 =	vld [tilespmem:s31+$0x660]  }
0x198: {  	v22 =	vld [tilespmem:s31+$0x670]  }
0x199: {  	v23 =	vld [tilespmem:s31+$0xA00]  }
0x19a: {  	v24 =	vld [tilespmem:s31+$0xA10]  }
0x19b: {  	v25 =	vld [tilespmem:s31+$0xA20]  }
0x19c: {  	v26 =	vld [tilespmem:s31+$0xA30]  }
0x19d: {  	v27 =	vld [tilespmem:s31+$0xA40]  }
0x19e: {  	v28 =	vld [tilespmem:s31+$0xA50]  }
0x19f: {  	v29 =	vld [tilespmem:s31+$0xA60]  }
0x1a0: {  	v30 =	vld [tilespmem:s31+$0xA70]  }
0x1a1: {  	v32 =	vld [tilespmem:s31+$0xE00]  }
0x1a2: {  	v34 =	vld [tilespmem:s31+$0xE10]  }
0x1a3: {  	v35 =	vld [tilespmem:s31+$0xE20]  }
0x1a4: {  	v36 =	vld [tilespmem:s31+$0xE30]  }
0x1a5: {  	v37 =	vld [tilespmem:s31+$0xE40]  }
0x1a6: {  	v38 =	vld [tilespmem:s31+$0xE50]  }
0x1a7: {  	v39 =	vld [tilespmem:s31+$0xE60]  }
0x1a8: {  	v40 =	vld [tilespmem:s31+$0xE70]  }
0x1a9: {  	v41 =	vld [tilespmem:s31+$0x1200]  }
0x1aa: {  	v42 =	vld [tilespmem:s31+$0x1210]  }
0x1ab: {  	v43 =	vld [tilespmem:s31+$0x1220]  }
0x1ac: {  	v44 =	vld [tilespmem:s31+$0x1230]  }
0x1ad: {  	v45 =	vld [tilespmem:s31+$0x1240]  }
0x1ae: {  	v46 =	vld [tilespmem:s31+$0x1250]  }
.Ltmp0:
0x1af: {  	v47 =	vld [tilespmem:s31+$0x1260];
	(pc) =	sbr.rel @p0 .LBB2_2-.Ltmp0, $4  }
0x1b0: {  	v48 =	vld [tilespmem:s31+$0x1600]  }
0x1b1: {  	v50 =	vld [tilespmem:s31+$0x1610]  }
0x1b2: {  	v49 =	vld [tilespmem:s31+$0x7610]  }
0x1b3: {  	s13 =	sadd.s32 $0x1, s13;
	v51 =	vld [tilespmem:s31+$0x7630]  }
0x1b4: {  	v52 =	vld [tilespmem:s31+$0x1630]  }
0x1b5: {  	v53 =	vld [tilespmem:s31+$0x1620];
	s0 =	sadd.s32 $0x80, s0  }
0x1b6: {  	v31 =	vld [tilespmem:s0+$0xFFFFFFC0]  }
0x1b7: {  	v33 =	vld [tilespmem:s0+$0x0]  }
0x1b8: {  	v54 =	vld [tilespmem:s31+$0x7620]  }
0x1b9: {  	v55 =	vld [tilespmem:s31+$0x7600]  }
0x1ba: {  	v56 =	vld [tilespmem:s31+$0x1270]  }
0x1bb: {  	v57 =	vld [tilespmem:s31+$0x7270];
	v52 =	vmul.f32 v52, v31  }
0x1bc: {  	v58 =	vld [tilespmem:s31+$0x7260];
	v51 =	vmul.f32 v51, v33;
	v53 =	vmul.f32 v53, v31  }
0x1bd: {  	v54 =	vmul.f32 v54, v33;
	v50 =	vmul.f32 v50, v31  }
0x1be: {  	v49 =	vmul.f32 v49, v33;
	v48 =	vmul.f32 v48, v31  }
0x1bf: {  	v59 =	vld [tilespmem:s31+$0x7250];
	v62 =	vmul.f32 v55, v33;
	v63 =	vmul.f32 v56, v31  }
0x1c0: {  	v60 =	vld [tilespmem:s31+$0x7240];
	v57 =	vmul.f32 v57, v33;
	v47 =	vmul.f32 v47, v31;
	v51 =	vadd.f32 v51, v52  }
0x1c1: {  	v61 =	vld [tilespmem:s31+$0x7220];
	v58 =	vmul.f32 v58, v33;
	v46 =	vmul.f32 v46, v31;
	v53 =	vadd.f32 v54, v53  }
0x1c2: {  	v45 =	vmul.f32 v45, v31;
	v44 =	vmul.f32 v44, v31;
	v52 =	vld [tilespmem:s31+$0x7230];
	v49 =	vadd.f32 v49, v50;
	[tilespmem:s31+$0x1630] =	vst v51  }
0x1c3: {  	v43 =	vmul.f32 v43, v31;
	v42 =	vmul.f32 v42, v31;
	v50 =	vld [tilespmem:s31+$0x7200];
	v48 =	vadd.f32 v62, v48;
	[tilespmem:s31+$0x1620] =	vst v53  }
0x1c4: {  	v41 =	vmul.f32 v41, v31;
	v62 =	vmul.f32 v59, v33;
	v47 =	vadd.f32 v58, v47;
	v59 =	vld [tilespmem:s31+$0x6E20];
	[tilespmem:s31+$0x1610] =	vst v49  }
0x1c5: {  	v40 =	vmul.f32 v40, v31;
	v51 =	vld [tilespmem:s31+$0x7210];
	v53 =	vadd.f32 v57, v63;
	[tilespmem:s31+$0x1600] =	vst v48;
	v63 =	vmul.f32 v60, v33  }
0x1c6: {  	v39 =	vmul.f32 v39, v31;
	v58 =	vmul.f32 v61, v33;
	v49 =	vld [tilespmem:s31+$0x6E70];
	v46 =	vadd.f32 v62, v46;
	[tilespmem:s31+$0x1260] =	vst v47  }
0x1c7: {  	v38 =	vmul.f32 v38, v31;
	v48 =	vld [tilespmem:s31+$0x6E60];
	[tilespmem:s31+$0x1270] =	vst v53;
	v45 =	vadd.f32 v63, v45;
	v52 =	vmul.f32 v52, v33  }
0x1c8: {  	v37 =	vmul.f32 v37, v31;
	v47 =	vld [tilespmem:s31+$0x6E40];
	v43 =	vadd.f32 v58, v43;
	[tilespmem:s31+$0x1250] =	vst v46;
	v50 =	vmul.f32 v50, v33  }
0x1c9: {  	v35 =	vmul.f32 v35, v31;
	v57 =	vld [tilespmem:s31+$0x6E30];
	[tilespmem:s31+$0x1240] =	vst v45;
	v45 =	vmul.f32 v59, v33;
	v44 =	vadd.f32 v52, v44  }
0x1ca: {  	v36 =	vmul.f32 v36, v31;
	v53 =	vld [tilespmem:s31+$0x6E50];
	[tilespmem:s31+$0x1220] =	vst v43;
	v51 =	vmul.f32 v51, v33;
	v41 =	vadd.f32 v50, v41  }
0x1cb: {  	v34 =	vmul.f32 v34, v31;
	v60 =	vld [tilespmem:s31+$0x6E10];
	v49 =	vmul.f32 v49, v33;
	v35 =	vadd.f32 v45, v35;
	[tilespmem:s31+$0x1230] =	vst v44  }
0x1cc: {  	v30 =	vmul.f32 v30, v31;
	v63 =	vld [tilespmem:s31+$0x6A60];
	v48 =	vmul.f32 v48, v33;
	v42 =	vadd.f32 v51, v42;
	[tilespmem:s31+$0x1200] =	vst v41  }
0x1cd: {  	v29 =	vmul.f32 v29, v31;
	v58 =	vld [tilespmem:s31+$0x6A00];
	v47 =	vmul.f32 v47, v33;
	v40 =	vadd.f32 v49, v40;
	[tilespmem:s31+$0xE20] =	vst v35  }
0x1ce: {  	v28 =	vmul.f32 v28, v31;
	v62 =	vld [tilespmem:s31+$0x6A70];
	v46 =	vmul.f32 v57, v33;
	v39 =	vadd.f32 v48, v39;
	[tilespmem:s31+$0x1210] =	vst v42  }
0x1cf: {  	v27 =	vmul.f32 v27, v31;
	v54 =	vld [tilespmem:s31+$0x6A40];
	v52 =	vmul.f32 v53, v33;
	v37 =	vadd.f32 v47, v37;
	[tilespmem:s31+$0xE70] =	vst v40  }
0x1d0: {  	v26 =	vmul.f32 v26, v31;
	v53 =	vld [tilespmem:s31+$0x6A50];
	v36 =	vadd.f32 v46, v36;
	v44 =	vmul.f32 v60, v33;
	[tilespmem:s31+$0xE60] =	vst v39  }
0x1d1: {  	v25 =	vmul.f32 v25, v31;
	v57 =	vld [tilespmem:s31+$0x6A10];
	v41 =	vmul.f32 v63, v33;
	v38 =	vadd.f32 v52, v38;
	[tilespmem:s31+$0xE40] =	vst v37  }
0x1d2: {  	v55 =	vld [tilespmem:s31+$0x6A30];
	v23 =	vmul.f32 v23, v31;
	v35 =	vmul.f32 v58, v33;
	[tilespmem:s31+$0xE30] =	vst v36;
	v34 =	vadd.f32 v44, v34  }
0x1d3: {  	v24 =	vmul.f32 v24, v31;
	v59 =	vld [tilespmem:s31+$0x6670];
	v42 =	vmul.f32 v62, v33;
	v29 =	vadd.f32 v41, v29;
	[tilespmem:s31+$0xE50] =	vst v38  }
0x1d4: {  	v56 =	vld [tilespmem:s31+$0x6A20];
	v22 =	vmul.f32 v22, v31;
	v39 =	vmul.f32 v54, v33;
	v23 =	vadd.f32 v35, v23;
	[tilespmem:s31+$0xE10] =	vst v34  }
0x1d5: {  	v21 =	vmul.f32 v21, v31;
	v60 =	vld [tilespmem:s31+$0x6660];
	v30 =	vadd.f32 v42, v30;
	[tilespmem:s31+$0xA60] =	vst v29;
	v40 =	vmul.f32 v53, v33  }
0x1d6: {  	v20 =	vmul.f32 v20, v31;
	v36 =	vmul.f32 v57, v33;
	v29 =	vld [tilespmem:s31+$0x6640];
	v27 =	vadd.f32 v39, v27;
	[tilespmem:s31+$0xA00] =	vst v23  }
0x1d7: {  	v19 =	vmul.f32 v19, v31;
	v38 =	vmul.f32 v55, v33;
	[tilespmem:s31+$0xA70] =	vst v30;
	v30 =	vld [tilespmem:s31+$0x6650];
	v28 =	vadd.f32 v40, v28  }
0x1d8: {  	v10 =	vmul.f32 v10, v31;
	v61 =	vld [tilespmem:s31+$0x6E00];
	v34 =	vmul.f32 v59, v33;
	v24 =	vadd.f32 v36, v24;
	[tilespmem:s31+$0xA40] =	vst v27  }
0x1d9: {  	v9 =	vmul.f32 v9, v33;
	v37 =	vmul.f32 v56, v33;
	v26 =	vadd.f32 v38, v26;
	[tilespmem:s31+$0xA50] =	vst v28;
	v28 =	vld [tilespmem:s31+$0x6630]  }
0x1da: {  	v12 =	vmul.f32 v12, v31;
	v11 =	vmul.f32 v11, v33;
	v27 =	vld [tilespmem:s31+$0x6620];
	v22 =	vadd.f32 v34, v22;
	[tilespmem:s31+$0xA10] =	vst v24  }
0x1db: {  	v9 =	vadd.f32 v9, v10;
	v10 =	vld [tilespmem:s31+$0x6200];
	v25 =	vadd.f32 v37, v25;
	v24 =	vmul.f32 v60, v33;
	[tilespmem:s31+$0xA30] =	vst v26  }
0x1dc: {  	v11 =	vadd.f32 v11, v12;
	v26 =	vld [tilespmem:s31+$0x6610];
	[tilespmem:s31+$0x670] =	vst v22;
	v22 =	vmul.f32 v29, v33;
	v23 =	vmul.f32 v30, v33  }
0x1dd: {  	v18 =	vmul.f32 v18, v31;
	v43 =	vmul.f32 v61, v33;
	[tilespmem:s31+$0xA20] =	vst v25;
	v25 =	vld [tilespmem:s31+$0x6600];
	v21 =	vadd.f32 v24, v21  }
0x1de: {  	[tilespmem:s31+$0x250] =	vst v11;
	v61 =	vld [tilespmem:s31+$0x6270];
	v19 =	vadd.f32 v22, v19;
	v20 =	vadd.f32 v23, v20;
	v23 =	vmul.f32 v28, v33  }
0x1df: {  	v17 =	vmul.f32 v17, v31;
	v24 =	vld [tilespmem:s31+$0x6260];
	[tilespmem:s31+$0x660] =	vst v21;
	v22 =	vmul.f32 v27, v33  }
0x1e0: {  	v21 =	vld [tilespmem:s31+$0x7640];
	[tilespmem:s31+$0x640] =	vst v19;
	v18 =	vadd.f32 v23, v18  }
0x1e1: {  	v16 =	vmul.f32 v16, v31;
	v19 =	vld [tilespmem:s31+$0x7660];
	v17 =	vadd.f32 v22, v17;
	[tilespmem:s31+$0x650] =	vst v20;
	v23 =	vmul.f32 v26, v33  }
0x1e2: {  	v15 =	vmul.f32 v15, v31;
	v22 =	vld [tilespmem:s31+$0x7670];
	[tilespmem:s31+$0x630] =	vst v18;
	v18 =	vmul.f32 v25, v33  }
0x1e3: {  	v14 =	vmul.f32 v14, v31;
	v20 =	vld [tilespmem:s31+$0x7650];
	[tilespmem:s31+$0x620] =	vst v17;
	v17 =	vmul.f32 v61, v33;
	v16 =	vadd.f32 v23, v16  }
0x1e4: {  	v8 =	vmul.f32 v8, v31;
	v7 =	vmul.f32 v7, v33;
	[tilespmem:s31+$0x240] =	vst v9;
	v15 =	vadd.f32 v18, v15;
	v18 =	vld [tilespmem:s31+$0x1640]  }
0x1e5: {  	v6 =	vmul.f32 v6, v31;
	v5 =	vmul.f32 v5, v33;
	v14 =	vadd.f32 v17, v14;
	[tilespmem:s31+$0x610] =	vst v16;
	v16 =	vld [tilespmem:s31+$0x1650]  }
0x1e6: {  	v3 =	vmul.f32 v3, v31;
	v4 =	vmul.f32 v4, v33;
	v7 =	vadd.f32 v7, v8;
	[tilespmem:s31+$0x600] =	vst v15;
	v15 =	vld [tilespmem:s31+$0x1660]  }
0x1e7: {  	v32 =	vmul.f32 v32, v31;
	v5 =	vadd.f32 v5, v6;
	[tilespmem:s31+$0x270] =	vst v14;
	v14 =	vld [tilespmem:s31+$0x1670]  }
0x1e8: {  	v13 =	vmul.f32 v13, v31;
	v12 =	vld [tilespmem:s31+$0x200];
	v3 =	vadd.f32 v4, v3;
	[tilespmem:s31+$0x230] =	vst v7;
	v23 =	vmul.f32 v24, v33  }
0x1e9: {  	[tilespmem:s31+$0x220] =	vst v5;
	v32 =	vadd.f32 v43, v32;
	v6 =	vmul.f32 v21, v33;
	v8 =	vmul.f32 v18, v31  }
0x1ea: {  	[tilespmem:s31+$0x210] =	vst v3;
	v13 =	vadd.f32 v23, v13;
	v4 =	vmul.f32 v20, v33;
	v9 =	vmul.f32 v16, v31  }
0x1eb: {  	[tilespmem:s31+$0xE00] =	vst v32;
	v7 =	vmul.f32 v15, v31;
	v5 =	vadd.f32 v6, v8;
	v6 =	vmul.f32 v19, v33  }
0x1ec: {  	[tilespmem:s31+$0x260] =	vst v13;
	v8 =	vmul.f32 v14, v31;
	v3 =	vadd.f32 v4, v9;
	v4 =	vmul.f32 v22, v33  }
0x1ed: {  	v10 =	vmul.f32 v10, v33;
	v9 =	vmul.f32 v12, v31;
	[tilespmem:s31+$0x1640] =	vst v5;
	v5 =	vadd.f32 v6, v7  }
0x1ee: {  	[tilespmem:s31+$0x1650] =	vst v3;
	v3 =	vadd.f32 v4, v8  }
0x1ef: {  	v4 =	vadd.f32 v10, v9;
	[tilespmem:s31+$0x1660] =	vst v5  }
0x1f0: {  	[tilespmem:s31+$0x1670] =	vst v3  }
0x1f1: {  	s14 =	simm.s32 $0x0;
	[tilespmem:s31+$0x200] =	vst v4  }
0x1f2: {  	[hbm4b:s9+s14] =	stream.linear.scatter [tilespmem:s15], [sflag:$0x3], $0x6000, $0x38;
	[tilespmem:$0x1A200] =	vst v63  }
0x1f3: {  	_ =	swait.ge [sflag:s28], $0x6000  }
0x1f4: {  	[sflag:s28] =	ssyncset.done $0x0  }
0x1f5: {  	s1 =	simm.s32 $0x0;
	[sflag:s28] =	ssyncadd.s32 $0xFFFFA000  }
0x1f6: {  	s1 =	smul.u32 $0x1800, s1;
	_ =	swait.ge [sflag:s28], $0x6000  }
0x1f7: {  	s0 =	sand.u32 $0x380, s14;
	[sflag:s28] =	ssyncset.done $0x0  }
0x1f8: {  	s13 =	sor.u32 s0, s1;
	[sflag:s28] =	ssyncadd.s32 $0xFFFFA000  }
0x1f9: {  	v4 =	vld [tilespmem:s13+$0xC210]  }
0x1fa: {  	v3 =	vld [tilespmem:s13+$0x12210]  }
0x1fb: {  	v6 =	vld [tilespmem:s13+$0xC220]  }
0x1fc: {  	v5 =	vld [tilespmem:s13+$0x12220]  }
0x1fd: {  	v10 =	vld [tilespmem:s13+$0xC230]  }
0x1fe: {  	v7 =	vld [tilespmem:s13+$0x12230]  }
0x1ff: {  	v12 =	vld [tilespmem:s13+$0xC240]  }
0x200: {  	v11 =	vld [tilespmem:s13+$0x12240]  }
0x201: {  	v13 =	vld [tilespmem:s13+$0xC260]  }
0x202: {  	v14 =	vld [tilespmem:s13+$0xC270]  }
0x203: {  	v15 =	vld [tilespmem:s13+$0xC600]  }
0x204: {  	v16 =	vld [tilespmem:s13+$0xC610]  }
0x205: {  	v17 =	vld [tilespmem:s13+$0xC620]  }
0x206: {  	v18 =	vld [tilespmem:s13+$0xC630]  }
0x207: {  	v19 =	vld [tilespmem:s13+$0xC640]  }
0x208: {  	v20 =	vld [tilespmem:s13+$0xC650]  }
0x209: {  	v21 =	vld [tilespmem:s13+$0xC660]  }
0x20a: {  	v22 =	vld [tilespmem:s13+$0xC670]  }
0x20b: {  	v23 =	vld [tilespmem:s13+$0xCA00]  }
0x20c: {  	v24 =	vld [tilespmem:s13+$0xCA10]  }
0x20d: {  	v25 =	vld [tilespmem:s13+$0xCA20]  }
0x20e: {  	v26 =	vld [tilespmem:s13+$0xCA30]  }
0x20f: {  	v27 =	vld [tilespmem:s13+$0xCA40]  }
0x210: {  	v28 =	vld [tilespmem:s13+$0xCA50]  }
0x211: {  	v29 =	vld [tilespmem:s13+$0xCA60]  }
0x212: {  	v30 =	vld [tilespmem:s13+$0xCA70]  }
0x213: {  	v31 =	vld [tilespmem:s13+$0xCE00]  }
0x214: {  	v32 =	vld [tilespmem:s13+$0xCE10]  }
0x215: {  	v33 =	vld [tilespmem:s13+$0xCE20]  }
0x216: {  	v34 =	vld [tilespmem:s13+$0xCE30]  }
0x217: {  	v35 =	vld [tilespmem:s13+$0xCE40]  }
0x218: {  	v36 =	vld [tilespmem:s13+$0xCE50]  }
0x219: {  	v37 =	vld [tilespmem:s13+$0xCE60]  }
0x21a: {  	v38 =	vld [tilespmem:s13+$0xCE70]  }
0x21b: {  	v39 =	vld [tilespmem:s13+$0xD200]  }
0x21c: {  	v40 =	vld [tilespmem:s13+$0xD210]  }
0x21d: {  	v41 =	vld [tilespmem:s13+$0xD220]  }
0x21e: {  	v42 =	vld [tilespmem:s13+$0xD230]  }
0x21f: {  	v43 =	vld [tilespmem:s13+$0xD240]  }
0x220: {  	v44 =	vld [tilespmem:s13+$0xD250]  }
0x221: {  	v45 =	vld [tilespmem:s13+$0xD260]  }
0x222: {  	v46 =	vld [tilespmem:s13+$0xD600]  }
0x223: {  	v47 =	vld [tilespmem:s13+$0xD610]  }
0x224: {  	v48 =	vld [tilespmem:s13+$0x13610]  }
0x225: {  	v49 =	vld [tilespmem:s13+$0x13630]  }
0x226: {  	v50 =	vld [tilespmem:s13+$0xD630]  }
0x227: {  	s0 =	simm.s32 $0x19240;
	v51 =	vld [tilespmem:s13+$0xD620]  }
0x228: {  	v8 =	vld [tilespmem:s0+$0xFFFFFFC0]  }
0x229: {  	v9 =	vld [tilespmem:s0+$0x0]  }
0x22a: {  	v52 =	vld [tilespmem:s13+$0x13620]  }
0x22b: {  	v62 =	vld [tilespmem:s13+$0x13600]  }
0x22c: {  	v63 =	vld [tilespmem:s13+$0xD270]  }
0x22d: {  	v60 =	vld [tilespmem:s13+$0x13270];
	v50 =	vmul.f32 v50, v8  }
0x22e: {  	v61 =	vld [tilespmem:s13+$0x13260];
	v49 =	vmul.f32 v49, v9;
	v51 =	vmul.f32 v51, v8  }
0x22f: {  	v57 =	vld [tilespmem:s13+$0x13250];
	v52 =	vmul.f32 v52, v9;
	v47 =	vmul.f32 v47, v8  }
0x230: {  	v58 =	vld [tilespmem:s13+$0x13240];
	v48 =	vmul.f32 v48, v9;
	v46 =	vmul.f32 v46, v8;
	v49 =	vadd.f32 v49, v50  }
0x231: {  	v53 =	vld [tilespmem:s13+$0x13230];
	v62 =	vmul.f32 v62, v9;
	v63 =	vmul.f32 v63, v8;
	v51 =	vadd.f32 v52, v51  }
0x232: {  	v56 =	vld [tilespmem:s13+$0x12E60];
	v59 =	vmul.f32 v60, v9;
	v45 =	vmul.f32 v45, v8;
	v47 =	vadd.f32 v48, v47;
	[tilespmem:s13+$0xD630] =	vst v49  }
0x233: {  	v55 =	vld [tilespmem:s13+$0x12A70];
	v60 =	vmul.f32 v61, v9;
	v44 =	vmul.f32 v44, v8;
	v46 =	vadd.f32 v62, v46;
	[tilespmem:s13+$0xD620] =	vst v51  }
0x234: {  	v61 =	vld [tilespmem:s13+$0x13200];
	v12 =	vmul.f32 v12, v8;
	v11 =	vmul.f32 v11, v9;
	v52 =	vadd.f32 v59, v63;
	[tilespmem:s13+$0xD610] =	vst v47  }
0x235: {  	v10 =	vmul.f32 v10, v8;
	v7 =	vmul.f32 v7, v9;
	v48 =	vld [tilespmem:s13+$0x13220];
	v45 =	vadd.f32 v60, v45;
	[tilespmem:s13+$0xD600] =	vst v46  }
0x236: {  	v62 =	vmul.f32 v57, v9;
	v63 =	vmul.f32 v58, v9;
	v58 =	vld [tilespmem:s13+$0x12E50];
	v11 =	vadd.f32 v11, v12;
	[tilespmem:s13+$0xD270] =	vst v52  }
0x237: {  	v43 =	vmul.f32 v43, v8;
	v59 =	vld [tilespmem:s13+$0x12E40];
	v7 =	vadd.f32 v7, v10;
	[tilespmem:s13+$0xD260] =	vst v45  }
0x238: {  	v42 =	vmul.f32 v42, v8;
	v57 =	vmul.f32 v53, v9;
	v60 =	vld [tilespmem:s13+$0x12E30];
	v44 =	vadd.f32 v62, v44;
	[tilespmem:s13+$0xC240] =	vst v11  }
0x239: {  	v37 =	vmul.f32 v37, v8;
	v53 =	vld [tilespmem:s13+$0x12E00];
	v43 =	vadd.f32 v63, v43;
	v46 =	vmul.f32 v56, v9;
	[tilespmem:s13+$0xC230] =	vst v7  }
0x23a: {  	v39 =	vmul.f32 v39, v8;
	v49 =	vld [tilespmem:s13+$0x13210];
	v42 =	vadd.f32 v57, v42;
	v61 =	vmul.f32 v61, v9;
	[tilespmem:s13+$0xD250] =	vst v44  }
0x23b: {  	v41 =	vmul.f32 v41, v8;
	v47 =	vld [tilespmem:s13+$0x12E70];
	[tilespmem:s13+$0xD240] =	vst v43;
	v37 =	vadd.f32 v46, v37;
	v48 =	vmul.f32 v48, v9  }
0x23c: {  	v36 =	vmul.f32 v36, v8;
	v62 =	vld [tilespmem:s13+$0x12E20];
	[tilespmem:s13+$0xD230] =	vst v42;
	v39 =	vadd.f32 v61, v39;
	v54 =	vmul.f32 v58, v9  }
0x23d: {  	v35 =	vmul.f32 v35, v8;
	v63 =	vld [tilespmem:s13+$0x12E10];
	v45 =	vmul.f32 v59, v9;
	[tilespmem:s13+$0xCE60] =	vst v37;
	v41 =	vadd.f32 v48, v41  }
0x23e: {  	v34 =	vmul.f32 v34, v8;
	v56 =	vld [tilespmem:s13+$0x12A60];
	v44 =	vmul.f32 v60, v9;
	[tilespmem:s13+$0xD200] =	vst v39;
	v36 =	vadd.f32 v54, v36  }
0x23f: {  	v40 =	vmul.f32 v40, v8;
	v12 =	vld [tilespmem:s13+$0xD660];
	v49 =	vmul.f32 v49, v9;
	v35 =	vadd.f32 v45, v35;
	[tilespmem:s13+$0xD220] =	vst v41  }
0x240: {  	v38 =	vmul.f32 v38, v8;
	v58 =	vld [tilespmem:s13+$0x12A40];
	v47 =	vmul.f32 v47, v9;
	v34 =	vadd.f32 v44, v34;
	[tilespmem:s13+$0xCE50] =	vst v36  }
0x241: {  	v33 =	vmul.f32 v33, v8;
	v59 =	vld [tilespmem:s13+$0x12A30];
	v43 =	vmul.f32 v62, v9;
	v40 =	vadd.f32 v49, v40;
	[tilespmem:s13+$0xCE40] =	vst v35  }
0x242: {  	v32 =	vmul.f32 v32, v8;
	v57 =	vld [tilespmem:s13+$0x12A50];
	v42 =	vmul.f32 v63, v9;
	v38 =	vadd.f32 v47, v38;
	[tilespmem:s13+$0xCE30] =	vst v34  }
0x243: {  	v29 =	vmul.f32 v29, v8;
	v60 =	vld [tilespmem:s13+$0x12A20];
	v39 =	vmul.f32 v56, v9;
	v33 =	vadd.f32 v43, v33;
	[tilespmem:s13+$0xD210] =	vst v40  }
0x244: {  	v31 =	vmul.f32 v31, v8;
	v61 =	vld [tilespmem:s13+$0x12A10];
	v41 =	vmul.f32 v53, v9;
	v32 =	vadd.f32 v42, v32;
	[tilespmem:s13+$0xCE70] =	vst v38  }
0x245: {  	v27 =	vmul.f32 v27, v8;
	v62 =	vld [tilespmem:s13+$0x12A00];
	v29 =	vadd.f32 v39, v29;
	v37 =	vmul.f32 v58, v9;
	[tilespmem:s13+$0xCE20] =	vst v33  }
0x246: {  	v26 =	vmul.f32 v26, v8;
	v63 =	vld [tilespmem:s13+$0x12670];
	v36 =	vmul.f32 v59, v9;
	v31 =	vadd.f32 v41, v31;
	[tilespmem:s13+$0xCE10] =	vst v32  }
0x247: {  	v30 =	vmul.f32 v30, v8;
	v40 =	vmul.f32 v55, v9;
	[tilespmem:s13+$0xCA60] =	vst v29;
	v29 =	vld [tilespmem:s13+$0x12640];
	v27 =	vadd.f32 v37, v27  }
0x248: {  	v25 =	vmul.f32 v25, v8;
	v35 =	vmul.f32 v60, v9;
	v26 =	vadd.f32 v36, v26;
	[tilespmem:s13+$0xCE00] =	vst v31;
	v31 =	vld [tilespmem:s13+$0x12660]  }
0x249: {  	v28 =	vmul.f32 v28, v8;
	v38 =	vmul.f32 v57, v9;
	v30 =	vadd.f32 v40, v30;
	[tilespmem:s13+$0xCA40] =	vst v27;
	v27 =	vld [tilespmem:s13+$0x12620]  }
0x24a: {  	v23 =	vmul.f32 v23, v8;
	v33 =	vmul.f32 v62, v9;
	v25 =	vadd.f32 v35, v25;
	[tilespmem:s13+$0xCA30] =	vst v26;
	v26 =	vld [tilespmem:s13+$0x12610]  }
0x24b: {  	v24 =	vmul.f32 v24, v8;
	v34 =	vmul.f32 v61, v9;
	v28 =	vadd.f32 v38, v28;
	[tilespmem:s13+$0xCA70] =	vst v30;
	v30 =	vld [tilespmem:s13+$0x12650]  }
0x24c: {  	v22 =	vmul.f32 v22, v8;
	v32 =	vmul.f32 v63, v9;
	v23 =	vadd.f32 v33, v23;
	[tilespmem:s13+$0xCA20] =	vst v25;
	v25 =	vld [tilespmem:s13+$0x12600]  }
0x24d: {  	v19 =	vmul.f32 v19, v8;
	v24 =	vadd.f32 v34, v24;
	[tilespmem:s13+$0xCA50] =	vst v28;
	v28 =	vld [tilespmem:s13+$0x12630];
	v29 =	vmul.f32 v29, v9  }
0x24e: {  	v21 =	vmul.f32 v21, v8;
	v22 =	vadd.f32 v32, v22;
	[tilespmem:s13+$0xCA00] =	vst v23;
	v23 =	vld [tilespmem:s13+$0x12260];
	v31 =	vmul.f32 v31, v9  }
0x24f: {  	v17 =	vmul.f32 v17, v8;
	[tilespmem:s13+$0xCA10] =	vst v24;
	v24 =	vld [tilespmem:s13+$0x12270];
	v19 =	vadd.f32 v29, v19;
	v27 =	vmul.f32 v27, v9  }
0x250: {  	v20 =	vmul.f32 v20, v8;
	[tilespmem:s13+$0xC670] =	vst v22;
	v22 =	vld [tilespmem:s13+$0xC250];
	v30 =	vmul.f32 v30, v9;
	v21 =	vadd.f32 v31, v21  }
0x251: {  	v15 =	vmul.f32 v15, v8;
	v25 =	vmul.f32 v25, v9;
	[tilespmem:s13+$0xC640] =	vst v19;
	v19 =	vld [tilespmem:s13+$0x13650];
	v17 =	vadd.f32 v27, v17  }
0x252: {  	v18 =	vmul.f32 v18, v8;
	v28 =	vmul.f32 v28, v9;
	v20 =	vadd.f32 v30, v20;
	[tilespmem:s13+$0xC660] =	vst v21;
	v21 =	vld [tilespmem:s13+$0x12250]  }
0x253: {  	v13 =	vmul.f32 v13, v8;
	v23 =	vmul.f32 v23, v9;
	v15 =	vadd.f32 v25, v15;
	[tilespmem:s13+$0xC620] =	vst v17;
	v17 =	vld [tilespmem:s13+$0xD640]  }
0x254: {  	v6 =	vmul.f32 v6, v8;
	v5 =	vmul.f32 v5, v9;
	v18 =	vadd.f32 v28, v18;
	[tilespmem:s13+$0xC650] =	vst v20;
	v20 =	vld [tilespmem:s13+$0x13640]  }
0x255: {  	v14 =	vmul.f32 v14, v8;
	v24 =	vmul.f32 v24, v9;
	v13 =	vadd.f32 v23, v13;
	[tilespmem:s13+$0xC600] =	vst v15;
	v15 =	vld [tilespmem:s13+$0xD650]  }
0x256: {  	v4 =	vmul.f32 v4, v8;
	v3 =	vmul.f32 v3, v9;
	v5 =	vadd.f32 v5, v6;
	[tilespmem:s13+$0xC630] =	vst v18;
	v18 =	vld [tilespmem:s13+$0x13660]  }
0x257: {  	v6 =	vld [tilespmem:s13+$0xC200];
	v14 =	vadd.f32 v24, v14;
	v10 =	vmul.f32 v22, v8;
	[tilespmem:s13+$0xC260] =	vst v13;
	v13 =	vmul.f32 v21, v9  }
0x258: {  	s16 =	simm.s32 $0x0;
	v16 =	vmul.f32 v16, v8;
	v3 =	vadd.f32 v3, v4;
	v7 =	vld [tilespmem:s13+$0x12200];
	[tilespmem:s13+$0xC220] =	vst v5;
	v26 =	vmul.f32 v26, v9  }
0x259: {  	s1 =	simm.s32 $0x80;
	s14 =	smul.u32 $0x1800, s16;
	[tilespmem:s13+$0xC270] =	vst v14;
	v14 =	vld [tilespmem:s13+$0xD670];
	v11 =	vmul.f32 v17, v8;
	v17 =	vmul.f32 v20, v9;
	v4 =	vadd.f32 v13, v10  }
0x25a: {  	s16 =	sand.u32 $0x380, s1;
	[tilespmem:s13+$0xC210] =	vst v3;
	v16 =	vadd.f32 v26, v16;
	v5 =	vmul.f32 v15, v8;
	v10 =	vmul.f32 v19, v9  }
0x25b: {  	s31 =	sor.u32 s16, s14;
	v11 =	vadd.f32 v17, v11;
	[tilespmem:s13+$0xC250] =	vst v4;
	v4 =	vmul.f32 v12, v8;
	v12 =	vmul.f32 v18, v9  }
0x25c: {  	v3 =	vld [tilespmem:s31+$0xC210];
	[tilespmem:s13+$0xC610] =	vst v16;
	v5 =	vadd.f32 v10, v5  }
0x25d: {  	v7 =	vmul.f32 v7, v9;
	v16 =	vld [tilespmem:s13+$0x13670];
	[tilespmem:s13+$0xD640] =	vst v11;
	v12 =	vadd.f32 v12, v4  }
0x25e: {  	v10 =	vmul.f32 v14, v8;
	v8 =	vmul.f32 v6, v8;
	v4 =	vld [tilespmem:s31+$0x12210];
	[tilespmem:s13+$0xD650] =	vst v5  }
0x25f: {  	v6 =	vld [tilespmem:s31+$0xC220];
	[tilespmem:s13+$0xD660] =	vst v12  }
0x260: {  	v7 =	vadd.f32 v7, v8;
	v5 =	vld [tilespmem:s31+$0x12220]  }
0x261: {  	v8 =	vld [tilespmem:s31+$0xC230]  }
0x262: {  	[tilespmem:s13+$0xC200] =	vst v7;
	v18 =	vld [tilespmem:s31+$0xC630]  }
0x263: {  	v11 =	vmul.f32 v16, v9;
	v26 =	vld [tilespmem:s31+$0xCA30]  }
0x264: {  	v36 =	vld [tilespmem:s31+$0xCE30]  }
0x265: {  	v9 =	vadd.f32 v11, v10;
	v44 =	vld [tilespmem:s31+$0xD230]  }
0x266: {  	v48 =	vld [tilespmem:s31+$0xD600]  }
0x267: {  	[tilespmem:s13+$0xD670] =	vst v9;
	v50 =	vld [tilespmem:s31+$0xD610]  }
0x268: {  	v7 =	vld [tilespmem:s31+$0x12230]  }
0x269: {  	v10 =	vld [tilespmem:s31+$0xC240]  }
0x26a: {  	v9 =	vld [tilespmem:s31+$0x12240]  }
0x26b: {  	v12 =	vld [tilespmem:s31+$0xC250]  }
0x26c: {  	v11 =	vld [tilespmem:s31+$0x12250]  }
0x26d: {  	v13 =	vld [tilespmem:s31+$0xC260]  }
0x26e: {  	v14 =	vld [tilespmem:s31+$0xC270]  }
0x26f: {  	v15 =	vld [tilespmem:s31+$0xC600]  }
0x270: {  	v16 =	vld [tilespmem:s31+$0xC610]  }
0x271: {  	v17 =	vld [tilespmem:s31+$0xC620]  }
0x272: {  	v19 =	vld [tilespmem:s31+$0xC640]  }
0x273: {  	v20 =	vld [tilespmem:s31+$0xC650]  }
0x274: {  	v21 =	vld [tilespmem:s31+$0xC660]  }
0x275: {  	v22 =	vld [tilespmem:s31+$0xC670]  }
0x276: {  	v23 =	vld [tilespmem:s31+$0xCA00]  }
0x277: {  	v24 =	vld [tilespmem:s31+$0xCA10]  }
0x278: {  	v25 =	vld [tilespmem:s31+$0xCA20]  }
0x279: {  	v27 =	vld [tilespmem:s31+$0xCA40]  }
0x27a: {  	v28 =	vld [tilespmem:s31+$0xCA50]  }
0x27b: {  	v29 =	vld [tilespmem:s31+$0xCA60]  }
0x27c: {  	v30 =	vld [tilespmem:s31+$0xCA70]  }
0x27d: {  	v32 =	vld [tilespmem:s31+$0xCE00]  }
0x27e: {  	v34 =	vld [tilespmem:s31+$0xCE10]  }
0x27f: {  	v35 =	vld [tilespmem:s31+$0xCE20]  }
0x280: {  	v37 =	vld [tilespmem:s31+$0xCE40]  }
0x281: {  	v38 =	vld [tilespmem:s31+$0xCE50]  }
0x282: {  	v39 =	vld [tilespmem:s31+$0xCE60]  }
0x283: {  	v40 =	vld [tilespmem:s31+$0xCE70]  }
0x284: {  	v41 =	vld [tilespmem:s31+$0xD200]  }
0x285: {  	v42 =	vld [tilespmem:s31+$0xD210]  }
0x286: {  	v43 =	vld [tilespmem:s31+$0xD220]  }
0x287: {  	v45 =	vld [tilespmem:s31+$0xD240]  }
0x288: {  	v46 =	vld [tilespmem:s31+$0xD250]  }
0x289: {  	v47 =	vld [tilespmem:s31+$0xD260]  }
0x28a: {  	v49 =	vld [tilespmem:s31+$0x13610]  }
0x28b: {  	s13 =	simm.s32 $0x2;
	v51 =	vld [tilespmem:s31+$0x13630]  }
.LBB2_4:
0x28c: {  	p0 =	sne.s32 s13, $0x1F;
	v52 =	vld [tilespmem:s31+$0xD630]  }
0x28d: {  	s0 =	sadd.s32 $0x80, s0;
	v53 =	vld [tilespmem:s31+$0xD620]  }
0x28e: {  	v33 =	vld [tilespmem:s0+$0xFFFFFFC0]  }
0x28f: {  	v31 =	vld [tilespmem:s0+$0x0]  }
0x290: {  	v54 =	vld [tilespmem:s31+$0x13620]  }
0x291: {  	v55 =	vld [tilespmem:s31+$0x13600]  }
0x292: {  	v56 =	vld [tilespmem:s31+$0xD270]  }
0x293: {  	v57 =	vld [tilespmem:s31+$0x13270];
	v50 =	vmul.f32 v50, v33;
	v53 =	vmul.f32 v53, v33  }
0x294: {  	v52 =	vmul.f32 v52, v33;
	v58 =	vld [tilespmem:s31+$0x13260];
	v51 =	vmul.f32 v51, v31  }
0x295: {  	v49 =	vmul.f32 v49, v31;
	v59 =	vld [tilespmem:s31+$0x13250];
	v54 =	vmul.f32 v54, v31  }
0x296: {  	v48 =	vmul.f32 v48, v33;
	v60 =	vld [tilespmem:s31+$0x13240];
	v55 =	vmul.f32 v55, v31;
	v51 =	vadd.f32 v51, v52  }
0x297: {  	v49 =	vadd.f32 v49, v50;
	v52 =	vld [tilespmem:s31+$0x13230];
	v56 =	vmul.f32 v56, v33;
	v50 =	vadd.f32 v54, v53  }
0x298: {  	v47 =	vmul.f32 v47, v33;
	v53 =	vld [tilespmem:s31+$0x13220];
	v54 =	vmul.f32 v57, v31;
	v48 =	vadd.f32 v55, v48;
	[tilespmem:s31+$0xD630] =	vst v51  }
0x299: {  	v46 =	vmul.f32 v46, v33;
	v51 =	vld [tilespmem:s31+$0x13210];
	v55 =	vmul.f32 v58, v31;
	[tilespmem:s31+$0xD620] =	vst v50  }
0x29a: {  	v45 =	vmul.f32 v45, v33;
	v50 =	vld [tilespmem:s31+$0x13200];
	v57 =	vmul.f32 v59, v31;
	v54 =	vadd.f32 v54, v56;
	[tilespmem:s31+$0xD610] =	vst v49  }
0x29b: {  	v44 =	vmul.f32 v44, v33;
	v49 =	vld [tilespmem:s31+$0x12E70];
	v56 =	vmul.f32 v60, v31;
	v47 =	vadd.f32 v55, v47;
	[tilespmem:s31+$0xD600] =	vst v48  }
0x29c: {  	v43 =	vmul.f32 v43, v33;
	v48 =	vld [tilespmem:s31+$0x12E60];
	v52 =	vmul.f32 v52, v31;
	v46 =	vadd.f32 v57, v46;
	[tilespmem:s31+$0xD270] =	vst v54  }
0x29d: {  	v42 =	vmul.f32 v42, v33;
	v54 =	vld [tilespmem:s31+$0x12E50];
	v53 =	vmul.f32 v53, v31;
	v45 =	vadd.f32 v56, v45;
	[tilespmem:s31+$0xD260] =	vst v47  }
0x29e: {  	v41 =	vmul.f32 v41, v33;
	v47 =	vld [tilespmem:s31+$0x12E40];
	v51 =	vmul.f32 v51, v31;
	v44 =	vadd.f32 v52, v44;
	[tilespmem:s31+$0xD250] =	vst v46  }
0x29f: {  	v40 =	vmul.f32 v40, v33;
	v46 =	vld [tilespmem:s31+$0x12E30];
	v50 =	vmul.f32 v50, v31;
	v43 =	vadd.f32 v53, v43;
	[tilespmem:s31+$0xD240] =	vst v45  }
0x2a0: {  	v39 =	vmul.f32 v39, v33;
	v45 =	vld [tilespmem:s31+$0x12E20];
	v49 =	vmul.f32 v49, v31;
	v42 =	vadd.f32 v51, v42;
	[tilespmem:s31+$0xD230] =	vst v44  }
0x2a1: {  	v38 =	vmul.f32 v38, v33;
	v44 =	vld [tilespmem:s31+$0x12E10];
	v48 =	vmul.f32 v48, v31;
	v41 =	vadd.f32 v50, v41;
	[tilespmem:s31+$0xD220] =	vst v43  }
0x2a2: {  	v37 =	vmul.f32 v37, v33;
	v43 =	vld [tilespmem:s31+$0x12E00];
	v50 =	vmul.f32 v54, v31;
	v40 =	vadd.f32 v49, v40;
	[tilespmem:s31+$0xD210] =	vst v42  }
0x2a3: {  	v36 =	vmul.f32 v36, v33;
	v42 =	vld [tilespmem:s31+$0x12A70];
	v47 =	vmul.f32 v47, v31;
	v39 =	vadd.f32 v48, v39;
	[tilespmem:s31+$0xD200] =	vst v41  }
0x2a4: {  	v35 =	vmul.f32 v35, v33;
	v41 =	vld [tilespmem:s31+$0x12A60];
	v46 =	vmul.f32 v46, v31;
	v38 =	vadd.f32 v50, v38;
	[tilespmem:s31+$0xCE70] =	vst v40  }
0x2a5: {  	v34 =	vmul.f32 v34, v33;
	v40 =	vld [tilespmem:s31+$0x12A50];
	v45 =	vmul.f32 v45, v31;
	v37 =	vadd.f32 v47, v37;
	[tilespmem:s31+$0xCE60] =	vst v39  }
0x2a6: {  	v32 =	vmul.f32 v32, v33;
	v39 =	vld [tilespmem:s31+$0x12A40];
	v44 =	vmul.f32 v44, v31;
	v36 =	vadd.f32 v46, v36;
	[tilespmem:s31+$0xCE50] =	vst v38  }
0x2a7: {  	v30 =	vmul.f32 v30, v33;
	v38 =	vld [tilespmem:s31+$0x12A30];
	v43 =	vmul.f32 v43, v31;
	v35 =	vadd.f32 v45, v35;
	[tilespmem:s31+$0xCE40] =	vst v37  }
0x2a8: {  	v29 =	vmul.f32 v29, v33;
	v37 =	vld [tilespmem:s31+$0x12A20];
	v42 =	vmul.f32 v42, v31;
	v34 =	vadd.f32 v44, v34;
	[tilespmem:s31+$0xCE30] =	vst v36  }
0x2a9: {  	v28 =	vmul.f32 v28, v33;
	v36 =	vld [tilespmem:s31+$0x12A10];
	v41 =	vmul.f32 v41, v31;
	v32 =	vadd.f32 v43, v32;
	[tilespmem:s31+$0xCE20] =	vst v35  }
0x2aa: {  	v27 =	vmul.f32 v27, v33;
	v35 =	vld [tilespmem:s31+$0x12A00];
	v40 =	vmul.f32 v40, v31;
	v30 =	vadd.f32 v42, v30;
	[tilespmem:s31+$0xCE10] =	vst v34  }
0x2ab: {  	v26 =	vmul.f32 v26, v33;
	v34 =	vld [tilespmem:s31+$0x12670];
	v39 =	vmul.f32 v39, v31;
	v29 =	vadd.f32 v41, v29;
	[tilespmem:s31+$0xCE00] =	vst v32  }
0x2ac: {  	v25 =	vmul.f32 v25, v33;
	v32 =	vld [tilespmem:s31+$0x12660];
	v38 =	vmul.f32 v38, v31;
	v28 =	vadd.f32 v40, v28;
	[tilespmem:s31+$0xCA70] =	vst v30  }
0x2ad: {  	v24 =	vmul.f32 v24, v33;
	v30 =	vld [tilespmem:s31+$0x12650];
	v37 =	vmul.f32 v37, v31;
	v27 =	vadd.f32 v39, v27;
	[tilespmem:s31+$0xCA60] =	vst v29  }
0x2ae: {  	v23 =	vmul.f32 v23, v33;
	v29 =	vld [tilespmem:s31+$0x12640];
	v36 =	vmul.f32 v36, v31;
	v26 =	vadd.f32 v38, v26;
	[tilespmem:s31+$0xCA50] =	vst v28  }
0x2af: {  	v22 =	vmul.f32 v22, v33;
	v28 =	vld [tilespmem:s31+$0x12630];
	v35 =	vmul.f32 v35, v31;
	v25 =	vadd.f32 v37, v25;
	[tilespmem:s31+$0xCA40] =	vst v27  }
0x2b0: {  	v21 =	vmul.f32 v21, v33;
	v27 =	vld [tilespmem:s31+$0x12620];
	v34 =	vmul.f32 v34, v31;
	v24 =	vadd.f32 v36, v24;
	[tilespmem:s31+$0xCA30] =	vst v26  }
0x2b1: {  	v20 =	vmul.f32 v20, v33;
	v26 =	vld [tilespmem:s31+$0x12610];
	v32 =	vmul.f32 v32, v31;
	v23 =	vadd.f32 v35, v23;
	[tilespmem:s31+$0xCA20] =	vst v25  }
0x2b2: {  	v19 =	vmul.f32 v19, v33;
	v25 =	vld [tilespmem:s31+$0x12600];
	v30 =	vmul.f32 v30, v31;
	v22 =	vadd.f32 v34, v22;
	[tilespmem:s31+$0xCA10] =	vst v24  }
0x2b3: {  	v18 =	vmul.f32 v18, v33;
	v24 =	vld [tilespmem:s31+$0x12270];
	v29 =	vmul.f32 v29, v31;
	v21 =	vadd.f32 v32, v21;
	[tilespmem:s31+$0xCA00] =	vst v23  }
0x2b4: {  	v17 =	vmul.f32 v17, v33;
	v23 =	vld [tilespmem:s31+$0x12260];
	v28 =	vmul.f32 v28, v31;
	v20 =	vadd.f32 v30, v20;
	[tilespmem:s31+$0xC670] =	vst v22  }
0x2b5: {  	v16 =	vmul.f32 v16, v33;
	v22 =	vmul.f32 v27, v31;
	v19 =	vadd.f32 v29, v19;
	[tilespmem:s31+$0xC660] =	vst v21;
	v21 =	vld [tilespmem:s31+$0x13640]  }
0x2b6: {  	v15 =	vmul.f32 v15, v33;
	v26 =	vmul.f32 v26, v31;
	v18 =	vadd.f32 v28, v18;
	[tilespmem:s31+$0xC650] =	vst v20;
	v20 =	vld [tilespmem:s31+$0x13650]  }
0x2b7: {  	v14 =	vmul.f32 v14, v33;
	v25 =	vmul.f32 v25, v31;
	v17 =	vadd.f32 v22, v17;
	[tilespmem:s31+$0xC640] =	vst v19;
	v19 =	vld [tilespmem:s31+$0x13660]  }
0x2b8: {  	v13 =	vmul.f32 v13, v33;
	v22 =	vmul.f32 v24, v31;
	v16 =	vadd.f32 v26, v16;
	[tilespmem:s31+$0xC630] =	vst v18;
	v18 =	vld [tilespmem:s31+$0x13670]  }
0x2b9: {  	v12 =	vmul.f32 v12, v33;
	v23 =	vmul.f32 v23, v31;
	v15 =	vadd.f32 v25, v15;
	[tilespmem:s31+$0xC620] =	vst v17;
	v17 =	vld [tilespmem:s31+$0xD640]  }
0x2ba: {  	v10 =	vmul.f32 v10, v33;
	v11 =	vmul.f32 v11, v31;
	v14 =	vadd.f32 v22, v14;
	[tilespmem:s31+$0xC610] =	vst v16;
	v16 =	vld [tilespmem:s31+$0xD650]  }
0x2bb: {  	v8 =	vmul.f32 v8, v33;
	v9 =	vmul.f32 v9, v31;
	v13 =	vadd.f32 v23, v13;
	[tilespmem:s31+$0xC600] =	vst v15;
	v15 =	vld [tilespmem:s31+$0xD660]  }
0x2bc: {  	v6 =	vmul.f32 v6, v33;
	v7 =	vmul.f32 v7, v31;
	v11 =	vadd.f32 v11, v12;
	[tilespmem:s31+$0xC270] =	vst v14;
	v12 =	vld [tilespmem:s31+$0xD670]  }
0x2bd: {  	v3 =	vmul.f32 v3, v33;
	v5 =	vmul.f32 v5, v31;
	v9 =	vadd.f32 v9, v10;
	v14 =	vld [tilespmem:s31+$0xC200];
	[tilespmem:s31+$0xC260] =	vst v13  }
0x2be: {  	v4 =	vmul.f32 v4, v31;
	v7 =	vadd.f32 v7, v8;
	v10 =	vld [tilespmem:s31+$0x12200];
	[tilespmem:s31+$0xC250] =	vst v11;
	v8 =	vmul.f32 v17, v33  }
0x2bf: {  	s14 =	sshrl.u32 s13, $0x3;
	v5 =	vadd.f32 v5, v6;
	v6 =	vmul.f32 v21, v31;
	[tilespmem:s31+$0xC240] =	vst v9;
	v9 =	vmul.f32 v16, v33  }
0x2c0: {  	s1 =	sadd.s32 $0x80, s1;
	s14 =	smul.u32 $0x1800, s14;
	v3 =	vadd.f32 v4, v3;
	v4 =	vmul.f32 v20, v31;
	[tilespmem:s31+$0xC230] =	vst v7;
	v7 =	vmul.f32 v15, v33  }
0x2c1: {  	s16 =	sand.u32 $0x380, s1;
	[tilespmem:s31+$0xC220] =	vst v5;
	v5 =	vadd.f32 v6, v8;
	v6 =	vmul.f32 v19, v31;
	v8 =	vmul.f32 v12, v33  }
0x2c2: {  	s14 =	sor.u32 s16, s14;
	v9 =	vadd.f32 v4, v9;
	v12 =	vmul.f32 v18, v31;
	v11 =	vmul.f32 v14, v33;
	[tilespmem:s31+$0xC210] =	vst v3  }
0x2c3: {  	v3 =	vld [tilespmem:s14+$0xC210];
	v10 =	vmul.f32 v10, v31;
	[tilespmem:s31+$0xD640] =	vst v5;
	v5 =	vadd.f32 v6, v7  }
0x2c4: {  	v7 =	vadd.f32 v12, v8;
	v4 =	vld [tilespmem:s14+$0x12210];
	[tilespmem:s31+$0xD650] =	vst v9  }
0x2c5: {  	v6 =	vld [tilespmem:s14+$0xC220];
	v9 =	vadd.f32 v10, v11;
	[tilespmem:s31+$0xD660] =	vst v5  }
0x2c6: {  	v5 =	vld [tilespmem:s14+$0x12220];
	[tilespmem:s31+$0xD670] =	vst v7  }
0x2c7: {  	v8 =	vld [tilespmem:s14+$0xC230];
	[tilespmem:s31+$0xC200] =	vst v9;
	s31 =	smov.u32 s14  }
0x2c8: {  	v7 =	vld [tilespmem:s31+$0x12230]  }
0x2c9: {  	v10 =	vld [tilespmem:s31+$0xC240]  }
0x2ca: {  	v9 =	vld [tilespmem:s31+$0x12240]  }
0x2cb: {  	v12 =	vld [tilespmem:s31+$0xC250]  }
0x2cc: {  	v11 =	vld [tilespmem:s31+$0x12250]  }
0x2cd: {  	v13 =	vld [tilespmem:s31+$0xC260]  }
0x2ce: {  	v14 =	vld [tilespmem:s31+$0xC270]  }
0x2cf: {  	v15 =	vld [tilespmem:s31+$0xC600]  }
0x2d0: {  	v16 =	vld [tilespmem:s31+$0xC610]  }
0x2d1: {  	v17 =	vld [tilespmem:s31+$0xC620]  }
0x2d2: {  	v18 =	vld [tilespmem:s31+$0xC630]  }
0x2d3: {  	v19 =	vld [tilespmem:s31+$0xC640]  }
0x2d4: {  	v20 =	vld [tilespmem:s31+$0xC650]  }
0x2d5: {  	v21 =	vld [tilespmem:s31+$0xC660]  }
0x2d6: {  	v22 =	vld [tilespmem:s31+$0xC670]  }
0x2d7: {  	v23 =	vld [tilespmem:s31+$0xCA00]  }
0x2d8: {  	v24 =	vld [tilespmem:s31+$0xCA10]  }
0x2d9: {  	v25 =	vld [tilespmem:s31+$0xCA20]  }
0x2da: {  	v26 =	vld [tilespmem:s31+$0xCA30]  }
0x2db: {  	v27 =	vld [tilespmem:s31+$0xCA40]  }
0x2dc: {  	v28 =	vld [tilespmem:s31+$0xCA50]  }
0x2dd: {  	v29 =	vld [tilespmem:s31+$0xCA60]  }
0x2de: {  	v30 =	vld [tilespmem:s31+$0xCA70]  }
0x2df: {  	v32 =	vld [tilespmem:s31+$0xCE00]  }
0x2e0: {  	v34 =	vld [tilespmem:s31+$0xCE10]  }
0x2e1: {  	v35 =	vld [tilespmem:s31+$0xCE20]  }
0x2e2: {  	v36 =	vld [tilespmem:s31+$0xCE30]  }
0x2e3: {  	v37 =	vld [tilespmem:s31+$0xCE40]  }
0x2e4: {  	v38 =	vld [tilespmem:s31+$0xCE50]  }
0x2e5: {  	v39 =	vld [tilespmem:s31+$0xCE60]  }
0x2e6: {  	v40 =	vld [tilespmem:s31+$0xCE70]  }
0x2e7: {  	v41 =	vld [tilespmem:s31+$0xD200]  }
0x2e8: {  	v42 =	vld [tilespmem:s31+$0xD210]  }
0x2e9: {  	v43 =	vld [tilespmem:s31+$0xD220]  }
0x2ea: {  	v44 =	vld [tilespmem:s31+$0xD230]  }
0x2eb: {  	v45 =	vld [tilespmem:s31+$0xD240]  }
0x2ec: {  	v46 =	vld [tilespmem:s31+$0xD250]  }
.Ltmp1:
0x2ed: {  	v47 =	vld [tilespmem:s31+$0xD260];
	(pc) =	sbr.rel @p0 .LBB2_4-.Ltmp1, $4  }
0x2ee: {  	v48 =	vld [tilespmem:s31+$0xD600]  }
0x2ef: {  	v50 =	vld [tilespmem:s31+$0xD610]  }
0x2f0: {  	v49 =	vld [tilespmem:s31+$0x13610]  }
0x2f1: {  	s13 =	sadd.s32 $0x1, s13;
	v51 =	vld [tilespmem:s31+$0x13630]  }
0x2f2: {  	v52 =	vld [tilespmem:s31+$0xD630]  }
0x2f3: {  	v53 =	vld [tilespmem:s31+$0xD620];
	s0 =	sadd.s32 $0x80, s0  }
0x2f4: {  	v31 =	vld [tilespmem:s0+$0xFFFFFFC0]  }
0x2f5: {  	v33 =	vld [tilespmem:s0+$0x0]  }
0x2f6: {  	v54 =	vld [tilespmem:s31+$0x13620];
	_ =	sdelay $0x1  }
0x2f7: {  	v55 =	vld [tilespmem:s31+$0x13600]  }
0x2f8: {  	v56 =	vld [tilespmem:s31+$0xD270]  }
0x2f9: {  	v58 =	vld [tilespmem:s31+$0x13260];
	v52 =	vmul.f32 v52, v31;
	v51 =	vmul.f32 v51, v33  }
0x2fa: {  	v57 =	vld [tilespmem:s31+$0x13270];
	v53 =	vmul.f32 v53, v31;
	v54 =	vmul.f32 v54, v33  }
0x2fb: {  	v59 =	vld [tilespmem:s31+$0x13250];
	v50 =	vmul.f32 v50, v31;
	v49 =	vmul.f32 v49, v33  }
0x2fc: {  	v60 =	vld [tilespmem:s31+$0x13240];
	v48 =	vmul.f32 v48, v31;
	v62 =	vmul.f32 v55, v33;
	v51 =	vadd.f32 v51, v52  }
0x2fd: {  	v61 =	vld [tilespmem:s31+$0x13220];
	v63 =	vmul.f32 v56, v31;
	v47 =	vmul.f32 v47, v31;
	v53 =	vadd.f32 v54, v53  }
0x2fe: {  	v58 =	vmul.f32 v58, v33;
	v55 =	vld [tilespmem:s31+$0x12660];
	v12 =	vmul.f32 v12, v31;
	v49 =	vadd.f32 v49, v50;
	[tilespmem:s31+$0xD630] =	vst v51  }
0x2ff: {  	v56 =	vld [tilespmem:s31+$0x12650];
	v11 =	vmul.f32 v11, v33;
	v10 =	vmul.f32 v10, v31;
	v48 =	vadd.f32 v62, v48;
	[tilespmem:s31+$0xD620] =	vst v53  }
0x300: {  	v9 =	vmul.f32 v9, v33;
	v8 =	vmul.f32 v8, v31;
	v52 =	vld [tilespmem:s31+$0x13230];
	v47 =	vadd.f32 v58, v47;
	[tilespmem:s31+$0xD610] =	vst v49  }
0x301: {  	v7 =	vmul.f32 v7, v33;
	v6 =	vmul.f32 v6, v31;
	v50 =	vld [tilespmem:s31+$0x13200];
	v11 =	vadd.f32 v11, v12;
	[tilespmem:s31+$0xD600] =	vst v48  }
0x302: {  	v5 =	vmul.f32 v5, v33;
	v3 =	vmul.f32 v3, v31;
	v58 =	vld [tilespmem:s31+$0x12E20];
	v9 =	vadd.f32 v9, v10;
	[tilespmem:s31+$0xD260] =	vst v47  }
0x303: {  	v4 =	vmul.f32 v4, v33;
	v62 =	vmul.f32 v59, v33;
	v59 =	vld [tilespmem:s31+$0x12E10];
	v7 =	vadd.f32 v7, v8;
	[tilespmem:s31+$0xC250] =	vst v11  }
0x304: {  	v57 =	vmul.f32 v57, v33;
	v54 =	vld [tilespmem:s31+$0x12670];
	v5 =	vadd.f32 v5, v6;
	[tilespmem:s31+$0xC240] =	vst v9  }
0x305: {  	v46 =	vmul.f32 v46, v31;
	v3 =	vadd.f32 v4, v3;
	v51 =	vld [tilespmem:s31+$0x13210];
	[tilespmem:s31+$0xC230] =	vst v7  }
0x306: {  	v45 =	vmul.f32 v45, v31;
	v49 =	vld [tilespmem:s31+$0x12E70];
	v53 =	vadd.f32 v57, v63;
	v63 =	vmul.f32 v60, v33;
	[tilespmem:s31+$0xC220] =	vst v5  }
0x307: {  	v43 =	vmul.f32 v43, v31;
	v48 =	vld [tilespmem:s31+$0x12E60];
	v46 =	vadd.f32 v62, v46;
	v57 =	vmul.f32 v61, v33;
	[tilespmem:s31+$0xC210] =	vst v3  }
0x308: {  	v44 =	vmul.f32 v44, v31;
	v47 =	vld [tilespmem:s31+$0x12E40];
	[tilespmem:s31+$0xD270] =	vst v53;
	v45 =	vadd.f32 v63, v45;
	v52 =	vmul.f32 v52, v33  }
0x309: {  	v41 =	vmul.f32 v41, v31;
	v60 =	vld [tilespmem:s31+$0x12E00];
	[tilespmem:s31+$0xD250] =	vst v46;
	v43 =	vadd.f32 v57, v43;
	v50 =	vmul.f32 v50, v33  }
0x30a: {  	v35 =	vmul.f32 v35, v31;
	v61 =	vld [tilespmem:s31+$0x12A70];
	[tilespmem:s31+$0xD240] =	vst v45;
	v45 =	vmul.f32 v58, v33;
	v44 =	vadd.f32 v52, v44  }
0x30b: {  	v42 =	vmul.f32 v42, v31;
	v53 =	vld [tilespmem:s31+$0x12E50];
	[tilespmem:s31+$0xD220] =	vst v43;
	v51 =	vmul.f32 v51, v33;
	v41 =	vadd.f32 v50, v41  }
0x30c: {  	v40 =	vmul.f32 v40, v31;
	v46 =	vld [tilespmem:s31+$0x12E30];
	v49 =	vmul.f32 v49, v33;
	v35 =	vadd.f32 v45, v35;
	[tilespmem:s31+$0xD230] =	vst v44  }
0x30d: {  	v39 =	vmul.f32 v39, v31;
	v62 =	vld [tilespmem:s31+$0x12A60];
	v48 =	vmul.f32 v48, v33;
	v42 =	vadd.f32 v51, v42;
	[tilespmem:s31+$0xD200] =	vst v41  }
0x30e: {  	v37 =	vmul.f32 v37, v31;
	v57 =	vld [tilespmem:s31+$0x12640];
	v47 =	vmul.f32 v47, v33;
	v40 =	vadd.f32 v49, v40;
	[tilespmem:s31+$0xCE20] =	vst v35  }
0x30f: {  	v32 =	vmul.f32 v32, v31;
	v58 =	vld [tilespmem:s31+$0x12630];
	v43 =	vmul.f32 v60, v33;
	v39 =	vadd.f32 v48, v39;
	[tilespmem:s31+$0xD210] =	vst v42  }
0x310: {  	v38 =	vmul.f32 v38, v31;
	v50 =	vld [tilespmem:s31+$0x12A30];
	v63 =	vmul.f32 v53, v33;
	v37 =	vadd.f32 v47, v37;
	[tilespmem:s31+$0xCE70] =	vst v40  }
0x311: {  	v36 =	vmul.f32 v36, v31;
	v60 =	vld [tilespmem:s31+$0x12610];
	v46 =	vmul.f32 v46, v33;
	v32 =	vadd.f32 v43, v32;
	[tilespmem:s31+$0xCE60] =	vst v39  }
0x312: {  	v34 =	vmul.f32 v34, v31;
	v52 =	vld [tilespmem:s31+$0x12A10];
	v44 =	vmul.f32 v59, v33;
	v38 =	vadd.f32 v63, v38;
	[tilespmem:s31+$0xCE40] =	vst v37  }
0x313: {  	v29 =	vmul.f32 v29, v31;
	v45 =	vld [tilespmem:s31+$0xD640];
	v41 =	vmul.f32 v62, v33;
	v36 =	vadd.f32 v46, v36;
	[tilespmem:s31+$0xCE00] =	vst v32  }
0x314: {  	v21 =	vmul.f32 v21, v31;
	v48 =	vld [tilespmem:s31+$0x12A50];
	v62 =	vmul.f32 v55, v33;
	v34 =	vadd.f32 v44, v34;
	[tilespmem:s31+$0xCE50] =	vst v38  }
0x315: {  	v30 =	vmul.f32 v30, v31;
	v49 =	vld [tilespmem:s31+$0x12A40];
	v42 =	vmul.f32 v61, v33;
	v29 =	vadd.f32 v41, v29;
	[tilespmem:s31+$0xCE30] =	vst v36  }
0x316: {  	v16 =	vmul.f32 v16, v31;
	v51 =	vld [tilespmem:s31+$0x12A20];
	v21 =	vadd.f32 v62, v21;
	v41 =	vmul.f32 v60, v33;
	[tilespmem:s31+$0xCE10] =	vst v34  }
0x317: {  	v26 =	vmul.f32 v26, v31;
	v53 =	vld [tilespmem:s31+$0x12A00];
	v30 =	vadd.f32 v42, v30;
	[tilespmem:s31+$0xCA60] =	vst v29;
	v38 =	vmul.f32 v50, v33  }
0x318: {  	v24 =	vmul.f32 v24, v31;
	v59 =	vld [tilespmem:s31+$0x12620];
	v36 =	vmul.f32 v52, v33;
	[tilespmem:s31+$0xC660] =	vst v21;
	v16 =	vadd.f32 v41, v16  }
0x319: {  	v22 =	vmul.f32 v22, v31;
	v43 =	vld [tilespmem:s31+$0x13670];
	v34 =	vmul.f32 v54, v33;
	[tilespmem:s31+$0xCA70] =	vst v30;
	v26 =	vadd.f32 v38, v26  }
0x31a: {  	v28 =	vmul.f32 v28, v31;
	v61 =	vld [tilespmem:s31+$0x12600];
	v40 =	vmul.f32 v48, v33;
	v24 =	vadd.f32 v36, v24;
	[tilespmem:s31+$0xC610] =	vst v16  }
0x31b: {  	v27 =	vmul.f32 v27, v31;
	v63 =	vld [tilespmem:s31+$0x12270];
	v39 =	vmul.f32 v49, v33;
	v22 =	vadd.f32 v34, v22;
	[tilespmem:s31+$0xCA30] =	vst v26  }
0x31c: {  	v25 =	vmul.f32 v25, v31;
	v46 =	vld [tilespmem:s31+$0xD650];
	v37 =	vmul.f32 v51, v33;
	v28 =	vadd.f32 v40, v28;
	[tilespmem:s31+$0xCA10] =	vst v24  }
0x31d: {  	v23 =	vmul.f32 v23, v31;
	v50 =	vld [tilespmem:s31+$0x12200];
	v35 =	vmul.f32 v53, v33;
	v27 =	vadd.f32 v39, v27;
	[tilespmem:s31+$0xC670] =	vst v22  }
0x31e: {  	v20 =	vmul.f32 v20, v31;
	v48 =	vld [tilespmem:s31+$0xD660];
	v30 =	vmul.f32 v56, v33;
	v25 =	vadd.f32 v37, v25;
	[tilespmem:s31+$0xCA50] =	vst v28  }
0x31f: {  	v19 =	vmul.f32 v19, v31;
	v51 =	vld [tilespmem:s31+$0xC200];
	v23 =	vadd.f32 v35, v23;
	v35 =	vmul.f32 v57, v33;
	[tilespmem:s31+$0xCA40] =	vst v27  }
0x320: {  	v18 =	vmul.f32 v18, v31;
	v34 =	vld [tilespmem:s31+$0x12260];
	v37 =	vmul.f32 v58, v33;
	v20 =	vadd.f32 v30, v20;
	[tilespmem:s31+$0xCA20] =	vst v25  }
0x321: {  	v17 =	vmul.f32 v17, v31;
	v36 =	vld [tilespmem:s31+$0x13640];
	v39 =	vmul.f32 v59, v33;
	[tilespmem:s31+$0xCA00] =	vst v23;
	v19 =	vadd.f32 v35, v19  }
0x322: {  	v15 =	vmul.f32 v15, v31;
	v38 =	vld [tilespmem:s31+$0x13650];
	v42 =	vmul.f32 v61, v33;
	v18 =	vadd.f32 v37, v18;
	[tilespmem:s31+$0xC650] =	vst v20  }
0x323: {  	v14 =	vmul.f32 v14, v31;
	v40 =	vld [tilespmem:s31+$0x13660];
	v44 =	vmul.f32 v63, v33;
	v17 =	vadd.f32 v39, v17;
	[tilespmem:s31+$0xC640] =	vst v19  }
0x324: {  	v49 =	vld [tilespmem:s31+$0xD670];
	v15 =	vadd.f32 v42, v15;
	v10 =	vmul.f32 v50, v33;
	v61 =	vmul.f32 v51, v31;
	[tilespmem:s31+$0xC630] =	vst v18  }
0x325: {  	v13 =	vmul.f32 v13, v31;
	v14 =	vadd.f32 v44, v14;
	[tilespmem:s31+$0xC620] =	vst v17;
	v47 =	vmul.f32 v34, v33  }
0x326: {  	v52 =	vmul.f32 v45, v31;
	[tilespmem:s31+$0xC600] =	vst v15;
	v53 =	vmul.f32 v36, v33;
	v63 =	vadd.f32 v10, v61  }
0x327: {  	v54 =	vmul.f32 v46, v31;
	[tilespmem:s31+$0xC270] =	vst v14;
	v55 =	vmul.f32 v38, v33;
	v13 =	vadd.f32 v47, v13  }
0x328: {  	v56 =	vmul.f32 v48, v31;
	v58 =	vmul.f32 v40, v33;
	v57 =	vadd.f32 v53, v52;
	[tilespmem:s31+$0xC200] =	vst v63  }
0x329: {  	v60 =	vmul.f32 v43, v33;
	v59 =	vmul.f32 v49, v31;
	v3 =	vadd.f32 v55, v54;
	[tilespmem:s31+$0xC260] =	vst v13  }
0x32a: {  	v62 =	vadd.f32 v58, v56;
	[tilespmem:s31+$0xD640] =	vst v57  }
0x32b: {  	[tilespmem:s31+$0xD650] =	vst v3;
	v3 =	vadd.f32 v60, v59  }
0x32c: {  	[tilespmem:s31+$0xD660] =	vst v62  }
0x32d: {  	s30 =	sadd.s32 $0x1, s30;
	[tilespmem:s31+$0xD670] =	vst v3  }
0x32e: {  	[hbm4b:s10+s2] =	stream.linear.scatter [tilespmem:s20], [sflag:$0x3], $0x6000, $0x38;
	[tilespmem:$0x1A200] =	vst v63  }
0x32f: {  	p0 =	sne.s32 s30, s11;
	_ =	swait.ge [sflag:s29], $0x6000  }
.Ltmp2:
0x330: {  	[sflag:s29] =	ssyncset.done $0x0;
	(pc) =	sbr.rel @p0 .LBB2_1-.Ltmp2, $4  }
0x331: {  	[sflag:s29] =	ssyncadd.s32 $0xFFFFA000  }
0x332: {  	_ =	swait.ge [sflag:s29], $0x6000  }
0x333: {  	[sflag:s29] =	ssyncset.done $0x0  }
0x334: {  	[sflag:s29] =	ssyncadd.s32 $0xFFFFA000  }
0x335: {  	_ =	sfence.sel $0x180000  }
0x336: {  	[bflag:$0x0] =	sbarrier.arrive $0xFFFF  }
0x337: {  	_ =	strace $0x9000004A  }
0x338: {  	s0 =	stileid.u32;
	[bflag:$0x2] =	sbarrier.arrive $0xFFFF  }
0x339: {  	p0 =	sne.s32 s0, $0x0;
	s0 =	rddreg [dreg:$0x2]  }
0x33a: {  	s0 =	sadd.s32 @!p0 $0x100000, s0  }
0x33b: {  	[sflag:s0] =	ssyncadd.tile.s32 @!p0 $0x1;
	_ =	shalt  }
.Lfunc_end2:
_tile_overlayer_lowered:
.L_overlay_start_2:
0x33c: {  	(tag) =	ssettag $0x2  }
0x33d: {  	s0 =	rddreg [dreg:$0x0];
	s2 =	stileid.u32  }
0x33e: {  	s1 =	rddreg [dreg:$0x1];
	p0 =	sne.s32 s2, $0x0  }
0x33f: {  	s3 =	rddreg [dreg:$0x2];
	[bflag:$0x3] =	sbarrier.arrive $0xFFFF;
	s2 =	simm.s32 @!p0 $0x1C04  }
0x340: {  	[timem:s3], [sflag:s2] =	dma.local @!p0 [hbm:s0], s1  }
0x341: {  	s0 =	simm.s32 @!p0 $0x4  }
0x342: {  	_ =	swait.ge @!p0 [sflag:s0], s1  }
0x343: {  	s1 =	ssub.s32 @!p0 $0x0, s1;
	[sflag:s0] =	ssyncset.done @!p0 $0x0  }
0x344: {  	[sflag:s0] =	ssyncadd.s32 @!p0 s1  }
0x345: {  	[bflag:$0x3] =	sbarrier.arrive $0xFFFF  }
0x346: {  	_ =	shalt  }

</sc_bundles>
